<compile_context>
chip_gen: v7x
topology: tpu7x:2x2x1
jax: 0.10.2.dev20260603
libtpu: 0.0.44.dev20260713+nightly
codegen_flags: <defaults>
</compile_context>

<pallas_src>
import jax
import jax.numpy as jnp
from jax import lax
from jax.experimental import pallas as pl
from jax.experimental.pallas import tpu as pltpu
from jax.experimental.pallas import tpu_sc as plsc

B, N, D = 4, 2048, 1024
H = D // 4
KEEP = int(N * 0.7)

_ROWS = 2048
_GRID = (B * N) // _ROWS


def _scorer_body(x_ref, w1_ref, b1_ref, w2_ref, b2_ref, out_ref):
    xb = x_ref[...]
    h = lax.dot_general(xb, w1_ref[...], (((1,), (1,)), ((), ())),
                        preferred_element_type=jnp.float32)
    h = jnp.maximum(h + b1_ref[...], 0.0)
    hb = h.astype(jnp.bfloat16).astype(jnp.float32)
    wb = w2_ref[...].astype(jnp.bfloat16).astype(jnp.float32)
    z = jnp.sum(hb * wb, axis=1) + b2_ref[0, 0]
    s = jax.nn.sigmoid(z)
    out_ref[...] = s.reshape(out_ref.shape)


def _scores_tc(x2, W1, b1, W2, b2):
    return pl.pallas_call(
        _scorer_body,
        grid=(_GRID,),
        in_specs=[
            pl.BlockSpec((_ROWS, D), lambda i: (i, 0)),
            pl.BlockSpec((H, D), lambda i: (0, 0)),
            pl.BlockSpec((1, H), lambda i: (0, 0)),
            pl.BlockSpec((1, H), lambda i: (0, 0)),
            pl.BlockSpec((1, 1), lambda i: (0, 0)),
        ],
        out_specs=pl.BlockSpec((1, _ROWS // 128, 128), lambda i: (i, 0, 0)),
        out_shape=jax.ShapeDtypeStruct((_GRID, _ROWS // 128, 128),
                                       jnp.float32),
    )(x2, W1, b1.reshape(1, H), W2, b2.reshape(1, 1)).reshape(
        B * N // 128, 128)


def _thresh_body(s_ref, auxf_ref, auxi_ref, loss_ref):
    s = s_ref[...]
    bits = lax.bitcast_convert_type(s, jnp.int32).reshape(B, N // 128, 128)

    def step(k, t):
        cand = t | (1 << (30 - k))
        cnt = jnp.sum((bits >= cand).astype(jnp.int32), axis=(1, 2),
                      keepdims=True)
        return jnp.where(cnt >= KEEP, cand, t)

    t = lax.fori_loop(0, 31, step, jnp.zeros((B, 1, 1), jnp.int32))
    n_gt = jnp.sum((bits > t).astype(jnp.int32), axis=(1, 2), keepdims=True)
    ties = KEEP - n_gt
    thr_f = lax.bitcast_convert_type(t, jnp.float32)
    auxf_ref[...] = jnp.broadcast_to(thr_f.reshape(B, 1), (B, 128))
    auxi_ref[...] = jnp.broadcast_to(ties.reshape(B, 1), (B, 128))
    loss_ref[...] = (-jnp.mean(jnp.abs(s - 0.5))).reshape(1, 1)


def _thresh_tc(scores2d):
    return pl.pallas_call(
        _thresh_body,
        out_shape=(jax.ShapeDtypeStruct((B, 128), jnp.float32),
                   jax.ShapeDtypeStruct((B, 128), jnp.int32),
                   jax.ShapeDtypeStruct((1, 1), jnp.float32)),
    )(scores2d)


_NC, _NS = 2, 16
_TPB = 8
_Q = 192
_G = 16
_PAD = 1600


def _sc_body(x_hbm, scores_hbm, auxf_hbm, auxi_hbm, out_hbm,
             auxf_v, auxi_v, scores_v, idx_full, sc_full,
             shared_idx, shared_sc, idx_l, sc_l, bufs, drain_v, gidx,
             gsem, ssem):
    c = lax.axis_index("c")
    s = lax.axis_index("s")
    b_in_core = s // _TPB
    tt = s % _TPB
    batch = 2 * c + b_in_core

    @pl.when(tt == 0)
    def _phase_a():
        pltpu.sync_copy(auxf_hbm, auxf_v)
        pltpu.sync_copy(auxi_hbm, auxi_v)
        pltpu.sync_copy(scores_hbm.at[pl.ds(batch * N, N)], scores_v)
        thr_vec = auxf_v[pl.ds(batch * 128, _NS)]
        ties_vec = auxi_v[pl.ds(batch * 128, _NS)]

        pad_row = jnp.full((_NS,), batch * N, jnp.int32)
        pad_sc = jnp.zeros((_NS,), jnp.float32)
        for off in range(1424, _PAD, _NS):
            idx_full[pl.ds(off, _NS)] = pad_row
            sc_full[pl.ds(off, _NS)] = pad_sc

        def body(i, carry):
            off, nties = carry
            sv = scores_v[pl.ds(i * _NS, _NS)]
            gt = sv > thr_vec
            eq = sv == thr_vec
            eqc = jnp.cumsum(eq.astype(jnp.int32))
            keep = gt | (eq & ((nties + eqc) <= ties_vec))
            kint = keep.astype(jnp.int32)
            pos = off + jnp.cumsum(kint) - 1
            rowid = batch * N + i * _NS + lax.iota(jnp.int32, _NS)
            plsc.store_scatter(idx_full, [pos], rowid, mask=keep)
            plsc.store_scatter(sc_full, [pos], sv, mask=keep)
            return off + jnp.sum(kint), nties + jnp.sum(eq.astype(jnp.int32))

        lax.fori_loop(0, N // _NS, body, (jnp.int32(0), jnp.int32(0)))
        pltpu.sync_copy(idx_full, shared_idx.at[pl.ds(b_in_core * _PAD, _PAD)])
        pltpu.sync_copy(sc_full, shared_sc.at[pl.ds(b_in_core * _PAD, _PAD)])

    plsc.subcore_barrier()

    sh_off = b_in_core * _PAD + tt * _Q
    pltpu.sync_copy(shared_idx.at[pl.ds(sh_off, _Q + _NS)], idx_l)
    pltpu.sync_copy(shared_sc.at[pl.ds(sh_off, _Q + _NS)], sc_l)
    count = jnp.minimum(_Q, KEEP - tt * _Q)
    n_full = count // _G
    rem = count % _G
    out_base = tt * _Q

    def start_gather(i, slot):
        idx16 = idx_l[pl.ds(i * _G, _G)]
        base = (idx16 >> 3) * 64 + (idx16 & 7)
        for c in range(D // 128):
            gidx[slot, pl.ds(c * _G, _G)] = base + c * 8
        pltpu.async_copy(x_hbm.at[gidx.at[slot]], bufs.at[slot],
                         gsem.at[slot])

    def wait_gather(slot):
        pltpu.make_async_copy(x_hbm.at[pl.ds(0, 8 * _G)], bufs.at[slot],
                              gsem.at[slot]).wait()

    def wait_scatter(slot):
        pltpu.make_async_copy(x_hbm.at[pl.ds(0, 8 * _G)], drain_v,
                              ssem.at[slot]).wait()

    def scale_rows(slot, base):
        def rowbody(j, _):
            sbc = plsc.load_gather(
                sc_l, [jnp.full((_NS,), base + j, jnp.int32)])
            for c in range(D // 128):
                for k2 in range(128 // _NS):
                    sl = pl.ds(k2 * _NS, _NS)
                    r = c * _G + j
                    bufs[slot, r, sl] = bufs[slot, r, sl] * sbc
            return 0
        lax.fori_loop(0, _G, rowbody, 0)

    start_gather(0, 0)

    def chunk(i, _):
        slot = i % 2
        other = 1 - slot

        @pl.when(i >= 1)
        def _():
            wait_scatter(other)

        @pl.when(i + 1 < n_full)
        def _():
            start_gather(i + 1, other)

        wait_gather(slot)
        scale_rows(slot, i * _G)
        for c in range(D // 128):
            pltpu.async_copy(
                bufs.at[slot, pl.ds(c * _G, _G)],
                out_hbm.at[pl.ds(out_base + i * _G, _G), c, batch],
                ssem.at[slot])
        return 0

    lax.fori_loop(0, n_full, chunk, 0)
    wait_scatter((n_full - 1) % 2)

    @pl.when(rem > 0)
    def _tail():
        start_gather(n_full, 0)
        wait_gather(0)
        scale_rows(0, n_full * _G)

        def rowcopy(r, _):
            for c in range(D // 128):
                pltpu.sync_copy(
                    bufs.at[0, c * _G + r],
                    out_hbm.at[out_base + n_full * _G + r, c, batch])
            return 0
        lax.fori_loop(0, rem, rowcopy, 0)


def _gather_sc(x2, scores1, auxf1, auxi1):
    return pl.kernel(
        _sc_body,
        out_type=jax.ShapeDtypeStruct((KEEP, D // 128, B, 128),
                                      jnp.float32),
        mesh=plsc.VectorSubcoreMesh(core_axis_name="c", subcore_axis_name="s",
                                    num_cores=_NC, num_subcores=_NS),
        scratch_types=[
            pltpu.VMEM((B * 128,), jnp.float32),
            pltpu.VMEM((B * 128,), jnp.int32),
            pltpu.VMEM((N,), jnp.float32),
            pltpu.VMEM((_PAD,), jnp.int32),
            pltpu.VMEM((_PAD,), jnp.float32),
            pltpu.VMEM_SHARED((2 * _PAD,), jnp.int32),
            pltpu.VMEM_SHARED((2 * _PAD,), jnp.float32),
            pltpu.VMEM((_Q + _NS,), jnp.int32),
            pltpu.VMEM((_Q + _NS,), jnp.float32),
            pltpu.VMEM((2, 8 * _G, 128), jnp.float32),
            pltpu.VMEM((8 * _G, 128), jnp.float32),
            pltpu.VMEM((2, 8 * _G), jnp.int32),
            pltpu.SemaphoreType.DMA((2,)),
            pltpu.SemaphoreType.DMA((2,)),
        ],
        compiler_params=pltpu.CompilerParams(needs_layout_passes=False,
                                             use_tc_tiling_on_sc=False),
    )(x2, scores1, auxf1, auxi1)


def kernel(x, W1, b1, W2, b2):
    x2 = x.reshape(B * N, D)
    xg = x.reshape(B * N // 8, 8, D // 128, 128).transpose(0, 2, 1, 3)
    xg = xg.reshape(B * N * 8, 128)
    scores2d = _scores_tc(x2, W1, b1, W2, b2)
    auxf, auxi, loss = _thresh_tc(scores2d)
    x_kept = _gather_sc(xg, scores2d.reshape(B * N),
                        auxf.reshape(B * 128), auxi.reshape(B * 128))
    x_kept = x_kept.transpose(2, 0, 1, 3).reshape(B, KEEP, D)
    return (x_kept, loss.reshape(()))

# --- scband reference (transcript-rebuilt; emitter-appended) ---
"""Pipeline reference for scband-saliency-pruner-72722386256515 (READ-ONLY COPY).

The authoritative reference and input builder live on the scoring server;
editing this copy changes nothing except your own understanding.
"""

import jax, jax.numpy as jnp
import numpy as np

B, N, D = 4, 2048, 1024
KEEP_RATIO = 0.7
KEEP = int(N * KEEP_RATIO)


def setup_inputs(seed: int = 0) -> dict:
    key = jax.random.key(seed)
    ks = jax.random.split(key, 4)
    h = D // 4
    x = jax.random.normal(ks[0], (B, N, D), dtype=jnp.float32)
    W1 = jax.random.normal(ks[1], (h, D), dtype=jnp.float32) * (1.0 / np.sqrt(D))
    b1 = jnp.zeros((h,), dtype=jnp.float32)
    W2 = jax.random.normal(ks[2], (1, h), dtype=jnp.float32) * (1.0 / np.sqrt(h))
    b2 = jnp.zeros((1,), dtype=jnp.float32)
    return {"x": x, "W1": W1, "b1": b1, "W2": W2, "b2": b2}


def reference(x, W1, b1, W2, b2):
    # scorer: Linear(D, D//4) -> ReLU -> Linear(D//4, 1) -> Sigmoid
    h = jax.nn.relu(jnp.einsum('bnd,hd->bnh', x, W1) + b1)
    scores = jax.nn.sigmoid(jnp.einsum('bnh,oh->bno', h, W2) + b2)  # [B, N, 1]
    x_weighted = x * scores
    score_values = jnp.squeeze(scores, axis=-1)  # [B, N]
    top_k_scores, top_k_indices = jax.lax.top_k(score_values, KEEP)
    top_k_indices = jnp.sort(top_k_indices, axis=1)
    x_kept = jnp.take_along_axis(x_weighted, top_k_indices[:, :, None], axis=1)  # [B, K, D]
    sparsity_loss = jnp.mean(jnp.abs(score_values - 0.5)) * -1.0
    return (x_kept, sparsity_loss)

if __name__ == "__main__":
    import jax
    _d = setup_inputs()
    print(jax.jit(kernel)(*tuple(_d.values())))

</pallas_src>

<mosaic_0001>
#map = affine_map<(d0, d1) -> (0, 0)>
#map1 = affine_map<(d0, d1) -> (0)>
#map2 = affine_map<(d0, d1) -> (0, 0, 0, 0)>
module attributes {stable_mosaic.version = 14 : i64} {
  func.func @_sc_body(%arg0: i32, %arg1: i32, %arg2: memref<65536x128xf32, #tpu.memory_space<hbm>>, %arg3: memref<8192xf32, #tpu.memory_space<hbm>>, %arg4: memref<512xf32, #tpu.memory_space<hbm>>, %arg5: memref<512xi32, #tpu.memory_space<hbm>>, %arg6: memref<1433x8x4x128xf32, #tpu.memory_space<hbm>>, %arg7: memref<512xf32, #tpu.memory_space<vmem>>, %arg8: memref<512xi32, #tpu.memory_space<vmem>>, %arg9: memref<2048xf32, #tpu.memory_space<vmem>>, %arg10: memref<1600xi32, #tpu.memory_space<vmem>>, %arg11: memref<1600xf32, #tpu.memory_space<vmem>>, %arg12: memref<3200xi32, #tpu.memory_space<vmem_shared>>, %arg13: memref<3200xf32, #tpu.memory_space<vmem_shared>>, %arg14: memref<208xi32, #tpu.memory_space<vmem>>, %arg15: memref<208xf32, #tpu.memory_space<vmem>>, %arg16: memref<2x128x128xf32, #tpu.memory_space<vmem>>, %arg17: memref<128x128xf32, #tpu.memory_space<vmem>>, %arg18: memref<2x128xi32, #tpu.memory_space<vmem>>, %arg19: memref<2x!tpu.dma_semaphore, #tpu.memory_space<semaphore_mem>>, %arg20: memref<2x!tpu.dma_semaphore, #tpu.memory_space<semaphore_mem>>) attributes {dimension_semantics = [#tpu.dimension_semantics<core_parallel>, #tpu.dimension_semantics<subcore_parallel>], iteration_bounds = array<i64: 2, 16>, scalar_prefetch = 0 : i64, scratch_operands = 14 : i64, tpu.core_type = #tpu.core_type<sc_vector_subcore>, window_params = [{transform_indices = #map}, {transform_indices = #map1}, {transform_indices = #map1}, {transform_indices = #map1}, {transform_indices = #map2}]} {
    %jit3A = arith.constant 8 : i32
    %div3A = arith.divsi %arg1, %jit3A : i32
    %sign3A = arith.constant 0 : i32
    %sign3A_0 = arith.cmpi sgt, %arg1, %sign3A : i32
    %sign3A_1 = arith.extui %sign3A_0 : i1 to i32
    %sign3A_2 = arith.constant 0 : i32
    %sign3A_3 = arith.cmpi slt, %arg1, %sign3A_2 : i32
    %sign3A_4 = arith.extui %sign3A_3 : i1 to i32
    %sign3A_5 = arith.subi %sign3A_1, %sign3A_4 : i32
    %sign3A_6 = arith.constant 0 : i32
    %sign3A_7 = arith.cmpi sgt, %jit3A, %sign3A_6 : i32
    %sign3A_8 = arith.extui %sign3A_7 : i1 to i32
    %sign3A_9 = arith.constant 0 : i32
    %sign3A_10 = arith.cmpi slt, %jit3A, %sign3A_9 : i32
    %sign3A_11 = arith.extui %sign3A_10 : i1 to i32
    %sign3A_12 = arith.subi %sign3A_8, %sign3A_11 : i32
    %ne3A = arith.cmpi ne, %sign3A_5, %sign3A_12 : i32
    %rem3A = arith.remsi %arg1, %jit3A : i32
    %ne3A_13 = arith.constant 0 : i32
    %ne3A_14 = arith.cmpi ne, %rem3A, %ne3A_13 : i32
    %and3A = arith.andi %ne3A, %ne3A_14 : i1
    %sub3A = arith.constant 1 : i32
    %sub3A_15 = arith.subi %div3A, %sub3A : i32
    %select_n3A = arith.select %and3A, %sub3A_15, %div3A : i32
    %jit3A_16 = arith.constant 8 : i32
    %eq3A = arith.constant 0 : i32
    %eq3A_17 = arith.cmpi eq, %jit3A_16, %eq3A : i32
    %jit3A_18 = arith.constant 1 : i32
    %select_n3A_19 = arith.select %eq3A_17, %jit3A_18, %jit3A_16 : i32
    %rem3A_20 = arith.remsi %arg1, %select_n3A_19 : i32
    %ne3A_21 = arith.constant 0 : i32
    %ne3A_22 = arith.cmpi ne, %rem3A_20, %ne3A_21 : i32
    %lt3A = arith.constant 0 : i32
    %lt3A_23 = arith.cmpi slt, %rem3A_20, %lt3A : i32
    %lt3A_24 = arith.constant 0 : i32
    %lt3A_25 = arith.cmpi slt, %select_n3A_19, %lt3A_24 : i32
    %ne3A_26 = arith.xori %lt3A_23, %lt3A_25 : i1
    %and3A_27 = arith.andi %ne3A_26, %ne3A_22 : i1
    %add3A = arith.addi %rem3A_20, %select_n3A_19 : i32
    %select_n3A_28 = arith.select %and3A_27, %add3A, %rem3A_20 : i32
    %mul3A = arith.constant 2 : i32
    %mul3A_29 = arith.muli %mul3A, %arg0 : i32
    %add3A_30 = arith.addi %mul3A_29, %select_n3A : i32
    %eq3A_31 = arith.constant 0 : i32
    %eq3A_32 = arith.cmpi eq, %select_n3A_28, %eq3A_31 : i32
    %convert_element_type3A = arith.extui %eq3A_32 : i1 to i32
    %cond3A = arith.constant 0 : i32
    %cond3A_33 = arith.cmpi ne, %convert_element_type3A, %cond3A : i32
    scf.if %cond3A_33 {
      "tpu.region"() ({
        %run_scoped3A = tpu.sem_alloc : memref<!tpu.dma_semaphore, #tpu.memory_space<semaphore_mem>>
        tpu.enqueue_dma source(%arg4 : memref<512xf32, #tpu.memory_space<hbm>>) target(%arg7 : memref<512xf32, #tpu.memory_space<vmem>>) target_semaphore(%run_scoped3A : memref<!tpu.dma_semaphore, #tpu.memory_space<semaphore_mem>>)
        tpu.wait_dma2 semaphore(%run_scoped3A : memref<!tpu.dma_semaphore, #tpu.memory_space<semaphore_mem>>) src(%arg4 : memref<512xf32, #tpu.memory_space<hbm>>) dst(%arg7 : memref<512xf32, #tpu.memory_space<vmem>>)
        tpu.yield
      }) : () -> ()
      "tpu.region"() ({
        %run_scoped3A = tpu.sem_alloc : memref<!tpu.dma_semaphore, #tpu.memory_space<semaphore_mem>>
        tpu.enqueue_dma source(%arg5 : memref<512xi32, #tpu.memory_space<hbm>>) target(%arg8 : memref<512xi32, #tpu.memory_space<vmem>>) target_semaphore(%run_scoped3A : memref<!tpu.dma_semaphore, #tpu.memory_space<semaphore_mem>>)
        tpu.wait_dma2 semaphore(%run_scoped3A : memref<!tpu.dma_semaphore, #tpu.memory_space<semaphore_mem>>) src(%arg5 : memref<512xi32, #tpu.memory_space<hbm>>) dst(%arg8 : memref<512xi32, #tpu.memory_space<vmem>>)
        tpu.yield
      }) : () -> ()
      %mul3A_205 = arith.constant 2048 : i32
      %mul3A_206 = arith.muli %add3A_30, %mul3A_205 : i32
      "tpu.region"() ({
        %run_scoped3A = tpu.sem_alloc : memref<!tpu.dma_semaphore, #tpu.memory_space<semaphore_mem>>
        %dma_start3A_274 = tpu.memref_slice %arg3[%mul3A_206] : memref<8192xf32, #tpu.memory_space<hbm>> -> memref<2048xf32, #tpu.memory_space<hbm>>
        %dma_start3A_275 = tpu.memref_slice %arg3[%mul3A_206] : memref<8192xf32, #tpu.memory_space<hbm>> -> memref<2048xf32, #tpu.memory_space<hbm>>
        tpu.enqueue_dma source(%dma_start3A_275 : memref<2048xf32, #tpu.memory_space<hbm>>) target(%arg9 : memref<2048xf32, #tpu.memory_space<vmem>>) target_semaphore(%run_scoped3A : memref<!tpu.dma_semaphore, #tpu.memory_space<semaphore_mem>>)
        %dma_wait3A_276 = tpu.memref_slice %arg3[%mul3A_206] : memref<8192xf32, #tpu.memory_space<hbm>> -> memref<2048xf32, #tpu.memory_space<hbm>>
        %dma_wait3A_277 = tpu.memref_slice %arg3[%mul3A_206] : memref<8192xf32, #tpu.memory_space<hbm>> -> memref<2048xf32, #tpu.memory_space<hbm>>
        tpu.wait_dma2 semaphore(%run_scoped3A : memref<!tpu.dma_semaphore, #tpu.memory_space<semaphore_mem>>) src(%dma_wait3A_277 : memref<2048xf32, #tpu.memory_space<hbm>>) dst(%arg9 : memref<2048xf32, #tpu.memory_space<vmem>>)
        tpu.yield
      }) : () -> ()
      %mul3A_207 = arith.constant 128 : i32
      %mul3A_208 = arith.muli %add3A_30, %mul3A_207 : i32
      %get3A_209 = arith.index_cast %mul3A_208 : i32 to index
      %get3A_210 = tpu.vector_load %arg7[%get3A_209] {strides = array<i32>} : memref<512xf32, #tpu.memory_space<vmem>>, vector<16xf32>,
      %mul3A_211 = arith.constant 128 : i32
      %mul3A_212 = arith.muli %add3A_30, %mul3A_211 : i32
      %get3A_213 = arith.index_cast %mul3A_212 : i32 to index
      %get3A_214 = tpu.vector_load %arg8[%get3A_213] {strides = array<i32>} : memref<512xi32, #tpu.memory_space<vmem>>, vector<16xi32>,
      %mul3A_215 = arith.constant 2048 : i32
      %mul3A_216 = arith.muli %add3A_30, %mul3A_215 : i32
      %broadcast_in_dim3A = vector.broadcast %mul3A_216 : i32 to vector<16xi32>
      %broadcast_in_dim3A_217 = arith.constant 0.000000e+00 : f32
      %broadcast_in_dim3A_218 = vector.broadcast %broadcast_in_dim3A_217 : f32 to vector<16xf32>
      %swap3A_219 = arith.constant 1424 : index
      %swap3A_220 = tpu.vector_load %arg10[%swap3A_219] {strides = array<i32>} : memref<1600xi32, #tpu.memory_space<vmem>>, vector<16xi32>,
      tpu.vector_store %arg10[%swap3A_219], %broadcast_in_dim3A {strides = array<i32>} : memref<1600xi32, #tpu.memory_space<vmem>>, vector<16xi32>,
      %swap3A_221 = arith.constant 1424 : index
      %swap3A_222 = tpu.vector_load %arg11[%swap3A_221] {strides = array<i32>} : memref<1600xf32, #tpu.memory_space<vmem>>, vector<16xf32>,
      tpu.vector_store %arg11[%swap3A_221], %broadcast_in_dim3A_218 {strides = array<i32>} : memref<1600xf32, #tpu.memory_space<vmem>>, vector<16xf32>,
      %swap3A_223 = arith.constant 1440 : index
      %swap3A_224 = tpu.vector_load %arg10[%swap3A_223] {strides = array<i32>} : memref<1600xi32, #tpu.memory_space<vmem>>, vector<16xi32>,
      tpu.vector_store %arg10[%swap3A_223], %broadcast_in_dim3A {strides = array<i32>} : memref<1600xi32, #tpu.memory_space<vmem>>, vector<16xi32>,
      %swap3A_225 = arith.constant 1440 : index
      %swap3A_226 = tpu.vector_load %arg11[%swap3A_225] {strides = array<i32>} : memref<1600xf32, #tpu.memory_space<vmem>>, vector<16xf32>,
      tpu.vector_store %arg11[%swap3A_225], %broadcast_in_dim3A_218 {strides = array<i32>} : memref<1600xf32, #tpu.memory_space<vmem>>, vector<16xf32>,
      %swap3A_227 = arith.constant 1456 : index
      %swap3A_228 = tpu.vector_load %arg10[%swap3A_227] {strides = array<i32>} : memref<1600xi32, #tpu.memory_space<vmem>>, vector<16xi32>,
      tpu.vector_store %arg10[%swap3A_227], %broadcast_in_dim3A {strides = array<i32>} : memref<1600xi32, #tpu.memory_space<vmem>>, vector<16xi32>,
      %swap3A_229 = arith.constant 1456 : index
      %swap3A_230 = tpu.vector_load %arg11[%swap3A_229] {strides = array<i32>} : memref<1600xf32, #tpu.memory_space<vmem>>, vector<16xf32>,
      tpu.vector_store %arg11[%swap3A_229], %broadcast_in_dim3A_218 {strides = array<i32>} : memref<1600xf32, #tpu.memory_space<vmem>>, vector<16xf32>,
      %swap3A_231 = arith.constant 1472 : index
      %swap3A_232 = tpu.vector_load %arg10[%swap3A_231] {strides = array<i32>} : memref<1600xi32, #tpu.memory_space<vmem>>, vector<16xi32>,
      tpu.vector_store %arg10[%swap3A_231], %broadcast_in_dim3A {strides = array<i32>} : memref<1600xi32, #tpu.memory_space<vmem>>, vector<16xi32>,
      %swap3A_233 = arith.constant 1472 : index
      %swap3A_234 = tpu.vector_load %arg11[%swap3A_233] {strides = array<i32>} : memref<1600xf32, #tpu.memory_space<vmem>>, vector<16xf32>,
      tpu.vector_store %arg11[%swap3A_233], %broadcast_in_dim3A_218 {strides = array<i32>} : memref<1600xf32, #tpu.memory_space<vmem>>, vector<16xf32>,
      %swap3A_235 = arith.constant 1488 : index
      %swap3A_236 = tpu.vector_load %arg10[%swap3A_235] {strides = array<i32>} : memref<1600xi32, #tpu.memory_space<vmem>>, vector<16xi32>,
      tpu.vector_store %arg10[%swap3A_235], %broadcast_in_dim3A {strides = array<i32>} : memref<1600xi32, #tpu.memory_space<vmem>>, vector<16xi32>,
      %swap3A_237 = arith.constant 1488 : index
      %swap3A_238 = tpu.vector_load %arg11[%swap3A_237] {strides = array<i32>} : memref<1600xf32, #tpu.memory_space<vmem>>, vector<16xf32>,
      tpu.vector_store %arg11[%swap3A_237], %broadcast_in_dim3A_218 {strides = array<i32>} : memref<1600xf32, #tpu.memory_space<vmem>>, vector<16xf32>,
      %swap3A_239 = arith.constant 1504 : index
      %swap3A_240 = tpu.vector_load %arg10[%swap3A_239] {strides = array<i32>} : memref<1600xi32, #tpu.memory_space<vmem>>, vector<16xi32>,
      tpu.vector_store %arg10[%swap3A_239], %broadcast_in_dim3A {strides = array<i32>} : memref<1600xi32, #tpu.memory_space<vmem>>, vector<16xi32>,
      %swap3A_241 = arith.constant 1504 : index
      %swap3A_242 = tpu.vector_load %arg11[%swap3A_241] {strides = array<i32>} : memref<1600xf32, #tpu.memory_space<vmem>>, vector<16xf32>,
      tpu.vector_store %arg11[%swap3A_241], %broadcast_in_dim3A_218 {strides = array<i32>} : memref<1600xf32, #tpu.memory_space<vmem>>, vector<16xf32>,
      %swap3A_243 = arith.constant 1520 : index
      %swap3A_244 = tpu.vector_load %arg10[%swap3A_243] {strides = array<i32>} : memref<1600xi32, #tpu.memory_space<vmem>>, vector<16xi32>,
      tpu.vector_store %arg10[%swap3A_243], %broadcast_in_dim3A {strides = array<i32>} : memref<1600xi32, #tpu.memory_space<vmem>>, vector<16xi32>,
      %swap3A_245 = arith.constant 1520 : index
      %swap3A_246 = tpu.vector_load %arg11[%swap3A_245] {strides = array<i32>} : memref<1600xf32, #tpu.memory_space<vmem>>, vector<16xf32>,
      tpu.vector_store %arg11[%swap3A_245], %broadcast_in_dim3A_218 {strides = array<i32>} : memref<1600xf32, #tpu.memory_space<vmem>>, vector<16xf32>,
      %swap3A_247 = arith.constant 1536 : index
      %swap3A_248 = tpu.vector_load %arg10[%swap3A_247] {strides = array<i32>} : memref<1600xi32, #tpu.memory_space<vmem>>, vector<16xi32>,
      tpu.vector_store %arg10[%swap3A_247], %broadcast_in_dim3A {strides = array<i32>} : memref<1600xi32, #tpu.memory_space<vmem>>, vector<16xi32>,
      %swap3A_249 = arith.constant 1536 : index
      %swap3A_250 = tpu.vector_load %arg11[%swap3A_249] {strides = array<i32>} : memref<1600xf32, #tpu.memory_space<vmem>>, vector<16xf32>,
      tpu.vector_store %arg11[%swap3A_249], %broadcast_in_dim3A_218 {strides = array<i32>} : memref<1600xf32, #tpu.memory_space<vmem>>, vector<16xf32>,
      %swap3A_251 = arith.constant 1552 : index
      %swap3A_252 = tpu.vector_load %arg10[%swap3A_251] {strides = array<i32>} : memref<1600xi32, #tpu.memory_space<vmem>>, vector<16xi32>,
      tpu.vector_store %arg10[%swap3A_251], %broadcast_in_dim3A {strides = array<i32>} : memref<1600xi32, #tpu.memory_space<vmem>>, vector<16xi32>,
      %swap3A_253 = arith.constant 1552 : index
      %swap3A_254 = tpu.vector_load %arg11[%swap3A_253] {strides = array<i32>} : memref<1600xf32, #tpu.memory_space<vmem>>, vector<16xf32>,
      tpu.vector_store %arg11[%swap3A_253], %broadcast_in_dim3A_218 {strides = array<i32>} : memref<1600xf32, #tpu.memory_space<vmem>>, vector<16xf32>,
      %swap3A_255 = arith.constant 1568 : index
      %swap3A_256 = tpu.vector_load %arg10[%swap3A_255] {strides = array<i32>} : memref<1600xi32, #tpu.memory_space<vmem>>, vector<16xi32>,
      tpu.vector_store %arg10[%swap3A_255], %broadcast_in_dim3A {strides = array<i32>} : memref<1600xi32, #tpu.memory_space<vmem>>, vector<16xi32>,
      %swap3A_257 = arith.constant 1568 : index
      %swap3A_258 = tpu.vector_load %arg11[%swap3A_257] {strides = array<i32>} : memref<1600xf32, #tpu.memory_space<vmem>>, vector<16xf32>,
      tpu.vector_store %arg11[%swap3A_257], %broadcast_in_dim3A_218 {strides = array<i32>} : memref<1600xf32, #tpu.memory_space<vmem>>, vector<16xf32>,
      %swap3A_259 = arith.constant 1584 : index
      %swap3A_260 = tpu.vector_load %arg10[%swap3A_259] {strides = array<i32>} : memref<1600xi32, #tpu.memory_space<vmem>>, vector<16xi32>,
      tpu.vector_store %arg10[%swap3A_259], %broadcast_in_dim3A {strides = array<i32>} : memref<1600xi32, #tpu.memory_space<vmem>>, vector<16xi32>,
      %swap3A_261 = arith.constant 1584 : index
      %swap3A_262 = tpu.vector_load %arg11[%swap3A_261] {strides = array<i32>} : memref<1600xf32, #tpu.memory_space<vmem>>, vector<16xf32>,
      tpu.vector_store %arg11[%swap3A_261], %broadcast_in_dim3A_218 {strides = array<i32>} : memref<1600xf32, #tpu.memory_space<vmem>>, vector<16xf32>,
      %scan3A = arith.constant 0 : i32
      %scan3A_263 = arith.constant 0 : i32
      %scan3A_264 = arith.constant 0 : i32
      %scan3A_265 = arith.constant 128 : i32
      %scan3A_266 = arith.addi %scan3A_264, %scan3A_265 : i32
      %scan3A_267 = arith.constant 1 : i32
      %scan3A_268:2 = scf.for %scan3A_274 = %scan3A_264 to %scan3A_266 step %scan3A_267 iter_args(%scan3A_275 = %scan3A, %scan3A_276 = %scan3A_263) -> (i32, i32)  : i32 {
        %mul3A_277 = arith.constant 16 : i32
        %mul3A_278 = arith.muli %scan3A_274, %mul3A_277 : i32
        %get3A_279 = arith.index_cast %mul3A_278 : i32 to index
        %get3A_280 = tpu.vector_load %arg9[%get3A_279] {strides = array<i32>} : memref<2048xf32, #tpu.memory_space<vmem>>, vector<16xf32>,
        %gt3A_281 = arith.cmpf ogt, %get3A_280, %get3A_210 : vector<16xf32>
        %eq3A_282 = arith.cmpf oeq, %get3A_280, %get3A_210 : vector<16xf32>
        %convert_element_type3A_283 = arith.extui %eq3A_282 : vector<16xi1> to vector<16xi32>
        %cumsum3A = arith.constant true
        %cumsum3A_284 = vector.broadcast %cumsum3A : i1 to vector<16xi1>
        %cumsum3A_285 = tpu.scan <sum>, %convert_element_type3A_283 masked %cumsum3A_284 : vector<16xi32>, vector<16xi1> -> vector<16xi32>
        %add3A_286 = vector.broadcast %scan3A_276 : i32 to vector<16xi32>
        %add3A_287 = arith.addi %add3A_286, %cumsum3A_285 : vector<16xi32>
        %le3A = arith.cmpi sle, %add3A_287, %get3A_214 : vector<16xi32>
        %and3A_288 = arith.andi %eq3A_282, %le3A : vector<16xi1>
        %or3A = arith.ori %gt3A_281, %and3A_288 : vector<16xi1>
        %convert_element_type3A_289 = arith.extui %or3A : vector<16xi1> to vector<16xi32>
        %cumsum3A_290 = arith.constant true
        %cumsum3A_291 = vector.broadcast %cumsum3A_290 : i1 to vector<16xi1>
        %cumsum3A_292 = tpu.scan <sum>, %convert_element_type3A_289 masked %cumsum3A_291 : vector<16xi32>, vector<16xi1> -> vector<16xi32>
        %add3A_293 = vector.broadcast %scan3A_275 : i32 to vector<16xi32>
        %add3A_294 = arith.addi %add3A_293, %cumsum3A_292 : vector<16xi32>
        %sub3A_295 = arith.constant 1 : i32
        %sub3A_296 = vector.broadcast %sub3A_295 : i32 to vector<16xi32>
        %sub3A_297 = arith.subi %add3A_294, %sub3A_296 : vector<16xi32>
        %mul3A_298 = arith.constant 2048 : i32
        %mul3A_299 = arith.muli %add3A_30, %mul3A_298 : i32
        %mul3A_300 = arith.constant 16 : i32
        %mul3A_301 = arith.muli %scan3A_274, %mul3A_300 : i32
        %add3A_302 = arith.addi %mul3A_299, %mul3A_301 : i32
        %iota3A = tpu.iota {dimensions = array<i32: 0>} : vector<16xi32>
        %add3A_303 = vector.broadcast %add3A_302 : i32 to vector<16xi32>
        %add3A_304 = arith.addi %add3A_303, %iota3A : vector<16xi32>
        tpu.vector_store_idx %arg10[%sub3A_297], %add3A_304 masked %or3A : memref<1600xi32, #tpu.memory_space<vmem>>[vector<16xi32>], vector<16xi32>, vector<16xi1>
        tpu.vector_store_idx %arg11[%sub3A_297], %get3A_280 masked %or3A : memref<1600xf32, #tpu.memory_space<vmem>>[vector<16xi32>], vector<16xf32>, vector<16xi1>
        %reduce_sum3A = arith.constant true
        %reduce_sum3A_305 = vector.broadcast %reduce_sum3A : i1 to vector<16xi1>
        %reduce_sum3A_306 = tpu.scan <sum>, %convert_element_type3A_289 masked %reduce_sum3A_305 : vector<16xi32>, vector<16xi1> -> vector<16xi32>
        %reduce_sum3A_307 = vector.extract %reduce_sum3A_306[15] : i32 from vector<16xi32>
        %add3A_308 = arith.addi %scan3A_275, %reduce_sum3A_307 : i32
        %convert_element_type3A_309 = arith.extui %eq3A_282 : vector<16xi1> to vector<16xi32>
        %reduce_sum3A_310 = arith.constant true
        %reduce_sum3A_311 = vector.broadcast %reduce_sum3A_310 : i1 to vector<16xi1>
        %reduce_sum3A_312 = tpu.scan <sum>, %convert_element_type3A_309 masked %reduce_sum3A_311 : vector<16xi32>, vector<16xi1> -> vector<16xi32>
        %reduce_sum3A_313 = vector.extract %reduce_sum3A_312[15] : i32 from vector<16xi32>
        %add3A_314 = arith.addi %scan3A_276, %reduce_sum3A_313 : i32
        scf.yield %add3A_308, %add3A_314 : i32, i32
      }
      %scan3A_269 = arith.constant 128 : i32
      %mul3A_270 = arith.constant 1600 : i32
      %mul3A_271 = arith.muli %select_n3A, %mul3A_270 : i32
      "tpu.region"() ({
        %run_scoped3A = tpu.sem_alloc : memref<!tpu.dma_semaphore, #tpu.memory_space<semaphore_mem>>
        %dma_start3A_274 = tpu.memref_slice %arg12[%mul3A_271] : memref<3200xi32, #tpu.memory_space<vmem_shared>> -> memref<1600xi32, #tpu.memory_space<vmem_shared>>
        %dma_start3A_275 = tpu.memref_slice %arg12[%mul3A_271] : memref<3200xi32, #tpu.memory_space<vmem_shared>> -> memref<1600xi32, #tpu.memory_space<vmem_shared>>
        tpu.enqueue_dma source(%arg10 : memref<1600xi32, #tpu.memory_space<vmem>>) target(%dma_start3A_275 : memref<1600xi32, #tpu.memory_space<vmem_shared>>) target_semaphore(%run_scoped3A : memref<!tpu.dma_semaphore, #tpu.memory_space<semaphore_mem>>)
        %dma_wait3A_276 = tpu.memref_slice %arg12[%mul3A_271] : memref<3200xi32, #tpu.memory_space<vmem_shared>> -> memref<1600xi32, #tpu.memory_space<vmem_shared>>
        %dma_wait3A_277 = tpu.memref_slice %arg12[%mul3A_271] : memref<3200xi32, #tpu.memory_space<vmem_shared>> -> memref<1600xi32, #tpu.memory_space<vmem_shared>>
        tpu.wait_dma2 semaphore(%run_scoped3A : memref<!tpu.dma_semaphore, #tpu.memory_space<semaphore_mem>>) src(%arg10 : memref<1600xi32, #tpu.memory_space<vmem>>) dst(%dma_wait3A_277 : memref<1600xi32, #tpu.memory_space<vmem_shared>>)
        tpu.yield
      }) : () -> ()
      %mul3A_272 = arith.constant 1600 : i32
      %mul3A_273 = arith.muli %select_n3A, %mul3A_272 : i32
      "tpu.region"() ({
        %run_scoped3A = tpu.sem_alloc : memref<!tpu.dma_semaphore, #tpu.memory_space<semaphore_mem>>
        %dma_start3A_274 = tpu.memref_slice %arg13[%mul3A_273] : memref<3200xf32, #tpu.memory_space<vmem_shared>> -> memref<1600xf32, #tpu.memory_space<vmem_shared>>
        %dma_start3A_275 = tpu.memref_slice %arg13[%mul3A_273] : memref<3200xf32, #tpu.memory_space<vmem_shared>> -> memref<1600xf32, #tpu.memory_space<vmem_shared>>
        tpu.enqueue_dma source(%arg11 : memref<1600xf32, #tpu.memory_space<vmem>>) target(%dma_start3A_275 : memref<1600xf32, #tpu.memory_space<vmem_shared>>) target_semaphore(%run_scoped3A : memref<!tpu.dma_semaphore, #tpu.memory_space<semaphore_mem>>)
        %dma_wait3A_276 = tpu.memref_slice %arg13[%mul3A_273] : memref<3200xf32, #tpu.memory_space<vmem_shared>> -> memref<1600xf32, #tpu.memory_space<vmem_shared>>
        %dma_wait3A_277 = tpu.memref_slice %arg13[%mul3A_273] : memref<3200xf32, #tpu.memory_space<vmem_shared>> -> memref<1600xf32, #tpu.memory_space<vmem_shared>>
        tpu.wait_dma2 semaphore(%run_scoped3A : memref<!tpu.dma_semaphore, #tpu.memory_space<semaphore_mem>>) src(%arg11 : memref<1600xf32, #tpu.memory_space<vmem>>) dst(%dma_wait3A_277 : memref<1600xf32, #tpu.memory_space<vmem_shared>>)
        tpu.yield
      }) : () -> ()
    } else {
    }
    %barrier3A = arith.constant 0 : index
    tpu.barrier barrier_id(%barrier3A)
    %mul3A_34 = arith.constant 1600 : i32
    %mul3A_35 = arith.muli %select_n3A, %mul3A_34 : i32
    %mul3A_36 = arith.constant 192 : i32
    %mul3A_37 = arith.muli %select_n3A_28, %mul3A_36 : i32
    %add3A_38 = arith.addi %mul3A_35, %mul3A_37 : i32
    "tpu.region"() ({
      %run_scoped3A = tpu.sem_alloc : memref<!tpu.dma_semaphore, #tpu.memory_space<semaphore_mem>>
      %dma_start3A_205 = tpu.memref_slice %arg12[%add3A_38] : memref<3200xi32, #tpu.memory_space<vmem_shared>> -> memref<208xi32, #tpu.memory_space<vmem_shared>>
      %dma_start3A_206 = tpu.memref_slice %arg12[%add3A_38] : memref<3200xi32, #tpu.memory_space<vmem_shared>> -> memref<208xi32, #tpu.memory_space<vmem_shared>>
      tpu.enqueue_dma source(%dma_start3A_206 : memref<208xi32, #tpu.memory_space<vmem_shared>>) target(%arg14 : memref<208xi32, #tpu.memory_space<vmem>>) target_semaphore(%run_scoped3A : memref<!tpu.dma_semaphore, #tpu.memory_space<semaphore_mem>>)
      %dma_wait3A_207 = tpu.memref_slice %arg12[%add3A_38] : memref<3200xi32, #tpu.memory_space<vmem_shared>> -> memref<208xi32, #tpu.memory_space<vmem_shared>>
      %dma_wait3A_208 = tpu.memref_slice %arg12[%add3A_38] : memref<3200xi32, #tpu.memory_space<vmem_shared>> -> memref<208xi32, #tpu.memory_space<vmem_shared>>
      tpu.wait_dma2 semaphore(%run_scoped3A : memref<!tpu.dma_semaphore, #tpu.memory_space<semaphore_mem>>) src(%dma_wait3A_208 : memref<208xi32, #tpu.memory_space<vmem_shared>>) dst(%arg14 : memref<208xi32, #tpu.memory_space<vmem>>)
      tpu.yield
    }) : () -> ()
    "tpu.region"() ({
      %run_scoped3A = tpu.sem_alloc : memref<!tpu.dma_semaphore, #tpu.memory_space<semaphore_mem>>
      %dma_start3A_205 = tpu.memref_slice %arg13[%add3A_38] : memref<3200xf32, #tpu.memory_space<vmem_shared>> -> memref<208xf32, #tpu.memory_space<vmem_shared>>
      %dma_start3A_206 = tpu.memref_slice %arg13[%add3A_38] : memref<3200xf32, #tpu.memory_space<vmem_shared>> -> memref<208xf32, #tpu.memory_space<vmem_shared>>
      tpu.enqueue_dma source(%dma_start3A_206 : memref<208xf32, #tpu.memory_space<vmem_shared>>) target(%arg15 : memref<208xf32, #tpu.memory_space<vmem>>) target_semaphore(%run_scoped3A : memref<!tpu.dma_semaphore, #tpu.memory_space<semaphore_mem>>)
      %dma_wait3A_207 = tpu.memref_slice %arg13[%add3A_38] : memref<3200xf32, #tpu.memory_space<vmem_shared>> -> memref<208xf32, #tpu.memory_space<vmem_shared>>
      %dma_wait3A_208 = tpu.memref_slice %arg13[%add3A_38] : memref<3200xf32, #tpu.memory_space<vmem_shared>> -> memref<208xf32, #tpu.memory_space<vmem_shared>>
      tpu.wait_dma2 semaphore(%run_scoped3A : memref<!tpu.dma_semaphore, #tpu.memory_space<semaphore_mem>>) src(%dma_wait3A_208 : memref<208xf32, #tpu.memory_space<vmem_shared>>) dst(%arg15 : memref<208xf32, #tpu.memory_space<vmem>>)
      tpu.yield
    }) : () -> ()
    %mul3A_39 = arith.constant 192 : i32
    %mul3A_40 = arith.muli %select_n3A_28, %mul3A_39 : i32
    %sub3A_41 = arith.constant 1433 : i32
    %sub3A_42 = arith.subi %sub3A_41, %mul3A_40 : i32
    %min3A = arith.constant 192 : i32
    %min3A_43 = arith.minsi %min3A, %sub3A_42 : i32
    %jit3A_44 = arith.constant 16 : i32
    %div3A_45 = arith.divsi %min3A_43, %jit3A_44 : i32
    %sign3A_46 = arith.constant 0 : i32
    %sign3A_47 = arith.cmpi sgt, %min3A_43, %sign3A_46 : i32
    %sign3A_48 = arith.extui %sign3A_47 : i1 to i32
    %sign3A_49 = arith.constant 0 : i32
    %sign3A_50 = arith.cmpi slt, %min3A_43, %sign3A_49 : i32
    %sign3A_51 = arith.extui %sign3A_50 : i1 to i32
    %sign3A_52 = arith.subi %sign3A_48, %sign3A_51 : i32
    %sign3A_53 = arith.constant 0 : i32
    %sign3A_54 = arith.cmpi sgt, %jit3A_44, %sign3A_53 : i32
    %sign3A_55 = arith.extui %sign3A_54 : i1 to i32
    %sign3A_56 = arith.constant 0 : i32
    %sign3A_57 = arith.cmpi slt, %jit3A_44, %sign3A_56 : i32
    %sign3A_58 = arith.extui %sign3A_57 : i1 to i32
    %sign3A_59 = arith.subi %sign3A_55, %sign3A_58 : i32
    %ne3A_60 = arith.cmpi ne, %sign3A_52, %sign3A_59 : i32
    %rem3A_61 = arith.remsi %min3A_43, %jit3A_44 : i32
    %ne3A_62 = arith.constant 0 : i32
    %ne3A_63 = arith.cmpi ne, %rem3A_61, %ne3A_62 : i32
    %and3A_64 = arith.andi %ne3A_60, %ne3A_63 : i1
    %sub3A_65 = arith.constant 1 : i32
    %sub3A_66 = arith.subi %div3A_45, %sub3A_65 : i32
    %select_n3A_67 = arith.select %and3A_64, %sub3A_66, %div3A_45 : i32
    %jit3A_68 = arith.constant 16 : i32
    %eq3A_69 = arith.constant 0 : i32
    %eq3A_70 = arith.cmpi eq, %jit3A_68, %eq3A_69 : i32
    %jit3A_71 = arith.constant 1 : i32
    %select_n3A_72 = arith.select %eq3A_70, %jit3A_71, %jit3A_68 : i32
    %rem3A_73 = arith.remsi %min3A_43, %select_n3A_72 : i32
    %ne3A_74 = arith.constant 0 : i32
    %ne3A_75 = arith.cmpi ne, %rem3A_73, %ne3A_74 : i32
    %lt3A_76 = arith.constant 0 : i32
    %lt3A_77 = arith.cmpi slt, %rem3A_73, %lt3A_76 : i32
    %lt3A_78 = arith.constant 0 : i32
    %lt3A_79 = arith.cmpi slt, %select_n3A_72, %lt3A_78 : i32
    %ne3A_80 = arith.xori %lt3A_77, %lt3A_79 : i1
    %and3A_81 = arith.andi %ne3A_80, %ne3A_75 : i1
    %add3A_82 = arith.addi %rem3A_73, %select_n3A_72 : i32
    %select_n3A_83 = arith.select %and3A_81, %add3A_82, %rem3A_73 : i32
    %mul3A_84 = arith.constant 192 : i32
    %mul3A_85 = arith.muli %select_n3A_28, %mul3A_84 : i32
    %get3A = arith.constant 0 : index
    %get3A_86 = tpu.vector_load %arg14[%get3A] {strides = array<i32>} : memref<208xi32, #tpu.memory_space<vmem>>, vector<16xi32>,
    %shift_right_arithmetic3A = arith.constant 3 : i32
    %shift_right_arithmetic3A_87 = vector.broadcast %shift_right_arithmetic3A : i32 to vector<16xi32>
    %shift_right_arithmetic3A_88 = arith.shrsi %get3A_86, %shift_right_arithmetic3A_87 : vector<16xi32>
    %mul3A_89 = arith.constant 64 : i32
    %mul3A_90 = vector.broadcast %mul3A_89 : i32 to vector<16xi32>
    %mul3A_91 = arith.muli %shift_right_arithmetic3A_88, %mul3A_90 : vector<16xi32>
    %and3A_92 = arith.constant 7 : i32
    %and3A_93 = vector.broadcast %and3A_92 : i32 to vector<16xi32>
    %and3A_94 = arith.andi %get3A_86, %and3A_93 : vector<16xi32>
    %add3A_95 = arith.addi %mul3A_91, %and3A_94 : vector<16xi32>
    %add3A_96 = arith.constant 0 : i32
    %add3A_97 = vector.broadcast %add3A_96 : i32 to vector<16xi32>
    %add3A_98 = arith.addi %add3A_95, %add3A_97 : vector<16xi32>
    %swap3A = arith.constant 0 : i32
    %swap3A_99 = arith.index_cast %swap3A : i32 to index
    %swap3A_100 = arith.constant 0 : index
    %swap3A_101 = tpu.vector_load %arg18[%swap3A_99, %swap3A_100] {strides = array<i32>} : memref<2x128xi32, #tpu.memory_space<vmem>>, vector<16xi32>,
    tpu.vector_store %arg18[%swap3A_99, %swap3A_100], %add3A_98 {strides = array<i32>} : memref<2x128xi32, #tpu.memory_space<vmem>>, vector<16xi32>,
    %add3A_102 = arith.constant 8 : i32
    %add3A_103 = vector.broadcast %add3A_102 : i32 to vector<16xi32>
    %add3A_104 = arith.addi %add3A_95, %add3A_103 : vector<16xi32>
    %swap3A_105 = arith.constant 0 : i32
    %swap3A_106 = arith.index_cast %swap3A_105 : i32 to index
    %swap3A_107 = arith.constant 16 : index
    %swap3A_108 = tpu.vector_load %arg18[%swap3A_106, %swap3A_107] {strides = array<i32>} : memref<2x128xi32, #tpu.memory_space<vmem>>, vector<16xi32>,
    tpu.vector_store %arg18[%swap3A_106, %swap3A_107], %add3A_104 {strides = array<i32>} : memref<2x128xi32, #tpu.memory_space<vmem>>, vector<16xi32>,
    %add3A_109 = arith.constant 16 : i32
    %add3A_110 = vector.broadcast %add3A_109 : i32 to vector<16xi32>
    %add3A_111 = arith.addi %add3A_95, %add3A_110 : vector<16xi32>
    %swap3A_112 = arith.constant 0 : i32
    %swap3A_113 = arith.index_cast %swap3A_112 : i32 to index
    %swap3A_114 = arith.constant 32 : index
    %swap3A_115 = tpu.vector_load %arg18[%swap3A_113, %swap3A_114] {strides = array<i32>} : memref<2x128xi32, #tpu.memory_space<vmem>>, vector<16xi32>,
    tpu.vector_store %arg18[%swap3A_113, %swap3A_114], %add3A_111 {strides = array<i32>} : memref<2x128xi32, #tpu.memory_space<vmem>>, vector<16xi32>,
    %add3A_116 = arith.constant 24 : i32
    %add3A_117 = vector.broadcast %add3A_116 : i32 to vector<16xi32>
    %add3A_118 = arith.addi %add3A_95, %add3A_117 : vector<16xi32>
    %swap3A_119 = arith.constant 0 : i32
    %swap3A_120 = arith.index_cast %swap3A_119 : i32 to index
    %swap3A_121 = arith.constant 48 : index
    %swap3A_122 = tpu.vector_load %arg18[%swap3A_120, %swap3A_121] {strides = array<i32>} : memref<2x128xi32, #tpu.memory_space<vmem>>, vector<16xi32>,
    tpu.vector_store %arg18[%swap3A_120, %swap3A_121], %add3A_118 {strides = array<i32>} : memref<2x128xi32, #tpu.memory_space<vmem>>, vector<16xi32>,
    %add3A_123 = arith.constant 32 : i32
    %add3A_124 = vector.broadcast %add3A_123 : i32 to vector<16xi32>
    %add3A_125 = arith.addi %add3A_95, %add3A_124 : vector<16xi32>
    %swap3A_126 = arith.constant 0 : i32
    %swap3A_127 = arith.index_cast %swap3A_126 : i32 to index
    %swap3A_128 = arith.constant 64 : index
    %swap3A_129 = tpu.vector_load %arg18[%swap3A_127, %swap3A_128] {strides = array<i32>} : memref<2x128xi32, #tpu.memory_space<vmem>>, vector<16xi32>,
    tpu.vector_store %arg18[%swap3A_127, %swap3A_128], %add3A_125 {strides = array<i32>} : memref<2x128xi32, #tpu.memory_space<vmem>>, vector<16xi32>,
    %add3A_130 = arith.constant 40 : i32
    %add3A_131 = vector.broadcast %add3A_130 : i32 to vector<16xi32>
    %add3A_132 = arith.addi %add3A_95, %add3A_131 : vector<16xi32>
    %swap3A_133 = arith.constant 0 : i32
    %swap3A_134 = arith.index_cast %swap3A_133 : i32 to index
    %swap3A_135 = arith.constant 80 : index
    %swap3A_136 = tpu.vector_load %arg18[%swap3A_134, %swap3A_135] {strides = array<i32>} : memref<2x128xi32, #tpu.memory_space<vmem>>, vector<16xi32>,
    tpu.vector_store %arg18[%swap3A_134, %swap3A_135], %add3A_132 {strides = array<i32>} : memref<2x128xi32, #tpu.memory_space<vmem>>, vector<16xi32>,
    %add3A_137 = arith.constant 48 : i32
    %add3A_138 = vector.broadcast %add3A_137 : i32 to vector<16xi32>
    %add3A_139 = arith.addi %add3A_95, %add3A_138 : vector<16xi32>
    %swap3A_140 = arith.constant 0 : i32
    %swap3A_141 = arith.index_cast %swap3A_140 : i32 to index
    %swap3A_142 = arith.constant 96 : index
    %swap3A_143 = tpu.vector_load %arg18[%swap3A_141, %swap3A_142] {strides = array<i32>} : memref<2x128xi32, #tpu.memory_space<vmem>>, vector<16xi32>,
    tpu.vector_store %arg18[%swap3A_141, %swap3A_142], %add3A_139 {strides = array<i32>} : memref<2x128xi32, #tpu.memory_space<vmem>>, vector<16xi32>,
    %add3A_144 = arith.constant 56 : i32
    %add3A_145 = vector.broadcast %add3A_144 : i32 to vector<16xi32>
    %add3A_146 = arith.addi %add3A_95, %add3A_145 : vector<16xi32>
    %swap3A_147 = arith.constant 0 : i32
    %swap3A_148 = arith.index_cast %swap3A_147 : i32 to index
    %swap3A_149 = arith.constant 112 : index
    %swap3A_150 = tpu.vector_load %arg18[%swap3A_148, %swap3A_149] {strides = array<i32>} : memref<2x128xi32, #tpu.memory_space<vmem>>, vector<16xi32>,
    tpu.vector_store %arg18[%swap3A_148, %swap3A_149], %add3A_146 {strides = array<i32>} : memref<2x128xi32, #tpu.memory_space<vmem>>, vector<16xi32>,
    %dma_start3A = arith.constant 0 : i32
    %dma_start3A_151 = arith.constant 0 : i32
    %dma_start3A_152 = arith.constant 0 : i32
    %dma_start3A_153 = arith.constant 0 : i32
    %dma_start3A_154 = arith.constant 0 : i32
    %dma_start3A_155 = tpu.memref_slice %arg16[%dma_start3A_151, %dma_start3A_153, %dma_start3A_154] : memref<2x128x128xf32, #tpu.memory_space<vmem>> -> memref<1x128x128xf32, #tpu.memory_space<vmem>>
    %dma_start3A_156 = tpu.memref_squeeze %dma_start3A_155 : memref<1x128x128xf32, #tpu.memory_space<vmem>> -> memref<128x128xf32, #tpu.memory_space<vmem>>
    %dma_start3A_157 = arith.constant 0 : i32
    %dma_start3A_158 = tpu.memref_slice %arg18[%dma_start3A, %dma_start3A_157] : memref<2x128xi32, #tpu.memory_space<vmem>> -> memref<1x128xi32, #tpu.memory_space<vmem>>
    %dma_start3A_159 = tpu.memref_squeeze %dma_start3A_158 : memref<1x128xi32, #tpu.memory_space<vmem>> -> memref<128xi32, #tpu.memory_space<vmem>>
    %dma_start3A_160 = arith.constant 0 : i32
    %dma_start3A_161 = arith.constant 0 : i32
    %dma_start3A_162 = tpu.memref_slice %arg2[%dma_start3A_160, %dma_start3A_161] : memref<65536x128xf32, #tpu.memory_space<hbm>> -> memref<65536x128xf32, #tpu.memory_space<hbm>>
    %dma_start3A_163 = tpu.memref_slice %arg19[%dma_start3A_152] : memref<2x!tpu.dma_semaphore, #tpu.memory_space<semaphore_mem>> -> memref<1x!tpu.dma_semaphore, #tpu.memory_space<semaphore_mem>>
    %dma_start3A_164 = tpu.memref_squeeze %dma_start3A_163 : memref<1x!tpu.dma_semaphore, #tpu.memory_space<semaphore_mem>> -> memref<!tpu.dma_semaphore, #tpu.memory_space<semaphore_mem>>
    tpu.enqueue_indirect_dma source(%dma_start3A_162 : memref<65536x128xf32, #tpu.memory_space<hbm>>) target(%dma_start3A_156 : memref<128x128xf32, #tpu.memory_space<vmem>>) offsets(%dma_start3A_159 : memref<128xi32, #tpu.memory_space<vmem>>) semaphore(%dma_start3A_164 : memref<!tpu.dma_semaphore, #tpu.memory_space<semaphore_mem>>)
    %while3A = arith.constant 0 : i32
    %while3A_165 = arith.constant 0 : i32
    %while3A_166 = arith.subi %select_n3A_67, %while3A : i32
    %while3A_167 = arith.addi %while3A, %while3A_166 : i32
    %while3A_168 = arith.constant 1 : i32
    %while3A_169 = arith.divsi %while3A_166, %while3A_168 : i32
    %while3A_170 = arith.muli %while3A_169, %while3A_168 : i32
    %while3A_171 = arith.addi %while3A, %while3A_170 : i32
    %while3A_172 = arith.constant 1 : i32
    %while3A_173 = scf.for %while3A_205 = %while3A to %while3A_171 step %while3A_172 iter_args(%while3A_206 = %while3A_165) -> (i32)  : i32 {
      %jit3A_207 = arith.constant 2 : i32
      %eq3A_208 = arith.constant 0 : i32
      %eq3A_209 = arith.cmpi eq, %jit3A_207, %eq3A_208 : i32
      %jit3A_210 = arith.constant 1 : i32
      %select_n3A_211 = arith.select %eq3A_209, %jit3A_210, %jit3A_207 : i32
      %rem3A_212 = arith.remsi %while3A_205, %select_n3A_211 : i32
      %ne3A_213 = arith.constant 0 : i32
      %ne3A_214 = arith.cmpi ne, %rem3A_212, %ne3A_213 : i32
      %lt3A_215 = arith.constant 0 : i32
      %lt3A_216 = arith.cmpi slt, %rem3A_212, %lt3A_215 : i32
      %lt3A_217 = arith.constant 0 : i32
      %lt3A_218 = arith.cmpi slt, %select_n3A_211, %lt3A_217 : i32
      %ne3A_219 = arith.xori %lt3A_216, %lt3A_218 : i1
      %and3A_220 = arith.andi %ne3A_219, %ne3A_214 : i1
      %add3A_221 = arith.addi %rem3A_212, %select_n3A_211 : i32
      %select_n3A_222 = arith.select %and3A_220, %add3A_221, %rem3A_212 : i32
      %sub3A_223 = arith.constant 1 : i32
      %sub3A_224 = arith.subi %sub3A_223, %select_n3A_222 : i32
      %ge3A = arith.constant 1 : i32
      %ge3A_225 = arith.cmpi sge, %while3A_205, %ge3A : i32
      %convert_element_type3A_226 = arith.extui %ge3A_225 : i1 to i32
      %cond3A_227 = arith.constant 0 : i32
      %cond3A_228 = arith.cmpi ne, %convert_element_type3A_226, %cond3A_227 : i32
      scf.if %cond3A_228 {
        %dma_wait3A_420 = arith.constant 0 : i32
        %dma_wait3A_421 = arith.constant 0 : i32
        %dma_wait3A_422 = tpu.memref_slice %arg2[%dma_wait3A_420, %dma_wait3A_421] : memref<65536x128xf32, #tpu.memory_space<hbm>> -> memref<128x128xf32, #tpu.memory_space<hbm>>
        %dma_wait3A_423 = tpu.memref_slice %arg20[%sub3A_224] : memref<2x!tpu.dma_semaphore, #tpu.memory_space<semaphore_mem>> -> memref<1x!tpu.dma_semaphore, #tpu.memory_space<semaphore_mem>>
        %dma_wait3A_424 = tpu.memref_squeeze %dma_wait3A_423 : memref<1x!tpu.dma_semaphore, #tpu.memory_space<semaphore_mem>> -> memref<!tpu.dma_semaphore, #tpu.memory_space<semaphore_mem>>
        %dma_wait3A_425 = arith.constant 0 : i32
        %dma_wait3A_426 = arith.constant 0 : i32
        %dma_wait3A_427 = tpu.memref_slice %arg2[%dma_wait3A_425, %dma_wait3A_426] : memref<65536x128xf32, #tpu.memory_space<hbm>> -> memref<128x128xf32, #tpu.memory_space<hbm>>
        tpu.wait_dma2 semaphore(%dma_wait3A_424 : memref<!tpu.dma_semaphore, #tpu.memory_space<semaphore_mem>>) src(%dma_wait3A_427 : memref<128x128xf32, #tpu.memory_space<hbm>>) dst(%arg17 : memref<128x128xf32, #tpu.memory_space<vmem>>)
      } else {
      }
      %add3A_229 = arith.constant 1 : i32
      %add3A_230 = arith.addi %while3A_205, %add3A_229 : i32
      %lt3A_231 = arith.cmpi slt, %add3A_230, %select_n3A_67 : i32
      %convert_element_type3A_232 = arith.extui %lt3A_231 : i1 to i32
      %cond3A_233 = arith.constant 0 : i32
      %cond3A_234 = arith.cmpi ne, %convert_element_type3A_232, %cond3A_233 : i32
      scf.if %cond3A_234 {
        %add3A_420 = arith.constant 1 : i32
        %add3A_421 = arith.addi %while3A_205, %add3A_420 : i32
        %mul3A_422 = arith.constant 16 : i32
        %mul3A_423 = arith.muli %add3A_421, %mul3A_422 : i32
        %get3A_424 = arith.index_cast %mul3A_423 : i32 to index
        %get3A_425 = tpu.vector_load %arg14[%get3A_424] {strides = array<i32>} : memref<208xi32, #tpu.memory_space<vmem>>, vector<16xi32>,
        %shift_right_arithmetic3A_426 = arith.constant 3 : i32
        %shift_right_arithmetic3A_427 = vector.broadcast %shift_right_arithmetic3A_426 : i32 to vector<16xi32>
        %shift_right_arithmetic3A_428 = arith.shrsi %get3A_425, %shift_right_arithmetic3A_427 : vector<16xi32>
        %mul3A_429 = arith.constant 64 : i32
        %mul3A_430 = vector.broadcast %mul3A_429 : i32 to vector<16xi32>
        %mul3A_431 = arith.muli %shift_right_arithmetic3A_428, %mul3A_430 : vector<16xi32>
        %and3A_432 = arith.constant 7 : i32
        %and3A_433 = vector.broadcast %and3A_432 : i32 to vector<16xi32>
        %and3A_434 = arith.andi %get3A_425, %and3A_433 : vector<16xi32>
        %add3A_435 = arith.addi %mul3A_431, %and3A_434 : vector<16xi32>
        %add3A_436 = arith.constant 0 : i32
        %add3A_437 = vector.broadcast %add3A_436 : i32 to vector<16xi32>
        %add3A_438 = arith.addi %add3A_435, %add3A_437 : vector<16xi32>
        %swap3A_439 = arith.index_cast %sub3A_224 : i32 to index
        %swap3A_440 = arith.constant 0 : index
        %swap3A_441 = tpu.vector_load %arg18[%swap3A_439, %swap3A_440] {strides = array<i32>} : memref<2x128xi32, #tpu.memory_space<vmem>>, vector<16xi32>,
        tpu.vector_store %arg18[%swap3A_439, %swap3A_440], %add3A_438 {strides = array<i32>} : memref<2x128xi32, #tpu.memory_space<vmem>>, vector<16xi32>,
        %add3A_442 = arith.constant 8 : i32
        %add3A_443 = vector.broadcast %add3A_442 : i32 to vector<16xi32>
        %add3A_444 = arith.addi %add3A_435, %add3A_443 : vector<16xi32>
        %swap3A_445 = arith.index_cast %sub3A_224 : i32 to index
        %swap3A_446 = arith.constant 16 : index
        %swap3A_447 = tpu.vector_load %arg18[%swap3A_445, %swap3A_446] {strides = array<i32>} : memref<2x128xi32, #tpu.memory_space<vmem>>, vector<16xi32>,
        tpu.vector_store %arg18[%swap3A_445, %swap3A_446], %add3A_444 {strides = array<i32>} : memref<2x128xi32, #tpu.memory_space<vmem>>, vector<16xi32>,
        %add3A_448 = arith.constant 16 : i32
        %add3A_449 = vector.broadcast %add3A_448 : i32 to vector<16xi32>
        %add3A_450 = arith.addi %add3A_435, %add3A_449 : vector<16xi32>
        %swap3A_451 = arith.index_cast %sub3A_224 : i32 to index
        %swap3A_452 = arith.constant 32 : index
        %swap3A_453 = tpu.vector_load %arg18[%swap3A_451, %swap3A_452] {strides = array<i32>} : memref<2x128xi32, #tpu.memory_space<vmem>>, vector<16xi32>,
        tpu.vector_store %arg18[%swap3A_451, %swap3A_452], %add3A_450 {strides = array<i32>} : memref<2x128xi32, #tpu.memory_space<vmem>>, vector<16xi32>,
        %add3A_454 = arith.constant 24 : i32
        %add3A_455 = vector.broadcast %add3A_454 : i32 to vector<16xi32>
        %add3A_456 = arith.addi %add3A_435, %add3A_455 : vector<16xi32>
        %swap3A_457 = arith.index_cast %sub3A_224 : i32 to index
        %swap3A_458 = arith.constant 48 : index
        %swap3A_459 = tpu.vector_load %arg18[%swap3A_457, %swap3A_458] {strides = array<i32>} : memref<2x128xi32, #tpu.memory_space<vmem>>, vector<16xi32>,
        tpu.vector_store %arg18[%swap3A_457, %swap3A_458], %add3A_456 {strides = array<i32>} : memref<2x128xi32, #tpu.memory_space<vmem>>, vector<16xi32>,
        %add3A_460 = arith.constant 32 : i32
        %add3A_461 = vector.broadcast %add3A_460 : i32 to vector<16xi32>
        %add3A_462 = arith.addi %add3A_435, %add3A_461 : vector<16xi32>
        %swap3A_463 = arith.index_cast %sub3A_224 : i32 to index
        %swap3A_464 = arith.constant 64 : index
        %swap3A_465 = tpu.vector_load %arg18[%swap3A_463, %swap3A_464] {strides = array<i32>} : memref<2x128xi32, #tpu.memory_space<vmem>>, vector<16xi32>,
        tpu.vector_store %arg18[%swap3A_463, %swap3A_464], %add3A_462 {strides = array<i32>} : memref<2x128xi32, #tpu.memory_space<vmem>>, vector<16xi32>,
        %add3A_466 = arith.constant 40 : i32
        %add3A_467 = vector.broadcast %add3A_466 : i32 to vector<16xi32>
        %add3A_468 = arith.addi %add3A_435, %add3A_467 : vector<16xi32>
        %swap3A_469 = arith.index_cast %sub3A_224 : i32 to index
        %swap3A_470 = arith.constant 80 : index
        %swap3A_471 = tpu.vector_load %arg18[%swap3A_469, %swap3A_470] {strides = array<i32>} : memref<2x128xi32, #tpu.memory_space<vmem>>, vector<16xi32>,
        tpu.vector_store %arg18[%swap3A_469, %swap3A_470], %add3A_468 {strides = array<i32>} : memref<2x128xi32, #tpu.memory_space<vmem>>, vector<16xi32>,
        %add3A_472 = arith.constant 48 : i32
        %add3A_473 = vector.broadcast %add3A_472 : i32 to vector<16xi32>
        %add3A_474 = arith.addi %add3A_435, %add3A_473 : vector<16xi32>
        %swap3A_475 = arith.index_cast %sub3A_224 : i32 to index
        %swap3A_476 = arith.constant 96 : index
        %swap3A_477 = tpu.vector_load %arg18[%swap3A_475, %swap3A_476] {strides = array<i32>} : memref<2x128xi32, #tpu.memory_space<vmem>>, vector<16xi32>,
        tpu.vector_store %arg18[%swap3A_475, %swap3A_476], %add3A_474 {strides = array<i32>} : memref<2x128xi32, #tpu.memory_space<vmem>>, vector<16xi32>,
        %add3A_478 = arith.constant 56 : i32
        %add3A_479 = vector.broadcast %add3A_478 : i32 to vector<16xi32>
        %add3A_480 = arith.addi %add3A_435, %add3A_479 : vector<16xi32>
        %swap3A_481 = arith.index_cast %sub3A_224 : i32 to index
        %swap3A_482 = arith.constant 112 : index
        %swap3A_483 = tpu.vector_load %arg18[%swap3A_481, %swap3A_482] {strides = array<i32>} : memref<2x128xi32, #tpu.memory_space<vmem>>, vector<16xi32>,
        tpu.vector_store %arg18[%swap3A_481, %swap3A_482], %add3A_480 {strides = array<i32>} : memref<2x128xi32, #tpu.memory_space<vmem>>, vector<16xi32>,
        %dma_start3A_484 = arith.constant 0 : i32
        %dma_start3A_485 = arith.constant 0 : i32
        %dma_start3A_486 = tpu.memref_slice %arg16[%sub3A_224, %dma_start3A_484, %dma_start3A_485] : memref<2x128x128xf32, #tpu.memory_space<vmem>> -> memref<1x128x128xf32, #tpu.memory_space<vmem>>
        %dma_start3A_487 = tpu.memref_squeeze %dma_start3A_486 : memref<1x128x128xf32, #tpu.memory_space<vmem>> -> memref<128x128xf32, #tpu.memory_space<vmem>>
        %dma_start3A_488 = arith.constant 0 : i32
        %dma_start3A_489 = tpu.memref_slice %arg18[%sub3A_224, %dma_start3A_488] : memref<2x128xi32, #tpu.memory_space<vmem>> -> memref<1x128xi32, #tpu.memory_space<vmem>>
        %dma_start3A_490 = tpu.memref_squeeze %dma_start3A_489 : memref<1x128xi32, #tpu.memory_space<vmem>> -> memref<128xi32, #tpu.memory_space<vmem>>
        %dma_start3A_491 = arith.constant 0 : i32
        %dma_start3A_492 = arith.constant 0 : i32
        %dma_start3A_493 = tpu.memref_slice %arg2[%dma_start3A_491, %dma_start3A_492] : memref<65536x128xf32, #tpu.memory_space<hbm>> -> memref<65536x128xf32, #tpu.memory_space<hbm>>
        %dma_start3A_494 = tpu.memref_slice %arg19[%sub3A_224] : memref<2x!tpu.dma_semaphore, #tpu.memory_space<semaphore_mem>> -> memref<1x!tpu.dma_semaphore, #tpu.memory_space<semaphore_mem>>
        %dma_start3A_495 = tpu.memref_squeeze %dma_start3A_494 : memref<1x!tpu.dma_semaphore, #tpu.memory_space<semaphore_mem>> -> memref<!tpu.dma_semaphore, #tpu.memory_space<semaphore_mem>>
        tpu.enqueue_indirect_dma source(%dma_start3A_493 : memref<65536x128xf32, #tpu.memory_space<hbm>>) target(%dma_start3A_487 : memref<128x128xf32, #tpu.memory_space<vmem>>) offsets(%dma_start3A_490 : memref<128xi32, #tpu.memory_space<vmem>>) semaphore(%dma_start3A_495 : memref<!tpu.dma_semaphore, #tpu.memory_space<semaphore_mem>>)
      } else {
      }
      %dma_wait3A_235 = arith.constant 0 : i32
      %dma_wait3A_236 = arith.constant 0 : i32
      %dma_wait3A_237 = tpu.memref_slice %arg16[%select_n3A_222, %dma_wait3A_235, %dma_wait3A_236] : memref<2x128x128xf32, #tpu.memory_space<vmem>> -> memref<1x128x128xf32, #tpu.memory_space<vmem>>
      %dma_wait3A_238 = tpu.memref_squeeze %dma_wait3A_237 : memref<1x128x128xf32, #tpu.memory_space<vmem>> -> memref<128x128xf32, #tpu.memory_space<vmem>>
      %dma_wait3A_239 = arith.constant 0 : i32
      %dma_wait3A_240 = arith.constant 0 : i32
      %dma_wait3A_241 = tpu.memref_slice %arg2[%dma_wait3A_239, %dma_wait3A_240] : memref<65536x128xf32, #tpu.memory_space<hbm>> -> memref<128x128xf32, #tpu.memory_space<hbm>>
      %dma_wait3A_242 = tpu.memref_slice %arg19[%select_n3A_222] : memref<2x!tpu.dma_semaphore, #tpu.memory_space<semaphore_mem>> -> memref<1x!tpu.dma_semaphore, #tpu.memory_space<semaphore_mem>>
      %dma_wait3A_243 = tpu.memref_squeeze %dma_wait3A_242 : memref<1x!tpu.dma_semaphore, #tpu.memory_space<semaphore_mem>> -> memref<!tpu.dma_semaphore, #tpu.memory_space<semaphore_mem>>
      %dma_wait3A_244 = arith.constant 0 : i32
      %dma_wait3A_245 = arith.constant 0 : i32
      %dma_wait3A_246 = tpu.memref_slice %arg16[%select_n3A_222, %dma_wait3A_244, %dma_wait3A_245] : memref<2x128x128xf32, #tpu.memory_space<vmem>> -> memref<1x128x128xf32, #tpu.memory_space<vmem>>
      %dma_wait3A_247 = tpu.memref_squeeze %dma_wait3A_246 : memref<1x128x128xf32, #tpu.memory_space<vmem>> -> memref<128x128xf32, #tpu.memory_space<vmem>>
      %dma_wait3A_248 = arith.constant 0 : i32
      %dma_wait3A_249 = arith.constant 0 : i32
      %dma_wait3A_250 = tpu.memref_slice %arg2[%dma_wait3A_248, %dma_wait3A_249] : memref<65536x128xf32, #tpu.memory_space<hbm>> -> memref<128x128xf32, #tpu.memory_space<hbm>>
      tpu.wait_dma2 semaphore(%dma_wait3A_243 : memref<!tpu.dma_semaphore, #tpu.memory_space<semaphore_mem>>) src(%dma_wait3A_250 : memref<128x128xf32, #tpu.memory_space<hbm>>) dst(%dma_wait3A_247 : memref<128x128xf32, #tpu.memory_space<vmem>>)
      %mul3A_251 = arith.constant 16 : i32
      %mul3A_252 = arith.muli %while3A_205, %mul3A_251 : i32
      %scan3A = arith.constant 0 : i32
      %scan3A_253 = arith.constant 0 : i32
      %scan3A_254 = arith.constant 16 : i32
      %scan3A_255 = arith.addi %scan3A_253, %scan3A_254 : i32
      %scan3A_256 = arith.constant 1 : i32
      %scan3A_257 = scf.for %scan3A_420 = %scan3A_253 to %scan3A_255 step %scan3A_256 iter_args(%scan3A_421 = %scan3A) -> (i32)  : i32 {
        %add3A_422 = arith.addi %mul3A_252, %scan3A_420 : i32
        %broadcast_in_dim3A = vector.broadcast %add3A_422 : i32 to vector<16xi32>
        %gather3A = tpu.vector_load_idx %arg15[%broadcast_in_dim3A] : memref<208xf32, #tpu.memory_space<vmem>>[vector<16xi32>], vector<16xf32>,
        %add3A_423 = arith.constant 0 : i32
        %add3A_424 = arith.addi %add3A_423, %scan3A_420 : i32
        %get3A_425 = arith.index_cast %select_n3A_222 : i32 to index
        %get3A_426 = arith.index_cast %add3A_424 : i32 to index
        %get3A_427 = arith.constant 0 : index
        %get3A_428 = tpu.vector_load %arg16[%get3A_425, %get3A_426, %get3A_427] {strides = array<i32>} : memref<2x128x128xf32, #tpu.memory_space<vmem>>, vector<16xf32>,
        %mul3A_429 = arith.mulf %get3A_428, %gather3A : vector<16xf32>
        %swap3A_430 = arith.index_cast %select_n3A_222 : i32 to index
        %swap3A_431 = arith.index_cast %add3A_424 : i32 to index
        %swap3A_432 = arith.constant 0 : index
        %swap3A_433 = tpu.vector_load %arg16[%swap3A_430, %swap3A_431, %swap3A_432] {strides = array<i32>} : memref<2x128x128xf32, #tpu.memory_space<vmem>>, vector<16xf32>,
        tpu.vector_store %arg16[%swap3A_430, %swap3A_431, %swap3A_432], %mul3A_429 {strides = array<i32>} : memref<2x128x128xf32, #tpu.memory_space<vmem>>, vector<16xf32>,
        %add3A_434 = arith.constant 0 : i32
        %add3A_435 = arith.addi %add3A_434, %scan3A_420 : i32
        %get3A_436 = arith.index_cast %select_n3A_222 : i32 to index
        %get3A_437 = arith.index_cast %add3A_435 : i32 to index
        %get3A_438 = arith.constant 16 : index
        %get3A_439 = tpu.vector_load %arg16[%get3A_436, %get3A_437, %get3A_438] {strides = array<i32>} : memref<2x128x128xf32, #tpu.memory_space<vmem>>, vector<16xf32>,
        %mul3A_440 = arith.mulf %get3A_439, %gather3A : vector<16xf32>
        %swap3A_441 = arith.index_cast %select_n3A_222 : i32 to index
        %swap3A_442 = arith.index_cast %add3A_435 : i32 to index
        %swap3A_443 = arith.constant 16 : index
        %swap3A_444 = tpu.vector_load %arg16[%swap3A_441, %swap3A_442, %swap3A_443] {strides = array<i32>} : memref<2x128x128xf32, #tpu.memory_space<vmem>>, vector<16xf32>,
        tpu.vector_store %arg16[%swap3A_441, %swap3A_442, %swap3A_443], %mul3A_440 {strides = array<i32>} : memref<2x128x128xf32, #tpu.memory_space<vmem>>, vector<16xf32>,
        %add3A_445 = arith.constant 0 : i32
        %add3A_446 = arith.addi %add3A_445, %scan3A_420 : i32
        %get3A_447 = arith.index_cast %select_n3A_222 : i32 to index
        %get3A_448 = arith.index_cast %add3A_446 : i32 to index
        %get3A_449 = arith.constant 32 : index
        %get3A_450 = tpu.vector_load %arg16[%get3A_447, %get3A_448, %get3A_449] {strides = array<i32>} : memref<2x128x128xf32, #tpu.memory_space<vmem>>, vector<16xf32>,
        %mul3A_451 = arith.mulf %get3A_450, %gather3A : vector<16xf32>
        %swap3A_452 = arith.index_cast %select_n3A_222 : i32 to index
        %swap3A_453 = arith.index_cast %add3A_446 : i32 to index
        %swap3A_454 = arith.constant 32 : index
        %swap3A_455 = tpu.vector_load %arg16[%swap3A_452, %swap3A_453, %swap3A_454] {strides = array<i32>} : memref<2x128x128xf32, #tpu.memory_space<vmem>>, vector<16xf32>,
        tpu.vector_store %arg16[%swap3A_452, %swap3A_453, %swap3A_454], %mul3A_451 {strides = array<i32>} : memref<2x128x128xf32, #tpu.memory_space<vmem>>, vector<16xf32>,
        %add3A_456 = arith.constant 0 : i32
        %add3A_457 = arith.addi %add3A_456, %scan3A_420 : i32
        %get3A_458 = arith.index_cast %select_n3A_222 : i32 to index
        %get3A_459 = arith.index_cast %add3A_457 : i32 to index
        %get3A_460 = arith.constant 48 : index
        %get3A_461 = tpu.vector_load %arg16[%get3A_458, %get3A_459, %get3A_460] {strides = array<i32>} : memref<2x128x128xf32, #tpu.memory_space<vmem>>, vector<16xf32>,
        %mul3A_462 = arith.mulf %get3A_461, %gather3A : vector<16xf32>
        %swap3A_463 = arith.index_cast %select_n3A_222 : i32 to index
        %swap3A_464 = arith.index_cast %add3A_457 : i32 to index
        %swap3A_465 = arith.constant 48 : index
        %swap3A_466 = tpu.vector_load %arg16[%swap3A_463, %swap3A_464, %swap3A_465] {strides = array<i32>} : memref<2x128x128xf32, #tpu.memory_space<vmem>>, vector<16xf32>,
        tpu.vector_store %arg16[%swap3A_463, %swap3A_464, %swap3A_465], %mul3A_462 {strides = array<i32>} : memref<2x128x128xf32, #tpu.memory_space<vmem>>, vector<16xf32>,
        %add3A_467 = arith.constant 0 : i32
        %add3A_468 = arith.addi %add3A_467, %scan3A_420 : i32
        %get3A_469 = arith.index_cast %select_n3A_222 : i32 to index
        %get3A_470 = arith.index_cast %add3A_468 : i32 to index
        %get3A_471 = arith.constant 64 : index
        %get3A_472 = tpu.vector_load %arg16[%get3A_469, %get3A_470, %get3A_471] {strides = array<i32>} : memref<2x128x128xf32, #tpu.memory_space<vmem>>, vector<16xf32>,
        %mul3A_473 = arith.mulf %get3A_472, %gather3A : vector<16xf32>
        %swap3A_474 = arith.index_cast %select_n3A_222 : i32 to index
        %swap3A_475 = arith.index_cast %add3A_468 : i32 to index
        %swap3A_476 = arith.constant 64 : index
        %swap3A_477 = tpu.vector_load %arg16[%swap3A_474, %swap3A_475, %swap3A_476] {strides = array<i32>} : memref<2x128x128xf32, #tpu.memory_space<vmem>>, vector<16xf32>,
        tpu.vector_store %arg16[%swap3A_474, %swap3A_475, %swap3A_476], %mul3A_473 {strides = array<i32>} : memref<2x128x128xf32, #tpu.memory_space<vmem>>, vector<16xf32>,
        %add3A_478 = arith.constant 0 : i32
        %add3A_479 = arith.addi %add3A_478, %scan3A_420 : i32
        %get3A_480 = arith.index_cast %select_n3A_222 : i32 to index
        %get3A_481 = arith.index_cast %add3A_479 : i32 to index
        %get3A_482 = arith.constant 80 : index
        %get3A_483 = tpu.vector_load %arg16[%get3A_480, %get3A_481, %get3A_482] {strides = array<i32>} : memref<2x128x128xf32, #tpu.memory_space<vmem>>, vector<16xf32>,
        %mul3A_484 = arith.mulf %get3A_483, %gather3A : vector<16xf32>
        %swap3A_485 = arith.index_cast %select_n3A_222 : i32 to index
        %swap3A_486 = arith.index_cast %add3A_479 : i32 to index
        %swap3A_487 = arith.constant 80 : index
        %swap3A_488 = tpu.vector_load %arg16[%swap3A_485, %swap3A_486, %swap3A_487] {strides = array<i32>} : memref<2x128x128xf32, #tpu.memory_space<vmem>>, vector<16xf32>,
        tpu.vector_store %arg16[%swap3A_485, %swap3A_486, %swap3A_487], %mul3A_484 {strides = array<i32>} : memref<2x128x128xf32, #tpu.memory_space<vmem>>, vector<16xf32>,
        %add3A_489 = arith.constant 0 : i32
        %add3A_490 = arith.addi %add3A_489, %scan3A_420 : i32
        %get3A_491 = arith.index_cast %select_n3A_222 : i32 to index
        %get3A_492 = arith.index_cast %add3A_490 : i32 to index
        %get3A_493 = arith.constant 96 : index
        %get3A_494 = tpu.vector_load %arg16[%get3A_491, %get3A_492, %get3A_493] {strides = array<i32>} : memref<2x128x128xf32, #tpu.memory_space<vmem>>, vector<16xf32>,
        %mul3A_495 = arith.mulf %get3A_494, %gather3A : vector<16xf32>
        %swap3A_496 = arith.index_cast %select_n3A_222 : i32 to index
        %swap3A_497 = arith.index_cast %add3A_490 : i32 to index
        %swap3A_498 = arith.constant 96 : index
        %swap3A_499 = tpu.vector_load %arg16[%swap3A_496, %swap3A_497, %swap3A_498] {strides = array<i32>} : memref<2x128x128xf32, #tpu.memory_space<vmem>>, vector<16xf32>,
        tpu.vector_store %arg16[%swap3A_496, %swap3A_497, %swap3A_498], %mul3A_495 {strides = array<i32>} : memref<2x128x128xf32, #tpu.memory_space<vmem>>, vector<16xf32>,
        %add3A_500 = arith.constant 0 : i32
        %add3A_501 = arith.addi %add3A_500, %scan3A_420 : i32
        %get3A_502 = arith.index_cast %select_n3A_222 : i32 to index
        %get3A_503 = arith.index_cast %add3A_501 : i32 to index
        %get3A_504 = arith.constant 112 : index
        %get3A_505 = tpu.vector_load %arg16[%get3A_502, %get3A_503, %get3A_504] {strides = array<i32>} : memref<2x128x128xf32, #tpu.memory_space<vmem>>, vector<16xf32>,
        %mul3A_506 = arith.mulf %get3A_505, %gather3A : vector<16xf32>
        %swap3A_507 = arith.index_cast %select_n3A_222 : i32 to index
        %swap3A_508 = arith.index_cast %add3A_501 : i32 to index
        %swap3A_509 = arith.constant 112 : index
        %swap3A_510 = tpu.vector_load %arg16[%swap3A_507, %swap3A_508, %swap3A_509] {strides = array<i32>} : memref<2x128x128xf32, #tpu.memory_space<vmem>>, vector<16xf32>,
        tpu.vector_store %arg16[%swap3A_507, %swap3A_508, %swap3A_509], %mul3A_506 {strides = array<i32>} : memref<2x128x128xf32, #tpu.memory_space<vmem>>, vector<16xf32>,
        %add3A_511 = arith.constant 16 : i32
        %add3A_512 = arith.addi %add3A_511, %scan3A_420 : i32
        %get3A_513 = arith.index_cast %select_n3A_222 : i32 to index
        %get3A_514 = arith.index_cast %add3A_512 : i32 to index
        %get3A_515 = arith.constant 0 : index
        %get3A_516 = tpu.vector_load %arg16[%get3A_513, %get3A_514, %get3A_515] {strides = array<i32>} : memref<2x128x128xf32, #tpu.memory_space<vmem>>, vector<16xf32>,
        %mul3A_517 = arith.mulf %get3A_516, %gather3A : vector<16xf32>
        %swap3A_518 = arith.index_cast %select_n3A_222 : i32 to index
        %swap3A_519 = arith.index_cast %add3A_512 : i32 to index
        %swap3A_520 = arith.constant 0 : index
        %swap3A_521 = tpu.vector_load %arg16[%swap3A_518, %swap3A_519, %swap3A_520] {strides = array<i32>} : memref<2x128x128xf32, #tpu.memory_space<vmem>>, vector<16xf32>,
        tpu.vector_store %arg16[%swap3A_518, %swap3A_519, %swap3A_520], %mul3A_517 {strides = array<i32>} : memref<2x128x128xf32, #tpu.memory_space<vmem>>, vector<16xf32>,
        %add3A_522 = arith.constant 16 : i32
        %add3A_523 = arith.addi %add3A_522, %scan3A_420 : i32
        %get3A_524 = arith.index_cast %select_n3A_222 : i32 to index
        %get3A_525 = arith.index_cast %add3A_523 : i32 to index
        %get3A_526 = arith.constant 16 : index
        %get3A_527 = tpu.vector_load %arg16[%get3A_524, %get3A_525, %get3A_526] {strides = array<i32>} : memref<2x128x128xf32, #tpu.memory_space<vmem>>, vector<16xf32>,
        %mul3A_528 = arith.mulf %get3A_527, %gather3A : vector<16xf32>
        %swap3A_529 = arith.index_cast %select_n3A_222 : i32 to index
        %swap3A_530 = arith.index_cast %add3A_523 : i32 to index
        %swap3A_531 = arith.constant 16 : index
        %swap3A_532 = tpu.vector_load %arg16[%swap3A_529, %swap3A_530, %swap3A_531] {strides = array<i32>} : memref<2x128x128xf32, #tpu.memory_space<vmem>>, vector<16xf32>,
        tpu.vector_store %arg16[%swap3A_529, %swap3A_530, %swap3A_531], %mul3A_528 {strides = array<i32>} : memref<2x128x128xf32, #tpu.memory_space<vmem>>, vector<16xf32>,
        %add3A_533 = arith.constant 16 : i32
        %add3A_534 = arith.addi %add3A_533, %scan3A_420 : i32
        %get3A_535 = arith.index_cast %select_n3A_222 : i32 to index
        %get3A_536 = arith.index_cast %add3A_534 : i32 to index
        %get3A_537 = arith.constant 32 : index
        %get3A_538 = tpu.vector_load %arg16[%get3A_535, %get3A_536, %get3A_537] {strides = array<i32>} : memref<2x128x128xf32, #tpu.memory_space<vmem>>, vector<16xf32>,
        %mul3A_539 = arith.mulf %get3A_538, %gather3A : vector<16xf32>
        %swap3A_540 = arith.index_cast %select_n3A_222 : i32 to index
        %swap3A_541 = arith.index_cast %add3A_534 : i32 to index
        %swap3A_542 = arith.constant 32 : index
        %swap3A_543 = tpu.vector_load %arg16[%swap3A_540, %swap3A_541, %swap3A_542] {strides = array<i32>} : memref<2x128x128xf32, #tpu.memory_space<vmem>>, vector<16xf32>,
        tpu.vector_store %arg16[%swap3A_540, %swap3A_541, %swap3A_542], %mul3A_539 {strides = array<i32>} : memref<2x128x128xf32, #tpu.memory_space<vmem>>, vector<16xf32>,
        %add3A_544 = arith.constant 16 : i32
        %add3A_545 = arith.addi %add3A_544, %scan3A_420 : i32
        %get3A_546 = arith.index_cast %select_n3A_222 : i32 to index
        %get3A_547 = arith.index_cast %add3A_545 : i32 to index
        %get3A_548 = arith.constant 48 : index
        %get3A_549 = tpu.vector_load %arg16[%get3A_546, %get3A_547, %get3A_548] {strides = array<i32>} : memref<2x128x128xf32, #tpu.memory_space<vmem>>, vector<16xf32>,
        %mul3A_550 = arith.mulf %get3A_549, %gather3A : vector<16xf32>
        %swap3A_551 = arith.index_cast %select_n3A_222 : i32 to index
        %swap3A_552 = arith.index_cast %add3A_545 : i32 to index
        %swap3A_553 = arith.constant 48 : index
        %swap3A_554 = tpu.vector_load %arg16[%swap3A_551, %swap3A_552, %swap3A_553] {strides = array<i32>} : memref<2x128x128xf32, #tpu.memory_space<vmem>>, vector<16xf32>,
        tpu.vector_store %arg16[%swap3A_551, %swap3A_552, %swap3A_553], %mul3A_550 {strides = array<i32>} : memref<2x128x128xf32, #tpu.memory_space<vmem>>, vector<16xf32>,
        %add3A_555 = arith.constant 16 : i32
        %add3A_556 = arith.addi %add3A_555, %scan3A_420 : i32
        %get3A_557 = arith.index_cast %select_n3A_222 : i32 to index
        %get3A_558 = arith.index_cast %add3A_556 : i32 to index
        %get3A_559 = arith.constant 64 : index
        %get3A_560 = tpu.vector_load %arg16[%get3A_557, %get3A_558, %get3A_559] {strides = array<i32>} : memref<2x128x128xf32, #tpu.memory_space<vmem>>, vector<16xf32>,
        %mul3A_561 = arith.mulf %get3A_560, %gather3A : vector<16xf32>
        %swap3A_562 = arith.index_cast %select_n3A_222 : i32 to index
        %swap3A_563 = arith.index_cast %add3A_556 : i32 to index
        %swap3A_564 = arith.constant 64 : index
        %swap3A_565 = tpu.vector_load %arg16[%swap3A_562, %swap3A_563, %swap3A_564] {strides = array<i32>} : memref<2x128x128xf32, #tpu.memory_space<vmem>>, vector<16xf32>,
        tpu.vector_store %arg16[%swap3A_562, %swap3A_563, %swap3A_564], %mul3A_561 {strides = array<i32>} : memref<2x128x128xf32, #tpu.memory_space<vmem>>, vector<16xf32>,
        %add3A_566 = arith.constant 16 : i32
        %add3A_567 = arith.addi %add3A_566, %scan3A_420 : i32
        %get3A_568 = arith.index_cast %select_n3A_222 : i32 to index
        %get3A_569 = arith.index_cast %add3A_567 : i32 to index
        %get3A_570 = arith.constant 80 : index
        %get3A_571 = tpu.vector_load %arg16[%get3A_568, %get3A_569, %get3A_570] {strides = array<i32>} : memref<2x128x128xf32, #tpu.memory_space<vmem>>, vector<16xf32>,
        %mul3A_572 = arith.mulf %get3A_571, %gather3A : vector<16xf32>
        %swap3A_573 = arith.index_cast %select_n3A_222 : i32 to index
        %swap3A_574 = arith.index_cast %add3A_567 : i32 to index
        %swap3A_575 = arith.constant 80 : index
        %swap3A_576 = tpu.vector_load %arg16[%swap3A_573, %swap3A_574, %swap3A_575] {strides = array<i32>} : memref<2x128x128xf32, #tpu.memory_space<vmem>>, vector<16xf32>,
        tpu.vector_store %arg16[%swap3A_573, %swap3A_574, %swap3A_575], %mul3A_572 {strides = array<i32>} : memref<2x128x128xf32, #tpu.memory_space<vmem>>, vector<16xf32>,
        %add3A_577 = arith.constant 16 : i32
        %add3A_578 = arith.addi %add3A_577, %scan3A_420 : i32
        %get3A_579 = arith.index_cast %select_n3A_222 : i32 to index
        %get3A_580 = arith.index_cast %add3A_578 : i32 to index
        %get3A_581 = arith.constant 96 : index
        %get3A_582 = tpu.vector_load %arg16[%get3A_579, %get3A_580, %get3A_581] {strides = array<i32>} : memref<2x128x128xf32, #tpu.memory_space<vmem>>, vector<16xf32>,
        %mul3A_583 = arith.mulf %get3A_582, %gather3A : vector<16xf32>
        %swap3A_584 = arith.index_cast %select_n3A_222 : i32 to index
        %swap3A_585 = arith.index_cast %add3A_578 : i32 to index
        %swap3A_586 = arith.constant 96 : index
        %swap3A_587 = tpu.vector_load %arg16[%swap3A_584, %swap3A_585, %swap3A_586] {strides = array<i32>} : memref<2x128x128xf32, #tpu.memory_space<vmem>>, vector<16xf32>,
        tpu.vector_store %arg16[%swap3A_584, %swap3A_585, %swap3A_586], %mul3A_583 {strides = array<i32>} : memref<2x128x128xf32, #tpu.memory_space<vmem>>, vector<16xf32>,
        %add3A_588 = arith.constant 16 : i32
        %add3A_589 = arith.addi %add3A_588, %scan3A_420 : i32
        %get3A_590 = arith.index_cast %select_n3A_222 : i32 to index
        %get3A_591 = arith.index_cast %add3A_589 : i32 to index
        %get3A_592 = arith.constant 112 : index
        %get3A_593 = tpu.vector_load %arg16[%get3A_590, %get3A_591, %get3A_592] {strides = array<i32>} : memref<2x128x128xf32, #tpu.memory_space<vmem>>, vector<16xf32>,
        %mul3A_594 = arith.mulf %get3A_593, %gather3A : vector<16xf32>
        %swap3A_595 = arith.index_cast %select_n3A_222 : i32 to index
        %swap3A_596 = arith.index_cast %add3A_589 : i32 to index
        %swap3A_597 = arith.constant 112 : index
        %swap3A_598 = tpu.vector_load %arg16[%swap3A_595, %swap3A_596, %swap3A_597] {strides = array<i32>} : memref<2x128x128xf32, #tpu.memory_space<vmem>>, vector<16xf32>,
        tpu.vector_store %arg16[%swap3A_595, %swap3A_596, %swap3A_597], %mul3A_594 {strides = array<i32>} : memref<2x128x128xf32, #tpu.memory_space<vmem>>, vector<16xf32>,
        %add3A_599 = arith.constant 32 : i32
        %add3A_600 = arith.addi %add3A_599, %scan3A_420 : i32
        %get3A_601 = arith.index_cast %select_n3A_222 : i32 to index
        %get3A_602 = arith.index_cast %add3A_600 : i32 to index
        %get3A_603 = arith.constant 0 : index
        %get3A_604 = tpu.vector_load %arg16[%get3A_601, %get3A_602, %get3A_603] {strides = array<i32>} : memref<2x128x128xf32, #tpu.memory_space<vmem>>, vector<16xf32>,
        %mul3A_605 = arith.mulf %get3A_604, %gather3A : vector<16xf32>
        %swap3A_606 = arith.index_cast %select_n3A_222 : i32 to index
        %swap3A_607 = arith.index_cast %add3A_600 : i32 to index
        %swap3A_608 = arith.constant 0 : index
        %swap3A_609 = tpu.vector_load %arg16[%swap3A_606, %swap3A_607, %swap3A_608] {strides = array<i32>} : memref<2x128x128xf32, #tpu.memory_space<vmem>>, vector<16xf32>,
        tpu.vector_store %arg16[%swap3A_606, %swap3A_607, %swap3A_608], %mul3A_605 {strides = array<i32>} : memref<2x128x128xf32, #tpu.memory_space<vmem>>, vector<16xf32>,
        %add3A_610 = arith.constant 32 : i32
        %add3A_611 = arith.addi %add3A_610, %scan3A_420 : i32
        %get3A_612 = arith.index_cast %select_n3A_222 : i32 to index
        %get3A_613 = arith.index_cast %add3A_611 : i32 to index
        %get3A_614 = arith.constant 16 : index
        %get3A_615 = tpu.vector_load %arg16[%get3A_612, %get3A_613, %get3A_614] {strides = array<i32>} : memref<2x128x128xf32, #tpu.memory_space<vmem>>, vector<16xf32>,
        %mul3A_616 = arith.mulf %get3A_615, %gather3A : vector<16xf32>
        %swap3A_617 = arith.index_cast %select_n3A_222 : i32 to index
        %swap3A_618 = arith.index_cast %add3A_611 : i32 to index
        %swap3A_619 = arith.constant 16 : index
        %swap3A_620 = tpu.vector_load %arg16[%swap3A_617, %swap3A_618, %swap3A_619] {strides = array<i32>} : memref<2x128x128xf32, #tpu.memory_space<vmem>>, vector<16xf32>,
        tpu.vector_store %arg16[%swap3A_617, %swap3A_618, %swap3A_619], %mul3A_616 {strides = array<i32>} : memref<2x128x128xf32, #tpu.memory_space<vmem>>, vector<16xf32>,
        %add3A_621 = arith.constant 32 : i32
        %add3A_622 = arith.addi %add3A_621, %scan3A_420 : i32
        %get3A_623 = arith.index_cast %select_n3A_222 : i32 to index
        %get3A_624 = arith.index_cast %add3A_622 : i32 to index
        %get3A_625 = arith.constant 32 : index
        %get3A_626 = tpu.vector_load %arg16[%get3A_623, %get3A_624, %get3A_625] {strides = array<i32>} : memref<2x128x128xf32, #tpu.memory_space<vmem>>, vector<16xf32>,
        %mul3A_627 = arith.mulf %get3A_626, %gather3A : vector<16xf32>
        %swap3A_628 = arith.index_cast %select_n3A_222 : i32 to index
        %swap3A_629 = arith.index_cast %add3A_622 : i32 to index
        %swap3A_630 = arith.constant 32 : index
        %swap3A_631 = tpu.vector_load %arg16[%swap3A_628, %swap3A_629, %swap3A_630] {strides = array<i32>} : memref<2x128x128xf32, #tpu.memory_space<vmem>>, vector<16xf32>,
        tpu.vector_store %arg16[%swap3A_628, %swap3A_629, %swap3A_630], %mul3A_627 {strides = array<i32>} : memref<2x128x128xf32, #tpu.memory_space<vmem>>, vector<16xf32>,
        %add3A_632 = arith.constant 32 : i32
        %add3A_633 = arith.addi %add3A_632, %scan3A_420 : i32
        %get3A_634 = arith.index_cast %select_n3A_222 : i32 to index
        %get3A_635 = arith.index_cast %add3A_633 : i32 to index
        %get3A_636 = arith.constant 48 : index
        %get3A_637 = tpu.vector_load %arg16[%get3A_634, %get3A_635, %get3A_636] {strides = array<i32>} : memref<2x128x128xf32, #tpu.memory_space<vmem>>, vector<16xf32>,
        %mul3A_638 = arith.mulf %get3A_637, %gather3A : vector<16xf32>
        %swap3A_639 = arith.index_cast %select_n3A_222 : i32 to index
        %swap3A_640 = arith.index_cast %add3A_633 : i32 to index
        %swap3A_641 = arith.constant 48 : index
        %swap3A_642 = tpu.vector_load %arg16[%swap3A_639, %swap3A_640, %swap3A_641] {strides = array<i32>} : memref<2x128x128xf32, #tpu.memory_space<vmem>>, vector<16xf32>,
        tpu.vector_store %arg16[%swap3A_639, %swap3A_640, %swap3A_641], %mul3A_638 {strides = array<i32>} : memref<2x128x128xf32, #tpu.memory_space<vmem>>, vector<16xf32>,
        %add3A_643 = arith.constant 32 : i32
        %add3A_644 = arith.addi %add3A_643, %scan3A_420 : i32
        %get3A_645 = arith.index_cast %select_n3A_222 : i32 to index
        %get3A_646 = arith.index_cast %add3A_644 : i32 to index
        %get3A_647 = arith.constant 64 : index
        %get3A_648 = tpu.vector_load %arg16[%get3A_645, %get3A_646, %get3A_647] {strides = array<i32>} : memref<2x128x128xf32, #tpu.memory_space<vmem>>, vector<16xf32>,
        %mul3A_649 = arith.mulf %get3A_648, %gather3A : vector<16xf32>
        %swap3A_650 = arith.index_cast %select_n3A_222 : i32 to index
        %swap3A_651 = arith.index_cast %add3A_644 : i32 to index
        %swap3A_652 = arith.constant 64 : index
        %swap3A_653 = tpu.vector_load %arg16[%swap3A_650, %swap3A_651, %swap3A_652] {strides = array<i32>} : memref<2x128x128xf32, #tpu.memory_space<vmem>>, vector<16xf32>,
        tpu.vector_store %arg16[%swap3A_650, %swap3A_651, %swap3A_652], %mul3A_649 {strides = array<i32>} : memref<2x128x128xf32, #tpu.memory_space<vmem>>, vector<16xf32>,
        %add3A_654 = arith.constant 32 : i32
        %add3A_655 = arith.addi %add3A_654, %scan3A_420 : i32
        %get3A_656 = arith.index_cast %select_n3A_222 : i32 to index
        %get3A_657 = arith.index_cast %add3A_655 : i32 to index
        %get3A_658 = arith.constant 80 : index
        %get3A_659 = tpu.vector_load %arg16[%get3A_656, %get3A_657, %get3A_658] {strides = array<i32>} : memref<2x128x128xf32, #tpu.memory_space<vmem>>, vector<16xf32>,
        %mul3A_660 = arith.mulf %get3A_659, %gather3A : vector<16xf32>
        %swap3A_661 = arith.index_cast %select_n3A_222 : i32 to index
        %swap3A_662 = arith.index_cast %add3A_655 : i32 to index
        %swap3A_663 = arith.constant 80 : index
        %swap3A_664 = tpu.vector_load %arg16[%swap3A_661, %swap3A_662, %swap3A_663] {strides = array<i32>} : memref<2x128x128xf32, #tpu.memory_space<vmem>>, vector<16xf32>,
        tpu.vector_store %arg16[%swap3A_661, %swap3A_662, %swap3A_663], %mul3A_660 {strides = array<i32>} : memref<2x128x128xf32, #tpu.memory_space<vmem>>, vector<16xf32>,
        %add3A_665 = arith.constant 32 : i32
        %add3A_666 = arith.addi %add3A_665, %scan3A_420 : i32
        %get3A_667 = arith.index_cast %select_n3A_222 : i32 to index
        %get3A_668 = arith.index_cast %add3A_666 : i32 to index
        %get3A_669 = arith.constant 96 : index
        %get3A_670 = tpu.vector_load %arg16[%get3A_667, %get3A_668, %get3A_669] {strides = array<i32>} : memref<2x128x128xf32, #tpu.memory_space<vmem>>, vector<16xf32>,
        %mul3A_671 = arith.mulf %get3A_670, %gather3A : vector<16xf32>
        %swap3A_672 = arith.index_cast %select_n3A_222 : i32 to index
        %swap3A_673 = arith.index_cast %add3A_666 : i32 to index
        %swap3A_674 = arith.constant 96 : index
        %swap3A_675 = tpu.vector_load %arg16[%swap3A_672, %swap3A_673, %swap3A_674] {strides = array<i32>} : memref<2x128x128xf32, #tpu.memory_space<vmem>>, vector<16xf32>,
        tpu.vector_store %arg16[%swap3A_672, %swap3A_673, %swap3A_674], %mul3A_671 {strides = array<i32>} : memref<2x128x128xf32, #tpu.memory_space<vmem>>, vector<16xf32>,
        %add3A_676 = arith.constant 32 : i32
        %add3A_677 = arith.addi %add3A_676, %scan3A_420 : i32
        %get3A_678 = arith.index_cast %select_n3A_222 : i32 to index
        %get3A_679 = arith.index_cast %add3A_677 : i32 to index
        %get3A_680 = arith.constant 112 : index
        %get3A_681 = tpu.vector_load %arg16[%get3A_678, %get3A_679, %get3A_680] {strides = array<i32>} : memref<2x128x128xf32, #tpu.memory_space<vmem>>, vector<16xf32>,
        %mul3A_682 = arith.mulf %get3A_681, %gather3A : vector<16xf32>
        %swap3A_683 = arith.index_cast %select_n3A_222 : i32 to index
        %swap3A_684 = arith.index_cast %add3A_677 : i32 to index
        %swap3A_685 = arith.constant 112 : index
        %swap3A_686 = tpu.vector_load %arg16[%swap3A_683, %swap3A_684, %swap3A_685] {strides = array<i32>} : memref<2x128x128xf32, #tpu.memory_space<vmem>>, vector<16xf32>,
        tpu.vector_store %arg16[%swap3A_683, %swap3A_684, %swap3A_685], %mul3A_682 {strides = array<i32>} : memref<2x128x128xf32, #tpu.memory_space<vmem>>, vector<16xf32>,
        %add3A_687 = arith.constant 48 : i32
        %add3A_688 = arith.addi %add3A_687, %scan3A_420 : i32
        %get3A_689 = arith.index_cast %select_n3A_222 : i32 to index
        %get3A_690 = arith.index_cast %add3A_688 : i32 to index
        %get3A_691 = arith.constant 0 : index
        %get3A_692 = tpu.vector_load %arg16[%get3A_689, %get3A_690, %get3A_691] {strides = array<i32>} : memref<2x128x128xf32, #tpu.memory_space<vmem>>, vector<16xf32>,
        %mul3A_693 = arith.mulf %get3A_692, %gather3A : vector<16xf32>
        %swap3A_694 = arith.index_cast %select_n3A_222 : i32 to index
        %swap3A_695 = arith.index_cast %add3A_688 : i32 to index
        %swap3A_696 = arith.constant 0 : index
        %swap3A_697 = tpu.vector_load %arg16[%swap3A_694, %swap3A_695, %swap3A_696] {strides = array<i32>} : memref<2x128x128xf32, #tpu.memory_space<vmem>>, vector<16xf32>,
        tpu.vector_store %arg16[%swap3A_694, %swap3A_695, %swap3A_696], %mul3A_693 {strides = array<i32>} : memref<2x128x128xf32, #tpu.memory_space<vmem>>, vector<16xf32>,
        %add3A_698 = arith.constant 48 : i32
        %add3A_699 = arith.addi %add3A_698, %scan3A_420 : i32
        %get3A_700 = arith.index_cast %select_n3A_222 : i32 to index
        %get3A_701 = arith.index_cast %add3A_699 : i32 to index
        %get3A_702 = arith.constant 16 : index
        %get3A_703 = tpu.vector_load %arg16[%get3A_700, %get3A_701, %get3A_702] {strides = array<i32>} : memref<2x128x128xf32, #tpu.memory_space<vmem>>, vector<16xf32>,
        %mul3A_704 = arith.mulf %get3A_703, %gather3A : vector<16xf32>
        %swap3A_705 = arith.index_cast %select_n3A_222 : i32 to index
        %swap3A_706 = arith.index_cast %add3A_699 : i32 to index
        %swap3A_707 = arith.constant 16 : index
        %swap3A_708 = tpu.vector_load %arg16[%swap3A_705, %swap3A_706, %swap3A_707] {strides = array<i32>} : memref<2x128x128xf32, #tpu.memory_space<vmem>>, vector<16xf32>,
        tpu.vector_store %arg16[%swap3A_705, %swap3A_706, %swap3A_707], %mul3A_704 {strides = array<i32>} : memref<2x128x128xf32, #tpu.memory_space<vmem>>, vector<16xf32>,
        %add3A_709 = arith.constant 48 : i32
        %add3A_710 = arith.addi %add3A_709, %scan3A_420 : i32
        %get3A_711 = arith.index_cast %select_n3A_222 : i32 to index
        %get3A_712 = arith.index_cast %add3A_710 : i32 to index
        %get3A_713 = arith.constant 32 : index
        %get3A_714 = tpu.vector_load %arg16[%get3A_711, %get3A_712, %get3A_713] {strides = array<i32>} : memref<2x128x128xf32, #tpu.memory_space<vmem>>, vector<16xf32>,
        %mul3A_715 = arith.mulf %get3A_714, %gather3A : vector<16xf32>
        %swap3A_716 = arith.index_cast %select_n3A_222 : i32 to index
        %swap3A_717 = arith.index_cast %add3A_710 : i32 to index
        %swap3A_718 = arith.constant 32 : index
        %swap3A_719 = tpu.vector_load %arg16[%swap3A_716, %swap3A_717, %swap3A_718] {strides = array<i32>} : memref<2x128x128xf32, #tpu.memory_space<vmem>>, vector<16xf32>,
        tpu.vector_store %arg16[%swap3A_716, %swap3A_717, %swap3A_718], %mul3A_715 {strides = array<i32>} : memref<2x128x128xf32, #tpu.memory_space<vmem>>, vector<16xf32>,
        %add3A_720 = arith.constant 48 : i32
        %add3A_721 = arith.addi %add3A_720, %scan3A_420 : i32
        %get3A_722 = arith.index_cast %select_n3A_222 : i32 to index
        %get3A_723 = arith.index_cast %add3A_721 : i32 to index
        %get3A_724 = arith.constant 48 : index
        %get3A_725 = tpu.vector_load %arg16[%get3A_722, %get3A_723, %get3A_724] {strides = array<i32>} : memref<2x128x128xf32, #tpu.memory_space<vmem>>, vector<16xf32>,
        %mul3A_726 = arith.mulf %get3A_725, %gather3A : vector<16xf32>
        %swap3A_727 = arith.index_cast %select_n3A_222 : i32 to index
        %swap3A_728 = arith.index_cast %add3A_721 : i32 to index
        %swap3A_729 = arith.constant 48 : index
        %swap3A_730 = tpu.vector_load %arg16[%swap3A_727, %swap3A_728, %swap3A_729] {strides = array<i32>} : memref<2x128x128xf32, #tpu.memory_space<vmem>>, vector<16xf32>,
        tpu.vector_store %arg16[%swap3A_727, %swap3A_728, %swap3A_729], %mul3A_726 {strides = array<i32>} : memref<2x128x128xf32, #tpu.memory_space<vmem>>, vector<16xf32>,
        %add3A_731 = arith.constant 48 : i32
        %add3A_732 = arith.addi %add3A_731, %scan3A_420 : i32
        %get3A_733 = arith.index_cast %select_n3A_222 : i32 to index
        %get3A_734 = arith.index_cast %add3A_732 : i32 to index
        %get3A_735 = arith.constant 64 : index
        %get3A_736 = tpu.vector_load %arg16[%get3A_733, %get3A_734, %get3A_735] {strides = array<i32>} : memref<2x128x128xf32, #tpu.memory_space<vmem>>, vector<16xf32>,
        %mul3A_737 = arith.mulf %get3A_736, %gather3A : vector<16xf32>
        %swap3A_738 = arith.index_cast %select_n3A_222 : i32 to index
        %swap3A_739 = arith.index_cast %add3A_732 : i32 to index
        %swap3A_740 = arith.constant 64 : index
        %swap3A_741 = tpu.vector_load %arg16[%swap3A_738, %swap3A_739, %swap3A_740] {strides = array<i32>} : memref<2x128x128xf32, #tpu.memory_space<vmem>>, vector<16xf32>,
        tpu.vector_store %arg16[%swap3A_738, %swap3A_739, %swap3A_740], %mul3A_737 {strides = array<i32>} : memref<2x128x128xf32, #tpu.memory_space<vmem>>, vector<16xf32>,
        %add3A_742 = arith.constant 48 : i32
        %add3A_743 = arith.addi %add3A_742, %scan3A_420 : i32
        %get3A_744 = arith.index_cast %select_n3A_222 : i32 to index
        %get3A_745 = arith.index_cast %add3A_743 : i32 to index
        %get3A_746 = arith.constant 80 : index
        %get3A_747 = tpu.vector_load %arg16[%get3A_744, %get3A_745, %get3A_746] {strides = array<i32>} : memref<2x128x128xf32, #tpu.memory_space<vmem>>, vector<16xf32>,
        %mul3A_748 = arith.mulf %get3A_747, %gather3A : vector<16xf32>
        %swap3A_749 = arith.index_cast %select_n3A_222 : i32 to index
        %swap3A_750 = arith.index_cast %add3A_743 : i32 to index
        %swap3A_751 = arith.constant 80 : index
        %swap3A_752 = tpu.vector_load %arg16[%swap3A_749, %swap3A_750, %swap3A_751] {strides = array<i32>} : memref<2x128x128xf32, #tpu.memory_space<vmem>>, vector<16xf32>,
        tpu.vector_store %arg16[%swap3A_749, %swap3A_750, %swap3A_751], %mul3A_748 {strides = array<i32>} : memref<2x128x128xf32, #tpu.memory_space<vmem>>, vector<16xf32>,
        %add3A_753 = arith.constant 48 : i32
        %add3A_754 = arith.addi %add3A_753, %scan3A_420 : i32
        %get3A_755 = arith.index_cast %select_n3A_222 : i32 to index
        %get3A_756 = arith.index_cast %add3A_754 : i32 to index
        %get3A_757 = arith.constant 96 : index
        %get3A_758 = tpu.vector_load %arg16[%get3A_755, %get3A_756, %get3A_757] {strides = array<i32>} : memref<2x128x128xf32, #tpu.memory_space<vmem>>, vector<16xf32>,
        %mul3A_759 = arith.mulf %get3A_758, %gather3A : vector<16xf32>
        %swap3A_760 = arith.index_cast %select_n3A_222 : i32 to index
        %swap3A_761 = arith.index_cast %add3A_754 : i32 to index
        %swap3A_762 = arith.constant 96 : index
        %swap3A_763 = tpu.vector_load %arg16[%swap3A_760, %swap3A_761, %swap3A_762] {strides = array<i32>} : memref<2x128x128xf32, #tpu.memory_space<vmem>>, vector<16xf32>,
        tpu.vector_store %arg16[%swap3A_760, %swap3A_761, %swap3A_762], %mul3A_759 {strides = array<i32>} : memref<2x128x128xf32, #tpu.memory_space<vmem>>, vector<16xf32>,
        %add3A_764 = arith.constant 48 : i32
        %add3A_765 = arith.addi %add3A_764, %scan3A_420 : i32
        %get3A_766 = arith.index_cast %select_n3A_222 : i32 to index
        %get3A_767 = arith.index_cast %add3A_765 : i32 to index
        %get3A_768 = arith.constant 112 : index
        %get3A_769 = tpu.vector_load %arg16[%get3A_766, %get3A_767, %get3A_768] {strides = array<i32>} : memref<2x128x128xf32, #tpu.memory_space<vmem>>, vector<16xf32>,
        %mul3A_770 = arith.mulf %get3A_769, %gather3A : vector<16xf32>
        %swap3A_771 = arith.index_cast %select_n3A_222 : i32 to index
        %swap3A_772 = arith.index_cast %add3A_765 : i32 to index
        %swap3A_773 = arith.constant 112 : index
        %swap3A_774 = tpu.vector_load %arg16[%swap3A_771, %swap3A_772, %swap3A_773] {strides = array<i32>} : memref<2x128x128xf32, #tpu.memory_space<vmem>>, vector<16xf32>,
        tpu.vector_store %arg16[%swap3A_771, %swap3A_772, %swap3A_773], %mul3A_770 {strides = array<i32>} : memref<2x128x128xf32, #tpu.memory_space<vmem>>, vector<16xf32>,
        %add3A_775 = arith.constant 64 : i32
        %add3A_776 = arith.addi %add3A_775, %scan3A_420 : i32
        %get3A_777 = arith.index_cast %select_n3A_222 : i32 to index
        %get3A_778 = arith.index_cast %add3A_776 : i32 to index
        %get3A_779 = arith.constant 0 : index
        %get3A_780 = tpu.vector_load %arg16[%get3A_777, %get3A_778, %get3A_779] {strides = array<i32>} : memref<2x128x128xf32, #tpu.memory_space<vmem>>, vector<16xf32>,
        %mul3A_781 = arith.mulf %get3A_780, %gather3A : vector<16xf32>
        %swap3A_782 = arith.index_cast %select_n3A_222 : i32 to index
        %swap3A_783 = arith.index_cast %add3A_776 : i32 to index
        %swap3A_784 = arith.constant 0 : index
        %swap3A_785 = tpu.vector_load %arg16[%swap3A_782, %swap3A_783, %swap3A_784] {strides = array<i32>} : memref<2x128x128xf32, #tpu.memory_space<vmem>>, vector<16xf32>,
        tpu.vector_store %arg16[%swap3A_782, %swap3A_783, %swap3A_784], %mul3A_781 {strides = array<i32>} : memref<2x128x128xf32, #tpu.memory_space<vmem>>, vector<16xf32>,
        %add3A_786 = arith.constant 64 : i32
        %add3A_787 = arith.addi %add3A_786, %scan3A_420 : i32
        %get3A_788 = arith.index_cast %select_n3A_222 : i32 to index
        %get3A_789 = arith.index_cast %add3A_787 : i32 to index
        %get3A_790 = arith.constant 16 : index
        %get3A_791 = tpu.vector_load %arg16[%get3A_788, %get3A_789, %get3A_790] {strides = array<i32>} : memref<2x128x128xf32, #tpu.memory_space<vmem>>, vector<16xf32>,
        %mul3A_792 = arith.mulf %get3A_791, %gather3A : vector<16xf32>
        %swap3A_793 = arith.index_cast %select_n3A_222 : i32 to index
        %swap3A_794 = arith.index_cast %add3A_787 : i32 to index
        %swap3A_795 = arith.constant 16 : index
        %swap3A_796 = tpu.vector_load %arg16[%swap3A_793, %swap3A_794, %swap3A_795] {strides = array<i32>} : memref<2x128x128xf32, #tpu.memory_space<vmem>>, vector<16xf32>,
        tpu.vector_store %arg16[%swap3A_793, %swap3A_794, %swap3A_795], %mul3A_792 {strides = array<i32>} : memref<2x128x128xf32, #tpu.memory_space<vmem>>, vector<16xf32>,
        %add3A_797 = arith.constant 64 : i32
        %add3A_798 = arith.addi %add3A_797, %scan3A_420 : i32
        %get3A_799 = arith.index_cast %select_n3A_222 : i32 to index
        %get3A_800 = arith.index_cast %add3A_798 : i32 to index
        %get3A_801 = arith.constant 32 : index
        %get3A_802 = tpu.vector_load %arg16[%get3A_799, %get3A_800, %get3A_801] {strides = array<i32>} : memref<2x128x128xf32, #tpu.memory_space<vmem>>, vector<16xf32>,
        %mul3A_803 = arith.mulf %get3A_802, %gather3A : vector<16xf32>
        %swap3A_804 = arith.index_cast %select_n3A_222 : i32 to index
        %swap3A_805 = arith.index_cast %add3A_798 : i32 to index
        %swap3A_806 = arith.constant 32 : index
        %swap3A_807 = tpu.vector_load %arg16[%swap3A_804, %swap3A_805, %swap3A_806] {strides = array<i32>} : memref<2x128x128xf32, #tpu.memory_space<vmem>>, vector<16xf32>,
        tpu.vector_store %arg16[%swap3A_804, %swap3A_805, %swap3A_806], %mul3A_803 {strides = array<i32>} : memref<2x128x128xf32, #tpu.memory_space<vmem>>, vector<16xf32>,
        %add3A_808 = arith.constant 64 : i32
        %add3A_809 = arith.addi %add3A_808, %scan3A_420 : i32
        %get3A_810 = arith.index_cast %select_n3A_222 : i32 to index
        %get3A_811 = arith.index_cast %add3A_809 : i32 to index
        %get3A_812 = arith.constant 48 : index
        %get3A_813 = tpu.vector_load %arg16[%get3A_810, %get3A_811, %get3A_812] {strides = array<i32>} : memref<2x128x128xf32, #tpu.memory_space<vmem>>, vector<16xf32>,
        %mul3A_814 = arith.mulf %get3A_813, %gather3A : vector<16xf32>
        %swap3A_815 = arith.index_cast %select_n3A_222 : i32 to index
        %swap3A_816 = arith.index_cast %add3A_809 : i32 to index
        %swap3A_817 = arith.constant 48 : index
        %swap3A_818 = tpu.vector_load %arg16[%swap3A_815, %swap3A_816, %swap3A_817] {strides = array<i32>} : memref<2x128x128xf32, #tpu.memory_space<vmem>>, vector<16xf32>,
        tpu.vector_store %arg16[%swap3A_815, %swap3A_816, %swap3A_817], %mul3A_814 {strides = array<i32>} : memref<2x128x128xf32, #tpu.memory_space<vmem>>, vector<16xf32>,
        %add3A_819 = arith.constant 64 : i32
        %add3A_820 = arith.addi %add3A_819, %scan3A_420 : i32
        %get3A_821 = arith.index_cast %select_n3A_222 : i32 to index
        %get3A_822 = arith.index_cast %add3A_820 : i32 to index
        %get3A_823 = arith.constant 64 : index
        %get3A_824 = tpu.vector_load %arg16[%get3A_821, %get3A_822, %get3A_823] {strides = array<i32>} : memref<2x128x128xf32, #tpu.memory_space<vmem>>, vector<16xf32>,
        %mul3A_825 = arith.mulf %get3A_824, %gather3A : vector<16xf32>
        %swap3A_826 = arith.index_cast %select_n3A_222 : i32 to index
        %swap3A_827 = arith.index_cast %add3A_820 : i32 to index
        %swap3A_828 = arith.constant 64 : index
        %swap3A_829 = tpu.vector_load %arg16[%swap3A_826, %swap3A_827, %swap3A_828] {strides = array<i32>} : memref<2x128x128xf32, #tpu.memory_space<vmem>>, vector<16xf32>,
        tpu.vector_store %arg16[%swap3A_826, %swap3A_827, %swap3A_828], %mul3A_825 {strides = array<i32>} : memref<2x128x128xf32, #tpu.memory_space<vmem>>, vector<16xf32>,
        %add3A_830 = arith.constant 64 : i32
        %add3A_831 = arith.addi %add3A_830, %scan3A_420 : i32
        %get3A_832 = arith.index_cast %select_n3A_222 : i32 to index
        %get3A_833 = arith.index_cast %add3A_831 : i32 to index
        %get3A_834 = arith.constant 80 : index
        %get3A_835 = tpu.vector_load %arg16[%get3A_832, %get3A_833, %get3A_834] {strides = array<i32>} : memref<2x128x128xf32, #tpu.memory_space<vmem>>, vector<16xf32>,
        %mul3A_836 = arith.mulf %get3A_835, %gather3A : vector<16xf32>
        %swap3A_837 = arith.index_cast %select_n3A_222 : i32 to index
        %swap3A_838 = arith.index_cast %add3A_831 : i32 to index
        %swap3A_839 = arith.constant 80 : index
        %swap3A_840 = tpu.vector_load %arg16[%swap3A_837, %swap3A_838, %swap3A_839] {strides = array<i32>} : memref<2x128x128xf32, #tpu.memory_space<vmem>>, vector<16xf32>,
        tpu.vector_store %arg16[%swap3A_837, %swap3A_838, %swap3A_839], %mul3A_836 {strides = array<i32>} : memref<2x128x128xf32, #tpu.memory_space<vmem>>, vector<16xf32>,
        %add3A_841 = arith.constant 64 : i32
        %add3A_842 = arith.addi %add3A_841, %scan3A_420 : i32
        %get3A_843 = arith.index_cast %select_n3A_222 : i32 to index
        %get3A_844 = arith.index_cast %add3A_842 : i32 to index
        %get3A_845 = arith.constant 96 : index
        %get3A_846 = tpu.vector_load %arg16[%get3A_843, %get3A_844, %get3A_845] {strides = array<i32>} : memref<2x128x128xf32, #tpu.memory_space<vmem>>, vector<16xf32>,
        %mul3A_847 = arith.mulf %get3A_846, %gather3A : vector<16xf32>
        %swap3A_848 = arith.index_cast %select_n3A_222 : i32 to index
        %swap3A_849 = arith.index_cast %add3A_842 : i32 to index
        %swap3A_850 = arith.constant 96 : index
        %swap3A_851 = tpu.vector_load %arg16[%swap3A_848, %swap3A_849, %swap3A_850] {strides = array<i32>} : memref<2x128x128xf32, #tpu.memory_space<vmem>>, vector<16xf32>,
        tpu.vector_store %arg16[%swap3A_848, %swap3A_849, %swap3A_850], %mul3A_847 {strides = array<i32>} : memref<2x128x128xf32, #tpu.memory_space<vmem>>, vector<16xf32>,
        %add3A_852 = arith.constant 64 : i32
        %add3A_853 = arith.addi %add3A_852, %scan3A_420 : i32
        %get3A_854 = arith.index_cast %select_n3A_222 : i32 to index
        %get3A_855 = arith.index_cast %add3A_853 : i32 to index
        %get3A_856 = arith.constant 112 : index
        %get3A_857 = tpu.vector_load %arg16[%get3A_854, %get3A_855, %get3A_856] {strides = array<i32>} : memref<2x128x128xf32, #tpu.memory_space<vmem>>, vector<16xf32>,
        %mul3A_858 = arith.mulf %get3A_857, %gather3A : vector<16xf32>
        %swap3A_859 = arith.index_cast %select_n3A_222 : i32 to index
        %swap3A_860 = arith.index_cast %add3A_853 : i32 to index
        %swap3A_861 = arith.constant 112 : index
        %swap3A_862 = tpu.vector_load %arg16[%swap3A_859, %swap3A_860, %swap3A_861] {strides = array<i32>} : memref<2x128x128xf32, #tpu.memory_space<vmem>>, vector<16xf32>,
        tpu.vector_store %arg16[%swap3A_859, %swap3A_860, %swap3A_861], %mul3A_858 {strides = array<i32>} : memref<2x128x128xf32, #tpu.memory_space<vmem>>, vector<16xf32>,
        %add3A_863 = arith.constant 80 : i32
        %add3A_864 = arith.addi %add3A_863, %scan3A_420 : i32
        %get3A_865 = arith.index_cast %select_n3A_222 : i32 to index
        %get3A_866 = arith.index_cast %add3A_864 : i32 to index
        %get3A_867 = arith.constant 0 : index
        %get3A_868 = tpu.vector_load %arg16[%get3A_865, %get3A_866, %get3A_867] {strides = array<i32>} : memref<2x128x128xf32, #tpu.memory_space<vmem>>, vector<16xf32>,
        %mul3A_869 = arith.mulf %get3A_868, %gather3A : vector<16xf32>
        %swap3A_870 = arith.index_cast %select_n3A_222 : i32 to index
        %swap3A_871 = arith.index_cast %add3A_864 : i32 to index
        %swap3A_872 = arith.constant 0 : index
        %swap3A_873 = tpu.vector_load %arg16[%swap3A_870, %swap3A_871, %swap3A_872] {strides = array<i32>} : memref<2x128x128xf32, #tpu.memory_space<vmem>>, vector<16xf32>,
        tpu.vector_store %arg16[%swap3A_870, %swap3A_871, %swap3A_872], %mul3A_869 {strides = array<i32>} : memref<2x128x128xf32, #tpu.memory_space<vmem>>, vector<16xf32>,
        %add3A_874 = arith.constant 80 : i32
        %add3A_875 = arith.addi %add3A_874, %scan3A_420 : i32
        %get3A_876 = arith.index_cast %select_n3A_222 : i32 to index
        %get3A_877 = arith.index_cast %add3A_875 : i32 to index
        %get3A_878 = arith.constant 16 : index
        %get3A_879 = tpu.vector_load %arg16[%get3A_876, %get3A_877, %get3A_878] {strides = array<i32>} : memref<2x128x128xf32, #tpu.memory_space<vmem>>, vector<16xf32>,
        %mul3A_880 = arith.mulf %get3A_879, %gather3A : vector<16xf32>
        %swap3A_881 = arith.index_cast %select_n3A_222 : i32 to index
        %swap3A_882 = arith.index_cast %add3A_875 : i32 to index
        %swap3A_883 = arith.constant 16 : index
        %swap3A_884 = tpu.vector_load %arg16[%swap3A_881, %swap3A_882, %swap3A_883] {strides = array<i32>} : memref<2x128x128xf32, #tpu.memory_space<vmem>>, vector<16xf32>,
        tpu.vector_store %arg16[%swap3A_881, %swap3A_882, %swap3A_883], %mul3A_880 {strides = array<i32>} : memref<2x128x128xf32, #tpu.memory_space<vmem>>, vector<16xf32>,
        %add3A_885 = arith.constant 80 : i32
        %add3A_886 = arith.addi %add3A_885, %scan3A_420 : i32
        %get3A_887 = arith.index_cast %select_n3A_222 : i32 to index
        %get3A_888 = arith.index_cast %add3A_886 : i32 to index
        %get3A_889 = arith.constant 32 : index
        %get3A_890 = tpu.vector_load %arg16[%get3A_887, %get3A_888, %get3A_889] {strides = array<i32>} : memref<2x128x128xf32, #tpu.memory_space<vmem>>, vector<16xf32>,
        %mul3A_891 = arith.mulf %get3A_890, %gather3A : vector<16xf32>
        %swap3A_892 = arith.index_cast %select_n3A_222 : i32 to index
        %swap3A_893 = arith.index_cast %add3A_886 : i32 to index
        %swap3A_894 = arith.constant 32 : index
        %swap3A_895 = tpu.vector_load %arg16[%swap3A_892, %swap3A_893, %swap3A_894] {strides = array<i32>} : memref<2x128x128xf32, #tpu.memory_space<vmem>>, vector<16xf32>,
        tpu.vector_store %arg16[%swap3A_892, %swap3A_893, %swap3A_894], %mul3A_891 {strides = array<i32>} : memref<2x128x128xf32, #tpu.memory_space<vmem>>, vector<16xf32>,
        %add3A_896 = arith.constant 80 : i32
        %add3A_897 = arith.addi %add3A_896, %scan3A_420 : i32
        %get3A_898 = arith.index_cast %select_n3A_222 : i32 to index
        %get3A_899 = arith.index_cast %add3A_897 : i32 to index
        %get3A_900 = arith.constant 48 : index
        %get3A_901 = tpu.vector_load %arg16[%get3A_898, %get3A_899, %get3A_900] {strides = array<i32>} : memref<2x128x128xf32, #tpu.memory_space<vmem>>, vector<16xf32>,
        %mul3A_902 = arith.mulf %get3A_901, %gather3A : vector<16xf32>
        %swap3A_903 = arith.index_cast %select_n3A_222 : i32 to index
        %swap3A_904 = arith.index_cast %add3A_897 : i32 to index
        %swap3A_905 = arith.constant 48 : index
        %swap3A_906 = tpu.vector_load %arg16[%swap3A_903, %swap3A_904, %swap3A_905] {strides = array<i32>} : memref<2x128x128xf32, #tpu.memory_space<vmem>>, vector<16xf32>,
        tpu.vector_store %arg16[%swap3A_903, %swap3A_904, %swap3A_905], %mul3A_902 {strides = array<i32>} : memref<2x128x128xf32, #tpu.memory_space<vmem>>, vector<16xf32>,
        %add3A_907 = arith.constant 80 : i32
        %add3A_908 = arith.addi %add3A_907, %scan3A_420 : i32
        %get3A_909 = arith.index_cast %select_n3A_222 : i32 to index
        %get3A_910 = arith.index_cast %add3A_908 : i32 to index
        %get3A_911 = arith.constant 64 : index
        %get3A_912 = tpu.vector_load %arg16[%get3A_909, %get3A_910, %get3A_911] {strides = array<i32>} : memref<2x128x128xf32, #tpu.memory_space<vmem>>, vector<16xf32>,
        %mul3A_913 = arith.mulf %get3A_912, %gather3A : vector<16xf32>
        %swap3A_914 = arith.index_cast %select_n3A_222 : i32 to index
        %swap3A_915 = arith.index_cast %add3A_908 : i32 to index
        %swap3A_916 = arith.constant 64 : index
        %swap3A_917 = tpu.vector_load %arg16[%swap3A_914, %swap3A_915, %swap3A_916] {strides = array<i32>} : memref<2x128x128xf32, #tpu.memory_space<vmem>>, vector<16xf32>,
        tpu.vector_store %arg16[%swap3A_914, %swap3A_915, %swap3A_916], %mul3A_913 {strides = array<i32>} : memref<2x128x128xf32, #tpu.memory_space<vmem>>, vector<16xf32>,
        %add3A_918 = arith.constant 80 : i32
        %add3A_919 = arith.addi %add3A_918, %scan3A_420 : i32
        %get3A_920 = arith.index_cast %select_n3A_222 : i32 to index
        %get3A_921 = arith.index_cast %add3A_919 : i32 to index
        %get3A_922 = arith.constant 80 : index
        %get3A_923 = tpu.vector_load %arg16[%get3A_920, %get3A_921, %get3A_922] {strides = array<i32>} : memref<2x128x128xf32, #tpu.memory_space<vmem>>, vector<16xf32>,
        %mul3A_924 = arith.mulf %get3A_923, %gather3A : vector<16xf32>
        %swap3A_925 = arith.index_cast %select_n3A_222 : i32 to index
        %swap3A_926 = arith.index_cast %add3A_919 : i32 to index
        %swap3A_927 = arith.constant 80 : index
        %swap3A_928 = tpu.vector_load %arg16[%swap3A_925, %swap3A_926, %swap3A_927] {strides = array<i32>} : memref<2x128x128xf32, #tpu.memory_space<vmem>>, vector<16xf32>,
        tpu.vector_store %arg16[%swap3A_925, %swap3A_926, %swap3A_927], %mul3A_924 {strides = array<i32>} : memref<2x128x128xf32, #tpu.memory_space<vmem>>, vector<16xf32>,
        %add3A_929 = arith.constant 80 : i32
        %add3A_930 = arith.addi %add3A_929, %scan3A_420 : i32
        %get3A_931 = arith.index_cast %select_n3A_222 : i32 to index
        %get3A_932 = arith.index_cast %add3A_930 : i32 to index
        %get3A_933 = arith.constant 96 : index
        %get3A_934 = tpu.vector_load %arg16[%get3A_931, %get3A_932, %get3A_933] {strides = array<i32>} : memref<2x128x128xf32, #tpu.memory_space<vmem>>, vector<16xf32>,
        %mul3A_935 = arith.mulf %get3A_934, %gather3A : vector<16xf32>
        %swap3A_936 = arith.index_cast %select_n3A_222 : i32 to index
        %swap3A_937 = arith.index_cast %add3A_930 : i32 to index
        %swap3A_938 = arith.constant 96 : index
        %swap3A_939 = tpu.vector_load %arg16[%swap3A_936, %swap3A_937, %swap3A_938] {strides = array<i32>} : memref<2x128x128xf32, #tpu.memory_space<vmem>>, vector<16xf32>,
        tpu.vector_store %arg16[%swap3A_936, %swap3A_937, %swap3A_938], %mul3A_935 {strides = array<i32>} : memref<2x128x128xf32, #tpu.memory_space<vmem>>, vector<16xf32>,
        %add3A_940 = arith.constant 80 : i32
        %add3A_941 = arith.addi %add3A_940, %scan3A_420 : i32
        %get3A_942 = arith.index_cast %select_n3A_222 : i32 to index
        %get3A_943 = arith.index_cast %add3A_941 : i32 to index
        %get3A_944 = arith.constant 112 : index
        %get3A_945 = tpu.vector_load %arg16[%get3A_942, %get3A_943, %get3A_944] {strides = array<i32>} : memref<2x128x128xf32, #tpu.memory_space<vmem>>, vector<16xf32>,
        %mul3A_946 = arith.mulf %get3A_945, %gather3A : vector<16xf32>
        %swap3A_947 = arith.index_cast %select_n3A_222 : i32 to index
        %swap3A_948 = arith.index_cast %add3A_941 : i32 to index
        %swap3A_949 = arith.constant 112 : index
        %swap3A_950 = tpu.vector_load %arg16[%swap3A_947, %swap3A_948, %swap3A_949] {strides = array<i32>} : memref<2x128x128xf32, #tpu.memory_space<vmem>>, vector<16xf32>,
        tpu.vector_store %arg16[%swap3A_947, %swap3A_948, %swap3A_949], %mul3A_946 {strides = array<i32>} : memref<2x128x128xf32, #tpu.memory_space<vmem>>, vector<16xf32>,
        %add3A_951 = arith.constant 96 : i32
        %add3A_952 = arith.addi %add3A_951, %scan3A_420 : i32
        %get3A_953 = arith.index_cast %select_n3A_222 : i32 to index
        %get3A_954 = arith.index_cast %add3A_952 : i32 to index
        %get3A_955 = arith.constant 0 : index
        %get3A_956 = tpu.vector_load %arg16[%get3A_953, %get3A_954, %get3A_955] {strides = array<i32>} : memref<2x128x128xf32, #tpu.memory_space<vmem>>, vector<16xf32>,
        %mul3A_957 = arith.mulf %get3A_956, %gather3A : vector<16xf32>
        %swap3A_958 = arith.index_cast %select_n3A_222 : i32 to index
        %swap3A_959 = arith.index_cast %add3A_952 : i32 to index
        %swap3A_960 = arith.constant 0 : index
        %swap3A_961 = tpu.vector_load %arg16[%swap3A_958, %swap3A_959, %swap3A_960] {strides = array<i32>} : memref<2x128x128xf32, #tpu.memory_space<vmem>>, vector<16xf32>,
        tpu.vector_store %arg16[%swap3A_958, %swap3A_959, %swap3A_960], %mul3A_957 {strides = array<i32>} : memref<2x128x128xf32, #tpu.memory_space<vmem>>, vector<16xf32>,
        %add3A_962 = arith.constant 96 : i32
        %add3A_963 = arith.addi %add3A_962, %scan3A_420 : i32
        %get3A_964 = arith.index_cast %select_n3A_222 : i32 to index
        %get3A_965 = arith.index_cast %add3A_963 : i32 to index
        %get3A_966 = arith.constant 16 : index
        %get3A_967 = tpu.vector_load %arg16[%get3A_964, %get3A_965, %get3A_966] {strides = array<i32>} : memref<2x128x128xf32, #tpu.memory_space<vmem>>, vector<16xf32>,
        %mul3A_968 = arith.mulf %get3A_967, %gather3A : vector<16xf32>
        %swap3A_969 = arith.index_cast %select_n3A_222 : i32 to index
        %swap3A_970 = arith.index_cast %add3A_963 : i32 to index
        %swap3A_971 = arith.constant 16 : index
        %swap3A_972 = tpu.vector_load %arg16[%swap3A_969, %swap3A_970, %swap3A_971] {strides = array<i32>} : memref<2x128x128xf32, #tpu.memory_space<vmem>>, vector<16xf32>,
        tpu.vector_store %arg16[%swap3A_969, %swap3A_970, %swap3A_971], %mul3A_968 {strides = array<i32>} : memref<2x128x128xf32, #tpu.memory_space<vmem>>, vector<16xf32>,
        %add3A_973 = arith.constant 96 : i32
        %add3A_974 = arith.addi %add3A_973, %scan3A_420 : i32
        %get3A_975 = arith.index_cast %select_n3A_222 : i32 to index
        %get3A_976 = arith.index_cast %add3A_974 : i32 to index
        %get3A_977 = arith.constant 32 : index
        %get3A_978 = tpu.vector_load %arg16[%get3A_975, %get3A_976, %get3A_977] {strides = array<i32>} : memref<2x128x128xf32, #tpu.memory_space<vmem>>, vector<16xf32>,
        %mul3A_979 = arith.mulf %get3A_978, %gather3A : vector<16xf32>
        %swap3A_980 = arith.index_cast %select_n3A_222 : i32 to index
        %swap3A_981 = arith.index_cast %add3A_974 : i32 to index
        %swap3A_982 = arith.constant 32 : index
        %swap3A_983 = tpu.vector_load %arg16[%swap3A_980, %swap3A_981, %swap3A_982] {strides = array<i32>} : memref<2x128x128xf32, #tpu.memory_space<vmem>>, vector<16xf32>,
        tpu.vector_store %arg16[%swap3A_980, %swap3A_981, %swap3A_982], %mul3A_979 {strides = array<i32>} : memref<2x128x128xf32, #tpu.memory_space<vmem>>, vector<16xf32>,
        %add3A_984 = arith.constant 96 : i32
        %add3A_985 = arith.addi %add3A_984, %scan3A_420 : i32
        %get3A_986 = arith.index_cast %select_n3A_222 : i32 to index
        %get3A_987 = arith.index_cast %add3A_985 : i32 to index
        %get3A_988 = arith.constant 48 : index
        %get3A_989 = tpu.vector_load %arg16[%get3A_986, %get3A_987, %get3A_988] {strides = array<i32>} : memref<2x128x128xf32, #tpu.memory_space<vmem>>, vector<16xf32>,
        %mul3A_990 = arith.mulf %get3A_989, %gather3A : vector<16xf32>
        %swap3A_991 = arith.index_cast %select_n3A_222 : i32 to index
        %swap3A_992 = arith.index_cast %add3A_985 : i32 to index
        %swap3A_993 = arith.constant 48 : index
        %swap3A_994 = tpu.vector_load %arg16[%swap3A_991, %swap3A_992, %swap3A_993] {strides = array<i32>} : memref<2x128x128xf32, #tpu.memory_space<vmem>>, vector<16xf32>,
        tpu.vector_store %arg16[%swap3A_991, %swap3A_992, %swap3A_993], %mul3A_990 {strides = array<i32>} : memref<2x128x128xf32, #tpu.memory_space<vmem>>, vector<16xf32>,
        %add3A_995 = arith.constant 96 : i32
        %add3A_996 = arith.addi %add3A_995, %scan3A_420 : i32
        %get3A_997 = arith.index_cast %select_n3A_222 : i32 to index
        %get3A_998 = arith.index_cast %add3A_996 : i32 to index
        %get3A_999 = arith.constant 64 : index
        %get3A_1000 = tpu.vector_load %arg16[%get3A_997, %get3A_998, %get3A_999] {strides = array<i32>} : memref<2x128x128xf32, #tpu.memory_space<vmem>>, vector<16xf32>,
        %mul3A_1001 = arith.mulf %get3A_1000, %gather3A : vector<16xf32>
        %swap3A_1002 = arith.index_cast %select_n3A_222 : i32 to index
        %swap3A_1003 = arith.index_cast %add3A_996 : i32 to index
        %swap3A_1004 = arith.constant 64 : index
        %swap3A_1005 = tpu.vector_load %arg16[%swap3A_1002, %swap3A_1003, %swap3A_1004] {strides = array<i32>} : memref<2x128x128xf32, #tpu.memory_space<vmem>>, vector<16xf32>,
        tpu.vector_store %arg16[%swap3A_1002, %swap3A_1003, %swap3A_1004], %mul3A_1001 {strides = array<i32>} : memref<2x128x128xf32, #tpu.memory_space<vmem>>, vector<16xf32>,
        %add3A_1006 = arith.constant 96 : i32
        %add3A_1007 = arith.addi %add3A_1006, %scan3A_420 : i32
        %get3A_1008 = arith.index_cast %select_n3A_222 : i32 to index
        %get3A_1009 = arith.index_cast %add3A_1007 : i32 to index
        %get3A_1010 = arith.constant 80 : index
        %get3A_1011 = tpu.vector_load %arg16[%get3A_1008, %get3A_1009, %get3A_1010] {strides = array<i32>} : memref<2x128x128xf32, #tpu.memory_space<vmem>>, vector<16xf32>,
        %mul3A_1012 = arith.mulf %get3A_1011, %gather3A : vector<16xf32>
        %swap3A_1013 = arith.index_cast %select_n3A_222 : i32 to index
        %swap3A_1014 = arith.index_cast %add3A_1007 : i32 to index
        %swap3A_1015 = arith.constant 80 : index
        %swap3A_1016 = tpu.vector_load %arg16[%swap3A_1013, %swap3A_1014, %swap3A_1015] {strides = array<i32>} : memref<2x128x128xf32, #tpu.memory_space<vmem>>, vector<16xf32>,
        tpu.vector_store %arg16[%swap3A_1013, %swap3A_1014, %swap3A_1015], %mul3A_1012 {strides = array<i32>} : memref<2x128x128xf32, #tpu.memory_space<vmem>>, vector<16xf32>,
        %add3A_1017 = arith.constant 96 : i32
        %add3A_1018 = arith.addi %add3A_1017, %scan3A_420 : i32
        %get3A_1019 = arith.index_cast %select_n3A_222 : i32 to index
        %get3A_1020 = arith.index_cast %add3A_1018 : i32 to index
        %get3A_1021 = arith.constant 96 : index
        %get3A_1022 = tpu.vector_load %arg16[%get3A_1019, %get3A_1020, %get3A_1021] {strides = array<i32>} : memref<2x128x128xf32, #tpu.memory_space<vmem>>, vector<16xf32>,
        %mul3A_1023 = arith.mulf %get3A_1022, %gather3A : vector<16xf32>
        %swap3A_1024 = arith.index_cast %select_n3A_222 : i32 to index
        %swap3A_1025 = arith.index_cast %add3A_1018 : i32 to index
        %swap3A_1026 = arith.constant 96 : index
        %swap3A_1027 = tpu.vector_load %arg16[%swap3A_1024, %swap3A_1025, %swap3A_1026] {strides = array<i32>} : memref<2x128x128xf32, #tpu.memory_space<vmem>>, vector<16xf32>,
        tpu.vector_store %arg16[%swap3A_1024, %swap3A_1025, %swap3A_1026], %mul3A_1023 {strides = array<i32>} : memref<2x128x128xf32, #tpu.memory_space<vmem>>, vector<16xf32>,
        %add3A_1028 = arith.constant 96 : i32
        %add3A_1029 = arith.addi %add3A_1028, %scan3A_420 : i32
        %get3A_1030 = arith.index_cast %select_n3A_222 : i32 to index
        %get3A_1031 = arith.index_cast %add3A_1029 : i32 to index
        %get3A_1032 = arith.constant 112 : index
        %get3A_1033 = tpu.vector_load %arg16[%get3A_1030, %get3A_1031, %get3A_1032] {strides = array<i32>} : memref<2x128x128xf32, #tpu.memory_space<vmem>>, vector<16xf32>,
        %mul3A_1034 = arith.mulf %get3A_1033, %gather3A : vector<16xf32>
        %swap3A_1035 = arith.index_cast %select_n3A_222 : i32 to index
        %swap3A_1036 = arith.index_cast %add3A_1029 : i32 to index
        %swap3A_1037 = arith.constant 112 : index
        %swap3A_1038 = tpu.vector_load %arg16[%swap3A_1035, %swap3A_1036, %swap3A_1037] {strides = array<i32>} : memref<2x128x128xf32, #tpu.memory_space<vmem>>, vector<16xf32>,
        tpu.vector_store %arg16[%swap3A_1035, %swap3A_1036, %swap3A_1037], %mul3A_1034 {strides = array<i32>} : memref<2x128x128xf32, #tpu.memory_space<vmem>>, vector<16xf32>,
        %add3A_1039 = arith.constant 112 : i32
        %add3A_1040 = arith.addi %add3A_1039, %scan3A_420 : i32
        %get3A_1041 = arith.index_cast %select_n3A_222 : i32 to index
        %get3A_1042 = arith.index_cast %add3A_1040 : i32 to index
        %get3A_1043 = arith.constant 0 : index
        %get3A_1044 = tpu.vector_load %arg16[%get3A_1041, %get3A_1042, %get3A_1043] {strides = array<i32>} : memref<2x128x128xf32, #tpu.memory_space<vmem>>, vector<16xf32>,
        %mul3A_1045 = arith.mulf %get3A_1044, %gather3A : vector<16xf32>
        %swap3A_1046 = arith.index_cast %select_n3A_222 : i32 to index
        %swap3A_1047 = arith.index_cast %add3A_1040 : i32 to index
        %swap3A_1048 = arith.constant 0 : index
        %swap3A_1049 = tpu.vector_load %arg16[%swap3A_1046, %swap3A_1047, %swap3A_1048] {strides = array<i32>} : memref<2x128x128xf32, #tpu.memory_space<vmem>>, vector<16xf32>,
        tpu.vector_store %arg16[%swap3A_1046, %swap3A_1047, %swap3A_1048], %mul3A_1045 {strides = array<i32>} : memref<2x128x128xf32, #tpu.memory_space<vmem>>, vector<16xf32>,
        %add3A_1050 = arith.constant 112 : i32
        %add3A_1051 = arith.addi %add3A_1050, %scan3A_420 : i32
        %get3A_1052 = arith.index_cast %select_n3A_222 : i32 to index
        %get3A_1053 = arith.index_cast %add3A_1051 : i32 to index
        %get3A_1054 = arith.constant 16 : index
        %get3A_1055 = tpu.vector_load %arg16[%get3A_1052, %get3A_1053, %get3A_1054] {strides = array<i32>} : memref<2x128x128xf32, #tpu.memory_space<vmem>>, vector<16xf32>,
        %mul3A_1056 = arith.mulf %get3A_1055, %gather3A : vector<16xf32>
        %swap3A_1057 = arith.index_cast %select_n3A_222 : i32 to index
        %swap3A_1058 = arith.index_cast %add3A_1051 : i32 to index
        %swap3A_1059 = arith.constant 16 : index
        %swap3A_1060 = tpu.vector_load %arg16[%swap3A_1057, %swap3A_1058, %swap3A_1059] {strides = array<i32>} : memref<2x128x128xf32, #tpu.memory_space<vmem>>, vector<16xf32>,
        tpu.vector_store %arg16[%swap3A_1057, %swap3A_1058, %swap3A_1059], %mul3A_1056 {strides = array<i32>} : memref<2x128x128xf32, #tpu.memory_space<vmem>>, vector<16xf32>,
        %add3A_1061 = arith.constant 112 : i32
        %add3A_1062 = arith.addi %add3A_1061, %scan3A_420 : i32
        %get3A_1063 = arith.index_cast %select_n3A_222 : i32 to index
        %get3A_1064 = arith.index_cast %add3A_1062 : i32 to index
        %get3A_1065 = arith.constant 32 : index
        %get3A_1066 = tpu.vector_load %arg16[%get3A_1063, %get3A_1064, %get3A_1065] {strides = array<i32>} : memref<2x128x128xf32, #tpu.memory_space<vmem>>, vector<16xf32>,
        %mul3A_1067 = arith.mulf %get3A_1066, %gather3A : vector<16xf32>
        %swap3A_1068 = arith.index_cast %select_n3A_222 : i32 to index
        %swap3A_1069 = arith.index_cast %add3A_1062 : i32 to index
        %swap3A_1070 = arith.constant 32 : index
        %swap3A_1071 = tpu.vector_load %arg16[%swap3A_1068, %swap3A_1069, %swap3A_1070] {strides = array<i32>} : memref<2x128x128xf32, #tpu.memory_space<vmem>>, vector<16xf32>,
        tpu.vector_store %arg16[%swap3A_1068, %swap3A_1069, %swap3A_1070], %mul3A_1067 {strides = array<i32>} : memref<2x128x128xf32, #tpu.memory_space<vmem>>, vector<16xf32>,
        %add3A_1072 = arith.constant 112 : i32
        %add3A_1073 = arith.addi %add3A_1072, %scan3A_420 : i32
        %get3A_1074 = arith.index_cast %select_n3A_222 : i32 to index
        %get3A_1075 = arith.index_cast %add3A_1073 : i32 to index
        %get3A_1076 = arith.constant 48 : index
        %get3A_1077 = tpu.vector_load %arg16[%get3A_1074, %get3A_1075, %get3A_1076] {strides = array<i32>} : memref<2x128x128xf32, #tpu.memory_space<vmem>>, vector<16xf32>,
        %mul3A_1078 = arith.mulf %get3A_1077, %gather3A : vector<16xf32>
        %swap3A_1079 = arith.index_cast %select_n3A_222 : i32 to index
        %swap3A_1080 = arith.index_cast %add3A_1073 : i32 to index
        %swap3A_1081 = arith.constant 48 : index
        %swap3A_1082 = tpu.vector_load %arg16[%swap3A_1079, %swap3A_1080, %swap3A_1081] {strides = array<i32>} : memref<2x128x128xf32, #tpu.memory_space<vmem>>, vector<16xf32>,
        tpu.vector_store %arg16[%swap3A_1079, %swap3A_1080, %swap3A_1081], %mul3A_1078 {strides = array<i32>} : memref<2x128x128xf32, #tpu.memory_space<vmem>>, vector<16xf32>,
        %add3A_1083 = arith.constant 112 : i32
        %add3A_1084 = arith.addi %add3A_1083, %scan3A_420 : i32
        %get3A_1085 = arith.index_cast %select_n3A_222 : i32 to index
        %get3A_1086 = arith.index_cast %add3A_1084 : i32 to index
        %get3A_1087 = arith.constant 64 : index
        %get3A_1088 = tpu.vector_load %arg16[%get3A_1085, %get3A_1086, %get3A_1087] {strides = array<i32>} : memref<2x128x128xf32, #tpu.memory_space<vmem>>, vector<16xf32>,
        %mul3A_1089 = arith.mulf %get3A_1088, %gather3A : vector<16xf32>
        %swap3A_1090 = arith.index_cast %select_n3A_222 : i32 to index
        %swap3A_1091 = arith.index_cast %add3A_1084 : i32 to index
        %swap3A_1092 = arith.constant 64 : index
        %swap3A_1093 = tpu.vector_load %arg16[%swap3A_1090, %swap3A_1091, %swap3A_1092] {strides = array<i32>} : memref<2x128x128xf32, #tpu.memory_space<vmem>>, vector<16xf32>,
        tpu.vector_store %arg16[%swap3A_1090, %swap3A_1091, %swap3A_1092], %mul3A_1089 {strides = array<i32>} : memref<2x128x128xf32, #tpu.memory_space<vmem>>, vector<16xf32>,
        %add3A_1094 = arith.constant 112 : i32
        %add3A_1095 = arith.addi %add3A_1094, %scan3A_420 : i32
        %get3A_1096 = arith.index_cast %select_n3A_222 : i32 to index
        %get3A_1097 = arith.index_cast %add3A_1095 : i32 to index
        %get3A_1098 = arith.constant 80 : index
        %get3A_1099 = tpu.vector_load %arg16[%get3A_1096, %get3A_1097, %get3A_1098] {strides = array<i32>} : memref<2x128x128xf32, #tpu.memory_space<vmem>>, vector<16xf32>,
        %mul3A_1100 = arith.mulf %get3A_1099, %gather3A : vector<16xf32>
        %swap3A_1101 = arith.index_cast %select_n3A_222 : i32 to index
        %swap3A_1102 = arith.index_cast %add3A_1095 : i32 to index
        %swap3A_1103 = arith.constant 80 : index
        %swap3A_1104 = tpu.vector_load %arg16[%swap3A_1101, %swap3A_1102, %swap3A_1103] {strides = array<i32>} : memref<2x128x128xf32, #tpu.memory_space<vmem>>, vector<16xf32>,
        tpu.vector_store %arg16[%swap3A_1101, %swap3A_1102, %swap3A_1103], %mul3A_1100 {strides = array<i32>} : memref<2x128x128xf32, #tpu.memory_space<vmem>>, vector<16xf32>,
        %add3A_1105 = arith.constant 112 : i32
        %add3A_1106 = arith.addi %add3A_1105, %scan3A_420 : i32
        %get3A_1107 = arith.index_cast %select_n3A_222 : i32 to index
        %get3A_1108 = arith.index_cast %add3A_1106 : i32 to index
        %get3A_1109 = arith.constant 96 : index
        %get3A_1110 = tpu.vector_load %arg16[%get3A_1107, %get3A_1108, %get3A_1109] {strides = array<i32>} : memref<2x128x128xf32, #tpu.memory_space<vmem>>, vector<16xf32>,
        %mul3A_1111 = arith.mulf %get3A_1110, %gather3A : vector<16xf32>
        %swap3A_1112 = arith.index_cast %select_n3A_222 : i32 to index
        %swap3A_1113 = arith.index_cast %add3A_1106 : i32 to index
        %swap3A_1114 = arith.constant 96 : index
        %swap3A_1115 = tpu.vector_load %arg16[%swap3A_1112, %swap3A_1113, %swap3A_1114] {strides = array<i32>} : memref<2x128x128xf32, #tpu.memory_space<vmem>>, vector<16xf32>,
        tpu.vector_store %arg16[%swap3A_1112, %swap3A_1113, %swap3A_1114], %mul3A_1111 {strides = array<i32>} : memref<2x128x128xf32, #tpu.memory_space<vmem>>, vector<16xf32>,
        %add3A_1116 = arith.constant 112 : i32
        %add3A_1117 = arith.addi %add3A_1116, %scan3A_420 : i32
        %get3A_1118 = arith.index_cast %select_n3A_222 : i32 to index
        %get3A_1119 = arith.index_cast %add3A_1117 : i32 to index
        %get3A_1120 = arith.constant 112 : index
        %get3A_1121 = tpu.vector_load %arg16[%get3A_1118, %get3A_1119, %get3A_1120] {strides = array<i32>} : memref<2x128x128xf32, #tpu.memory_space<vmem>>, vector<16xf32>,
        %mul3A_1122 = arith.mulf %get3A_1121, %gather3A : vector<16xf32>
        %swap3A_1123 = arith.index_cast %select_n3A_222 : i32 to index
        %swap3A_1124 = arith.index_cast %add3A_1117 : i32 to index
        %swap3A_1125 = arith.constant 112 : index
        %swap3A_1126 = tpu.vector_load %arg16[%swap3A_1123, %swap3A_1124, %swap3A_1125] {strides = array<i32>} : memref<2x128x128xf32, #tpu.memory_space<vmem>>, vector<16xf32>,
        tpu.vector_store %arg16[%swap3A_1123, %swap3A_1124, %swap3A_1125], %mul3A_1122 {strides = array<i32>} : memref<2x128x128xf32, #tpu.memory_space<vmem>>, vector<16xf32>,
        %scan3A_1127 = arith.constant 0 : i32
        scf.yield %scan3A_1127 : i32
      }
      %scan3A_258 = arith.constant 16 : i32
      %mul3A_259 = arith.constant 16 : i32
      %mul3A_260 = arith.muli %while3A_205, %mul3A_259 : i32
      %add3A_261 = arith.addi %mul3A_85, %mul3A_260 : i32
      %dma_start3A_262 = arith.constant 0 : i32
      %dma_start3A_263 = arith.constant 0 : i32
      %dma_start3A_264 = arith.constant 0 : i32
      %dma_start3A_265 = tpu.memref_slice %arg16[%select_n3A_222, %dma_start3A_263, %dma_start3A_264] : memref<2x128x128xf32, #tpu.memory_space<vmem>> -> memref<1x16x128xf32, #tpu.memory_space<vmem>>
      %dma_start3A_266 = tpu.memref_squeeze %dma_start3A_265 : memref<1x16x128xf32, #tpu.memory_space<vmem>> -> memref<16x128xf32, #tpu.memory_space<vmem>>
      %dma_start3A_267 = arith.constant 0 : i32
      %dma_start3A_268 = tpu.memref_slice %arg6[%add3A_261, %dma_start3A_262, %add3A_30, %dma_start3A_267] : memref<1433x8x4x128xf32, #tpu.memory_space<hbm>> -> memref<16x1x1x128xf32, #tpu.memory_space<hbm>>
      %dma_start3A_269 = tpu.memref_squeeze %dma_start3A_268 : memref<16x1x1x128xf32, #tpu.memory_space<hbm>> -> memref<16x128xf32, #tpu.memory_space<hbm>>
      %dma_start3A_270 = tpu.memref_slice %arg20[%select_n3A_222] : memref<2x!tpu.dma_semaphore, #tpu.memory_space<semaphore_mem>> -> memref<1x!tpu.dma_semaphore, #tpu.memory_space<semaphore_mem>>
      %dma_start3A_271 = tpu.memref_squeeze %dma_start3A_270 : memref<1x!tpu.dma_semaphore, #tpu.memory_space<semaphore_mem>> -> memref<!tpu.dma_semaphore, #tpu.memory_space<semaphore_mem>>
      %dma_start3A_272 = arith.constant 0 : i32
      %dma_start3A_273 = tpu.memref_slice %arg6[%add3A_261, %dma_start3A_262, %add3A_30, %dma_start3A_272] : memref<1433x8x4x128xf32, #tpu.memory_space<hbm>> -> memref<16x1x1x128xf32, #tpu.memory_space<hbm>>
      %dma_start3A_274 = tpu.memref_squeeze %dma_start3A_273 : memref<16x1x1x128xf32, #tpu.memory_space<hbm>> -> memref<16x128xf32, #tpu.memory_space<hbm>>
      %dma_start3A_275 = arith.constant 0 : i32
      %dma_start3A_276 = arith.constant 0 : i32
      %dma_start3A_277 = tpu.memref_slice %arg16[%select_n3A_222, %dma_start3A_275, %dma_start3A_276] : memref<2x128x128xf32, #tpu.memory_space<vmem>> -> memref<1x16x128xf32, #tpu.memory_space<vmem>>
      %dma_start3A_278 = tpu.memref_squeeze %dma_start3A_277 : memref<1x16x128xf32, #tpu.memory_space<vmem>> -> memref<16x128xf32, #tpu.memory_space<vmem>>
      tpu.enqueue_dma source(%dma_start3A_278 : memref<16x128xf32, #tpu.memory_space<vmem>>) target(%dma_start3A_274 : memref<16x128xf32, #tpu.memory_space<hbm>>) target_semaphore(%dma_start3A_271 : memref<!tpu.dma_semaphore, #tpu.memory_space<semaphore_mem>>)
      %mul3A_279 = arith.constant 16 : i32
      %mul3A_280 = arith.muli %while3A_205, %mul3A_279 : i32
      %add3A_281 = arith.addi %mul3A_85, %mul3A_280 : i32
      %dma_start3A_282 = arith.constant 1 : i32
      %dma_start3A_283 = arith.constant 16 : i32
      %dma_start3A_284 = arith.constant 0 : i32
      %dma_start3A_285 = tpu.memref_slice %arg16[%select_n3A_222, %dma_start3A_283, %dma_start3A_284] : memref<2x128x128xf32, #tpu.memory_space<vmem>> -> memref<1x16x128xf32, #tpu.memory_space<vmem>>
      %dma_start3A_286 = tpu.memref_squeeze %dma_start3A_285 : memref<1x16x128xf32, #tpu.memory_space<vmem>> -> memref<16x128xf32, #tpu.memory_space<vmem>>
      %dma_start3A_287 = arith.constant 0 : i32
      %dma_start3A_288 = tpu.memref_slice %arg6[%add3A_281, %dma_start3A_282, %add3A_30, %dma_start3A_287] : memref<1433x8x4x128xf32, #tpu.memory_space<hbm>> -> memref<16x1x1x128xf32, #tpu.memory_space<hbm>>
      %dma_start3A_289 = tpu.memref_squeeze %dma_start3A_288 : memref<16x1x1x128xf32, #tpu.memory_space<hbm>> -> memref<16x128xf32, #tpu.memory_space<hbm>>
      %dma_start3A_290 = tpu.memref_slice %arg20[%select_n3A_222] : memref<2x!tpu.dma_semaphore, #tpu.memory_space<semaphore_mem>> -> memref<1x!tpu.dma_semaphore, #tpu.memory_space<semaphore_mem>>
      %dma_start3A_291 = tpu.memref_squeeze %dma_start3A_290 : memref<1x!tpu.dma_semaphore, #tpu.memory_space<semaphore_mem>> -> memref<!tpu.dma_semaphore, #tpu.memory_space<semaphore_mem>>
      %dma_start3A_292 = arith.constant 0 : i32
      %dma_start3A_293 = tpu.memref_slice %arg6[%add3A_281, %dma_start3A_282, %add3A_30, %dma_start3A_292] : memref<1433x8x4x128xf32, #tpu.memory_space<hbm>> -> memref<16x1x1x128xf32, #tpu.memory_space<hbm>>
      %dma_start3A_294 = tpu.memref_squeeze %dma_start3A_293 : memref<16x1x1x128xf32, #tpu.memory_space<hbm>> -> memref<16x128xf32, #tpu.memory_space<hbm>>
      %dma_start3A_295 = arith.constant 16 : i32
      %dma_start3A_296 = arith.constant 0 : i32
      %dma_start3A_297 = tpu.memref_slice %arg16[%select_n3A_222, %dma_start3A_295, %dma_start3A_296] : memref<2x128x128xf32, #tpu.memory_space<vmem>> -> memref<1x16x128xf32, #tpu.memory_space<vmem>>
      %dma_start3A_298 = tpu.memref_squeeze %dma_start3A_297 : memref<1x16x128xf32, #tpu.memory_space<vmem>> -> memref<16x128xf32, #tpu.memory_space<vmem>>
      tpu.enqueue_dma source(%dma_start3A_298 : memref<16x128xf32, #tpu.memory_space<vmem>>) target(%dma_start3A_294 : memref<16x128xf32, #tpu.memory_space<hbm>>) target_semaphore(%dma_start3A_291 : memref<!tpu.dma_semaphore, #tpu.memory_space<semaphore_mem>>)
      %mul3A_299 = arith.constant 16 : i32
      %mul3A_300 = arith.muli %while3A_205, %mul3A_299 : i32
      %add3A_301 = arith.addi %mul3A_85, %mul3A_300 : i32
      %dma_start3A_302 = arith.constant 2 : i32
      %dma_start3A_303 = arith.constant 32 : i32
      %dma_start3A_304 = arith.constant 0 : i32
      %dma_start3A_305 = tpu.memref_slice %arg16[%select_n3A_222, %dma_start3A_303, %dma_start3A_304] : memref<2x128x128xf32, #tpu.memory_space<vmem>> -> memref<1x16x128xf32, #tpu.memory_space<vmem>>
      %dma_start3A_306 = tpu.memref_squeeze %dma_start3A_305 : memref<1x16x128xf32, #tpu.memory_space<vmem>> -> memref<16x128xf32, #tpu.memory_space<vmem>>
      %dma_start3A_307 = arith.constant 0 : i32
      %dma_start3A_308 = tpu.memref_slice %arg6[%add3A_301, %dma_start3A_302, %add3A_30, %dma_start3A_307] : memref<1433x8x4x128xf32, #tpu.memory_space<hbm>> -> memref<16x1x1x128xf32, #tpu.memory_space<hbm>>
      %dma_start3A_309 = tpu.memref_squeeze %dma_start3A_308 : memref<16x1x1x128xf32, #tpu.memory_space<hbm>> -> memref<16x128xf32, #tpu.memory_space<hbm>>
      %dma_start3A_310 = tpu.memref_slice %arg20[%select_n3A_222] : memref<2x!tpu.dma_semaphore, #tpu.memory_space<semaphore_mem>> -> memref<1x!tpu.dma_semaphore, #tpu.memory_space<semaphore_mem>>
      %dma_start3A_311 = tpu.memref_squeeze %dma_start3A_310 : memref<1x!tpu.dma_semaphore, #tpu.memory_space<semaphore_mem>> -> memref<!tpu.dma_semaphore, #tpu.memory_space<semaphore_mem>>
      %dma_start3A_312 = arith.constant 0 : i32
      %dma_start3A_313 = tpu.memref_slice %arg6[%add3A_301, %dma_start3A_302, %add3A_30, %dma_start3A_312] : memref<1433x8x4x128xf32, #tpu.memory_space<hbm>> -> memref<16x1x1x128xf32, #tpu.memory_space<hbm>>
      %dma_start3A_314 = tpu.memref_squeeze %dma_start3A_313 : memref<16x1x1x128xf32, #tpu.memory_space<hbm>> -> memref<16x128xf32, #tpu.memory_space<hbm>>
      %dma_start3A_315 = arith.constant 32 : i32
      %dma_start3A_316 = arith.constant 0 : i32
      %dma_start3A_317 = tpu.memref_slice %arg16[%select_n3A_222, %dma_start3A_315, %dma_start3A_316] : memref<2x128x128xf32, #tpu.memory_space<vmem>> -> memref<1x16x128xf32, #tpu.memory_space<vmem>>
      %dma_start3A_318 = tpu.memref_squeeze %dma_start3A_317 : memref<1x16x128xf32, #tpu.memory_space<vmem>> -> memref<16x128xf32, #tpu.memory_space<vmem>>
      tpu.enqueue_dma source(%dma_start3A_318 : memref<16x128xf32, #tpu.memory_space<vmem>>) target(%dma_start3A_314 : memref<16x128xf32, #tpu.memory_space<hbm>>) target_semaphore(%dma_start3A_311 : memref<!tpu.dma_semaphore, #tpu.memory_space<semaphore_mem>>)
      %mul3A_319 = arith.constant 16 : i32
      %mul3A_320 = arith.muli %while3A_205, %mul3A_319 : i32
      %add3A_321 = arith.addi %mul3A_85, %mul3A_320 : i32
      %dma_start3A_322 = arith.constant 3 : i32
      %dma_start3A_323 = arith.constant 48 : i32
      %dma_start3A_324 = arith.constant 0 : i32
      %dma_start3A_325 = tpu.memref_slice %arg16[%select_n3A_222, %dma_start3A_323, %dma_start3A_324] : memref<2x128x128xf32, #tpu.memory_space<vmem>> -> memref<1x16x128xf32, #tpu.memory_space<vmem>>
      %dma_start3A_326 = tpu.memref_squeeze %dma_start3A_325 : memref<1x16x128xf32, #tpu.memory_space<vmem>> -> memref<16x128xf32, #tpu.memory_space<vmem>>
      %dma_start3A_327 = arith.constant 0 : i32
      %dma_start3A_328 = tpu.memref_slice %arg6[%add3A_321, %dma_start3A_322, %add3A_30, %dma_start3A_327] : memref<1433x8x4x128xf32, #tpu.memory_space<hbm>> -> memref<16x1x1x128xf32, #tpu.memory_space<hbm>>
      %dma_start3A_329 = tpu.memref_squeeze %dma_start3A_328 : memref<16x1x1x128xf32, #tpu.memory_space<hbm>> -> memref<16x128xf32, #tpu.memory_space<hbm>>
      %dma_start3A_330 = tpu.memref_slice %arg20[%select_n3A_222] : memref<2x!tpu.dma_semaphore, #tpu.memory_space<semaphore_mem>> -> memref<1x!tpu.dma_semaphore, #tpu.memory_space<semaphore_mem>>
      %dma_start3A_331 = tpu.memref_squeeze %dma_start3A_330 : memref<1x!tpu.dma_semaphore, #tpu.memory_space<semaphore_mem>> -> memref<!tpu.dma_semaphore, #tpu.memory_space<semaphore_mem>>
      %dma_start3A_332 = arith.constant 0 : i32
      %dma_start3A_333 = tpu.memref_slice %arg6[%add3A_321, %dma_start3A_322, %add3A_30, %dma_start3A_332] : memref<1433x8x4x128xf32, #tpu.memory_space<hbm>> -> memref<16x1x1x128xf32, #tpu.memory_space<hbm>>
      %dma_start3A_334 = tpu.memref_squeeze %dma_start3A_333 : memref<16x1x1x128xf32, #tpu.memory_space<hbm>> -> memref<16x128xf32, #tpu.memory_space<hbm>>
      %dma_start3A_335 = arith.constant 48 : i32
      %dma_start3A_336 = arith.constant 0 : i32
      %dma_start3A_337 = tpu.memref_slice %arg16[%select_n3A_222, %dma_start3A_335, %dma_start3A_336] : memref<2x128x128xf32, #tpu.memory_space<vmem>> -> memref<1x16x128xf32, #tpu.memory_space<vmem>>
      %dma_start3A_338 = tpu.memref_squeeze %dma_start3A_337 : memref<1x16x128xf32, #tpu.memory_space<vmem>> -> memref<16x128xf32, #tpu.memory_space<vmem>>
      tpu.enqueue_dma source(%dma_start3A_338 : memref<16x128xf32, #tpu.memory_space<vmem>>) target(%dma_start3A_334 : memref<16x128xf32, #tpu.memory_space<hbm>>) target_semaphore(%dma_start3A_331 : memref<!tpu.dma_semaphore, #tpu.memory_space<semaphore_mem>>)
      %mul3A_339 = arith.constant 16 : i32
      %mul3A_340 = arith.muli %while3A_205, %mul3A_339 : i32
      %add3A_341 = arith.addi %mul3A_85, %mul3A_340 : i32
      %dma_start3A_342 = arith.constant 4 : i32
      %dma_start3A_343 = arith.constant 64 : i32
      %dma_start3A_344 = arith.constant 0 : i32
      %dma_start3A_345 = tpu.memref_slice %arg16[%select_n3A_222, %dma_start3A_343, %dma_start3A_344] : memref<2x128x128xf32, #tpu.memory_space<vmem>> -> memref<1x16x128xf32, #tpu.memory_space<vmem>>
      %dma_start3A_346 = tpu.memref_squeeze %dma_start3A_345 : memref<1x16x128xf32, #tpu.memory_space<vmem>> -> memref<16x128xf32, #tpu.memory_space<vmem>>
      %dma_start3A_347 = arith.constant 0 : i32
      %dma_start3A_348 = tpu.memref_slice %arg6[%add3A_341, %dma_start3A_342, %add3A_30, %dma_start3A_347] : memref<1433x8x4x128xf32, #tpu.memory_space<hbm>> -> memref<16x1x1x128xf32, #tpu.memory_space<hbm>>
      %dma_start3A_349 = tpu.memref_squeeze %dma_start3A_348 : memref<16x1x1x128xf32, #tpu.memory_space<hbm>> -> memref<16x128xf32, #tpu.memory_space<hbm>>
      %dma_start3A_350 = tpu.memref_slice %arg20[%select_n3A_222] : memref<2x!tpu.dma_semaphore, #tpu.memory_space<semaphore_mem>> -> memref<1x!tpu.dma_semaphore, #tpu.memory_space<semaphore_mem>>
      %dma_start3A_351 = tpu.memref_squeeze %dma_start3A_350 : memref<1x!tpu.dma_semaphore, #tpu.memory_space<semaphore_mem>> -> memref<!tpu.dma_semaphore, #tpu.memory_space<semaphore_mem>>
      %dma_start3A_352 = arith.constant 0 : i32
      %dma_start3A_353 = tpu.memref_slice %arg6[%add3A_341, %dma_start3A_342, %add3A_30, %dma_start3A_352] : memref<1433x8x4x128xf32, #tpu.memory_space<hbm>> -> memref<16x1x1x128xf32, #tpu.memory_space<hbm>>
      %dma_start3A_354 = tpu.memref_squeeze %dma_start3A_353 : memref<16x1x1x128xf32, #tpu.memory_space<hbm>> -> memref<16x128xf32, #tpu.memory_space<hbm>>
      %dma_start3A_355 = arith.constant 64 : i32
      %dma_start3A_356 = arith.constant 0 : i32
      %dma_start3A_357 = tpu.memref_slice %arg16[%select_n3A_222, %dma_start3A_355, %dma_start3A_356] : memref<2x128x128xf32, #tpu.memory_space<vmem>> -> memref<1x16x128xf32, #tpu.memory_space<vmem>>
      %dma_start3A_358 = tpu.memref_squeeze %dma_start3A_357 : memref<1x16x128xf32, #tpu.memory_space<vmem>> -> memref<16x128xf32, #tpu.memory_space<vmem>>
      tpu.enqueue_dma source(%dma_start3A_358 : memref<16x128xf32, #tpu.memory_space<vmem>>) target(%dma_start3A_354 : memref<16x128xf32, #tpu.memory_space<hbm>>) target_semaphore(%dma_start3A_351 : memref<!tpu.dma_semaphore, #tpu.memory_space<semaphore_mem>>)
      %mul3A_359 = arith.constant 16 : i32
      %mul3A_360 = arith.muli %while3A_205, %mul3A_359 : i32
      %add3A_361 = arith.addi %mul3A_85, %mul3A_360 : i32
      %dma_start3A_362 = arith.constant 5 : i32
      %dma_start3A_363 = arith.constant 80 : i32
      %dma_start3A_364 = arith.constant 0 : i32
      %dma_start3A_365 = tpu.memref_slice %arg16[%select_n3A_222, %dma_start3A_363, %dma_start3A_364] : memref<2x128x128xf32, #tpu.memory_space<vmem>> -> memref<1x16x128xf32, #tpu.memory_space<vmem>>
      %dma_start3A_366 = tpu.memref_squeeze %dma_start3A_365 : memref<1x16x128xf32, #tpu.memory_space<vmem>> -> memref<16x128xf32, #tpu.memory_space<vmem>>
      %dma_start3A_367 = arith.constant 0 : i32
      %dma_start3A_368 = tpu.memref_slice %arg6[%add3A_361, %dma_start3A_362, %add3A_30, %dma_start3A_367] : memref<1433x8x4x128xf32, #tpu.memory_space<hbm>> -> memref<16x1x1x128xf32, #tpu.memory_space<hbm>>
      %dma_start3A_369 = tpu.memref_squeeze %dma_start3A_368 : memref<16x1x1x128xf32, #tpu.memory_space<hbm>> -> memref<16x128xf32, #tpu.memory_space<hbm>>
      %dma_start3A_370 = tpu.memref_slice %arg20[%select_n3A_222] : memref<2x!tpu.dma_semaphore, #tpu.memory_space<semaphore_mem>> -> memref<1x!tpu.dma_semaphore, #tpu.memory_space<semaphore_mem>>
      %dma_start3A_371 = tpu.memref_squeeze %dma_start3A_370 : memref<1x!tpu.dma_semaphore, #tpu.memory_space<semaphore_mem>> -> memref<!tpu.dma_semaphore, #tpu.memory_space<semaphore_mem>>
      %dma_start3A_372 = arith.constant 0 : i32
      %dma_start3A_373 = tpu.memref_slice %arg6[%add3A_361, %dma_start3A_362, %add3A_30, %dma_start3A_372] : memref<1433x8x4x128xf32, #tpu.memory_space<hbm>> -> memref<16x1x1x128xf32, #tpu.memory_space<hbm>>
      %dma_start3A_374 = tpu.memref_squeeze %dma_start3A_373 : memref<16x1x1x128xf32, #tpu.memory_space<hbm>> -> memref<16x128xf32, #tpu.memory_space<hbm>>
      %dma_start3A_375 = arith.constant 80 : i32
      %dma_start3A_376 = arith.constant 0 : i32
      %dma_start3A_377 = tpu.memref_slice %arg16[%select_n3A_222, %dma_start3A_375, %dma_start3A_376] : memref<2x128x128xf32, #tpu.memory_space<vmem>> -> memref<1x16x128xf32, #tpu.memory_space<vmem>>
      %dma_start3A_378 = tpu.memref_squeeze %dma_start3A_377 : memref<1x16x128xf32, #tpu.memory_space<vmem>> -> memref<16x128xf32, #tpu.memory_space<vmem>>
      tpu.enqueue_dma source(%dma_start3A_378 : memref<16x128xf32, #tpu.memory_space<vmem>>) target(%dma_start3A_374 : memref<16x128xf32, #tpu.memory_space<hbm>>) target_semaphore(%dma_start3A_371 : memref<!tpu.dma_semaphore, #tpu.memory_space<semaphore_mem>>)
      %mul3A_379 = arith.constant 16 : i32
      %mul3A_380 = arith.muli %while3A_205, %mul3A_379 : i32
      %add3A_381 = arith.addi %mul3A_85, %mul3A_380 : i32
      %dma_start3A_382 = arith.constant 6 : i32
      %dma_start3A_383 = arith.constant 96 : i32
      %dma_start3A_384 = arith.constant 0 : i32
      %dma_start3A_385 = tpu.memref_slice %arg16[%select_n3A_222, %dma_start3A_383, %dma_start3A_384] : memref<2x128x128xf32, #tpu.memory_space<vmem>> -> memref<1x16x128xf32, #tpu.memory_space<vmem>>
      %dma_start3A_386 = tpu.memref_squeeze %dma_start3A_385 : memref<1x16x128xf32, #tpu.memory_space<vmem>> -> memref<16x128xf32, #tpu.memory_space<vmem>>
      %dma_start3A_387 = arith.constant 0 : i32
      %dma_start3A_388 = tpu.memref_slice %arg6[%add3A_381, %dma_start3A_382, %add3A_30, %dma_start3A_387] : memref<1433x8x4x128xf32, #tpu.memory_space<hbm>> -> memref<16x1x1x128xf32, #tpu.memory_space<hbm>>
      %dma_start3A_389 = tpu.memref_squeeze %dma_start3A_388 : memref<16x1x1x128xf32, #tpu.memory_space<hbm>> -> memref<16x128xf32, #tpu.memory_space<hbm>>
      %dma_start3A_390 = tpu.memref_slice %arg20[%select_n3A_222] : memref<2x!tpu.dma_semaphore, #tpu.memory_space<semaphore_mem>> -> memref<1x!tpu.dma_semaphore, #tpu.memory_space<semaphore_mem>>
      %dma_start3A_391 = tpu.memref_squeeze %dma_start3A_390 : memref<1x!tpu.dma_semaphore, #tpu.memory_space<semaphore_mem>> -> memref<!tpu.dma_semaphore, #tpu.memory_space<semaphore_mem>>
      %dma_start3A_392 = arith.constant 0 : i32
      %dma_start3A_393 = tpu.memref_slice %arg6[%add3A_381, %dma_start3A_382, %add3A_30, %dma_start3A_392] : memref<1433x8x4x128xf32, #tpu.memory_space<hbm>> -> memref<16x1x1x128xf32, #tpu.memory_space<hbm>>
      %dma_start3A_394 = tpu.memref_squeeze %dma_start3A_393 : memref<16x1x1x128xf32, #tpu.memory_space<hbm>> -> memref<16x128xf32, #tpu.memory_space<hbm>>
      %dma_start3A_395 = arith.constant 96 : i32
      %dma_start3A_396 = arith.constant 0 : i32
      %dma_start3A_397 = tpu.memref_slice %arg16[%select_n3A_222, %dma_start3A_395, %dma_start3A_396] : memref<2x128x128xf32, #tpu.memory_space<vmem>> -> memref<1x16x128xf32, #tpu.memory_space<vmem>>
      %dma_start3A_398 = tpu.memref_squeeze %dma_start3A_397 : memref<1x16x128xf32, #tpu.memory_space<vmem>> -> memref<16x128xf32, #tpu.memory_space<vmem>>
      tpu.enqueue_dma source(%dma_start3A_398 : memref<16x128xf32, #tpu.memory_space<vmem>>) target(%dma_start3A_394 : memref<16x128xf32, #tpu.memory_space<hbm>>) target_semaphore(%dma_start3A_391 : memref<!tpu.dma_semaphore, #tpu.memory_space<semaphore_mem>>)
      %mul3A_399 = arith.constant 16 : i32
      %mul3A_400 = arith.muli %while3A_205, %mul3A_399 : i32
      %add3A_401 = arith.addi %mul3A_85, %mul3A_400 : i32
      %dma_start3A_402 = arith.constant 7 : i32
      %dma_start3A_403 = arith.constant 112 : i32
      %dma_start3A_404 = arith.constant 0 : i32
      %dma_start3A_405 = tpu.memref_slice %arg16[%select_n3A_222, %dma_start3A_403, %dma_start3A_404] : memref<2x128x128xf32, #tpu.memory_space<vmem>> -> memref<1x16x128xf32, #tpu.memory_space<vmem>>
      %dma_start3A_406 = tpu.memref_squeeze %dma_start3A_405 : memref<1x16x128xf32, #tpu.memory_space<vmem>> -> memref<16x128xf32, #tpu.memory_space<vmem>>
      %dma_start3A_407 = arith.constant 0 : i32
      %dma_start3A_408 = tpu.memref_slice %arg6[%add3A_401, %dma_start3A_402, %add3A_30, %dma_start3A_407] : memref<1433x8x4x128xf32, #tpu.memory_space<hbm>> -> memref<16x1x1x128xf32, #tpu.memory_space<hbm>>
      %dma_start3A_409 = tpu.memref_squeeze %dma_start3A_408 : memref<16x1x1x128xf32, #tpu.memory_space<hbm>> -> memref<16x128xf32, #tpu.memory_space<hbm>>
      %dma_start3A_410 = tpu.memref_slice %arg20[%select_n3A_222] : memref<2x!tpu.dma_semaphore, #tpu.memory_space<semaphore_mem>> -> memref<1x!tpu.dma_semaphore, #tpu.memory_space<semaphore_mem>>
      %dma_start3A_411 = tpu.memref_squeeze %dma_start3A_410 : memref<1x!tpu.dma_semaphore, #tpu.memory_space<semaphore_mem>> -> memref<!tpu.dma_semaphore, #tpu.memory_space<semaphore_mem>>
      %dma_start3A_412 = arith.constant 0 : i32
      %dma_start3A_413 = tpu.memref_slice %arg6[%add3A_401, %dma_start3A_402, %add3A_30, %dma_start3A_412] : memref<1433x8x4x128xf32, #tpu.memory_space<hbm>> -> memref<16x1x1x128xf32, #tpu.memory_space<hbm>>
      %dma_start3A_414 = tpu.memref_squeeze %dma_start3A_413 : memref<16x1x1x128xf32, #tpu.memory_space<hbm>> -> memref<16x128xf32, #tpu.memory_space<hbm>>
      %dma_start3A_415 = arith.constant 112 : i32
      %dma_start3A_416 = arith.constant 0 : i32
      %dma_start3A_417 = tpu.memref_slice %arg16[%select_n3A_222, %dma_start3A_415, %dma_start3A_416] : memref<2x128x128xf32, #tpu.memory_space<vmem>> -> memref<1x16x128xf32, #tpu.memory_space<vmem>>
      %dma_start3A_418 = tpu.memref_squeeze %dma_start3A_417 : memref<1x16x128xf32, #tpu.memory_space<vmem>> -> memref<16x128xf32, #tpu.memory_space<vmem>>
      tpu.enqueue_dma source(%dma_start3A_418 : memref<16x128xf32, #tpu.memory_space<vmem>>) target(%dma_start3A_414 : memref<16x128xf32, #tpu.memory_space<hbm>>) target_semaphore(%dma_start3A_411 : memref<!tpu.dma_semaphore, #tpu.memory_space<semaphore_mem>>)
      %while3A_419 = arith.constant 0 : i32
      scf.yield %while3A_419 : i32
    }
    %while3A_174 = arith.constant 1 : i32
    %while3A_175 = scf.for %while3A_205 = %while3A_171 to %while3A_167 step %while3A_174 iter_args(%while3A_206 = %while3A_173) -> (i32)  : i32 {
      %jit3A_207 = arith.constant 2 : i32
      %eq3A_208 = arith.constant 0 : i32
      %eq3A_209 = arith.cmpi eq, %jit3A_207, %eq3A_208 : i32
      %jit3A_210 = arith.constant 1 : i32
      %select_n3A_211 = arith.select %eq3A_209, %jit3A_210, %jit3A_207 : i32
      %rem3A_212 = arith.remsi %while3A_205, %select_n3A_211 : i32
      %ne3A_213 = arith.constant 0 : i32
      %ne3A_214 = arith.cmpi ne, %rem3A_212, %ne3A_213 : i32
      %lt3A_215 = arith.constant 0 : i32
      %lt3A_216 = arith.cmpi slt, %rem3A_212, %lt3A_215 : i32
      %lt3A_217 = arith.constant 0 : i32
      %lt3A_218 = arith.cmpi slt, %select_n3A_211, %lt3A_217 : i32
      %ne3A_219 = arith.xori %lt3A_216, %lt3A_218 : i1
      %and3A_220 = arith.andi %ne3A_219, %ne3A_214 : i1
      %add3A_221 = arith.addi %rem3A_212, %select_n3A_211 : i32
      %select_n3A_222 = arith.select %and3A_220, %add3A_221, %rem3A_212 : i32
      %sub3A_223 = arith.constant 1 : i32
      %sub3A_224 = arith.subi %sub3A_223, %select_n3A_222 : i32
      %ge3A = arith.constant 1 : i32
      %ge3A_225 = arith.cmpi sge, %while3A_205, %ge3A : i32
      %convert_element_type3A_226 = arith.extui %ge3A_225 : i1 to i32
      %cond3A_227 = arith.constant 0 : i32
      %cond3A_228 = arith.cmpi ne, %convert_element_type3A_226, %cond3A_227 : i32
      scf.if %cond3A_228 {
        %dma_wait3A_420 = arith.constant 0 : i32
        %dma_wait3A_421 = arith.constant 0 : i32
        %dma_wait3A_422 = tpu.memref_slice %arg2[%dma_wait3A_420, %dma_wait3A_421] : memref<65536x128xf32, #tpu.memory_space<hbm>> -> memref<128x128xf32, #tpu.memory_space<hbm>>
        %dma_wait3A_423 = tpu.memref_slice %arg20[%sub3A_224] : memref<2x!tpu.dma_semaphore, #tpu.memory_space<semaphore_mem>> -> memref<1x!tpu.dma_semaphore, #tpu.memory_space<semaphore_mem>>
        %dma_wait3A_424 = tpu.memref_squeeze %dma_wait3A_423 : memref<1x!tpu.dma_semaphore, #tpu.memory_space<semaphore_mem>> -> memref<!tpu.dma_semaphore, #tpu.memory_space<semaphore_mem>>
        %dma_wait3A_425 = arith.constant 0 : i32
        %dma_wait3A_426 = arith.constant 0 : i32
        %dma_wait3A_427 = tpu.memref_slice %arg2[%dma_wait3A_425, %dma_wait3A_426] : memref<65536x128xf32, #tpu.memory_space<hbm>> -> memref<128x128xf32, #tpu.memory_space<hbm>>
        tpu.wait_dma2 semaphore(%dma_wait3A_424 : memref<!tpu.dma_semaphore, #tpu.memory_space<semaphore_mem>>) src(%dma_wait3A_427 : memref<128x128xf32, #tpu.memory_space<hbm>>) dst(%arg17 : memref<128x128xf32, #tpu.memory_space<vmem>>)
      } else {
      }
      %add3A_229 = arith.constant 1 : i32
      %add3A_230 = arith.addi %while3A_205, %add3A_229 : i32
      %lt3A_231 = arith.cmpi slt, %add3A_230, %select_n3A_67 : i32
      %convert_element_type3A_232 = arith.extui %lt3A_231 : i1 to i32
      %cond3A_233 = arith.constant 0 : i32
      %cond3A_234 = arith.cmpi ne, %convert_element_type3A_232, %cond3A_233 : i32
      scf.if %cond3A_234 {
        %add3A_420 = arith.constant 1 : i32
        %add3A_421 = arith.addi %while3A_205, %add3A_420 : i32
        %mul3A_422 = arith.constant 16 : i32
        %mul3A_423 = arith.muli %add3A_421, %mul3A_422 : i32
        %get3A_424 = arith.index_cast %mul3A_423 : i32 to index
        %get3A_425 = tpu.vector_load %arg14[%get3A_424] {strides = array<i32>} : memref<208xi32, #tpu.memory_space<vmem>>, vector<16xi32>,
        %shift_right_arithmetic3A_426 = arith.constant 3 : i32
        %shift_right_arithmetic3A_427 = vector.broadcast %shift_right_arithmetic3A_426 : i32 to vector<16xi32>
        %shift_right_arithmetic3A_428 = arith.shrsi %get3A_425, %shift_right_arithmetic3A_427 : vector<16xi32>
        %mul3A_429 = arith.constant 64 : i32
        %mul3A_430 = vector.broadcast %mul3A_429 : i32 to vector<16xi32>
        %mul3A_431 = arith.muli %shift_right_arithmetic3A_428, %mul3A_430 : vector<16xi32>
        %and3A_432 = arith.constant 7 : i32
        %and3A_433 = vector.broadcast %and3A_432 : i32 to vector<16xi32>
        %and3A_434 = arith.andi %get3A_425, %and3A_433 : vector<16xi32>
        %add3A_435 = arith.addi %mul3A_431, %and3A_434 : vector<16xi32>
        %add3A_436 = arith.constant 0 : i32
        %add3A_437 = vector.broadcast %add3A_436 : i32 to vector<16xi32>
        %add3A_438 = arith.addi %add3A_435, %add3A_437 : vector<16xi32>
        %swap3A_439 = arith.index_cast %sub3A_224 : i32 to index
        %swap3A_440 = arith.constant 0 : index
        %swap3A_441 = tpu.vector_load %arg18[%swap3A_439, %swap3A_440] {strides = array<i32>} : memref<2x128xi32, #tpu.memory_space<vmem>>, vector<16xi32>,
        tpu.vector_store %arg18[%swap3A_439, %swap3A_440], %add3A_438 {strides = array<i32>} : memref<2x128xi32, #tpu.memory_space<vmem>>, vector<16xi32>,
        %add3A_442 = arith.constant 8 : i32
        %add3A_443 = vector.broadcast %add3A_442 : i32 to vector<16xi32>
        %add3A_444 = arith.addi %add3A_435, %add3A_443 : vector<16xi32>
        %swap3A_445 = arith.index_cast %sub3A_224 : i32 to index
        %swap3A_446 = arith.constant 16 : index
        %swap3A_447 = tpu.vector_load %arg18[%swap3A_445, %swap3A_446] {strides = array<i32>} : memref<2x128xi32, #tpu.memory_space<vmem>>, vector<16xi32>,
        tpu.vector_store %arg18[%swap3A_445, %swap3A_446], %add3A_444 {strides = array<i32>} : memref<2x128xi32, #tpu.memory_space<vmem>>, vector<16xi32>,
        %add3A_448 = arith.constant 16 : i32
        %add3A_449 = vector.broadcast %add3A_448 : i32 to vector<16xi32>
        %add3A_450 = arith.addi %add3A_435, %add3A_449 : vector<16xi32>
        %swap3A_451 = arith.index_cast %sub3A_224 : i32 to index
        %swap3A_452 = arith.constant 32 : index
        %swap3A_453 = tpu.vector_load %arg18[%swap3A_451, %swap3A_452] {strides = array<i32>} : memref<2x128xi32, #tpu.memory_space<vmem>>, vector<16xi32>,
        tpu.vector_store %arg18[%swap3A_451, %swap3A_452], %add3A_450 {strides = array<i32>} : memref<2x128xi32, #tpu.memory_space<vmem>>, vector<16xi32>,
        %add3A_454 = arith.constant 24 : i32
        %add3A_455 = vector.broadcast %add3A_454 : i32 to vector<16xi32>
        %add3A_456 = arith.addi %add3A_435, %add3A_455 : vector<16xi32>
        %swap3A_457 = arith.index_cast %sub3A_224 : i32 to index
        %swap3A_458 = arith.constant 48 : index
        %swap3A_459 = tpu.vector_load %arg18[%swap3A_457, %swap3A_458] {strides = array<i32>} : memref<2x128xi32, #tpu.memory_space<vmem>>, vector<16xi32>,
        tpu.vector_store %arg18[%swap3A_457, %swap3A_458], %add3A_456 {strides = array<i32>} : memref<2x128xi32, #tpu.memory_space<vmem>>, vector<16xi32>,
        %add3A_460 = arith.constant 32 : i32
        %add3A_461 = vector.broadcast %add3A_460 : i32 to vector<16xi32>
        %add3A_462 = arith.addi %add3A_435, %add3A_461 : vector<16xi32>
        %swap3A_463 = arith.index_cast %sub3A_224 : i32 to index
        %swap3A_464 = arith.constant 64 : index
        %swap3A_465 = tpu.vector_load %arg18[%swap3A_463, %swap3A_464] {strides = array<i32>} : memref<2x128xi32, #tpu.memory_space<vmem>>, vector<16xi32>,
        tpu.vector_store %arg18[%swap3A_463, %swap3A_464], %add3A_462 {strides = array<i32>} : memref<2x128xi32, #tpu.memory_space<vmem>>, vector<16xi32>,
        %add3A_466 = arith.constant 40 : i32
        %add3A_467 = vector.broadcast %add3A_466 : i32 to vector<16xi32>
        %add3A_468 = arith.addi %add3A_435, %add3A_467 : vector<16xi32>
        %swap3A_469 = arith.index_cast %sub3A_224 : i32 to index
        %swap3A_470 = arith.constant 80 : index
        %swap3A_471 = tpu.vector_load %arg18[%swap3A_469, %swap3A_470] {strides = array<i32>} : memref<2x128xi32, #tpu.memory_space<vmem>>, vector<16xi32>,
        tpu.vector_store %arg18[%swap3A_469, %swap3A_470], %add3A_468 {strides = array<i32>} : memref<2x128xi32, #tpu.memory_space<vmem>>, vector<16xi32>,
        %add3A_472 = arith.constant 48 : i32
        %add3A_473 = vector.broadcast %add3A_472 : i32 to vector<16xi32>
        %add3A_474 = arith.addi %add3A_435, %add3A_473 : vector<16xi32>
        %swap3A_475 = arith.index_cast %sub3A_224 : i32 to index
        %swap3A_476 = arith.constant 96 : index
        %swap3A_477 = tpu.vector_load %arg18[%swap3A_475, %swap3A_476] {strides = array<i32>} : memref<2x128xi32, #tpu.memory_space<vmem>>, vector<16xi32>,
        tpu.vector_store %arg18[%swap3A_475, %swap3A_476], %add3A_474 {strides = array<i32>} : memref<2x128xi32, #tpu.memory_space<vmem>>, vector<16xi32>,
        %add3A_478 = arith.constant 56 : i32
        %add3A_479 = vector.broadcast %add3A_478 : i32 to vector<16xi32>
        %add3A_480 = arith.addi %add3A_435, %add3A_479 : vector<16xi32>
        %swap3A_481 = arith.index_cast %sub3A_224 : i32 to index
        %swap3A_482 = arith.constant 112 : index
        %swap3A_483 = tpu.vector_load %arg18[%swap3A_481, %swap3A_482] {strides = array<i32>} : memref<2x128xi32, #tpu.memory_space<vmem>>, vector<16xi32>,
        tpu.vector_store %arg18[%swap3A_481, %swap3A_482], %add3A_480 {strides = array<i32>} : memref<2x128xi32, #tpu.memory_space<vmem>>, vector<16xi32>,
        %dma_start3A_484 = arith.constant 0 : i32
        %dma_start3A_485 = arith.constant 0 : i32
        %dma_start3A_486 = tpu.memref_slice %arg16[%sub3A_224, %dma_start3A_484, %dma_start3A_485] : memref<2x128x128xf32, #tpu.memory_space<vmem>> -> memref<1x128x128xf32, #tpu.memory_space<vmem>>
        %dma_start3A_487 = tpu.memref_squeeze %dma_start3A_486 : memref<1x128x128xf32, #tpu.memory_space<vmem>> -> memref<128x128xf32, #tpu.memory_space<vmem>>
        %dma_start3A_488 = arith.constant 0 : i32
        %dma_start3A_489 = tpu.memref_slice %arg18[%sub3A_224, %dma_start3A_488] : memref<2x128xi32, #tpu.memory_space<vmem>> -> memref<1x128xi32, #tpu.memory_space<vmem>>
        %dma_start3A_490 = tpu.memref_squeeze %dma_start3A_489 : memref<1x128xi32, #tpu.memory_space<vmem>> -> memref<128xi32, #tpu.memory_space<vmem>>
        %dma_start3A_491 = arith.constant 0 : i32
        %dma_start3A_492 = arith.constant 0 : i32
        %dma_start3A_493 = tpu.memref_slice %arg2[%dma_start3A_491, %dma_start3A_492] : memref<65536x128xf32, #tpu.memory_space<hbm>> -> memref<65536x128xf32, #tpu.memory_space<hbm>>
        %dma_start3A_494 = tpu.memref_slice %arg19[%sub3A_224] : memref<2x!tpu.dma_semaphore, #tpu.memory_space<semaphore_mem>> -> memref<1x!tpu.dma_semaphore, #tpu.memory_space<semaphore_mem>>
        %dma_start3A_495 = tpu.memref_squeeze %dma_start3A_494 : memref<1x!tpu.dma_semaphore, #tpu.memory_space<semaphore_mem>> -> memref<!tpu.dma_semaphore, #tpu.memory_space<semaphore_mem>>
        tpu.enqueue_indirect_dma source(%dma_start3A_493 : memref<65536x128xf32, #tpu.memory_space<hbm>>) target(%dma_start3A_487 : memref<128x128xf32, #tpu.memory_space<vmem>>) offsets(%dma_start3A_490 : memref<128xi32, #tpu.memory_space<vmem>>) semaphore(%dma_start3A_495 : memref<!tpu.dma_semaphore, #tpu.memory_space<semaphore_mem>>)
      } else {
      }
      %dma_wait3A_235 = arith.constant 0 : i32
      %dma_wait3A_236 = arith.constant 0 : i32
      %dma_wait3A_237 = tpu.memref_slice %arg16[%select_n3A_222, %dma_wait3A_235, %dma_wait3A_236] : memref<2x128x128xf32, #tpu.memory_space<vmem>> -> memref<1x128x128xf32, #tpu.memory_space<vmem>>
      %dma_wait3A_238 = tpu.memref_squeeze %dma_wait3A_237 : memref<1x128x128xf32, #tpu.memory_space<vmem>> -> memref<128x128xf32, #tpu.memory_space<vmem>>
      %dma_wait3A_239 = arith.constant 0 : i32
      %dma_wait3A_240 = arith.constant 0 : i32
      %dma_wait3A_241 = tpu.memref_slice %arg2[%dma_wait3A_239, %dma_wait3A_240] : memref<65536x128xf32, #tpu.memory_space<hbm>> -> memref<128x128xf32, #tpu.memory_space<hbm>>
      %dma_wait3A_242 = tpu.memref_slice %arg19[%select_n3A_222] : memref<2x!tpu.dma_semaphore, #tpu.memory_space<semaphore_mem>> -> memref<1x!tpu.dma_semaphore, #tpu.memory_space<semaphore_mem>>
      %dma_wait3A_243 = tpu.memref_squeeze %dma_wait3A_242 : memref<1x!tpu.dma_semaphore, #tpu.memory_space<semaphore_mem>> -> memref<!tpu.dma_semaphore, #tpu.memory_space<semaphore_mem>>
      %dma_wait3A_244 = arith.constant 0 : i32
      %dma_wait3A_245 = arith.constant 0 : i32
      %dma_wait3A_246 = tpu.memref_slice %arg16[%select_n3A_222, %dma_wait3A_244, %dma_wait3A_245] : memref<2x128x128xf32, #tpu.memory_space<vmem>> -> memref<1x128x128xf32, #tpu.memory_space<vmem>>
      %dma_wait3A_247 = tpu.memref_squeeze %dma_wait3A_246 : memref<1x128x128xf32, #tpu.memory_space<vmem>> -> memref<128x128xf32, #tpu.memory_space<vmem>>
      %dma_wait3A_248 = arith.constant 0 : i32
      %dma_wait3A_249 = arith.constant 0 : i32
      %dma_wait3A_250 = tpu.memref_slice %arg2[%dma_wait3A_248, %dma_wait3A_249] : memref<65536x128xf32, #tpu.memory_space<hbm>> -> memref<128x128xf32, #tpu.memory_space<hbm>>
      tpu.wait_dma2 semaphore(%dma_wait3A_243 : memref<!tpu.dma_semaphore, #tpu.memory_space<semaphore_mem>>) src(%dma_wait3A_250 : memref<128x128xf32, #tpu.memory_space<hbm>>) dst(%dma_wait3A_247 : memref<128x128xf32, #tpu.memory_space<vmem>>)
      %mul3A_251 = arith.constant 16 : i32
      %mul3A_252 = arith.muli %while3A_205, %mul3A_251 : i32
      %scan3A = arith.constant 0 : i32
      %scan3A_253 = arith.constant 0 : i32
      %scan3A_254 = arith.constant 16 : i32
      %scan3A_255 = arith.addi %scan3A_253, %scan3A_254 : i32
      %scan3A_256 = arith.constant 1 : i32
      %scan3A_257 = scf.for %scan3A_420 = %scan3A_253 to %scan3A_255 step %scan3A_256 iter_args(%scan3A_421 = %scan3A) -> (i32)  : i32 {
        %add3A_422 = arith.addi %mul3A_252, %scan3A_420 : i32
        %broadcast_in_dim3A = vector.broadcast %add3A_422 : i32 to vector<16xi32>
        %gather3A = tpu.vector_load_idx %arg15[%broadcast_in_dim3A] : memref<208xf32, #tpu.memory_space<vmem>>[vector<16xi32>], vector<16xf32>,
        %add3A_423 = arith.constant 0 : i32
        %add3A_424 = arith.addi %add3A_423, %scan3A_420 : i32
        %get3A_425 = arith.index_cast %select_n3A_222 : i32 to index
        %get3A_426 = arith.index_cast %add3A_424 : i32 to index
        %get3A_427 = arith.constant 0 : index
        %get3A_428 = tpu.vector_load %arg16[%get3A_425, %get3A_426, %get3A_427] {strides = array<i32>} : memref<2x128x128xf32, #tpu.memory_space<vmem>>, vector<16xf32>,
        %mul3A_429 = arith.mulf %get3A_428, %gather3A : vector<16xf32>
        %swap3A_430 = arith.index_cast %select_n3A_222 : i32 to index
        %swap3A_431 = arith.index_cast %add3A_424 : i32 to index
        %swap3A_432 = arith.constant 0 : index
        %swap3A_433 = tpu.vector_load %arg16[%swap3A_430, %swap3A_431, %swap3A_432] {strides = array<i32>} : memref<2x128x128xf32, #tpu.memory_space<vmem>>, vector<16xf32>,
        tpu.vector_store %arg16[%swap3A_430, %swap3A_431, %swap3A_432], %mul3A_429 {strides = array<i32>} : memref<2x128x128xf32, #tpu.memory_space<vmem>>, vector<16xf32>,
        %add3A_434 = arith.constant 0 : i32
        %add3A_435 = arith.addi %add3A_434, %scan3A_420 : i32
        %get3A_436 = arith.index_cast %select_n3A_222 : i32 to index
        %get3A_437 = arith.index_cast %add3A_435 : i32 to index
        %get3A_438 = arith.constant 16 : index
        %get3A_439 = tpu.vector_load %arg16[%get3A_436, %get3A_437, %get3A_438] {strides = array<i32>} : memref<2x128x128xf32, #tpu.memory_space<vmem>>, vector<16xf32>,
        %mul3A_440 = arith.mulf %get3A_439, %gather3A : vector<16xf32>
        %swap3A_441 = arith.index_cast %select_n3A_222 : i32 to index
        %swap3A_442 = arith.index_cast %add3A_435 : i32 to index
        %swap3A_443 = arith.constant 16 : index
        %swap3A_444 = tpu.vector_load %arg16[%swap3A_441, %swap3A_442, %swap3A_443] {strides = array<i32>} : memref<2x128x128xf32, #tpu.memory_space<vmem>>, vector<16xf32>,
        tpu.vector_store %arg16[%swap3A_441, %swap3A_442, %swap3A_443], %mul3A_440 {strides = array<i32>} : memref<2x128x128xf32, #tpu.memory_space<vmem>>, vector<16xf32>,
        %add3A_445 = arith.constant 0 : i32
        %add3A_446 = arith.addi %add3A_445, %scan3A_420 : i32
        %get3A_447 = arith.index_cast %select_n3A_222 : i32 to index
        %get3A_448 = arith.index_cast %add3A_446 : i32 to index
        %get3A_449 = arith.constant 32 : index
        %get3A_450 = tpu.vector_load %arg16[%get3A_447, %get3A_448, %get3A_449] {strides = array<i32>} : memref<2x128x128xf32, #tpu.memory_space<vmem>>, vector<16xf32>,
        %mul3A_451 = arith.mulf %get3A_450, %gather3A : vector<16xf32>
        %swap3A_452 = arith.index_cast %select_n3A_222 : i32 to index
        %swap3A_453 = arith.index_cast %add3A_446 : i32 to index
        %swap3A_454 = arith.constant 32 : index
        %swap3A_455 = tpu.vector_load %arg16[%swap3A_452, %swap3A_453, %swap3A_454] {strides = array<i32>} : memref<2x128x128xf32, #tpu.memory_space<vmem>>, vector<16xf32>,
        tpu.vector_store %arg16[%swap3A_452, %swap3A_453, %swap3A_454], %mul3A_451 {strides = array<i32>} : memref<2x128x128xf32, #tpu.memory_space<vmem>>, vector<16xf32>,
        %add3A_456 = arith.constant 0 : i32
        %add3A_457 = arith.addi %add3A_456, %scan3A_420 : i32
        %get3A_458 = arith.index_cast %select_n3A_222 : i32 to index
        %get3A_459 = arith.index_cast %add3A_457 : i32 to index
        %get3A_460 = arith.constant 48 : index
        %get3A_461 = tpu.vector_load %arg16[%get3A_458, %get3A_459, %get3A_460] {strides = array<i32>} : memref<2x128x128xf32, #tpu.memory_space<vmem>>, vector<16xf32>,
        %mul3A_462 = arith.mulf %get3A_461, %gather3A : vector<16xf32>
        %swap3A_463 = arith.index_cast %select_n3A_222 : i32 to index
        %swap3A_464 = arith.index_cast %add3A_457 : i32 to index
        %swap3A_465 = arith.constant 48 : index
        %swap3A_466 = tpu.vector_load %arg16[%swap3A_463, %swap3A_464, %swap3A_465] {strides = array<i32>} : memref<2x128x128xf32, #tpu.memory_space<vmem>>, vector<16xf32>,
        tpu.vector_store %arg16[%swap3A_463, %swap3A_464, %swap3A_465], %mul3A_462 {strides = array<i32>} : memref<2x128x128xf32, #tpu.memory_space<vmem>>, vector<16xf32>,
        %add3A_467 = arith.constant 0 : i32
        %add3A_468 = arith.addi %add3A_467, %scan3A_420 : i32
        %get3A_469 = arith.index_cast %select_n3A_222 : i32 to index
        %get3A_470 = arith.index_cast %add3A_468 : i32 to index
        %get3A_471 = arith.constant 64 : index
        %get3A_472 = tpu.vector_load %arg16[%get3A_469, %get3A_470, %get3A_471] {strides = array<i32>} : memref<2x128x128xf32, #tpu.memory_space<vmem>>, vector<16xf32>,
        %mul3A_473 = arith.mulf %get3A_472, %gather3A : vector<16xf32>
        %swap3A_474 = arith.index_cast %select_n3A_222 : i32 to index
        %swap3A_475 = arith.index_cast %add3A_468 : i32 to index
        %swap3A_476 = arith.constant 64 : index
        %swap3A_477 = tpu.vector_load %arg16[%swap3A_474, %swap3A_475, %swap3A_476] {strides = array<i32>} : memref<2x128x128xf32, #tpu.memory_space<vmem>>, vector<16xf32>,
        tpu.vector_store %arg16[%swap3A_474, %swap3A_475, %swap3A_476], %mul3A_473 {strides = array<i32>} : memref<2x128x128xf32, #tpu.memory_space<vmem>>, vector<16xf32>,
        %add3A_478 = arith.constant 0 : i32
        %add3A_479 = arith.addi %add3A_478, %scan3A_420 : i32
        %get3A_480 = arith.index_cast %select_n3A_222 : i32 to index
        %get3A_481 = arith.index_cast %add3A_479 : i32 to index
        %get3A_482 = arith.constant 80 : index
        %get3A_483 = tpu.vector_load %arg16[%get3A_480, %get3A_481, %get3A_482] {strides = array<i32>} : memref<2x128x128xf32, #tpu.memory_space<vmem>>, vector<16xf32>,
        %mul3A_484 = arith.mulf %get3A_483, %gather3A : vector<16xf32>
        %swap3A_485 = arith.index_cast %select_n3A_222 : i32 to index
        %swap3A_486 = arith.index_cast %add3A_479 : i32 to index
        %swap3A_487 = arith.constant 80 : index
        %swap3A_488 = tpu.vector_load %arg16[%swap3A_485, %swap3A_486, %swap3A_487] {strides = array<i32>} : memref<2x128x128xf32, #tpu.memory_space<vmem>>, vector<16xf32>,
        tpu.vector_store %arg16[%swap3A_485, %swap3A_486, %swap3A_487], %mul3A_484 {strides = array<i32>} : memref<2x128x128xf32, #tpu.memory_space<vmem>>, vector<16xf32>,
        %add3A_489 = arith.constant 0 : i32
        %add3A_490 = arith.addi %add3A_489, %scan3A_420 : i32
        %get3A_491 = arith.index_cast %select_n3A_222 : i32 to index
        %get3A_492 = arith.index_cast %add3A_490 : i32 to index
        %get3A_493 = arith.constant 96 : index
        %get3A_494 = tpu.vector_load %arg16[%get3A_491, %get3A_492, %get3A_493] {strides = array<i32>} : memref<2x128x128xf32, #tpu.memory_space<vmem>>, vector<16xf32>,
        %mul3A_495 = arith.mulf %get3A_494, %gather3A : vector<16xf32>
        %swap3A_496 = arith.index_cast %select_n3A_222 : i32 to index
        %swap3A_497 = arith.index_cast %add3A_490 : i32 to index
        %swap3A_498 = arith.constant 96 : index
        %swap3A_499 = tpu.vector_load %arg16[%swap3A_496, %swap3A_497, %swap3A_498] {strides = array<i32>} : memref<2x128x128xf32, #tpu.memory_space<vmem>>, vector<16xf32>,
        tpu.vector_store %arg16[%swap3A_496, %swap3A_497, %swap3A_498], %mul3A_495 {strides = array<i32>} : memref<2x128x128xf32, #tpu.memory_space<vmem>>, vector<16xf32>,
        %add3A_500 = arith.constant 0 : i32
        %add3A_501 = arith.addi %add3A_500, %scan3A_420 : i32
        %get3A_502 = arith.index_cast %select_n3A_222 : i32 to index
        %get3A_503 = arith.index_cast %add3A_501 : i32 to index
        %get3A_504 = arith.constant 112 : index
        %get3A_505 = tpu.vector_load %arg16[%get3A_502, %get3A_503, %get3A_504] {strides = array<i32>} : memref<2x128x128xf32, #tpu.memory_space<vmem>>, vector<16xf32>,
        %mul3A_506 = arith.mulf %get3A_505, %gather3A : vector<16xf32>
        %swap3A_507 = arith.index_cast %select_n3A_222 : i32 to index
        %swap3A_508 = arith.index_cast %add3A_501 : i32 to index
        %swap3A_509 = arith.constant 112 : index
        %swap3A_510 = tpu.vector_load %arg16[%swap3A_507, %swap3A_508, %swap3A_509] {strides = array<i32>} : memref<2x128x128xf32, #tpu.memory_space<vmem>>, vector<16xf32>,
        tpu.vector_store %arg16[%swap3A_507, %swap3A_508, %swap3A_509], %mul3A_506 {strides = array<i32>} : memref<2x128x128xf32, #tpu.memory_space<vmem>>, vector<16xf32>,
        %add3A_511 = arith.constant 16 : i32
        %add3A_512 = arith.addi %add3A_511, %scan3A_420 : i32
        %get3A_513 = arith.index_cast %select_n3A_222 : i32 to index
        %get3A_514 = arith.index_cast %add3A_512 : i32 to index
        %get3A_515 = arith.constant 0 : index
        %get3A_516 = tpu.vector_load %arg16[%get3A_513, %get3A_514, %get3A_515] {strides = array<i32>} : memref<2x128x128xf32, #tpu.memory_space<vmem>>, vector<16xf32>,
        %mul3A_517 = arith.mulf %get3A_516, %gather3A : vector<16xf32>
        %swap3A_518 = arith.index_cast %select_n3A_222 : i32 to index
        %swap3A_519 = arith.index_cast %add3A_512 : i32 to index
        %swap3A_520 = arith.constant 0 : index
        %swap3A_521 = tpu.vector_load %arg16[%swap3A_518, %swap3A_519, %swap3A_520] {strides = array<i32>} : memref<2x128x128xf32, #tpu.memory_space<vmem>>, vector<16xf32>,
        tpu.vector_store %arg16[%swap3A_518, %swap3A_519, %swap3A_520], %mul3A_517 {strides = array<i32>} : memref<2x128x128xf32, #tpu.memory_space<vmem>>, vector<16xf32>,
        %add3A_522 = arith.constant 16 : i32
        %add3A_523 = arith.addi %add3A_522, %scan3A_420 : i32
        %get3A_524 = arith.index_cast %select_n3A_222 : i32 to index
        %get3A_525 = arith.index_cast %add3A_523 : i32 to index
        %get3A_526 = arith.constant 16 : index
        %get3A_527 = tpu.vector_load %arg16[%get3A_524, %get3A_525, %get3A_526] {strides = array<i32>} : memref<2x128x128xf32, #tpu.memory_space<vmem>>, vector<16xf32>,
        %mul3A_528 = arith.mulf %get3A_527, %gather3A : vector<16xf32>
        %swap3A_529 = arith.index_cast %select_n3A_222 : i32 to index
        %swap3A_530 = arith.index_cast %add3A_523 : i32 to index
        %swap3A_531 = arith.constant 16 : index
        %swap3A_532 = tpu.vector_load %arg16[%swap3A_529, %swap3A_530, %swap3A_531] {strides = array<i32>} : memref<2x128x128xf32, #tpu.memory_space<vmem>>, vector<16xf32>,
        tpu.vector_store %arg16[%swap3A_529, %swap3A_530, %swap3A_531], %mul3A_528 {strides = array<i32>} : memref<2x128x128xf32, #tpu.memory_space<vmem>>, vector<16xf32>,
        %add3A_533 = arith.constant 16 : i32
        %add3A_534 = arith.addi %add3A_533, %scan3A_420 : i32
        %get3A_535 = arith.index_cast %select_n3A_222 : i32 to index
        %get3A_536 = arith.index_cast %add3A_534 : i32 to index
        %get3A_537 = arith.constant 32 : index
        %get3A_538 = tpu.vector_load %arg16[%get3A_535, %get3A_536, %get3A_537] {strides = array<i32>} : memref<2x128x128xf32, #tpu.memory_space<vmem>>, vector<16xf32>,
        %mul3A_539 = arith.mulf %get3A_538, %gather3A : vector<16xf32>
        %swap3A_540 = arith.index_cast %select_n3A_222 : i32 to index
        %swap3A_541 = arith.index_cast %add3A_534 : i32 to index
        %swap3A_542 = arith.constant 32 : index
        %swap3A_543 = tpu.vector_load %arg16[%swap3A_540, %swap3A_541, %swap3A_542] {strides = array<i32>} : memref<2x128x128xf32, #tpu.memory_space<vmem>>, vector<16xf32>,
        tpu.vector_store %arg16[%swap3A_540, %swap3A_541, %swap3A_542], %mul3A_539 {strides = array<i32>} : memref<2x128x128xf32, #tpu.memory_space<vmem>>, vector<16xf32>,
        %add3A_544 = arith.constant 16 : i32
        %add3A_545 = arith.addi %add3A_544, %scan3A_420 : i32
        %get3A_546 = arith.index_cast %select_n3A_222 : i32 to index
        %get3A_547 = arith.index_cast %add3A_545 : i32 to index
        %get3A_548 = arith.constant 48 : index
        %get3A_549 = tpu.vector_load %arg16[%get3A_546, %get3A_547, %get3A_548] {strides = array<i32>} : memref<2x128x128xf32, #tpu.memory_space<vmem>>, vector<16xf32>,
        %mul3A_550 = arith.mulf %get3A_549, %gather3A : vector<16xf32>
        %swap3A_551 = arith.index_cast %select_n3A_222 : i32 to index
        %swap3A_552 = arith.index_cast %add3A_545 : i32 to index
        %swap3A_553 = arith.constant 48 : index
        %swap3A_554 = tpu.vector_load %arg16[%swap3A_551, %swap3A_552, %swap3A_553] {strides = array<i32>} : memref<2x128x128xf32, #tpu.memory_space<vmem>>, vector<16xf32>,
        tpu.vector_store %arg16[%swap3A_551, %swap3A_552, %swap3A_553], %mul3A_550 {strides = array<i32>} : memref<2x128x128xf32, #tpu.memory_space<vmem>>, vector<16xf32>,
        %add3A_555 = arith.constant 16 : i32
        %add3A_556 = arith.addi %add3A_555, %scan3A_420 : i32
        %get3A_557 = arith.index_cast %select_n3A_222 : i32 to index
        %get3A_558 = arith.index_cast %add3A_556 : i32 to index
        %get3A_559 = arith.constant 64 : index
        %get3A_560 = tpu.vector_load %arg16[%get3A_557, %get3A_558, %get3A_559] {strides = array<i32>} : memref<2x128x128xf32, #tpu.memory_space<vmem>>, vector<16xf32>,
        %mul3A_561 = arith.mulf %get3A_560, %gather3A : vector<16xf32>
        %swap3A_562 = arith.index_cast %select_n3A_222 : i32 to index
        %swap3A_563 = arith.index_cast %add3A_556 : i32 to index
        %swap3A_564 = arith.constant 64 : index
        %swap3A_565 = tpu.vector_load %arg16[%swap3A_562, %swap3A_563, %swap3A_564] {strides = array<i32>} : memref<2x128x128xf32, #tpu.memory_space<vmem>>, vector<16xf32>,
        tpu.vector_store %arg16[%swap3A_562, %swap3A_563, %swap3A_564], %mul3A_561 {strides = array<i32>} : memref<2x128x128xf32, #tpu.memory_space<vmem>>, vector<16xf32>,
        %add3A_566 = arith.constant 16 : i32
        %add3A_567 = arith.addi %add3A_566, %scan3A_420 : i32
        %get3A_568 = arith.index_cast %select_n3A_222 : i32 to index
        %get3A_569 = arith.index_cast %add3A_567 : i32 to index
        %get3A_570 = arith.constant 80 : index
        %get3A_571 = tpu.vector_load %arg16[%get3A_568, %get3A_569, %get3A_570] {strides = array<i32>} : memref<2x128x128xf32, #tpu.memory_space<vmem>>, vector<16xf32>,
        %mul3A_572 = arith.mulf %get3A_571, %gather3A : vector<16xf32>
        %swap3A_573 = arith.index_cast %select_n3A_222 : i32 to index
        %swap3A_574 = arith.index_cast %add3A_567 : i32 to index
        %swap3A_575 = arith.constant 80 : index
        %swap3A_576 = tpu.vector_load %arg16[%swap3A_573, %swap3A_574, %swap3A_575] {strides = array<i32>} : memref<2x128x128xf32, #tpu.memory_space<vmem>>, vector<16xf32>,
        tpu.vector_store %arg16[%swap3A_573, %swap3A_574, %swap3A_575], %mul3A_572 {strides = array<i32>} : memref<2x128x128xf32, #tpu.memory_space<vmem>>, vector<16xf32>,
        %add3A_577 = arith.constant 16 : i32
        %add3A_578 = arith.addi %add3A_577, %scan3A_420 : i32
        %get3A_579 = arith.index_cast %select_n3A_222 : i32 to index
        %get3A_580 = arith.index_cast %add3A_578 : i32 to index
        %get3A_581 = arith.constant 96 : index
        %get3A_582 = tpu.vector_load %arg16[%get3A_579, %get3A_580, %get3A_581] {strides = array<i32>} : memref<2x128x128xf32, #tpu.memory_space<vmem>>, vector<16xf32>,
        %mul3A_583 = arith.mulf %get3A_582, %gather3A : vector<16xf32>
        %swap3A_584 = arith.index_cast %select_n3A_222 : i32 to index
        %swap3A_585 = arith.index_cast %add3A_578 : i32 to index
        %swap3A_586 = arith.constant 96 : index
        %swap3A_587 = tpu.vector_load %arg16[%swap3A_584, %swap3A_585, %swap3A_586] {strides = array<i32>} : memref<2x128x128xf32, #tpu.memory_space<vmem>>, vector<16xf32>,
        tpu.vector_store %arg16[%swap3A_584, %swap3A_585, %swap3A_586], %mul3A_583 {strides = array<i32>} : memref<2x128x128xf32, #tpu.memory_space<vmem>>, vector<16xf32>,
        %add3A_588 = arith.constant 16 : i32
        %add3A_589 = arith.addi %add3A_588, %scan3A_420 : i32
        %get3A_590 = arith.index_cast %select_n3A_222 : i32 to index
        %get3A_591 = arith.index_cast %add3A_589 : i32 to index
        %get3A_592 = arith.constant 112 : index
        %get3A_593 = tpu.vector_load %arg16[%get3A_590, %get3A_591, %get3A_592] {strides = array<i32>} : memref<2x128x128xf32, #tpu.memory_space<vmem>>, vector<16xf32>,
        %mul3A_594 = arith.mulf %get3A_593, %gather3A : vector<16xf32>
        %swap3A_595 = arith.index_cast %select_n3A_222 : i32 to index
        %swap3A_596 = arith.index_cast %add3A_589 : i32 to index
        %swap3A_597 = arith.constant 112 : index
        %swap3A_598 = tpu.vector_load %arg16[%swap3A_595, %swap3A_596, %swap3A_597] {strides = array<i32>} : memref<2x128x128xf32, #tpu.memory_space<vmem>>, vector<16xf32>,
        tpu.vector_store %arg16[%swap3A_595, %swap3A_596, %swap3A_597], %mul3A_594 {strides = array<i32>} : memref<2x128x128xf32, #tpu.memory_space<vmem>>, vector<16xf32>,
        %add3A_599 = arith.constant 32 : i32
        %add3A_600 = arith.addi %add3A_599, %scan3A_420 : i32
        %get3A_601 = arith.index_cast %select_n3A_222 : i32 to index
        %get3A_602 = arith.index_cast %add3A_600 : i32 to index
        %get3A_603 = arith.constant 0 : index
        %get3A_604 = tpu.vector_load %arg16[%get3A_601, %get3A_602, %get3A_603] {strides = array<i32>} : memref<2x128x128xf32, #tpu.memory_space<vmem>>, vector<16xf32>,
        %mul3A_605 = arith.mulf %get3A_604, %gather3A : vector<16xf32>
        %swap3A_606 = arith.index_cast %select_n3A_222 : i32 to index
        %swap3A_607 = arith.index_cast %add3A_600 : i32 to index
        %swap3A_608 = arith.constant 0 : index
        %swap3A_609 = tpu.vector_load %arg16[%swap3A_606, %swap3A_607, %swap3A_608] {strides = array<i32>} : memref<2x128x128xf32, #tpu.memory_space<vmem>>, vector<16xf32>,
        tpu.vector_store %arg16[%swap3A_606, %swap3A_607, %swap3A_608], %mul3A_605 {strides = array<i32>} : memref<2x128x128xf32, #tpu.memory_space<vmem>>, vector<16xf32>,
        %add3A_610 = arith.constant 32 : i32
        %add3A_611 = arith.addi %add3A_610, %scan3A_420 : i32
        %get3A_612 = arith.index_cast %select_n3A_222 : i32 to index
        %get3A_613 = arith.index_cast %add3A_611 : i32 to index
        %get3A_614 = arith.constant 16 : index
        %get3A_615 = tpu.vector_load %arg16[%get3A_612, %get3A_613, %get3A_614] {strides = array<i32>} : memref<2x128x128xf32, #tpu.memory_space<vmem>>, vector<16xf32>,
        %mul3A_616 = arith.mulf %get3A_615, %gather3A : vector<16xf32>
        %swap3A_617 = arith.index_cast %select_n3A_222 : i32 to index
        %swap3A_618 = arith.index_cast %add3A_611 : i32 to index
        %swap3A_619 = arith.constant 16 : index
        %swap3A_620 = tpu.vector_load %arg16[%swap3A_617, %swap3A_618, %swap3A_619] {strides = array<i32>} : memref<2x128x128xf32, #tpu.memory_space<vmem>>, vector<16xf32>,
        tpu.vector_store %arg16[%swap3A_617, %swap3A_618, %swap3A_619], %mul3A_616 {strides = array<i32>} : memref<2x128x128xf32, #tpu.memory_space<vmem>>, vector<16xf32>,
        %add3A_621 = arith.constant 32 : i32
        %add3A_622 = arith.addi %add3A_621, %scan3A_420 : i32
        %get3A_623 = arith.index_cast %select_n3A_222 : i32 to index
        %get3A_624 = arith.index_cast %add3A_622 : i32 to index
        %get3A_625 = arith.constant 32 : index
        %get3A_626 = tpu.vector_load %arg16[%get3A_623, %get3A_624, %get3A_625] {strides = array<i32>} : memref<2x128x128xf32, #tpu.memory_space<vmem>>, vector<16xf32>,
        %mul3A_627 = arith.mulf %get3A_626, %gather3A : vector<16xf32>
        %swap3A_628 = arith.index_cast %select_n3A_222 : i32 to index
        %swap3A_629 = arith.index_cast %add3A_622 : i32 to index
        %swap3A_630 = arith.constant 32 : index
        %swap3A_631 = tpu.vector_load %arg16[%swap3A_628, %swap3A_629, %swap3A_630] {strides = array<i32>} : memref<2x128x128xf32, #tpu.memory_space<vmem>>, vector<16xf32>,
        tpu.vector_store %arg16[%swap3A_628, %swap3A_629, %swap3A_630], %mul3A_627 {strides = array<i32>} : memref<2x128x128xf32, #tpu.memory_space<vmem>>, vector<16xf32>,
        %add3A_632 = arith.constant 32 : i32
        %add3A_633 = arith.addi %add3A_632, %scan3A_420 : i32
        %get3A_634 = arith.index_cast %select_n3A_222 : i32 to index
        %get3A_635 = arith.index_cast %add3A_633 : i32 to index
        %get3A_636 = arith.constant 48 : index
        %get3A_637 = tpu.vector_load %arg16[%get3A_634, %get3A_635, %get3A_636] {strides = array<i32>} : memref<2x128x128xf32, #tpu.memory_space<vmem>>, vector<16xf32>,
        %mul3A_638 = arith.mulf %get3A_637, %gather3A : vector<16xf32>
        %swap3A_639 = arith.index_cast %select_n3A_222 : i32 to index
        %swap3A_640 = arith.index_cast %add3A_633 : i32 to index
        %swap3A_641 = arith.constant 48 : index
        %swap3A_642 = tpu.vector_load %arg16[%swap3A_639, %swap3A_640, %swap3A_641] {strides = array<i32>} : memref<2x128x128xf32, #tpu.memory_space<vmem>>, vector<16xf32>,
        tpu.vector_store %arg16[%swap3A_639, %swap3A_640, %swap3A_641], %mul3A_638 {strides = array<i32>} : memref<2x128x128xf32, #tpu.memory_space<vmem>>, vector<16xf32>,
        %add3A_643 = arith.constant 32 : i32
        %add3A_644 = arith.addi %add3A_643, %scan3A_420 : i32
        %get3A_645 = arith.index_cast %select_n3A_222 : i32 to index
        %get3A_646 = arith.index_cast %add3A_644 : i32 to index
        %get3A_647 = arith.constant 64 : index
        %get3A_648 = tpu.vector_load %arg16[%get3A_645, %get3A_646, %get3A_647] {strides = array<i32>} : memref<2x128x128xf32, #tpu.memory_space<vmem>>, vector<16xf32>,
        %mul3A_649 = arith.mulf %get3A_648, %gather3A : vector<16xf32>
        %swap3A_650 = arith.index_cast %select_n3A_222 : i32 to index
        %swap3A_651 = arith.index_cast %add3A_644 : i32 to index
        %swap3A_652 = arith.constant 64 : index
        %swap3A_653 = tpu.vector_load %arg16[%swap3A_650, %swap3A_651, %swap3A_652] {strides = array<i32>} : memref<2x128x128xf32, #tpu.memory_space<vmem>>, vector<16xf32>,
        tpu.vector_store %arg16[%swap3A_650, %swap3A_651, %swap3A_652], %mul3A_649 {strides = array<i32>} : memref<2x128x128xf32, #tpu.memory_space<vmem>>, vector<16xf32>,
        %add3A_654 = arith.constant 32 : i32
        %add3A_655 = arith.addi %add3A_654, %scan3A_420 : i32
        %get3A_656 = arith.index_cast %select_n3A_222 : i32 to index
        %get3A_657 = arith.index_cast %add3A_655 : i32 to index
        %get3A_658 = arith.constant 80 : index
        %get3A_659 = tpu.vector_load %arg16[%get3A_656, %get3A_657, %get3A_658] {strides = array<i32>} : memref<2x128x128xf32, #tpu.memory_space<vmem>>, vector<16xf32>,
        %mul3A_660 = arith.mulf %get3A_659, %gather3A : vector<16xf32>
        %swap3A_661 = arith.index_cast %select_n3A_222 : i32 to index
        %swap3A_662 = arith.index_cast %add3A_655 : i32 to index
        %swap3A_663 = arith.constant 80 : index
        %swap3A_664 = tpu.vector_load %arg16[%swap3A_661, %swap3A_662, %swap3A_663] {strides = array<i32>} : memref<2x128x128xf32, #tpu.memory_space<vmem>>, vector<16xf32>,
        tpu.vector_store %arg16[%swap3A_661, %swap3A_662, %swap3A_663], %mul3A_660 {strides = array<i32>} : memref<2x128x128xf32, #tpu.memory_space<vmem>>, vector<16xf32>,
        %add3A_665 = arith.constant 32 : i32
        %add3A_666 = arith.addi %add3A_665, %scan3A_420 : i32
        %get3A_667 = arith.index_cast %select_n3A_222 : i32 to index
        %get3A_668 = arith.index_cast %add3A_666 : i32 to index
        %get3A_669 = arith.constant 96 : index
        %get3A_670 = tpu.vector_load %arg16[%get3A_667, %get3A_668, %get3A_669] {strides = array<i32>} : memref<2x128x128xf32, #tpu.memory_space<vmem>>, vector<16xf32>,
        %mul3A_671 = arith.mulf %get3A_670, %gather3A : vector<16xf32>
        %swap3A_672 = arith.index_cast %select_n3A_222 : i32 to index
        %swap3A_673 = arith.index_cast %add3A_666 : i32 to index
        %swap3A_674 = arith.constant 96 : index
        %swap3A_675 = tpu.vector_load %arg16[%swap3A_672, %swap3A_673, %swap3A_674] {strides = array<i32>} : memref<2x128x128xf32, #tpu.memory_space<vmem>>, vector<16xf32>,
        tpu.vector_store %arg16[%swap3A_672, %swap3A_673, %swap3A_674], %mul3A_671 {strides = array<i32>} : memref<2x128x128xf32, #tpu.memory_space<vmem>>, vector<16xf32>,
        %add3A_676 = arith.constant 32 : i32
        %add3A_677 = arith.addi %add3A_676, %scan3A_420 : i32
        %get3A_678 = arith.index_cast %select_n3A_222 : i32 to index
        %get3A_679 = arith.index_cast %add3A_677 : i32 to index
        %get3A_680 = arith.constant 112 : index
        %get3A_681 = tpu.vector_load %arg16[%get3A_678, %get3A_679, %get3A_680] {strides = array<i32>} : memref<2x128x128xf32, #tpu.memory_space<vmem>>, vector<16xf32>,
        %mul3A_682 = arith.mulf %get3A_681, %gather3A : vector<16xf32>
        %swap3A_683 = arith.index_cast %select_n3A_222 : i32 to index
        %swap3A_684 = arith.index_cast %add3A_677 : i32 to index
        %swap3A_685 = arith.constant 112 : index
        %swap3A_686 = tpu.vector_load %arg16[%swap3A_683, %swap3A_684, %swap3A_685] {strides = array<i32>} : memref<2x128x128xf32, #tpu.memory_space<vmem>>, vector<16xf32>,
        tpu.vector_store %arg16[%swap3A_683, %swap3A_684, %swap3A_685], %mul3A_682 {strides = array<i32>} : memref<2x128x128xf32, #tpu.memory_space<vmem>>, vector<16xf32>,
        %add3A_687 = arith.constant 48 : i32
        %add3A_688 = arith.addi %add3A_687, %scan3A_420 : i32
        %get3A_689 = arith.index_cast %select_n3A_222 : i32 to index
        %get3A_690 = arith.index_cast %add3A_688 : i32 to index
        %get3A_691 = arith.constant 0 : index
        %get3A_692 = tpu.vector_load %arg16[%get3A_689, %get3A_690, %get3A_691] {strides = array<i32>} : memref<2x128x128xf32, #tpu.memory_space<vmem>>, vector<16xf32>,
        %mul3A_693 = arith.mulf %get3A_692, %gather3A : vector<16xf32>
        %swap3A_694 = arith.index_cast %select_n3A_222 : i32 to index
        %swap3A_695 = arith.index_cast %add3A_688 : i32 to index
        %swap3A_696 = arith.constant 0 : index
        %swap3A_697 = tpu.vector_load %arg16[%swap3A_694, %swap3A_695, %swap3A_696] {strides = array<i32>} : memref<2x128x128xf32, #tpu.memory_space<vmem>>, vector<16xf32>,
        tpu.vector_store %arg16[%swap3A_694, %swap3A_695, %swap3A_696], %mul3A_693 {strides = array<i32>} : memref<2x128x128xf32, #tpu.memory_space<vmem>>, vector<16xf32>,
        %add3A_698 = arith.constant 48 : i32
        %add3A_699 = arith.addi %add3A_698, %scan3A_420 : i32
        %get3A_700 = arith.index_cast %select_n3A_222 : i32 to index
        %get3A_701 = arith.index_cast %add3A_699 : i32 to index
        %get3A_702 = arith.constant 16 : index
        %get3A_703 = tpu.vector_load %arg16[%get3A_700, %get3A_701, %get3A_702] {strides = array<i32>} : memref<2x128x128xf32, #tpu.memory_space<vmem>>, vector<16xf32>,
        %mul3A_704 = arith.mulf %get3A_703, %gather3A : vector<16xf32>
        %swap3A_705 = arith.index_cast %select_n3A_222 : i32 to index
        %swap3A_706 = arith.index_cast %add3A_699 : i32 to index
        %swap3A_707 = arith.constant 16 : index
        %swap3A_708 = tpu.vector_load %arg16[%swap3A_705, %swap3A_706, %swap3A_707] {strides = array<i32>} : memref<2x128x128xf32, #tpu.memory_space<vmem>>, vector<16xf32>,
        tpu.vector_store %arg16[%swap3A_705, %swap3A_706, %swap3A_707], %mul3A_704 {strides = array<i32>} : memref<2x128x128xf32, #tpu.memory_space<vmem>>, vector<16xf32>,
        %add3A_709 = arith.constant 48 : i32
        %add3A_710 = arith.addi %add3A_709, %scan3A_420 : i32
        %get3A_711 = arith.index_cast %select_n3A_222 : i32 to index
        %get3A_712 = arith.index_cast %add3A_710 : i32 to index
        %get3A_713 = arith.constant 32 : index
        %get3A_714 = tpu.vector_load %arg16[%get3A_711, %get3A_712, %get3A_713] {strides = array<i32>} : memref<2x128x128xf32, #tpu.memory_space<vmem>>, vector<16xf32>,
        %mul3A_715 = arith.mulf %get3A_714, %gather3A : vector<16xf32>
        %swap3A_716 = arith.index_cast %select_n3A_222 : i32 to index
        %swap3A_717 = arith.index_cast %add3A_710 : i32 to index
        %swap3A_718 = arith.constant 32 : index
        %swap3A_719 = tpu.vector_load %arg16[%swap3A_716, %swap3A_717, %swap3A_718] {strides = array<i32>} : memref<2x128x128xf32, #tpu.memory_space<vmem>>, vector<16xf32>,
        tpu.vector_store %arg16[%swap3A_716, %swap3A_717, %swap3A_718], %mul3A_715 {strides = array<i32>} : memref<2x128x128xf32, #tpu.memory_space<vmem>>, vector<16xf32>,
        %add3A_720 = arith.constant 48 : i32
        %add3A_721 = arith.addi %add3A_720, %scan3A_420 : i32
        %get3A_722 = arith.index_cast %select_n3A_222 : i32 to index
        %get3A_723 = arith.index_cast %add3A_721 : i32 to index
        %get3A_724 = arith.constant 48 : index
        %get3A_725 = tpu.vector_load %arg16[%get3A_722, %get3A_723, %get3A_724] {strides = array<i32>} : memref<2x128x128xf32, #tpu.memory_space<vmem>>, vector<16xf32>,
        %mul3A_726 = arith.mulf %get3A_725, %gather3A : vector<16xf32>
        %swap3A_727 = arith.index_cast %select_n3A_222 : i32 to index
        %swap3A_728 = arith.index_cast %add3A_721 : i32 to index
        %swap3A_729 = arith.constant 48 : index
        %swap3A_730 = tpu.vector_load %arg16[%swap3A_727, %swap3A_728, %swap3A_729] {strides = array<i32>} : memref<2x128x128xf32, #tpu.memory_space<vmem>>, vector<16xf32>,
        tpu.vector_store %arg16[%swap3A_727, %swap3A_728, %swap3A_729], %mul3A_726 {strides = array<i32>} : memref<2x128x128xf32, #tpu.memory_space<vmem>>, vector<16xf32>,
        %add3A_731 = arith.constant 48 : i32
        %add3A_732 = arith.addi %add3A_731, %scan3A_420 : i32
        %get3A_733 = arith.index_cast %select_n3A_222 : i32 to index
        %get3A_734 = arith.index_cast %add3A_732 : i32 to index
        %get3A_735 = arith.constant 64 : index
        %get3A_736 = tpu.vector_load %arg16[%get3A_733, %get3A_734, %get3A_735] {strides = array<i32>} : memref<2x128x128xf32, #tpu.memory_space<vmem>>, vector<16xf32>,
        %mul3A_737 = arith.mulf %get3A_736, %gather3A : vector<16xf32>
        %swap3A_738 = arith.index_cast %select_n3A_222 : i32 to index
        %swap3A_739 = arith.index_cast %add3A_732 : i32 to index
        %swap3A_740 = arith.constant 64 : index
        %swap3A_741 = tpu.vector_load %arg16[%swap3A_738, %swap3A_739, %swap3A_740] {strides = array<i32>} : memref<2x128x128xf32, #tpu.memory_space<vmem>>, vector<16xf32>,
        tpu.vector_store %arg16[%swap3A_738, %swap3A_739, %swap3A_740], %mul3A_737 {strides = array<i32>} : memref<2x128x128xf32, #tpu.memory_space<vmem>>, vector<16xf32>,
        %add3A_742 = arith.constant 48 : i32
        %add3A_743 = arith.addi %add3A_742, %scan3A_420 : i32
        %get3A_744 = arith.index_cast %select_n3A_222 : i32 to index
        %get3A_745 = arith.index_cast %add3A_743 : i32 to index
        %get3A_746 = arith.constant 80 : index
        %get3A_747 = tpu.vector_load %arg16[%get3A_744, %get3A_745, %get3A_746] {strides = array<i32>} : memref<2x128x128xf32, #tpu.memory_space<vmem>>, vector<16xf32>,
        %mul3A_748 = arith.mulf %get3A_747, %gather3A : vector<16xf32>
        %swap3A_749 = arith.index_cast %select_n3A_222 : i32 to index
        %swap3A_750 = arith.index_cast %add3A_743 : i32 to index
        %swap3A_751 = arith.constant 80 : index
        %swap3A_752 = tpu.vector_load %arg16[%swap3A_749, %swap3A_750, %swap3A_751] {strides = array<i32>} : memref<2x128x128xf32, #tpu.memory_space<vmem>>, vector<16xf32>,
        tpu.vector_store %arg16[%swap3A_749, %swap3A_750, %swap3A_751], %mul3A_748 {strides = array<i32>} : memref<2x128x128xf32, #tpu.memory_space<vmem>>, vector<16xf32>,
        %add3A_753 = arith.constant 48 : i32
        %add3A_754 = arith.addi %add3A_753, %scan3A_420 : i32
        %get3A_755 = arith.index_cast %select_n3A_222 : i32 to index
        %get3A_756 = arith.index_cast %add3A_754 : i32 to index
        %get3A_757 = arith.constant 96 : index
        %get3A_758 = tpu.vector_load %arg16[%get3A_755, %get3A_756, %get3A_757] {strides = array<i32>} : memref<2x128x128xf32, #tpu.memory_space<vmem>>, vector<16xf32>,
        %mul3A_759 = arith.mulf %get3A_758, %gather3A : vector<16xf32>
        %swap3A_760 = arith.index_cast %select_n3A_222 : i32 to index
        %swap3A_761 = arith.index_cast %add3A_754 : i32 to index
        %swap3A_762 = arith.constant 96 : index
        %swap3A_763 = tpu.vector_load %arg16[%swap3A_760, %swap3A_761, %swap3A_762] {strides = array<i32>} : memref<2x128x128xf32, #tpu.memory_space<vmem>>, vector<16xf32>,
        tpu.vector_store %arg16[%swap3A_760, %swap3A_761, %swap3A_762], %mul3A_759 {strides = array<i32>} : memref<2x128x128xf32, #tpu.memory_space<vmem>>, vector<16xf32>,
        %add3A_764 = arith.constant 48 : i32
        %add3A_765 = arith.addi %add3A_764, %scan3A_420 : i32
        %get3A_766 = arith.index_cast %select_n3A_222 : i32 to index
        %get3A_767 = arith.index_cast %add3A_765 : i32 to index
        %get3A_768 = arith.constant 112 : index
        %get3A_769 = tpu.vector_load %arg16[%get3A_766, %get3A_767, %get3A_768] {strides = array<i32>} : memref<2x128x128xf32, #tpu.memory_space<vmem>>, vector<16xf32>,
        %mul3A_770 = arith.mulf %get3A_769, %gather3A : vector<16xf32>
        %swap3A_771 = arith.index_cast %select_n3A_222 : i32 to index
        %swap3A_772 = arith.index_cast %add3A_765 : i32 to index
        %swap3A_773 = arith.constant 112 : index
        %swap3A_774 = tpu.vector_load %arg16[%swap3A_771, %swap3A_772, %swap3A_773] {strides = array<i32>} : memref<2x128x128xf32, #tpu.memory_space<vmem>>, vector<16xf32>,
        tpu.vector_store %arg16[%swap3A_771, %swap3A_772, %swap3A_773], %mul3A_770 {strides = array<i32>} : memref<2x128x128xf32, #tpu.memory_space<vmem>>, vector<16xf32>,
        %add3A_775 = arith.constant 64 : i32
        %add3A_776 = arith.addi %add3A_775, %scan3A_420 : i32
        %get3A_777 = arith.index_cast %select_n3A_222 : i32 to index
        %get3A_778 = arith.index_cast %add3A_776 : i32 to index
        %get3A_779 = arith.constant 0 : index
        %get3A_780 = tpu.vector_load %arg16[%get3A_777, %get3A_778, %get3A_779] {strides = array<i32>} : memref<2x128x128xf32, #tpu.memory_space<vmem>>, vector<16xf32>,
        %mul3A_781 = arith.mulf %get3A_780, %gather3A : vector<16xf32>
        %swap3A_782 = arith.index_cast %select_n3A_222 : i32 to index
        %swap3A_783 = arith.index_cast %add3A_776 : i32 to index
        %swap3A_784 = arith.constant 0 : index
        %swap3A_785 = tpu.vector_load %arg16[%swap3A_782, %swap3A_783, %swap3A_784] {strides = array<i32>} : memref<2x128x128xf32, #tpu.memory_space<vmem>>, vector<16xf32>,
        tpu.vector_store %arg16[%swap3A_782, %swap3A_783, %swap3A_784], %mul3A_781 {strides = array<i32>} : memref<2x128x128xf32, #tpu.memory_space<vmem>>, vector<16xf32>,
        %add3A_786 = arith.constant 64 : i32
        %add3A_787 = arith.addi %add3A_786, %scan3A_420 : i32
        %get3A_788 = arith.index_cast %select_n3A_222 : i32 to index
        %get3A_789 = arith.index_cast %add3A_787 : i32 to index
        %get3A_790 = arith.constant 16 : index
        %get3A_791 = tpu.vector_load %arg16[%get3A_788, %get3A_789, %get3A_790] {strides = array<i32>} : memref<2x128x128xf32, #tpu.memory_space<vmem>>, vector<16xf32>,
        %mul3A_792 = arith.mulf %get3A_791, %gather3A : vector<16xf32>
        %swap3A_793 = arith.index_cast %select_n3A_222 : i32 to index
        %swap3A_794 = arith.index_cast %add3A_787 : i32 to index
        %swap3A_795 = arith.constant 16 : index
        %swap3A_796 = tpu.vector_load %arg16[%swap3A_793, %swap3A_794, %swap3A_795] {strides = array<i32>} : memref<2x128x128xf32, #tpu.memory_space<vmem>>, vector<16xf32>,
        tpu.vector_store %arg16[%swap3A_793, %swap3A_794, %swap3A_795], %mul3A_792 {strides = array<i32>} : memref<2x128x128xf32, #tpu.memory_space<vmem>>, vector<16xf32>,
        %add3A_797 = arith.constant 64 : i32
        %add3A_798 = arith.addi %add3A_797, %scan3A_420 : i32
        %get3A_799 = arith.index_cast %select_n3A_222 : i32 to index
        %get3A_800 = arith.index_cast %add3A_798 : i32 to index
        %get3A_801 = arith.constant 32 : index
        %get3A_802 = tpu.vector_load %arg16[%get3A_799, %get3A_800, %get3A_801] {strides = array<i32>} : memref<2x128x128xf32, #tpu.memory_space<vmem>>, vector<16xf32>,
        %mul3A_803 = arith.mulf %get3A_802, %gather3A : vector<16xf32>
        %swap3A_804 = arith.index_cast %select_n3A_222 : i32 to index
        %swap3A_805 = arith.index_cast %add3A_798 : i32 to index
        %swap3A_806 = arith.constant 32 : index
        %swap3A_807 = tpu.vector_load %arg16[%swap3A_804, %swap3A_805, %swap3A_806] {strides = array<i32>} : memref<2x128x128xf32, #tpu.memory_space<vmem>>, vector<16xf32>,
        tpu.vector_store %arg16[%swap3A_804, %swap3A_805, %swap3A_806], %mul3A_803 {strides = array<i32>} : memref<2x128x128xf32, #tpu.memory_space<vmem>>, vector<16xf32>,
        %add3A_808 = arith.constant 64 : i32
        %add3A_809 = arith.addi %add3A_808, %scan3A_420 : i32
        %get3A_810 = arith.index_cast %select_n3A_222 : i32 to index
        %get3A_811 = arith.index_cast %add3A_809 : i32 to index
        %get3A_812 = arith.constant 48 : index
        %get3A_813 = tpu.vector_load %arg16[%get3A_810, %get3A_811, %get3A_812] {strides = array<i32>} : memref<2x128x128xf32, #tpu.memory_space<vmem>>, vector<16xf32>,
        %mul3A_814 = arith.mulf %get3A_813, %gather3A : vector<16xf32>
        %swap3A_815 = arith.index_cast %select_n3A_222 : i32 to index
        %swap3A_816 = arith.index_cast %add3A_809 : i32 to index
        %swap3A_817 = arith.constant 48 : index
        %swap3A_818 = tpu.vector_load %arg16[%swap3A_815, %swap3A_816, %swap3A_817] {strides = array<i32>} : memref<2x128x128xf32, #tpu.memory_space<vmem>>, vector<16xf32>,
        tpu.vector_store %arg16[%swap3A_815, %swap3A_816, %swap3A_817], %mul3A_814 {strides = array<i32>} : memref<2x128x128xf32, #tpu.memory_space<vmem>>, vector<16xf32>,
        %add3A_819 = arith.constant 64 : i32
        %add3A_820 = arith.addi %add3A_819, %scan3A_420 : i32
        %get3A_821 = arith.index_cast %select_n3A_222 : i32 to index
        %get3A_822 = arith.index_cast %add3A_820 : i32 to index
        %get3A_823 = arith.constant 64 : index
        %get3A_824 = tpu.vector_load %arg16[%get3A_821, %get3A_822, %get3A_823] {strides = array<i32>} : memref<2x128x128xf32, #tpu.memory_space<vmem>>, vector<16xf32>,
        %mul3A_825 = arith.mulf %get3A_824, %gather3A : vector<16xf32>
        %swap3A_826 = arith.index_cast %select_n3A_222 : i32 to index
        %swap3A_827 = arith.index_cast %add3A_820 : i32 to index
        %swap3A_828 = arith.constant 64 : index
        %swap3A_829 = tpu.vector_load %arg16[%swap3A_826, %swap3A_827, %swap3A_828] {strides = array<i32>} : memref<2x128x128xf32, #tpu.memory_space<vmem>>, vector<16xf32>,
        tpu.vector_store %arg16[%swap3A_826, %swap3A_827, %swap3A_828], %mul3A_825 {strides = array<i32>} : memref<2x128x128xf32, #tpu.memory_space<vmem>>, vector<16xf32>,
        %add3A_830 = arith.constant 64 : i32
        %add3A_831 = arith.addi %add3A_830, %scan3A_420 : i32
        %get3A_832 = arith.index_cast %select_n3A_222 : i32 to index
        %get3A_833 = arith.index_cast %add3A_831 : i32 to index
        %get3A_834 = arith.constant 80 : index
        %get3A_835 = tpu.vector_load %arg16[%get3A_832, %get3A_833, %get3A_834] {strides = array<i32>} : memref<2x128x128xf32, #tpu.memory_space<vmem>>, vector<16xf32>,
        %mul3A_836 = arith.mulf %get3A_835, %gather3A : vector<16xf32>
        %swap3A_837 = arith.index_cast %select_n3A_222 : i32 to index
        %swap3A_838 = arith.index_cast %add3A_831 : i32 to index
        %swap3A_839 = arith.constant 80 : index
        %swap3A_840 = tpu.vector_load %arg16[%swap3A_837, %swap3A_838, %swap3A_839] {strides = array<i32>} : memref<2x128x128xf32, #tpu.memory_space<vmem>>, vector<16xf32>,
        tpu.vector_store %arg16[%swap3A_837, %swap3A_838, %swap3A_839], %mul3A_836 {strides = array<i32>} : memref<2x128x128xf32, #tpu.memory_space<vmem>>, vector<16xf32>,
        %add3A_841 = arith.constant 64 : i32
        %add3A_842 = arith.addi %add3A_841, %scan3A_420 : i32
        %get3A_843 = arith.index_cast %select_n3A_222 : i32 to index
        %get3A_844 = arith.index_cast %add3A_842 : i32 to index
        %get3A_845 = arith.constant 96 : index
        %get3A_846 = tpu.vector_load %arg16[%get3A_843, %get3A_844, %get3A_845] {strides = array<i32>} : memref<2x128x128xf32, #tpu.memory_space<vmem>>, vector<16xf32>,
        %mul3A_847 = arith.mulf %get3A_846, %gather3A : vector<16xf32>
        %swap3A_848 = arith.index_cast %select_n3A_222 : i32 to index
        %swap3A_849 = arith.index_cast %add3A_842 : i32 to index
        %swap3A_850 = arith.constant 96 : index
        %swap3A_851 = tpu.vector_load %arg16[%swap3A_848, %swap3A_849, %swap3A_850] {strides = array<i32>} : memref<2x128x128xf32, #tpu.memory_space<vmem>>, vector<16xf32>,
        tpu.vector_store %arg16[%swap3A_848, %swap3A_849, %swap3A_850], %mul3A_847 {strides = array<i32>} : memref<2x128x128xf32, #tpu.memory_space<vmem>>, vector<16xf32>,
        %add3A_852 = arith.constant 64 : i32
        %add3A_853 = arith.addi %add3A_852, %scan3A_420 : i32
        %get3A_854 = arith.index_cast %select_n3A_222 : i32 to index
        %get3A_855 = arith.index_cast %add3A_853 : i32 to index
        %get3A_856 = arith.constant 112 : index
        %get3A_857 = tpu.vector_load %arg16[%get3A_854, %get3A_855, %get3A_856] {strides = array<i32>} : memref<2x128x128xf32, #tpu.memory_space<vmem>>, vector<16xf32>,
        %mul3A_858 = arith.mulf %get3A_857, %gather3A : vector<16xf32>
        %swap3A_859 = arith.index_cast %select_n3A_222 : i32 to index
        %swap3A_860 = arith.index_cast %add3A_853 : i32 to index
        %swap3A_861 = arith.constant 112 : index
        %swap3A_862 = tpu.vector_load %arg16[%swap3A_859, %swap3A_860, %swap3A_861] {strides = array<i32>} : memref<2x128x128xf32, #tpu.memory_space<vmem>>, vector<16xf32>,
        tpu.vector_store %arg16[%swap3A_859, %swap3A_860, %swap3A_861], %mul3A_858 {strides = array<i32>} : memref<2x128x128xf32, #tpu.memory_space<vmem>>, vector<16xf32>,
        %add3A_863 = arith.constant 80 : i32
        %add3A_864 = arith.addi %add3A_863, %scan3A_420 : i32
        %get3A_865 = arith.index_cast %select_n3A_222 : i32 to index
        %get3A_866 = arith.index_cast %add3A_864 : i32 to index
        %get3A_867 = arith.constant 0 : index
        %get3A_868 = tpu.vector_load %arg16[%get3A_865, %get3A_866, %get3A_867] {strides = array<i32>} : memref<2x128x128xf32, #tpu.memory_space<vmem>>, vector<16xf32>,
        %mul3A_869 = arith.mulf %get3A_868, %gather3A : vector<16xf32>
        %swap3A_870 = arith.index_cast %select_n3A_222 : i32 to index
        %swap3A_871 = arith.index_cast %add3A_864 : i32 to index
        %swap3A_872 = arith.constant 0 : index
        %swap3A_873 = tpu.vector_load %arg16[%swap3A_870, %swap3A_871, %swap3A_872] {strides = array<i32>} : memref<2x128x128xf32, #tpu.memory_space<vmem>>, vector<16xf32>,
        tpu.vector_store %arg16[%swap3A_870, %swap3A_871, %swap3A_872], %mul3A_869 {strides = array<i32>} : memref<2x128x128xf32, #tpu.memory_space<vmem>>, vector<16xf32>,
        %add3A_874 = arith.constant 80 : i32
        %add3A_875 = arith.addi %add3A_874, %scan3A_420 : i32
        %get3A_876 = arith.index_cast %select_n3A_222 : i32 to index
        %get3A_877 = arith.index_cast %add3A_875 : i32 to index
        %get3A_878 = arith.constant 16 : index
        %get3A_879 = tpu.vector_load %arg16[%get3A_876, %get3A_877, %get3A_878] {strides = array<i32>} : memref<2x128x128xf32, #tpu.memory_space<vmem>>, vector<16xf32>,
        %mul3A_880 = arith.mulf %get3A_879, %gather3A : vector<16xf32>
        %swap3A_881 = arith.index_cast %select_n3A_222 : i32 to index
        %swap3A_882 = arith.index_cast %add3A_875 : i32 to index
        %swap3A_883 = arith.constant 16 : index
        %swap3A_884 = tpu.vector_load %arg16[%swap3A_881, %swap3A_882, %swap3A_883] {strides = array<i32>} : memref<2x128x128xf32, #tpu.memory_space<vmem>>, vector<16xf32>,
        tpu.vector_store %arg16[%swap3A_881, %swap3A_882, %swap3A_883], %mul3A_880 {strides = array<i32>} : memref<2x128x128xf32, #tpu.memory_space<vmem>>, vector<16xf32>,
        %add3A_885 = arith.constant 80 : i32
        %add3A_886 = arith.addi %add3A_885, %scan3A_420 : i32
        %get3A_887 = arith.index_cast %select_n3A_222 : i32 to index
        %get3A_888 = arith.index_cast %add3A_886 : i32 to index
        %get3A_889 = arith.constant 32 : index
        %get3A_890 = tpu.vector_load %arg16[%get3A_887, %get3A_888, %get3A_889] {strides = array<i32>} : memref<2x128x128xf32, #tpu.memory_space<vmem>>, vector<16xf32>,
        %mul3A_891 = arith.mulf %get3A_890, %gather3A : vector<16xf32>
        %swap3A_892 = arith.index_cast %select_n3A_222 : i32 to index
        %swap3A_893 = arith.index_cast %add3A_886 : i32 to index
        %swap3A_894 = arith.constant 32 : index
        %swap3A_895 = tpu.vector_load %arg16[%swap3A_892, %swap3A_893, %swap3A_894] {strides = array<i32>} : memref<2x128x128xf32, #tpu.memory_space<vmem>>, vector<16xf32>,
        tpu.vector_store %arg16[%swap3A_892, %swap3A_893, %swap3A_894], %mul3A_891 {strides = array<i32>} : memref<2x128x128xf32, #tpu.memory_space<vmem>>, vector<16xf32>,
        %add3A_896 = arith.constant 80 : i32
        %add3A_897 = arith.addi %add3A_896, %scan3A_420 : i32
        %get3A_898 = arith.index_cast %select_n3A_222 : i32 to index
        %get3A_899 = arith.index_cast %add3A_897 : i32 to index
        %get3A_900 = arith.constant 48 : index
        %get3A_901 = tpu.vector_load %arg16[%get3A_898, %get3A_899, %get3A_900] {strides = array<i32>} : memref<2x128x128xf32, #tpu.memory_space<vmem>>, vector<16xf32>,
        %mul3A_902 = arith.mulf %get3A_901, %gather3A : vector<16xf32>
        %swap3A_903 = arith.index_cast %select_n3A_222 : i32 to index
        %swap3A_904 = arith.index_cast %add3A_897 : i32 to index
        %swap3A_905 = arith.constant 48 : index
        %swap3A_906 = tpu.vector_load %arg16[%swap3A_903, %swap3A_904, %swap3A_905] {strides = array<i32>} : memref<2x128x128xf32, #tpu.memory_space<vmem>>, vector<16xf32>,
        tpu.vector_store %arg16[%swap3A_903, %swap3A_904, %swap3A_905], %mul3A_902 {strides = array<i32>} : memref<2x128x128xf32, #tpu.memory_space<vmem>>, vector<16xf32>,
        %add3A_907 = arith.constant 80 : i32
        %add3A_908 = arith.addi %add3A_907, %scan3A_420 : i32
        %get3A_909 = arith.index_cast %select_n3A_222 : i32 to index
        %get3A_910 = arith.index_cast %add3A_908 : i32 to index
        %get3A_911 = arith.constant 64 : index
        %get3A_912 = tpu.vector_load %arg16[%get3A_909, %get3A_910, %get3A_911] {strides = array<i32>} : memref<2x128x128xf32, #tpu.memory_space<vmem>>, vector<16xf32>,
        %mul3A_913 = arith.mulf %get3A_912, %gather3A : vector<16xf32>
        %swap3A_914 = arith.index_cast %select_n3A_222 : i32 to index
        %swap3A_915 = arith.index_cast %add3A_908 : i32 to index
        %swap3A_916 = arith.constant 64 : index
        %swap3A_917 = tpu.vector_load %arg16[%swap3A_914, %swap3A_915, %swap3A_916] {strides = array<i32>} : memref<2x128x128xf32, #tpu.memory_space<vmem>>, vector<16xf32>,
        tpu.vector_store %arg16[%swap3A_914, %swap3A_915, %swap3A_916], %mul3A_913 {strides = array<i32>} : memref<2x128x128xf32, #tpu.memory_space<vmem>>, vector<16xf32>,
        %add3A_918 = arith.constant 80 : i32
        %add3A_919 = arith.addi %add3A_918, %scan3A_420 : i32
        %get3A_920 = arith.index_cast %select_n3A_222 : i32 to index
        %get3A_921 = arith.index_cast %add3A_919 : i32 to index
        %get3A_922 = arith.constant 80 : index
        %get3A_923 = tpu.vector_load %arg16[%get3A_920, %get3A_921, %get3A_922] {strides = array<i32>} : memref<2x128x128xf32, #tpu.memory_space<vmem>>, vector<16xf32>,
        %mul3A_924 = arith.mulf %get3A_923, %gather3A : vector<16xf32>
        %swap3A_925 = arith.index_cast %select_n3A_222 : i32 to index
        %swap3A_926 = arith.index_cast %add3A_919 : i32 to index
        %swap3A_927 = arith.constant 80 : index
        %swap3A_928 = tpu.vector_load %arg16[%swap3A_925, %swap3A_926, %swap3A_927] {strides = array<i32>} : memref<2x128x128xf32, #tpu.memory_space<vmem>>, vector<16xf32>,
        tpu.vector_store %arg16[%swap3A_925, %swap3A_926, %swap3A_927], %mul3A_924 {strides = array<i32>} : memref<2x128x128xf32, #tpu.memory_space<vmem>>, vector<16xf32>,
        %add3A_929 = arith.constant 80 : i32
        %add3A_930 = arith.addi %add3A_929, %scan3A_420 : i32
        %get3A_931 = arith.index_cast %select_n3A_222 : i32 to index
        %get3A_932 = arith.index_cast %add3A_930 : i32 to index
        %get3A_933 = arith.constant 96 : index
        %get3A_934 = tpu.vector_load %arg16[%get3A_931, %get3A_932, %get3A_933] {strides = array<i32>} : memref<2x128x128xf32, #tpu.memory_space<vmem>>, vector<16xf32>,
        %mul3A_935 = arith.mulf %get3A_934, %gather3A : vector<16xf32>
        %swap3A_936 = arith.index_cast %select_n3A_222 : i32 to index
        %swap3A_937 = arith.index_cast %add3A_930 : i32 to index
        %swap3A_938 = arith.constant 96 : index
        %swap3A_939 = tpu.vector_load %arg16[%swap3A_936, %swap3A_937, %swap3A_938] {strides = array<i32>} : memref<2x128x128xf32, #tpu.memory_space<vmem>>, vector<16xf32>,
        tpu.vector_store %arg16[%swap3A_936, %swap3A_937, %swap3A_938], %mul3A_935 {strides = array<i32>} : memref<2x128x128xf32, #tpu.memory_space<vmem>>, vector<16xf32>,
        %add3A_940 = arith.constant 80 : i32
        %add3A_941 = arith.addi %add3A_940, %scan3A_420 : i32
        %get3A_942 = arith.index_cast %select_n3A_222 : i32 to index
        %get3A_943 = arith.index_cast %add3A_941 : i32 to index
        %get3A_944 = arith.constant 112 : index
        %get3A_945 = tpu.vector_load %arg16[%get3A_942, %get3A_943, %get3A_944] {strides = array<i32>} : memref<2x128x128xf32, #tpu.memory_space<vmem>>, vector<16xf32>,
        %mul3A_946 = arith.mulf %get3A_945, %gather3A : vector<16xf32>
        %swap3A_947 = arith.index_cast %select_n3A_222 : i32 to index
        %swap3A_948 = arith.index_cast %add3A_941 : i32 to index
        %swap3A_949 = arith.constant 112 : index
        %swap3A_950 = tpu.vector_load %arg16[%swap3A_947, %swap3A_948, %swap3A_949] {strides = array<i32>} : memref<2x128x128xf32, #tpu.memory_space<vmem>>, vector<16xf32>,
        tpu.vector_store %arg16[%swap3A_947, %swap3A_948, %swap3A_949], %mul3A_946 {strides = array<i32>} : memref<2x128x128xf32, #tpu.memory_space<vmem>>, vector<16xf32>,
        %add3A_951 = arith.constant 96 : i32
        %add3A_952 = arith.addi %add3A_951, %scan3A_420 : i32
        %get3A_953 = arith.index_cast %select_n3A_222 : i32 to index
        %get3A_954 = arith.index_cast %add3A_952 : i32 to index
        %get3A_955 = arith.constant 0 : index
        %get3A_956 = tpu.vector_load %arg16[%get3A_953, %get3A_954, %get3A_955] {strides = array<i32>} : memref<2x128x128xf32, #tpu.memory_space<vmem>>, vector<16xf32>,
        %mul3A_957 = arith.mulf %get3A_956, %gather3A : vector<16xf32>
        %swap3A_958 = arith.index_cast %select_n3A_222 : i32 to index
        %swap3A_959 = arith.index_cast %add3A_952 : i32 to index
        %swap3A_960 = arith.constant 0 : index
        %swap3A_961 = tpu.vector_load %arg16[%swap3A_958, %swap3A_959, %swap3A_960] {strides = array<i32>} : memref<2x128x128xf32, #tpu.memory_space<vmem>>, vector<16xf32>,
        tpu.vector_store %arg16[%swap3A_958, %swap3A_959, %swap3A_960], %mul3A_957 {strides = array<i32>} : memref<2x128x128xf32, #tpu.memory_space<vmem>>, vector<16xf32>,
        %add3A_962 = arith.constant 96 : i32
        %add3A_963 = arith.addi %add3A_962, %scan3A_420 : i32
        %get3A_964 = arith.index_cast %select_n3A_222 : i32 to index
        %get3A_965 = arith.index_cast %add3A_963 : i32 to index
        %get3A_966 = arith.constant 16 : index
        %get3A_967 = tpu.vector_load %arg16[%get3A_964, %get3A_965, %get3A_966] {strides = array<i32>} : memref<2x128x128xf32, #tpu.memory_space<vmem>>, vector<16xf32>,
        %mul3A_968 = arith.mulf %get3A_967, %gather3A : vector<16xf32>
        %swap3A_969 = arith.index_cast %select_n3A_222 : i32 to index
        %swap3A_970 = arith.index_cast %add3A_963 : i32 to index
        %swap3A_971 = arith.constant 16 : index
        %swap3A_972 = tpu.vector_load %arg16[%swap3A_969, %swap3A_970, %swap3A_971] {strides = array<i32>} : memref<2x128x128xf32, #tpu.memory_space<vmem>>, vector<16xf32>,
        tpu.vector_store %arg16[%swap3A_969, %swap3A_970, %swap3A_971], %mul3A_968 {strides = array<i32>} : memref<2x128x128xf32, #tpu.memory_space<vmem>>, vector<16xf32>,
        %add3A_973 = arith.constant 96 : i32
        %add3A_974 = arith.addi %add3A_973, %scan3A_420 : i32
        %get3A_975 = arith.index_cast %select_n3A_222 : i32 to index
        %get3A_976 = arith.index_cast %add3A_974 : i32 to index
        %get3A_977 = arith.constant 32 : index
        %get3A_978 = tpu.vector_load %arg16[%get3A_975, %get3A_976, %get3A_977] {strides = array<i32>} : memref<2x128x128xf32, #tpu.memory_space<vmem>>, vector<16xf32>,
        %mul3A_979 = arith.mulf %get3A_978, %gather3A : vector<16xf32>
        %swap3A_980 = arith.index_cast %select_n3A_222 : i32 to index
        %swap3A_981 = arith.index_cast %add3A_974 : i32 to index
        %swap3A_982 = arith.constant 32 : index
        %swap3A_983 = tpu.vector_load %arg16[%swap3A_980, %swap3A_981, %swap3A_982] {strides = array<i32>} : memref<2x128x128xf32, #tpu.memory_space<vmem>>, vector<16xf32>,
        tpu.vector_store %arg16[%swap3A_980, %swap3A_981, %swap3A_982], %mul3A_979 {strides = array<i32>} : memref<2x128x128xf32, #tpu.memory_space<vmem>>, vector<16xf32>,
        %add3A_984 = arith.constant 96 : i32
        %add3A_985 = arith.addi %add3A_984, %scan3A_420 : i32
        %get3A_986 = arith.index_cast %select_n3A_222 : i32 to index
        %get3A_987 = arith.index_cast %add3A_985 : i32 to index
        %get3A_988 = arith.constant 48 : index
        %get3A_989 = tpu.vector_load %arg16[%get3A_986, %get3A_987, %get3A_988] {strides = array<i32>} : memref<2x128x128xf32, #tpu.memory_space<vmem>>, vector<16xf32>,
        %mul3A_990 = arith.mulf %get3A_989, %gather3A : vector<16xf32>
        %swap3A_991 = arith.index_cast %select_n3A_222 : i32 to index
        %swap3A_992 = arith.index_cast %add3A_985 : i32 to index
        %swap3A_993 = arith.constant 48 : index
        %swap3A_994 = tpu.vector_load %arg16[%swap3A_991, %swap3A_992, %swap3A_993] {strides = array<i32>} : memref<2x128x128xf32, #tpu.memory_space<vmem>>, vector<16xf32>,
        tpu.vector_store %arg16[%swap3A_991, %swap3A_992, %swap3A_993], %mul3A_990 {strides = array<i32>} : memref<2x128x128xf32, #tpu.memory_space<vmem>>, vector<16xf32>,
        %add3A_995 = arith.constant 96 : i32
        %add3A_996 = arith.addi %add3A_995, %scan3A_420 : i32
        %get3A_997 = arith.index_cast %select_n3A_222 : i32 to index
        %get3A_998 = arith.index_cast %add3A_996 : i32 to index
        %get3A_999 = arith.constant 64 : index
        %get3A_1000 = tpu.vector_load %arg16[%get3A_997, %get3A_998, %get3A_999] {strides = array<i32>} : memref<2x128x128xf32, #tpu.memory_space<vmem>>, vector<16xf32>,
        %mul3A_1001 = arith.mulf %get3A_1000, %gather3A : vector<16xf32>
        %swap3A_1002 = arith.index_cast %select_n3A_222 : i32 to index
        %swap3A_1003 = arith.index_cast %add3A_996 : i32 to index
        %swap3A_1004 = arith.constant 64 : index
        %swap3A_1005 = tpu.vector_load %arg16[%swap3A_1002, %swap3A_1003, %swap3A_1004] {strides = array<i32>} : memref<2x128x128xf32, #tpu.memory_space<vmem>>, vector<16xf32>,
        tpu.vector_store %arg16[%swap3A_1002, %swap3A_1003, %swap3A_1004], %mul3A_1001 {strides = array<i32>} : memref<2x128x128xf32, #tpu.memory_space<vmem>>, vector<16xf32>,
        %add3A_1006 = arith.constant 96 : i32
        %add3A_1007 = arith.addi %add3A_1006, %scan3A_420 : i32
        %get3A_1008 = arith.index_cast %select_n3A_222 : i32 to index
        %get3A_1009 = arith.index_cast %add3A_1007 : i32 to index
        %get3A_1010 = arith.constant 80 : index
        %get3A_1011 = tpu.vector_load %arg16[%get3A_1008, %get3A_1009, %get3A_1010] {strides = array<i32>} : memref<2x128x128xf32, #tpu.memory_space<vmem>>, vector<16xf32>,
        %mul3A_1012 = arith.mulf %get3A_1011, %gather3A : vector<16xf32>
        %swap3A_1013 = arith.index_cast %select_n3A_222 : i32 to index
        %swap3A_1014 = arith.index_cast %add3A_1007 : i32 to index
        %swap3A_1015 = arith.constant 80 : index
        %swap3A_1016 = tpu.vector_load %arg16[%swap3A_1013, %swap3A_1014, %swap3A_1015] {strides = array<i32>} : memref<2x128x128xf32, #tpu.memory_space<vmem>>, vector<16xf32>,
        tpu.vector_store %arg16[%swap3A_1013, %swap3A_1014, %swap3A_1015], %mul3A_1012 {strides = array<i32>} : memref<2x128x128xf32, #tpu.memory_space<vmem>>, vector<16xf32>,
        %add3A_1017 = arith.constant 96 : i32
        %add3A_1018 = arith.addi %add3A_1017, %scan3A_420 : i32
        %get3A_1019 = arith.index_cast %select_n3A_222 : i32 to index
        %get3A_1020 = arith.index_cast %add3A_1018 : i32 to index
        %get3A_1021 = arith.constant 96 : index
        %get3A_1022 = tpu.vector_load %arg16[%get3A_1019, %get3A_1020, %get3A_1021] {strides = array<i32>} : memref<2x128x128xf32, #tpu.memory_space<vmem>>, vector<16xf32>,
        %mul3A_1023 = arith.mulf %get3A_1022, %gather3A : vector<16xf32>
        %swap3A_1024 = arith.index_cast %select_n3A_222 : i32 to index
        %swap3A_1025 = arith.index_cast %add3A_1018 : i32 to index
        %swap3A_1026 = arith.constant 96 : index
        %swap3A_1027 = tpu.vector_load %arg16[%swap3A_1024, %swap3A_1025, %swap3A_1026] {strides = array<i32>} : memref<2x128x128xf32, #tpu.memory_space<vmem>>, vector<16xf32>,
        tpu.vector_store %arg16[%swap3A_1024, %swap3A_1025, %swap3A_1026], %mul3A_1023 {strides = array<i32>} : memref<2x128x128xf32, #tpu.memory_space<vmem>>, vector<16xf32>,
        %add3A_1028 = arith.constant 96 : i32
        %add3A_1029 = arith.addi %add3A_1028, %scan3A_420 : i32
        %get3A_1030 = arith.index_cast %select_n3A_222 : i32 to index
        %get3A_1031 = arith.index_cast %add3A_1029 : i32 to index
        %get3A_1032 = arith.constant 112 : index
        %get3A_1033 = tpu.vector_load %arg16[%get3A_1030, %get3A_1031, %get3A_1032] {strides = array<i32>} : memref<2x128x128xf32, #tpu.memory_space<vmem>>, vector<16xf32>,
        %mul3A_1034 = arith.mulf %get3A_1033, %gather3A : vector<16xf32>
        %swap3A_1035 = arith.index_cast %select_n3A_222 : i32 to index
        %swap3A_1036 = arith.index_cast %add3A_1029 : i32 to index
        %swap3A_1037 = arith.constant 112 : index
        %swap3A_1038 = tpu.vector_load %arg16[%swap3A_1035, %swap3A_1036, %swap3A_1037] {strides = array<i32>} : memref<2x128x128xf32, #tpu.memory_space<vmem>>, vector<16xf32>,
        tpu.vector_store %arg16[%swap3A_1035, %swap3A_1036, %swap3A_1037], %mul3A_1034 {strides = array<i32>} : memref<2x128x128xf32, #tpu.memory_space<vmem>>, vector<16xf32>,
        %add3A_1039 = arith.constant 112 : i32
        %add3A_1040 = arith.addi %add3A_1039, %scan3A_420 : i32
        %get3A_1041 = arith.index_cast %select_n3A_222 : i32 to index
        %get3A_1042 = arith.index_cast %add3A_1040 : i32 to index
        %get3A_1043 = arith.constant 0 : index
        %get3A_1044 = tpu.vector_load %arg16[%get3A_1041, %get3A_1042, %get3A_1043] {strides = array<i32>} : memref<2x128x128xf32, #tpu.memory_space<vmem>>, vector<16xf32>,
        %mul3A_1045 = arith.mulf %get3A_1044, %gather3A : vector<16xf32>
        %swap3A_1046 = arith.index_cast %select_n3A_222 : i32 to index
        %swap3A_1047 = arith.index_cast %add3A_1040 : i32 to index
        %swap3A_1048 = arith.constant 0 : index
        %swap3A_1049 = tpu.vector_load %arg16[%swap3A_1046, %swap3A_1047, %swap3A_1048] {strides = array<i32>} : memref<2x128x128xf32, #tpu.memory_space<vmem>>, vector<16xf32>,
        tpu.vector_store %arg16[%swap3A_1046, %swap3A_1047, %swap3A_1048], %mul3A_1045 {strides = array<i32>} : memref<2x128x128xf32, #tpu.memory_space<vmem>>, vector<16xf32>,
        %add3A_1050 = arith.constant 112 : i32
        %add3A_1051 = arith.addi %add3A_1050, %scan3A_420 : i32
        %get3A_1052 = arith.index_cast %select_n3A_222 : i32 to index
        %get3A_1053 = arith.index_cast %add3A_1051 : i32 to index
        %get3A_1054 = arith.constant 16 : index
        %get3A_1055 = tpu.vector_load %arg16[%get3A_1052, %get3A_1053, %get3A_1054] {strides = array<i32>} : memref<2x128x128xf32, #tpu.memory_space<vmem>>, vector<16xf32>,
        %mul3A_1056 = arith.mulf %get3A_1055, %gather3A : vector<16xf32>
        %swap3A_1057 = arith.index_cast %select_n3A_222 : i32 to index
        %swap3A_1058 = arith.index_cast %add3A_1051 : i32 to index
        %swap3A_1059 = arith.constant 16 : index
        %swap3A_1060 = tpu.vector_load %arg16[%swap3A_1057, %swap3A_1058, %swap3A_1059] {strides = array<i32>} : memref<2x128x128xf32, #tpu.memory_space<vmem>>, vector<16xf32>,
        tpu.vector_store %arg16[%swap3A_1057, %swap3A_1058, %swap3A_1059], %mul3A_1056 {strides = array<i32>} : memref<2x128x128xf32, #tpu.memory_space<vmem>>, vector<16xf32>,
        %add3A_1061 = arith.constant 112 : i32
        %add3A_1062 = arith.addi %add3A_1061, %scan3A_420 : i32
        %get3A_1063 = arith.index_cast %select_n3A_222 : i32 to index
        %get3A_1064 = arith.index_cast %add3A_1062 : i32 to index
        %get3A_1065 = arith.constant 32 : index
        %get3A_1066 = tpu.vector_load %arg16[%get3A_1063, %get3A_1064, %get3A_1065] {strides = array<i32>} : memref<2x128x128xf32, #tpu.memory_space<vmem>>, vector<16xf32>,
        %mul3A_1067 = arith.mulf %get3A_1066, %gather3A : vector<16xf32>
        %swap3A_1068 = arith.index_cast %select_n3A_222 : i32 to index
        %swap3A_1069 = arith.index_cast %add3A_1062 : i32 to index
        %swap3A_1070 = arith.constant 32 : index
        %swap3A_1071 = tpu.vector_load %arg16[%swap3A_1068, %swap3A_1069, %swap3A_1070] {strides = array<i32>} : memref<2x128x128xf32, #tpu.memory_space<vmem>>, vector<16xf32>,
        tpu.vector_store %arg16[%swap3A_1068, %swap3A_1069, %swap3A_1070], %mul3A_1067 {strides = array<i32>} : memref<2x128x128xf32, #tpu.memory_space<vmem>>, vector<16xf32>,
        %add3A_1072 = arith.constant 112 : i32
        %add3A_1073 = arith.addi %add3A_1072, %scan3A_420 : i32
        %get3A_1074 = arith.index_cast %select_n3A_222 : i32 to index
        %get3A_1075 = arith.index_cast %add3A_1073 : i32 to index
        %get3A_1076 = arith.constant 48 : index
        %get3A_1077 = tpu.vector_load %arg16[%get3A_1074, %get3A_1075, %get3A_1076] {strides = array<i32>} : memref<2x128x128xf32, #tpu.memory_space<vmem>>, vector<16xf32>,
        %mul3A_1078 = arith.mulf %get3A_1077, %gather3A : vector<16xf32>
        %swap3A_1079 = arith.index_cast %select_n3A_222 : i32 to index
        %swap3A_1080 = arith.index_cast %add3A_1073 : i32 to index
        %swap3A_1081 = arith.constant 48 : index
        %swap3A_1082 = tpu.vector_load %arg16[%swap3A_1079, %swap3A_1080, %swap3A_1081] {strides = array<i32>} : memref<2x128x128xf32, #tpu.memory_space<vmem>>, vector<16xf32>,
        tpu.vector_store %arg16[%swap3A_1079, %swap3A_1080, %swap3A_1081], %mul3A_1078 {strides = array<i32>} : memref<2x128x128xf32, #tpu.memory_space<vmem>>, vector<16xf32>,
        %add3A_1083 = arith.constant 112 : i32
        %add3A_1084 = arith.addi %add3A_1083, %scan3A_420 : i32
        %get3A_1085 = arith.index_cast %select_n3A_222 : i32 to index
        %get3A_1086 = arith.index_cast %add3A_1084 : i32 to index
        %get3A_1087 = arith.constant 64 : index
        %get3A_1088 = tpu.vector_load %arg16[%get3A_1085, %get3A_1086, %get3A_1087] {strides = array<i32>} : memref<2x128x128xf32, #tpu.memory_space<vmem>>, vector<16xf32>,
        %mul3A_1089 = arith.mulf %get3A_1088, %gather3A : vector<16xf32>
        %swap3A_1090 = arith.index_cast %select_n3A_222 : i32 to index
        %swap3A_1091 = arith.index_cast %add3A_1084 : i32 to index
        %swap3A_1092 = arith.constant 64 : index
        %swap3A_1093 = tpu.vector_load %arg16[%swap3A_1090, %swap3A_1091, %swap3A_1092] {strides = array<i32>} : memref<2x128x128xf32, #tpu.memory_space<vmem>>, vector<16xf32>,
        tpu.vector_store %arg16[%swap3A_1090, %swap3A_1091, %swap3A_1092], %mul3A_1089 {strides = array<i32>} : memref<2x128x128xf32, #tpu.memory_space<vmem>>, vector<16xf32>,
        %add3A_1094 = arith.constant 112 : i32
        %add3A_1095 = arith.addi %add3A_1094, %scan3A_420 : i32
        %get3A_1096 = arith.index_cast %select_n3A_222 : i32 to index
        %get3A_1097 = arith.index_cast %add3A_1095 : i32 to index
        %get3A_1098 = arith.constant 80 : index
        %get3A_1099 = tpu.vector_load %arg16[%get3A_1096, %get3A_1097, %get3A_1098] {strides = array<i32>} : memref<2x128x128xf32, #tpu.memory_space<vmem>>, vector<16xf32>,
        %mul3A_1100 = arith.mulf %get3A_1099, %gather3A : vector<16xf32>
        %swap3A_1101 = arith.index_cast %select_n3A_222 : i32 to index
        %swap3A_1102 = arith.index_cast %add3A_1095 : i32 to index
        %swap3A_1103 = arith.constant 80 : index
        %swap3A_1104 = tpu.vector_load %arg16[%swap3A_1101, %swap3A_1102, %swap3A_1103] {strides = array<i32>} : memref<2x128x128xf32, #tpu.memory_space<vmem>>, vector<16xf32>,
        tpu.vector_store %arg16[%swap3A_1101, %swap3A_1102, %swap3A_1103], %mul3A_1100 {strides = array<i32>} : memref<2x128x128xf32, #tpu.memory_space<vmem>>, vector<16xf32>,
        %add3A_1105 = arith.constant 112 : i32
        %add3A_1106 = arith.addi %add3A_1105, %scan3A_420 : i32
        %get3A_1107 = arith.index_cast %select_n3A_222 : i32 to index
        %get3A_1108 = arith.index_cast %add3A_1106 : i32 to index
        %get3A_1109 = arith.constant 96 : index
        %get3A_1110 = tpu.vector_load %arg16[%get3A_1107, %get3A_1108, %get3A_1109] {strides = array<i32>} : memref<2x128x128xf32, #tpu.memory_space<vmem>>, vector<16xf32>,
        %mul3A_1111 = arith.mulf %get3A_1110, %gather3A : vector<16xf32>
        %swap3A_1112 = arith.index_cast %select_n3A_222 : i32 to index
        %swap3A_1113 = arith.index_cast %add3A_1106 : i32 to index
        %swap3A_1114 = arith.constant 96 : index
        %swap3A_1115 = tpu.vector_load %arg16[%swap3A_1112, %swap3A_1113, %swap3A_1114] {strides = array<i32>} : memref<2x128x128xf32, #tpu.memory_space<vmem>>, vector<16xf32>,
        tpu.vector_store %arg16[%swap3A_1112, %swap3A_1113, %swap3A_1114], %mul3A_1111 {strides = array<i32>} : memref<2x128x128xf32, #tpu.memory_space<vmem>>, vector<16xf32>,
        %add3A_1116 = arith.constant 112 : i32
        %add3A_1117 = arith.addi %add3A_1116, %scan3A_420 : i32
        %get3A_1118 = arith.index_cast %select_n3A_222 : i32 to index
        %get3A_1119 = arith.index_cast %add3A_1117 : i32 to index
        %get3A_1120 = arith.constant 112 : index
        %get3A_1121 = tpu.vector_load %arg16[%get3A_1118, %get3A_1119, %get3A_1120] {strides = array<i32>} : memref<2x128x128xf32, #tpu.memory_space<vmem>>, vector<16xf32>,
        %mul3A_1122 = arith.mulf %get3A_1121, %gather3A : vector<16xf32>
        %swap3A_1123 = arith.index_cast %select_n3A_222 : i32 to index
        %swap3A_1124 = arith.index_cast %add3A_1117 : i32 to index
        %swap3A_1125 = arith.constant 112 : index
        %swap3A_1126 = tpu.vector_load %arg16[%swap3A_1123, %swap3A_1124, %swap3A_1125] {strides = array<i32>} : memref<2x128x128xf32, #tpu.memory_space<vmem>>, vector<16xf32>,
        tpu.vector_store %arg16[%swap3A_1123, %swap3A_1124, %swap3A_1125], %mul3A_1122 {strides = array<i32>} : memref<2x128x128xf32, #tpu.memory_space<vmem>>, vector<16xf32>,
        %scan3A_1127 = arith.constant 0 : i32
        scf.yield %scan3A_1127 : i32
      }
      %scan3A_258 = arith.constant 16 : i32
      %mul3A_259 = arith.constant 16 : i32
      %mul3A_260 = arith.muli %while3A_205, %mul3A_259 : i32
      %add3A_261 = arith.addi %mul3A_85, %mul3A_260 : i32
      %dma_start3A_262 = arith.constant 0 : i32
      %dma_start3A_263 = arith.constant 0 : i32
      %dma_start3A_264 = arith.constant 0 : i32
      %dma_start3A_265 = tpu.memref_slice %arg16[%select_n3A_222, %dma_start3A_263, %dma_start3A_264] : memref<2x128x128xf32, #tpu.memory_space<vmem>> -> memref<1x16x128xf32, #tpu.memory_space<vmem>>
      %dma_start3A_266 = tpu.memref_squeeze %dma_start3A_265 : memref<1x16x128xf32, #tpu.memory_space<vmem>> -> memref<16x128xf32, #tpu.memory_space<vmem>>
      %dma_start3A_267 = arith.constant 0 : i32
      %dma_start3A_268 = tpu.memref_slice %arg6[%add3A_261, %dma_start3A_262, %add3A_30, %dma_start3A_267] : memref<1433x8x4x128xf32, #tpu.memory_space<hbm>> -> memref<16x1x1x128xf32, #tpu.memory_space<hbm>>
      %dma_start3A_269 = tpu.memref_squeeze %dma_start3A_268 : memref<16x1x1x128xf32, #tpu.memory_space<hbm>> -> memref<16x128xf32, #tpu.memory_space<hbm>>
      %dma_start3A_270 = tpu.memref_slice %arg20[%select_n3A_222] : memref<2x!tpu.dma_semaphore, #tpu.memory_space<semaphore_mem>> -> memref<1x!tpu.dma_semaphore, #tpu.memory_space<semaphore_mem>>
      %dma_start3A_271 = tpu.memref_squeeze %dma_start3A_270 : memref<1x!tpu.dma_semaphore, #tpu.memory_space<semaphore_mem>> -> memref<!tpu.dma_semaphore, #tpu.memory_space<semaphore_mem>>
      %dma_start3A_272 = arith.constant 0 : i32
      %dma_start3A_273 = tpu.memref_slice %arg6[%add3A_261, %dma_start3A_262, %add3A_30, %dma_start3A_272] : memref<1433x8x4x128xf32, #tpu.memory_space<hbm>> -> memref<16x1x1x128xf32, #tpu.memory_space<hbm>>
      %dma_start3A_274 = tpu.memref_squeeze %dma_start3A_273 : memref<16x1x1x128xf32, #tpu.memory_space<hbm>> -> memref<16x128xf32, #tpu.memory_space<hbm>>
      %dma_start3A_275 = arith.constant 0 : i32
      %dma_start3A_276 = arith.constant 0 : i32
      %dma_start3A_277 = tpu.memref_slice %arg16[%select_n3A_222, %dma_start3A_275, %dma_start3A_276] : memref<2x128x128xf32, #tpu.memory_space<vmem>> -> memref<1x16x128xf32, #tpu.memory_space<vmem>>
      %dma_start3A_278 = tpu.memref_squeeze %dma_start3A_277 : memref<1x16x128xf32, #tpu.memory_space<vmem>> -> memref<16x128xf32, #tpu.memory_space<vmem>>
      tpu.enqueue_dma source(%dma_start3A_278 : memref<16x128xf32, #tpu.memory_space<vmem>>) target(%dma_start3A_274 : memref<16x128xf32, #tpu.memory_space<hbm>>) target_semaphore(%dma_start3A_271 : memref<!tpu.dma_semaphore, #tpu.memory_space<semaphore_mem>>)
      %mul3A_279 = arith.constant 16 : i32
      %mul3A_280 = arith.muli %while3A_205, %mul3A_279 : i32
      %add3A_281 = arith.addi %mul3A_85, %mul3A_280 : i32
      %dma_start3A_282 = arith.constant 1 : i32
      %dma_start3A_283 = arith.constant 16 : i32
      %dma_start3A_284 = arith.constant 0 : i32
      %dma_start3A_285 = tpu.memref_slice %arg16[%select_n3A_222, %dma_start3A_283, %dma_start3A_284] : memref<2x128x128xf32, #tpu.memory_space<vmem>> -> memref<1x16x128xf32, #tpu.memory_space<vmem>>
      %dma_start3A_286 = tpu.memref_squeeze %dma_start3A_285 : memref<1x16x128xf32, #tpu.memory_space<vmem>> -> memref<16x128xf32, #tpu.memory_space<vmem>>
      %dma_start3A_287 = arith.constant 0 : i32
      %dma_start3A_288 = tpu.memref_slice %arg6[%add3A_281, %dma_start3A_282, %add3A_30, %dma_start3A_287] : memref<1433x8x4x128xf32, #tpu.memory_space<hbm>> -> memref<16x1x1x128xf32, #tpu.memory_space<hbm>>
      %dma_start3A_289 = tpu.memref_squeeze %dma_start3A_288 : memref<16x1x1x128xf32, #tpu.memory_space<hbm>> -> memref<16x128xf32, #tpu.memory_space<hbm>>
      %dma_start3A_290 = tpu.memref_slice %arg20[%select_n3A_222] : memref<2x!tpu.dma_semaphore, #tpu.memory_space<semaphore_mem>> -> memref<1x!tpu.dma_semaphore, #tpu.memory_space<semaphore_mem>>
      %dma_start3A_291 = tpu.memref_squeeze %dma_start3A_290 : memref<1x!tpu.dma_semaphore, #tpu.memory_space<semaphore_mem>> -> memref<!tpu.dma_semaphore, #tpu.memory_space<semaphore_mem>>
      %dma_start3A_292 = arith.constant 0 : i32
      %dma_start3A_293 = tpu.memref_slice %arg6[%add3A_281, %dma_start3A_282, %add3A_30, %dma_start3A_292] : memref<1433x8x4x128xf32, #tpu.memory_space<hbm>> -> memref<16x1x1x128xf32, #tpu.memory_space<hbm>>
      %dma_start3A_294 = tpu.memref_squeeze %dma_start3A_293 : memref<16x1x1x128xf32, #tpu.memory_space<hbm>> -> memref<16x128xf32, #tpu.memory_space<hbm>>
      %dma_start3A_295 = arith.constant 16 : i32
      %dma_start3A_296 = arith.constant 0 : i32
      %dma_start3A_297 = tpu.memref_slice %arg16[%select_n3A_222, %dma_start3A_295, %dma_start3A_296] : memref<2x128x128xf32, #tpu.memory_space<vmem>> -> memref<1x16x128xf32, #tpu.memory_space<vmem>>
      %dma_start3A_298 = tpu.memref_squeeze %dma_start3A_297 : memref<1x16x128xf32, #tpu.memory_space<vmem>> -> memref<16x128xf32, #tpu.memory_space<vmem>>
      tpu.enqueue_dma source(%dma_start3A_298 : memref<16x128xf32, #tpu.memory_space<vmem>>) target(%dma_start3A_294 : memref<16x128xf32, #tpu.memory_space<hbm>>) target_semaphore(%dma_start3A_291 : memref<!tpu.dma_semaphore, #tpu.memory_space<semaphore_mem>>)
      %mul3A_299 = arith.constant 16 : i32
      %mul3A_300 = arith.muli %while3A_205, %mul3A_299 : i32
      %add3A_301 = arith.addi %mul3A_85, %mul3A_300 : i32
      %dma_start3A_302 = arith.constant 2 : i32
      %dma_start3A_303 = arith.constant 32 : i32
      %dma_start3A_304 = arith.constant 0 : i32
      %dma_start3A_305 = tpu.memref_slice %arg16[%select_n3A_222, %dma_start3A_303, %dma_start3A_304] : memref<2x128x128xf32, #tpu.memory_space<vmem>> -> memref<1x16x128xf32, #tpu.memory_space<vmem>>
      %dma_start3A_306 = tpu.memref_squeeze %dma_start3A_305 : memref<1x16x128xf32, #tpu.memory_space<vmem>> -> memref<16x128xf32, #tpu.memory_space<vmem>>
      %dma_start3A_307 = arith.constant 0 : i32
      %dma_start3A_308 = tpu.memref_slice %arg6[%add3A_301, %dma_start3A_302, %add3A_30, %dma_start3A_307] : memref<1433x8x4x128xf32, #tpu.memory_space<hbm>> -> memref<16x1x1x128xf32, #tpu.memory_space<hbm>>
      %dma_start3A_309 = tpu.memref_squeeze %dma_start3A_308 : memref<16x1x1x128xf32, #tpu.memory_space<hbm>> -> memref<16x128xf32, #tpu.memory_space<hbm>>
      %dma_start3A_310 = tpu.memref_slice %arg20[%select_n3A_222] : memref<2x!tpu.dma_semaphore, #tpu.memory_space<semaphore_mem>> -> memref<1x!tpu.dma_semaphore, #tpu.memory_space<semaphore_mem>>
      %dma_start3A_311 = tpu.memref_squeeze %dma_start3A_310 : memref<1x!tpu.dma_semaphore, #tpu.memory_space<semaphore_mem>> -> memref<!tpu.dma_semaphore, #tpu.memory_space<semaphore_mem>>
      %dma_start3A_312 = arith.constant 0 : i32
      %dma_start3A_313 = tpu.memref_slice %arg6[%add3A_301, %dma_start3A_302, %add3A_30, %dma_start3A_312] : memref<1433x8x4x128xf32, #tpu.memory_space<hbm>> -> memref<16x1x1x128xf32, #tpu.memory_space<hbm>>
      %dma_start3A_314 = tpu.memref_squeeze %dma_start3A_313 : memref<16x1x1x128xf32, #tpu.memory_space<hbm>> -> memref<16x128xf32, #tpu.memory_space<hbm>>
      %dma_start3A_315 = arith.constant 32 : i32
      %dma_start3A_316 = arith.constant 0 : i32
      %dma_start3A_317 = tpu.memref_slice %arg16[%select_n3A_222, %dma_start3A_315, %dma_start3A_316] : memref<2x128x128xf32, #tpu.memory_space<vmem>> -> memref<1x16x128xf32, #tpu.memory_space<vmem>>
      %dma_start3A_318 = tpu.memref_squeeze %dma_start3A_317 : memref<1x16x128xf32, #tpu.memory_space<vmem>> -> memref<16x128xf32, #tpu.memory_space<vmem>>
      tpu.enqueue_dma source(%dma_start3A_318 : memref<16x128xf32, #tpu.memory_space<vmem>>) target(%dma_start3A_314 : memref<16x128xf32, #tpu.memory_space<hbm>>) target_semaphore(%dma_start3A_311 : memref<!tpu.dma_semaphore, #tpu.memory_space<semaphore_mem>>)
      %mul3A_319 = arith.constant 16 : i32
      %mul3A_320 = arith.muli %while3A_205, %mul3A_319 : i32
      %add3A_321 = arith.addi %mul3A_85, %mul3A_320 : i32
      %dma_start3A_322 = arith.constant 3 : i32
      %dma_start3A_323 = arith.constant 48 : i32
      %dma_start3A_324 = arith.constant 0 : i32
      %dma_start3A_325 = tpu.memref_slice %arg16[%select_n3A_222, %dma_start3A_323, %dma_start3A_324] : memref<2x128x128xf32, #tpu.memory_space<vmem>> -> memref<1x16x128xf32, #tpu.memory_space<vmem>>
      %dma_start3A_326 = tpu.memref_squeeze %dma_start3A_325 : memref<1x16x128xf32, #tpu.memory_space<vmem>> -> memref<16x128xf32, #tpu.memory_space<vmem>>
      %dma_start3A_327 = arith.constant 0 : i32
      %dma_start3A_328 = tpu.memref_slice %arg6[%add3A_321, %dma_start3A_322, %add3A_30, %dma_start3A_327] : memref<1433x8x4x128xf32, #tpu.memory_space<hbm>> -> memref<16x1x1x128xf32, #tpu.memory_space<hbm>>
      %dma_start3A_329 = tpu.memref_squeeze %dma_start3A_328 : memref<16x1x1x128xf32, #tpu.memory_space<hbm>> -> memref<16x128xf32, #tpu.memory_space<hbm>>
      %dma_start3A_330 = tpu.memref_slice %arg20[%select_n3A_222] : memref<2x!tpu.dma_semaphore, #tpu.memory_space<semaphore_mem>> -> memref<1x!tpu.dma_semaphore, #tpu.memory_space<semaphore_mem>>
      %dma_start3A_331 = tpu.memref_squeeze %dma_start3A_330 : memref<1x!tpu.dma_semaphore, #tpu.memory_space<semaphore_mem>> -> memref<!tpu.dma_semaphore, #tpu.memory_space<semaphore_mem>>
      %dma_start3A_332 = arith.constant 0 : i32
      %dma_start3A_333 = tpu.memref_slice %arg6[%add3A_321, %dma_start3A_322, %add3A_30, %dma_start3A_332] : memref<1433x8x4x128xf32, #tpu.memory_space<hbm>> -> memref<16x1x1x128xf32, #tpu.memory_space<hbm>>
      %dma_start3A_334 = tpu.memref_squeeze %dma_start3A_333 : memref<16x1x1x128xf32, #tpu.memory_space<hbm>> -> memref<16x128xf32, #tpu.memory_space<hbm>>
      %dma_start3A_335 = arith.constant 48 : i32
      %dma_start3A_336 = arith.constant 0 : i32
      %dma_start3A_337 = tpu.memref_slice %arg16[%select_n3A_222, %dma_start3A_335, %dma_start3A_336] : memref<2x128x128xf32, #tpu.memory_space<vmem>> -> memref<1x16x128xf32, #tpu.memory_space<vmem>>
      %dma_start3A_338 = tpu.memref_squeeze %dma_start3A_337 : memref<1x16x128xf32, #tpu.memory_space<vmem>> -> memref<16x128xf32, #tpu.memory_space<vmem>>
      tpu.enqueue_dma source(%dma_start3A_338 : memref<16x128xf32, #tpu.memory_space<vmem>>) target(%dma_start3A_334 : memref<16x128xf32, #tpu.memory_space<hbm>>) target_semaphore(%dma_start3A_331 : memref<!tpu.dma_semaphore, #tpu.memory_space<semaphore_mem>>)
      %mul3A_339 = arith.constant 16 : i32
      %mul3A_340 = arith.muli %while3A_205, %mul3A_339 : i32
      %add3A_341 = arith.addi %mul3A_85, %mul3A_340 : i32
      %dma_start3A_342 = arith.constant 4 : i32
      %dma_start3A_343 = arith.constant 64 : i32
      %dma_start3A_344 = arith.constant 0 : i32
      %dma_start3A_345 = tpu.memref_slice %arg16[%select_n3A_222, %dma_start3A_343, %dma_start3A_344] : memref<2x128x128xf32, #tpu.memory_space<vmem>> -> memref<1x16x128xf32, #tpu.memory_space<vmem>>
      %dma_start3A_346 = tpu.memref_squeeze %dma_start3A_345 : memref<1x16x128xf32, #tpu.memory_space<vmem>> -> memref<16x128xf32, #tpu.memory_space<vmem>>
      %dma_start3A_347 = arith.constant 0 : i32
      %dma_start3A_348 = tpu.memref_slice %arg6[%add3A_341, %dma_start3A_342, %add3A_30, %dma_start3A_347] : memref<1433x8x4x128xf32, #tpu.memory_space<hbm>> -> memref<16x1x1x128xf32, #tpu.memory_space<hbm>>
      %dma_start3A_349 = tpu.memref_squeeze %dma_start3A_348 : memref<16x1x1x128xf32, #tpu.memory_space<hbm>> -> memref<16x128xf32, #tpu.memory_space<hbm>>
      %dma_start3A_350 = tpu.memref_slice %arg20[%select_n3A_222] : memref<2x!tpu.dma_semaphore, #tpu.memory_space<semaphore_mem>> -> memref<1x!tpu.dma_semaphore, #tpu.memory_space<semaphore_mem>>
      %dma_start3A_351 = tpu.memref_squeeze %dma_start3A_350 : memref<1x!tpu.dma_semaphore, #tpu.memory_space<semaphore_mem>> -> memref<!tpu.dma_semaphore, #tpu.memory_space<semaphore_mem>>
      %dma_start3A_352 = arith.constant 0 : i32
      %dma_start3A_353 = tpu.memref_slice %arg6[%add3A_341, %dma_start3A_342, %add3A_30, %dma_start3A_352] : memref<1433x8x4x128xf32, #tpu.memory_space<hbm>> -> memref<16x1x1x128xf32, #tpu.memory_space<hbm>>
      %dma_start3A_354 = tpu.memref_squeeze %dma_start3A_353 : memref<16x1x1x128xf32, #tpu.memory_space<hbm>> -> memref<16x128xf32, #tpu.memory_space<hbm>>
      %dma_start3A_355 = arith.constant 64 : i32
      %dma_start3A_356 = arith.constant 0 : i32
      %dma_start3A_357 = tpu.memref_slice %arg16[%select_n3A_222, %dma_start3A_355, %dma_start3A_356] : memref<2x128x128xf32, #tpu.memory_space<vmem>> -> memref<1x16x128xf32, #tpu.memory_space<vmem>>
      %dma_start3A_358 = tpu.memref_squeeze %dma_start3A_357 : memref<1x16x128xf32, #tpu.memory_space<vmem>> -> memref<16x128xf32, #tpu.memory_space<vmem>>
      tpu.enqueue_dma source(%dma_start3A_358 : memref<16x128xf32, #tpu.memory_space<vmem>>) target(%dma_start3A_354 : memref<16x128xf32, #tpu.memory_space<hbm>>) target_semaphore(%dma_start3A_351 : memref<!tpu.dma_semaphore, #tpu.memory_space<semaphore_mem>>)
      %mul3A_359 = arith.constant 16 : i32
      %mul3A_360 = arith.muli %while3A_205, %mul3A_359 : i32
      %add3A_361 = arith.addi %mul3A_85, %mul3A_360 : i32
      %dma_start3A_362 = arith.constant 5 : i32
      %dma_start3A_363 = arith.constant 80 : i32
      %dma_start3A_364 = arith.constant 0 : i32
      %dma_start3A_365 = tpu.memref_slice %arg16[%select_n3A_222, %dma_start3A_363, %dma_start3A_364] : memref<2x128x128xf32, #tpu.memory_space<vmem>> -> memref<1x16x128xf32, #tpu.memory_space<vmem>>
      %dma_start3A_366 = tpu.memref_squeeze %dma_start3A_365 : memref<1x16x128xf32, #tpu.memory_space<vmem>> -> memref<16x128xf32, #tpu.memory_space<vmem>>
      %dma_start3A_367 = arith.constant 0 : i32
      %dma_start3A_368 = tpu.memref_slice %arg6[%add3A_361, %dma_start3A_362, %add3A_30, %dma_start3A_367] : memref<1433x8x4x128xf32, #tpu.memory_space<hbm>> -> memref<16x1x1x128xf32, #tpu.memory_space<hbm>>
      %dma_start3A_369 = tpu.memref_squeeze %dma_start3A_368 : memref<16x1x1x128xf32, #tpu.memory_space<hbm>> -> memref<16x128xf32, #tpu.memory_space<hbm>>
      %dma_start3A_370 = tpu.memref_slice %arg20[%select_n3A_222] : memref<2x!tpu.dma_semaphore, #tpu.memory_space<semaphore_mem>> -> memref<1x!tpu.dma_semaphore, #tpu.memory_space<semaphore_mem>>
      %dma_start3A_371 = tpu.memref_squeeze %dma_start3A_370 : memref<1x!tpu.dma_semaphore, #tpu.memory_space<semaphore_mem>> -> memref<!tpu.dma_semaphore, #tpu.memory_space<semaphore_mem>>
      %dma_start3A_372 = arith.constant 0 : i32
      %dma_start3A_373 = tpu.memref_slice %arg6[%add3A_361, %dma_start3A_362, %add3A_30, %dma_start3A_372] : memref<1433x8x4x128xf32, #tpu.memory_space<hbm>> -> memref<16x1x1x128xf32, #tpu.memory_space<hbm>>
      %dma_start3A_374 = tpu.memref_squeeze %dma_start3A_373 : memref<16x1x1x128xf32, #tpu.memory_space<hbm>> -> memref<16x128xf32, #tpu.memory_space<hbm>>
      %dma_start3A_375 = arith.constant 80 : i32
      %dma_start3A_376 = arith.constant 0 : i32
      %dma_start3A_377 = tpu.memref_slice %arg16[%select_n3A_222, %dma_start3A_375, %dma_start3A_376] : memref<2x128x128xf32, #tpu.memory_space<vmem>> -> memref<1x16x128xf32, #tpu.memory_space<vmem>>
      %dma_start3A_378 = tpu.memref_squeeze %dma_start3A_377 : memref<1x16x128xf32, #tpu.memory_space<vmem>> -> memref<16x128xf32, #tpu.memory_space<vmem>>
      tpu.enqueue_dma source(%dma_start3A_378 : memref<16x128xf32, #tpu.memory_space<vmem>>) target(%dma_start3A_374 : memref<16x128xf32, #tpu.memory_space<hbm>>) target_semaphore(%dma_start3A_371 : memref<!tpu.dma_semaphore, #tpu.memory_space<semaphore_mem>>)
      %mul3A_379 = arith.constant 16 : i32
      %mul3A_380 = arith.muli %while3A_205, %mul3A_379 : i32
      %add3A_381 = arith.addi %mul3A_85, %mul3A_380 : i32
      %dma_start3A_382 = arith.constant 6 : i32
      %dma_start3A_383 = arith.constant 96 : i32
      %dma_start3A_384 = arith.constant 0 : i32
      %dma_start3A_385 = tpu.memref_slice %arg16[%select_n3A_222, %dma_start3A_383, %dma_start3A_384] : memref<2x128x128xf32, #tpu.memory_space<vmem>> -> memref<1x16x128xf32, #tpu.memory_space<vmem>>
      %dma_start3A_386 = tpu.memref_squeeze %dma_start3A_385 : memref<1x16x128xf32, #tpu.memory_space<vmem>> -> memref<16x128xf32, #tpu.memory_space<vmem>>
      %dma_start3A_387 = arith.constant 0 : i32
      %dma_start3A_388 = tpu.memref_slice %arg6[%add3A_381, %dma_start3A_382, %add3A_30, %dma_start3A_387] : memref<1433x8x4x128xf32, #tpu.memory_space<hbm>> -> memref<16x1x1x128xf32, #tpu.memory_space<hbm>>
      %dma_start3A_389 = tpu.memref_squeeze %dma_start3A_388 : memref<16x1x1x128xf32, #tpu.memory_space<hbm>> -> memref<16x128xf32, #tpu.memory_space<hbm>>
      %dma_start3A_390 = tpu.memref_slice %arg20[%select_n3A_222] : memref<2x!tpu.dma_semaphore, #tpu.memory_space<semaphore_mem>> -> memref<1x!tpu.dma_semaphore, #tpu.memory_space<semaphore_mem>>
      %dma_start3A_391 = tpu.memref_squeeze %dma_start3A_390 : memref<1x!tpu.dma_semaphore, #tpu.memory_space<semaphore_mem>> -> memref<!tpu.dma_semaphore, #tpu.memory_space<semaphore_mem>>
      %dma_start3A_392 = arith.constant 0 : i32
      %dma_start3A_393 = tpu.memref_slice %arg6[%add3A_381, %dma_start3A_382, %add3A_30, %dma_start3A_392] : memref<1433x8x4x128xf32, #tpu.memory_space<hbm>> -> memref<16x1x1x128xf32, #tpu.memory_space<hbm>>
      %dma_start3A_394 = tpu.memref_squeeze %dma_start3A_393 : memref<16x1x1x128xf32, #tpu.memory_space<hbm>> -> memref<16x128xf32, #tpu.memory_space<hbm>>
      %dma_start3A_395 = arith.constant 96 : i32
      %dma_start3A_396 = arith.constant 0 : i32
      %dma_start3A_397 = tpu.memref_slice %arg16[%select_n3A_222, %dma_start3A_395, %dma_start3A_396] : memref<2x128x128xf32, #tpu.memory_space<vmem>> -> memref<1x16x128xf32, #tpu.memory_space<vmem>>
      %dma_start3A_398 = tpu.memref_squeeze %dma_start3A_397 : memref<1x16x128xf32, #tpu.memory_space<vmem>> -> memref<16x128xf32, #tpu.memory_space<vmem>>
      tpu.enqueue_dma source(%dma_start3A_398 : memref<16x128xf32, #tpu.memory_space<vmem>>) target(%dma_start3A_394 : memref<16x128xf32, #tpu.memory_space<hbm>>) target_semaphore(%dma_start3A_391 : memref<!tpu.dma_semaphore, #tpu.memory_space<semaphore_mem>>)
      %mul3A_399 = arith.constant 16 : i32
      %mul3A_400 = arith.muli %while3A_205, %mul3A_399 : i32
      %add3A_401 = arith.addi %mul3A_85, %mul3A_400 : i32
      %dma_start3A_402 = arith.constant 7 : i32
      %dma_start3A_403 = arith.constant 112 : i32
      %dma_start3A_404 = arith.constant 0 : i32
      %dma_start3A_405 = tpu.memref_slice %arg16[%select_n3A_222, %dma_start3A_403, %dma_start3A_404] : memref<2x128x128xf32, #tpu.memory_space<vmem>> -> memref<1x16x128xf32, #tpu.memory_space<vmem>>
      %dma_start3A_406 = tpu.memref_squeeze %dma_start3A_405 : memref<1x16x128xf32, #tpu.memory_space<vmem>> -> memref<16x128xf32, #tpu.memory_space<vmem>>
      %dma_start3A_407 = arith.constant 0 : i32
      %dma_start3A_408 = tpu.memref_slice %arg6[%add3A_401, %dma_start3A_402, %add3A_30, %dma_start3A_407] : memref<1433x8x4x128xf32, #tpu.memory_space<hbm>> -> memref<16x1x1x128xf32, #tpu.memory_space<hbm>>
      %dma_start3A_409 = tpu.memref_squeeze %dma_start3A_408 : memref<16x1x1x128xf32, #tpu.memory_space<hbm>> -> memref<16x128xf32, #tpu.memory_space<hbm>>
      %dma_start3A_410 = tpu.memref_slice %arg20[%select_n3A_222] : memref<2x!tpu.dma_semaphore, #tpu.memory_space<semaphore_mem>> -> memref<1x!tpu.dma_semaphore, #tpu.memory_space<semaphore_mem>>
      %dma_start3A_411 = tpu.memref_squeeze %dma_start3A_410 : memref<1x!tpu.dma_semaphore, #tpu.memory_space<semaphore_mem>> -> memref<!tpu.dma_semaphore, #tpu.memory_space<semaphore_mem>>
      %dma_start3A_412 = arith.constant 0 : i32
      %dma_start3A_413 = tpu.memref_slice %arg6[%add3A_401, %dma_start3A_402, %add3A_30, %dma_start3A_412] : memref<1433x8x4x128xf32, #tpu.memory_space<hbm>> -> memref<16x1x1x128xf32, #tpu.memory_space<hbm>>
      %dma_start3A_414 = tpu.memref_squeeze %dma_start3A_413 : memref<16x1x1x128xf32, #tpu.memory_space<hbm>> -> memref<16x128xf32, #tpu.memory_space<hbm>>
      %dma_start3A_415 = arith.constant 112 : i32
      %dma_start3A_416 = arith.constant 0 : i32
      %dma_start3A_417 = tpu.memref_slice %arg16[%select_n3A_222, %dma_start3A_415, %dma_start3A_416] : memref<2x128x128xf32, #tpu.memory_space<vmem>> -> memref<1x16x128xf32, #tpu.memory_space<vmem>>
      %dma_start3A_418 = tpu.memref_squeeze %dma_start3A_417 : memref<1x16x128xf32, #tpu.memory_space<vmem>> -> memref<16x128xf32, #tpu.memory_space<vmem>>
      tpu.enqueue_dma source(%dma_start3A_418 : memref<16x128xf32, #tpu.memory_space<vmem>>) target(%dma_start3A_414 : memref<16x128xf32, #tpu.memory_space<hbm>>) target_semaphore(%dma_start3A_411 : memref<!tpu.dma_semaphore, #tpu.memory_space<semaphore_mem>>)
      %while3A_419 = arith.constant 0 : i32
      scf.yield %while3A_419 : i32
    }
    %sub3A_176 = arith.constant 1 : i32
    %sub3A_177 = arith.subi %select_n3A_67, %sub3A_176 : i32
    %jit3A_178 = arith.constant 2 : i32
    %eq3A_179 = arith.constant 0 : i32
    %eq3A_180 = arith.cmpi eq, %jit3A_178, %eq3A_179 : i32
    %jit3A_181 = arith.constant 1 : i32
    %select_n3A_182 = arith.select %eq3A_180, %jit3A_181, %jit3A_178 : i32
    %rem3A_183 = arith.remsi %sub3A_177, %select_n3A_182 : i32
    %ne3A_184 = arith.constant 0 : i32
    %ne3A_185 = arith.cmpi ne, %rem3A_183, %ne3A_184 : i32
    %lt3A_186 = arith.constant 0 : i32
    %lt3A_187 = arith.cmpi slt, %rem3A_183, %lt3A_186 : i32
    %lt3A_188 = arith.constant 0 : i32
    %lt3A_189 = arith.cmpi slt, %select_n3A_182, %lt3A_188 : i32
    %ne3A_190 = arith.xori %lt3A_187, %lt3A_189 : i1
    %and3A_191 = arith.andi %ne3A_190, %ne3A_185 : i1
    %add3A_192 = arith.addi %rem3A_183, %select_n3A_182 : i32
    %select_n3A_193 = arith.select %and3A_191, %add3A_192, %rem3A_183 : i32
    %dma_wait3A = arith.constant 0 : i32
    %dma_wait3A_194 = arith.constant 0 : i32
    %dma_wait3A_195 = tpu.memref_slice %arg2[%dma_wait3A, %dma_wait3A_194] : memref<65536x128xf32, #tpu.memory_space<hbm>> -> memref<128x128xf32, #tpu.memory_space<hbm>>
    %dma_wait3A_196 = tpu.memref_slice %arg20[%select_n3A_193] : memref<2x!tpu.dma_semaphore, #tpu.memory_space<semaphore_mem>> -> memref<1x!tpu.dma_semaphore, #tpu.memory_space<semaphore_mem>>
    %dma_wait3A_197 = tpu.memref_squeeze %dma_wait3A_196 : memref<1x!tpu.dma_semaphore, #tpu.memory_space<semaphore_mem>> -> memref<!tpu.dma_semaphore, #tpu.memory_space<semaphore_mem>>
    %dma_wait3A_198 = arith.constant 0 : i32
    %dma_wait3A_199 = arith.constant 0 : i32
    %dma_wait3A_200 = tpu.memref_slice %arg2[%dma_wait3A_198, %dma_wait3A_199] : memref<65536x128xf32, #tpu.memory_space<hbm>> -> memref<128x128xf32, #tpu.memory_space<hbm>>
    tpu.wait_dma2 semaphore(%dma_wait3A_197 : memref<!tpu.dma_semaphore, #tpu.memory_space<semaphore_mem>>) src(%dma_wait3A_200 : memref<128x128xf32, #tpu.memory_space<hbm>>) dst(%arg17 : memref<128x128xf32, #tpu.memory_space<vmem>>)
    %gt3A = arith.constant 0 : i32
    %gt3A_201 = arith.cmpi sgt, %select_n3A_83, %gt3A : i32
    %convert_element_type3A_202 = arith.extui %gt3A_201 : i1 to i32
    %cond3A_203 = arith.constant 0 : i32
    %cond3A_204 = arith.cmpi ne, %convert_element_type3A_202, %cond3A_203 : i32
    scf.if %cond3A_204 {
      %mul3A_205 = arith.constant 16 : i32
      %mul3A_206 = arith.muli %select_n3A_67, %mul3A_205 : i32
      %get3A_207 = arith.index_cast %mul3A_206 : i32 to index
      %get3A_208 = tpu.vector_load %arg14[%get3A_207] {strides = array<i32>} : memref<208xi32, #tpu.memory_space<vmem>>, vector<16xi32>,
      %shift_right_arithmetic3A_209 = arith.constant 3 : i32
      %shift_right_arithmetic3A_210 = vector.broadcast %shift_right_arithmetic3A_209 : i32 to vector<16xi32>
      %shift_right_arithmetic3A_211 = arith.shrsi %get3A_208, %shift_right_arithmetic3A_210 : vector<16xi32>
      %mul3A_212 = arith.constant 64 : i32
      %mul3A_213 = vector.broadcast %mul3A_212 : i32 to vector<16xi32>
      %mul3A_214 = arith.muli %shift_right_arithmetic3A_211, %mul3A_213 : vector<16xi32>
      %and3A_215 = arith.constant 7 : i32
      %and3A_216 = vector.broadcast %and3A_215 : i32 to vector<16xi32>
      %and3A_217 = arith.andi %get3A_208, %and3A_216 : vector<16xi32>
      %add3A_218 = arith.addi %mul3A_214, %and3A_217 : vector<16xi32>
      %add3A_219 = arith.constant 0 : i32
      %add3A_220 = vector.broadcast %add3A_219 : i32 to vector<16xi32>
      %add3A_221 = arith.addi %add3A_218, %add3A_220 : vector<16xi32>
      %swap3A_222 = arith.constant 0 : i32
      %swap3A_223 = arith.index_cast %swap3A_222 : i32 to index
      %swap3A_224 = arith.constant 0 : index
      %swap3A_225 = tpu.vector_load %arg18[%swap3A_223, %swap3A_224] {strides = array<i32>} : memref<2x128xi32, #tpu.memory_space<vmem>>, vector<16xi32>,
      tpu.vector_store %arg18[%swap3A_223, %swap3A_224], %add3A_221 {strides = array<i32>} : memref<2x128xi32, #tpu.memory_space<vmem>>, vector<16xi32>,
      %add3A_226 = arith.constant 8 : i32
      %add3A_227 = vector.broadcast %add3A_226 : i32 to vector<16xi32>
      %add3A_228 = arith.addi %add3A_218, %add3A_227 : vector<16xi32>
      %swap3A_229 = arith.constant 0 : i32
      %swap3A_230 = arith.index_cast %swap3A_229 : i32 to index
      %swap3A_231 = arith.constant 16 : index
      %swap3A_232 = tpu.vector_load %arg18[%swap3A_230, %swap3A_231] {strides = array<i32>} : memref<2x128xi32, #tpu.memory_space<vmem>>, vector<16xi32>,
      tpu.vector_store %arg18[%swap3A_230, %swap3A_231], %add3A_228 {strides = array<i32>} : memref<2x128xi32, #tpu.memory_space<vmem>>, vector<16xi32>,
      %add3A_233 = arith.constant 16 : i32
      %add3A_234 = vector.broadcast %add3A_233 : i32 to vector<16xi32>
      %add3A_235 = arith.addi %add3A_218, %add3A_234 : vector<16xi32>
      %swap3A_236 = arith.constant 0 : i32
      %swap3A_237 = arith.index_cast %swap3A_236 : i32 to index
      %swap3A_238 = arith.constant 32 : index
      %swap3A_239 = tpu.vector_load %arg18[%swap3A_237, %swap3A_238] {strides = array<i32>} : memref<2x128xi32, #tpu.memory_space<vmem>>, vector<16xi32>,
      tpu.vector_store %arg18[%swap3A_237, %swap3A_238], %add3A_235 {strides = array<i32>} : memref<2x128xi32, #tpu.memory_space<vmem>>, vector<16xi32>,
      %add3A_240 = arith.constant 24 : i32
      %add3A_241 = vector.broadcast %add3A_240 : i32 to vector<16xi32>
      %add3A_242 = arith.addi %add3A_218, %add3A_241 : vector<16xi32>
      %swap3A_243 = arith.constant 0 : i32
      %swap3A_244 = arith.index_cast %swap3A_243 : i32 to index
      %swap3A_245 = arith.constant 48 : index
      %swap3A_246 = tpu.vector_load %arg18[%swap3A_244, %swap3A_245] {strides = array<i32>} : memref<2x128xi32, #tpu.memory_space<vmem>>, vector<16xi32>,
      tpu.vector_store %arg18[%swap3A_244, %swap3A_245], %add3A_242 {strides = array<i32>} : memref<2x128xi32, #tpu.memory_space<vmem>>, vector<16xi32>,
      %add3A_247 = arith.constant 32 : i32
      %add3A_248 = vector.broadcast %add3A_247 : i32 to vector<16xi32>
      %add3A_249 = arith.addi %add3A_218, %add3A_248 : vector<16xi32>
      %swap3A_250 = arith.constant 0 : i32
      %swap3A_251 = arith.index_cast %swap3A_250 : i32 to index
      %swap3A_252 = arith.constant 64 : index
      %swap3A_253 = tpu.vector_load %arg18[%swap3A_251, %swap3A_252] {strides = array<i32>} : memref<2x128xi32, #tpu.memory_space<vmem>>, vector<16xi32>,
      tpu.vector_store %arg18[%swap3A_251, %swap3A_252], %add3A_249 {strides = array<i32>} : memref<2x128xi32, #tpu.memory_space<vmem>>, vector<16xi32>,
      %add3A_254 = arith.constant 40 : i32
      %add3A_255 = vector.broadcast %add3A_254 : i32 to vector<16xi32>
      %add3A_256 = arith.addi %add3A_218, %add3A_255 : vector<16xi32>
      %swap3A_257 = arith.constant 0 : i32
      %swap3A_258 = arith.index_cast %swap3A_257 : i32 to index
      %swap3A_259 = arith.constant 80 : index
      %swap3A_260 = tpu.vector_load %arg18[%swap3A_258, %swap3A_259] {strides = array<i32>} : memref<2x128xi32, #tpu.memory_space<vmem>>, vector<16xi32>,
      tpu.vector_store %arg18[%swap3A_258, %swap3A_259], %add3A_256 {strides = array<i32>} : memref<2x128xi32, #tpu.memory_space<vmem>>, vector<16xi32>,
      %add3A_261 = arith.constant 48 : i32
      %add3A_262 = vector.broadcast %add3A_261 : i32 to vector<16xi32>
      %add3A_263 = arith.addi %add3A_218, %add3A_262 : vector<16xi32>
      %swap3A_264 = arith.constant 0 : i32
      %swap3A_265 = arith.index_cast %swap3A_264 : i32 to index
      %swap3A_266 = arith.constant 96 : index
      %swap3A_267 = tpu.vector_load %arg18[%swap3A_265, %swap3A_266] {strides = array<i32>} : memref<2x128xi32, #tpu.memory_space<vmem>>, vector<16xi32>,
      tpu.vector_store %arg18[%swap3A_265, %swap3A_266], %add3A_263 {strides = array<i32>} : memref<2x128xi32, #tpu.memory_space<vmem>>, vector<16xi32>,
      %add3A_268 = arith.constant 56 : i32
      %add3A_269 = vector.broadcast %add3A_268 : i32 to vector<16xi32>
      %add3A_270 = arith.addi %add3A_218, %add3A_269 : vector<16xi32>
      %swap3A_271 = arith.constant 0 : i32
      %swap3A_272 = arith.index_cast %swap3A_271 : i32 to index
      %swap3A_273 = arith.constant 112 : index
      %swap3A_274 = tpu.vector_load %arg18[%swap3A_272, %swap3A_273] {strides = array<i32>} : memref<2x128xi32, #tpu.memory_space<vmem>>, vector<16xi32>,
      tpu.vector_store %arg18[%swap3A_272, %swap3A_273], %add3A_270 {strides = array<i32>} : memref<2x128xi32, #tpu.memory_space<vmem>>, vector<16xi32>,
      %dma_start3A_275 = arith.constant 0 : i32
      %dma_start3A_276 = arith.constant 0 : i32
      %dma_start3A_277 = arith.constant 0 : i32
      %dma_start3A_278 = arith.constant 0 : i32
      %dma_start3A_279 = arith.constant 0 : i32
      %dma_start3A_280 = tpu.memref_slice %arg16[%dma_start3A_276, %dma_start3A_278, %dma_start3A_279] : memref<2x128x128xf32, #tpu.memory_space<vmem>> -> memref<1x128x128xf32, #tpu.memory_space<vmem>>
      %dma_start3A_281 = tpu.memref_squeeze %dma_start3A_280 : memref<1x128x128xf32, #tpu.memory_space<vmem>> -> memref<128x128xf32, #tpu.memory_space<vmem>>
      %dma_start3A_282 = arith.constant 0 : i32
      %dma_start3A_283 = tpu.memref_slice %arg18[%dma_start3A_275, %dma_start3A_282] : memref<2x128xi32, #tpu.memory_space<vmem>> -> memref<1x128xi32, #tpu.memory_space<vmem>>
      %dma_start3A_284 = tpu.memref_squeeze %dma_start3A_283 : memref<1x128xi32, #tpu.memory_space<vmem>> -> memref<128xi32, #tpu.memory_space<vmem>>
      %dma_start3A_285 = arith.constant 0 : i32
      %dma_start3A_286 = arith.constant 0 : i32
      %dma_start3A_287 = tpu.memref_slice %arg2[%dma_start3A_285, %dma_start3A_286] : memref<65536x128xf32, #tpu.memory_space<hbm>> -> memref<65536x128xf32, #tpu.memory_space<hbm>>
      %dma_start3A_288 = tpu.memref_slice %arg19[%dma_start3A_277] : memref<2x!tpu.dma_semaphore, #tpu.memory_space<semaphore_mem>> -> memref<1x!tpu.dma_semaphore, #tpu.memory_space<semaphore_mem>>
      %dma_start3A_289 = tpu.memref_squeeze %dma_start3A_288 : memref<1x!tpu.dma_semaphore, #tpu.memory_space<semaphore_mem>> -> memref<!tpu.dma_semaphore, #tpu.memory_space<semaphore_mem>>
      tpu.enqueue_indirect_dma source(%dma_start3A_287 : memref<65536x128xf32, #tpu.memory_space<hbm>>) target(%dma_start3A_281 : memref<128x128xf32, #tpu.memory_space<vmem>>) offsets(%dma_start3A_284 : memref<128xi32, #tpu.memory_space<vmem>>) semaphore(%dma_start3A_289 : memref<!tpu.dma_semaphore, #tpu.memory_space<semaphore_mem>>)
      %dma_wait3A_290 = arith.constant 0 : i32
      %dma_wait3A_291 = arith.constant 0 : i32
      %dma_wait3A_292 = arith.constant 0 : i32
      %dma_wait3A_293 = arith.constant 0 : i32
      %dma_wait3A_294 = tpu.memref_slice %arg16[%dma_wait3A_290, %dma_wait3A_292, %dma_wait3A_293] : memref<2x128x128xf32, #tpu.memory_space<vmem>> -> memref<1x128x128xf32, #tpu.memory_space<vmem>>
      %dma_wait3A_295 = tpu.memref_squeeze %dma_wait3A_294 : memref<1x128x128xf32, #tpu.memory_space<vmem>> -> memref<128x128xf32, #tpu.memory_space<vmem>>
      %dma_wait3A_296 = arith.constant 0 : i32
      %dma_wait3A_297 = arith.constant 0 : i32
      %dma_wait3A_298 = tpu.memref_slice %arg2[%dma_wait3A_296, %dma_wait3A_297] : memref<65536x128xf32, #tpu.memory_space<hbm>> -> memref<128x128xf32, #tpu.memory_space<hbm>>
      %dma_wait3A_299 = tpu.memref_slice %arg19[%dma_wait3A_291] : memref<2x!tpu.dma_semaphore, #tpu.memory_space<semaphore_mem>> -> memref<1x!tpu.dma_semaphore, #tpu.memory_space<semaphore_mem>>
      %dma_wait3A_300 = tpu.memref_squeeze %dma_wait3A_299 : memref<1x!tpu.dma_semaphore, #tpu.memory_space<semaphore_mem>> -> memref<!tpu.dma_semaphore, #tpu.memory_space<semaphore_mem>>
      %dma_wait3A_301 = arith.constant 0 : i32
      %dma_wait3A_302 = arith.constant 0 : i32
      %dma_wait3A_303 = tpu.memref_slice %arg16[%dma_wait3A_290, %dma_wait3A_301, %dma_wait3A_302] : memref<2x128x128xf32, #tpu.memory_space<vmem>> -> memref<1x128x128xf32, #tpu.memory_space<vmem>>
      %dma_wait3A_304 = tpu.memref_squeeze %dma_wait3A_303 : memref<1x128x128xf32, #tpu.memory_space<vmem>> -> memref<128x128xf32, #tpu.memory_space<vmem>>
      %dma_wait3A_305 = arith.constant 0 : i32
      %dma_wait3A_306 = arith.constant 0 : i32
      %dma_wait3A_307 = tpu.memref_slice %arg2[%dma_wait3A_305, %dma_wait3A_306] : memref<65536x128xf32, #tpu.memory_space<hbm>> -> memref<128x128xf32, #tpu.memory_space<hbm>>
      tpu.wait_dma2 semaphore(%dma_wait3A_300 : memref<!tpu.dma_semaphore, #tpu.memory_space<semaphore_mem>>) src(%dma_wait3A_307 : memref<128x128xf32, #tpu.memory_space<hbm>>) dst(%dma_wait3A_304 : memref<128x128xf32, #tpu.memory_space<vmem>>)
      %mul3A_308 = arith.constant 16 : i32
      %mul3A_309 = arith.muli %select_n3A_67, %mul3A_308 : i32
      %scan3A = arith.constant 0 : i32
      %scan3A_310 = arith.constant 0 : i32
      %scan3A_311 = arith.constant 16 : i32
      %scan3A_312 = arith.addi %scan3A_310, %scan3A_311 : i32
      %scan3A_313 = arith.constant 1 : i32
      %scan3A_314 = scf.for %scan3A_328 = %scan3A_310 to %scan3A_312 step %scan3A_313 iter_args(%scan3A_329 = %scan3A) -> (i32)  : i32 {
        %add3A_330 = arith.addi %mul3A_309, %scan3A_328 : i32
        %broadcast_in_dim3A = vector.broadcast %add3A_330 : i32 to vector<16xi32>
        %gather3A = tpu.vector_load_idx %arg15[%broadcast_in_dim3A] : memref<208xf32, #tpu.memory_space<vmem>>[vector<16xi32>], vector<16xf32>,
        %add3A_331 = arith.constant 0 : i32
        %add3A_332 = arith.addi %add3A_331, %scan3A_328 : i32
        %get3A_333 = arith.constant 0 : i32
        %get3A_334 = arith.index_cast %get3A_333 : i32 to index
        %get3A_335 = arith.index_cast %add3A_332 : i32 to index
        %get3A_336 = arith.constant 0 : index
        %get3A_337 = tpu.vector_load %arg16[%get3A_334, %get3A_335, %get3A_336] {strides = array<i32>} : memref<2x128x128xf32, #tpu.memory_space<vmem>>, vector<16xf32>,
        %mul3A_338 = arith.mulf %get3A_337, %gather3A : vector<16xf32>
        %swap3A_339 = arith.constant 0 : i32
        %swap3A_340 = arith.index_cast %swap3A_339 : i32 to index
        %swap3A_341 = arith.index_cast %add3A_332 : i32 to index
        %swap3A_342 = arith.constant 0 : index
        %swap3A_343 = tpu.vector_load %arg16[%swap3A_340, %swap3A_341, %swap3A_342] {strides = array<i32>} : memref<2x128x128xf32, #tpu.memory_space<vmem>>, vector<16xf32>,
        tpu.vector_store %arg16[%swap3A_340, %swap3A_341, %swap3A_342], %mul3A_338 {strides = array<i32>} : memref<2x128x128xf32, #tpu.memory_space<vmem>>, vector<16xf32>,
        %add3A_344 = arith.constant 0 : i32
        %add3A_345 = arith.addi %add3A_344, %scan3A_328 : i32
        %get3A_346 = arith.constant 0 : i32
        %get3A_347 = arith.index_cast %get3A_346 : i32 to index
        %get3A_348 = arith.index_cast %add3A_345 : i32 to index
        %get3A_349 = arith.constant 16 : index
        %get3A_350 = tpu.vector_load %arg16[%get3A_347, %get3A_348, %get3A_349] {strides = array<i32>} : memref<2x128x128xf32, #tpu.memory_space<vmem>>, vector<16xf32>,
        %mul3A_351 = arith.mulf %get3A_350, %gather3A : vector<16xf32>
        %swap3A_352 = arith.constant 0 : i32
        %swap3A_353 = arith.index_cast %swap3A_352 : i32 to index
        %swap3A_354 = arith.index_cast %add3A_345 : i32 to index
        %swap3A_355 = arith.constant 16 : index
        %swap3A_356 = tpu.vector_load %arg16[%swap3A_353, %swap3A_354, %swap3A_355] {strides = array<i32>} : memref<2x128x128xf32, #tpu.memory_space<vmem>>, vector<16xf32>,
        tpu.vector_store %arg16[%swap3A_353, %swap3A_354, %swap3A_355], %mul3A_351 {strides = array<i32>} : memref<2x128x128xf32, #tpu.memory_space<vmem>>, vector<16xf32>,
        %add3A_357 = arith.constant 0 : i32
        %add3A_358 = arith.addi %add3A_357, %scan3A_328 : i32
        %get3A_359 = arith.constant 0 : i32
        %get3A_360 = arith.index_cast %get3A_359 : i32 to index
        %get3A_361 = arith.index_cast %add3A_358 : i32 to index
        %get3A_362 = arith.constant 32 : index
        %get3A_363 = tpu.vector_load %arg16[%get3A_360, %get3A_361, %get3A_362] {strides = array<i32>} : memref<2x128x128xf32, #tpu.memory_space<vmem>>, vector<16xf32>,
        %mul3A_364 = arith.mulf %get3A_363, %gather3A : vector<16xf32>
        %swap3A_365 = arith.constant 0 : i32
        %swap3A_366 = arith.index_cast %swap3A_365 : i32 to index
        %swap3A_367 = arith.index_cast %add3A_358 : i32 to index
        %swap3A_368 = arith.constant 32 : index
        %swap3A_369 = tpu.vector_load %arg16[%swap3A_366, %swap3A_367, %swap3A_368] {strides = array<i32>} : memref<2x128x128xf32, #tpu.memory_space<vmem>>, vector<16xf32>,
        tpu.vector_store %arg16[%swap3A_366, %swap3A_367, %swap3A_368], %mul3A_364 {strides = array<i32>} : memref<2x128x128xf32, #tpu.memory_space<vmem>>, vector<16xf32>,
        %add3A_370 = arith.constant 0 : i32
        %add3A_371 = arith.addi %add3A_370, %scan3A_328 : i32
        %get3A_372 = arith.constant 0 : i32
        %get3A_373 = arith.index_cast %get3A_372 : i32 to index
        %get3A_374 = arith.index_cast %add3A_371 : i32 to index
        %get3A_375 = arith.constant 48 : index
        %get3A_376 = tpu.vector_load %arg16[%get3A_373, %get3A_374, %get3A_375] {strides = array<i32>} : memref<2x128x128xf32, #tpu.memory_space<vmem>>, vector<16xf32>,
        %mul3A_377 = arith.mulf %get3A_376, %gather3A : vector<16xf32>
        %swap3A_378 = arith.constant 0 : i32
        %swap3A_379 = arith.index_cast %swap3A_378 : i32 to index
        %swap3A_380 = arith.index_cast %add3A_371 : i32 to index
        %swap3A_381 = arith.constant 48 : index
        %swap3A_382 = tpu.vector_load %arg16[%swap3A_379, %swap3A_380, %swap3A_381] {strides = array<i32>} : memref<2x128x128xf32, #tpu.memory_space<vmem>>, vector<16xf32>,
        tpu.vector_store %arg16[%swap3A_379, %swap3A_380, %swap3A_381], %mul3A_377 {strides = array<i32>} : memref<2x128x128xf32, #tpu.memory_space<vmem>>, vector<16xf32>,
        %add3A_383 = arith.constant 0 : i32
        %add3A_384 = arith.addi %add3A_383, %scan3A_328 : i32
        %get3A_385 = arith.constant 0 : i32
        %get3A_386 = arith.index_cast %get3A_385 : i32 to index
        %get3A_387 = arith.index_cast %add3A_384 : i32 to index
        %get3A_388 = arith.constant 64 : index
        %get3A_389 = tpu.vector_load %arg16[%get3A_386, %get3A_387, %get3A_388] {strides = array<i32>} : memref<2x128x128xf32, #tpu.memory_space<vmem>>, vector<16xf32>,
        %mul3A_390 = arith.mulf %get3A_389, %gather3A : vector<16xf32>
        %swap3A_391 = arith.constant 0 : i32
        %swap3A_392 = arith.index_cast %swap3A_391 : i32 to index
        %swap3A_393 = arith.index_cast %add3A_384 : i32 to index
        %swap3A_394 = arith.constant 64 : index
        %swap3A_395 = tpu.vector_load %arg16[%swap3A_392, %swap3A_393, %swap3A_394] {strides = array<i32>} : memref<2x128x128xf32, #tpu.memory_space<vmem>>, vector<16xf32>,
        tpu.vector_store %arg16[%swap3A_392, %swap3A_393, %swap3A_394], %mul3A_390 {strides = array<i32>} : memref<2x128x128xf32, #tpu.memory_space<vmem>>, vector<16xf32>,
        %add3A_396 = arith.constant 0 : i32
        %add3A_397 = arith.addi %add3A_396, %scan3A_328 : i32
        %get3A_398 = arith.constant 0 : i32
        %get3A_399 = arith.index_cast %get3A_398 : i32 to index
        %get3A_400 = arith.index_cast %add3A_397 : i32 to index
        %get3A_401 = arith.constant 80 : index
        %get3A_402 = tpu.vector_load %arg16[%get3A_399, %get3A_400, %get3A_401] {strides = array<i32>} : memref<2x128x128xf32, #tpu.memory_space<vmem>>, vector<16xf32>,
        %mul3A_403 = arith.mulf %get3A_402, %gather3A : vector<16xf32>
        %swap3A_404 = arith.constant 0 : i32
        %swap3A_405 = arith.index_cast %swap3A_404 : i32 to index
        %swap3A_406 = arith.index_cast %add3A_397 : i32 to index
        %swap3A_407 = arith.constant 80 : index
        %swap3A_408 = tpu.vector_load %arg16[%swap3A_405, %swap3A_406, %swap3A_407] {strides = array<i32>} : memref<2x128x128xf32, #tpu.memory_space<vmem>>, vector<16xf32>,
        tpu.vector_store %arg16[%swap3A_405, %swap3A_406, %swap3A_407], %mul3A_403 {strides = array<i32>} : memref<2x128x128xf32, #tpu.memory_space<vmem>>, vector<16xf32>,
        %add3A_409 = arith.constant 0 : i32
        %add3A_410 = arith.addi %add3A_409, %scan3A_328 : i32
        %get3A_411 = arith.constant 0 : i32
        %get3A_412 = arith.index_cast %get3A_411 : i32 to index
        %get3A_413 = arith.index_cast %add3A_410 : i32 to index
        %get3A_414 = arith.constant 96 : index
        %get3A_415 = tpu.vector_load %arg16[%get3A_412, %get3A_413, %get3A_414] {strides = array<i32>} : memref<2x128x128xf32, #tpu.memory_space<vmem>>, vector<16xf32>,
        %mul3A_416 = arith.mulf %get3A_415, %gather3A : vector<16xf32>
        %swap3A_417 = arith.constant 0 : i32
        %swap3A_418 = arith.index_cast %swap3A_417 : i32 to index
        %swap3A_419 = arith.index_cast %add3A_410 : i32 to index
        %swap3A_420 = arith.constant 96 : index
        %swap3A_421 = tpu.vector_load %arg16[%swap3A_418, %swap3A_419, %swap3A_420] {strides = array<i32>} : memref<2x128x128xf32, #tpu.memory_space<vmem>>, vector<16xf32>,
        tpu.vector_store %arg16[%swap3A_418, %swap3A_419, %swap3A_420], %mul3A_416 {strides = array<i32>} : memref<2x128x128xf32, #tpu.memory_space<vmem>>, vector<16xf32>,
        %add3A_422 = arith.constant 0 : i32
        %add3A_423 = arith.addi %add3A_422, %scan3A_328 : i32
        %get3A_424 = arith.constant 0 : i32
        %get3A_425 = arith.index_cast %get3A_424 : i32 to index
        %get3A_426 = arith.index_cast %add3A_423 : i32 to index
        %get3A_427 = arith.constant 112 : index
        %get3A_428 = tpu.vector_load %arg16[%get3A_425, %get3A_426, %get3A_427] {strides = array<i32>} : memref<2x128x128xf32, #tpu.memory_space<vmem>>, vector<16xf32>,
        %mul3A_429 = arith.mulf %get3A_428, %gather3A : vector<16xf32>
        %swap3A_430 = arith.constant 0 : i32
        %swap3A_431 = arith.index_cast %swap3A_430 : i32 to index
        %swap3A_432 = arith.index_cast %add3A_423 : i32 to index
        %swap3A_433 = arith.constant 112 : index
        %swap3A_434 = tpu.vector_load %arg16[%swap3A_431, %swap3A_432, %swap3A_433] {strides = array<i32>} : memref<2x128x128xf32, #tpu.memory_space<vmem>>, vector<16xf32>,
        tpu.vector_store %arg16[%swap3A_431, %swap3A_432, %swap3A_433], %mul3A_429 {strides = array<i32>} : memref<2x128x128xf32, #tpu.memory_space<vmem>>, vector<16xf32>,
        %add3A_435 = arith.constant 16 : i32
        %add3A_436 = arith.addi %add3A_435, %scan3A_328 : i32
        %get3A_437 = arith.constant 0 : i32
        %get3A_438 = arith.index_cast %get3A_437 : i32 to index
        %get3A_439 = arith.index_cast %add3A_436 : i32 to index
        %get3A_440 = arith.constant 0 : index
        %get3A_441 = tpu.vector_load %arg16[%get3A_438, %get3A_439, %get3A_440] {strides = array<i32>} : memref<2x128x128xf32, #tpu.memory_space<vmem>>, vector<16xf32>,
        %mul3A_442 = arith.mulf %get3A_441, %gather3A : vector<16xf32>
        %swap3A_443 = arith.constant 0 : i32
        %swap3A_444 = arith.index_cast %swap3A_443 : i32 to index
        %swap3A_445 = arith.index_cast %add3A_436 : i32 to index
        %swap3A_446 = arith.constant 0 : index
        %swap3A_447 = tpu.vector_load %arg16[%swap3A_444, %swap3A_445, %swap3A_446] {strides = array<i32>} : memref<2x128x128xf32, #tpu.memory_space<vmem>>, vector<16xf32>,
        tpu.vector_store %arg16[%swap3A_444, %swap3A_445, %swap3A_446], %mul3A_442 {strides = array<i32>} : memref<2x128x128xf32, #tpu.memory_space<vmem>>, vector<16xf32>,
        %add3A_448 = arith.constant 16 : i32
        %add3A_449 = arith.addi %add3A_448, %scan3A_328 : i32
        %get3A_450 = arith.constant 0 : i32
        %get3A_451 = arith.index_cast %get3A_450 : i32 to index
        %get3A_452 = arith.index_cast %add3A_449 : i32 to index
        %get3A_453 = arith.constant 16 : index
        %get3A_454 = tpu.vector_load %arg16[%get3A_451, %get3A_452, %get3A_453] {strides = array<i32>} : memref<2x128x128xf32, #tpu.memory_space<vmem>>, vector<16xf32>,
        %mul3A_455 = arith.mulf %get3A_454, %gather3A : vector<16xf32>
        %swap3A_456 = arith.constant 0 : i32
        %swap3A_457 = arith.index_cast %swap3A_456 : i32 to index
        %swap3A_458 = arith.index_cast %add3A_449 : i32 to index
        %swap3A_459 = arith.constant 16 : index
        %swap3A_460 = tpu.vector_load %arg16[%swap3A_457, %swap3A_458, %swap3A_459] {strides = array<i32>} : memref<2x128x128xf32, #tpu.memory_space<vmem>>, vector<16xf32>,
        tpu.vector_store %arg16[%swap3A_457, %swap3A_458, %swap3A_459], %mul3A_455 {strides = array<i32>} : memref<2x128x128xf32, #tpu.memory_space<vmem>>, vector<16xf32>,
        %add3A_461 = arith.constant 16 : i32
        %add3A_462 = arith.addi %add3A_461, %scan3A_328 : i32
        %get3A_463 = arith.constant 0 : i32
        %get3A_464 = arith.index_cast %get3A_463 : i32 to index
        %get3A_465 = arith.index_cast %add3A_462 : i32 to index
        %get3A_466 = arith.constant 32 : index
        %get3A_467 = tpu.vector_load %arg16[%get3A_464, %get3A_465, %get3A_466] {strides = array<i32>} : memref<2x128x128xf32, #tpu.memory_space<vmem>>, vector<16xf32>,
        %mul3A_468 = arith.mulf %get3A_467, %gather3A : vector<16xf32>
        %swap3A_469 = arith.constant 0 : i32
        %swap3A_470 = arith.index_cast %swap3A_469 : i32 to index
        %swap3A_471 = arith.index_cast %add3A_462 : i32 to index
        %swap3A_472 = arith.constant 32 : index
        %swap3A_473 = tpu.vector_load %arg16[%swap3A_470, %swap3A_471, %swap3A_472] {strides = array<i32>} : memref<2x128x128xf32, #tpu.memory_space<vmem>>, vector<16xf32>,
        tpu.vector_store %arg16[%swap3A_470, %swap3A_471, %swap3A_472], %mul3A_468 {strides = array<i32>} : memref<2x128x128xf32, #tpu.memory_space<vmem>>, vector<16xf32>,
        %add3A_474 = arith.constant 16 : i32
        %add3A_475 = arith.addi %add3A_474, %scan3A_328 : i32
        %get3A_476 = arith.constant 0 : i32
        %get3A_477 = arith.index_cast %get3A_476 : i32 to index
        %get3A_478 = arith.index_cast %add3A_475 : i32 to index
        %get3A_479 = arith.constant 48 : index
        %get3A_480 = tpu.vector_load %arg16[%get3A_477, %get3A_478, %get3A_479] {strides = array<i32>} : memref<2x128x128xf32, #tpu.memory_space<vmem>>, vector<16xf32>,
        %mul3A_481 = arith.mulf %get3A_480, %gather3A : vector<16xf32>
        %swap3A_482 = arith.constant 0 : i32
        %swap3A_483 = arith.index_cast %swap3A_482 : i32 to index
        %swap3A_484 = arith.index_cast %add3A_475 : i32 to index
        %swap3A_485 = arith.constant 48 : index
        %swap3A_486 = tpu.vector_load %arg16[%swap3A_483, %swap3A_484, %swap3A_485] {strides = array<i32>} : memref<2x128x128xf32, #tpu.memory_space<vmem>>, vector<16xf32>,
        tpu.vector_store %arg16[%swap3A_483, %swap3A_484, %swap3A_485], %mul3A_481 {strides = array<i32>} : memref<2x128x128xf32, #tpu.memory_space<vmem>>, vector<16xf32>,
        %add3A_487 = arith.constant 16 : i32
        %add3A_488 = arith.addi %add3A_487, %scan3A_328 : i32
        %get3A_489 = arith.constant 0 : i32
        %get3A_490 = arith.index_cast %get3A_489 : i32 to index
        %get3A_491 = arith.index_cast %add3A_488 : i32 to index
        %get3A_492 = arith.constant 64 : index
        %get3A_493 = tpu.vector_load %arg16[%get3A_490, %get3A_491, %get3A_492] {strides = array<i32>} : memref<2x128x128xf32, #tpu.memory_space<vmem>>, vector<16xf32>,
        %mul3A_494 = arith.mulf %get3A_493, %gather3A : vector<16xf32>
        %swap3A_495 = arith.constant 0 : i32
        %swap3A_496 = arith.index_cast %swap3A_495 : i32 to index
        %swap3A_497 = arith.index_cast %add3A_488 : i32 to index
        %swap3A_498 = arith.constant 64 : index
        %swap3A_499 = tpu.vector_load %arg16[%swap3A_496, %swap3A_497, %swap3A_498] {strides = array<i32>} : memref<2x128x128xf32, #tpu.memory_space<vmem>>, vector<16xf32>,
        tpu.vector_store %arg16[%swap3A_496, %swap3A_497, %swap3A_498], %mul3A_494 {strides = array<i32>} : memref<2x128x128xf32, #tpu.memory_space<vmem>>, vector<16xf32>,
        %add3A_500 = arith.constant 16 : i32
        %add3A_501 = arith.addi %add3A_500, %scan3A_328 : i32
        %get3A_502 = arith.constant 0 : i32
        %get3A_503 = arith.index_cast %get3A_502 : i32 to index
        %get3A_504 = arith.index_cast %add3A_501 : i32 to index
        %get3A_505 = arith.constant 80 : index
        %get3A_506 = tpu.vector_load %arg16[%get3A_503, %get3A_504, %get3A_505] {strides = array<i32>} : memref<2x128x128xf32, #tpu.memory_space<vmem>>, vector<16xf32>,
        %mul3A_507 = arith.mulf %get3A_506, %gather3A : vector<16xf32>
        %swap3A_508 = arith.constant 0 : i32
        %swap3A_509 = arith.index_cast %swap3A_508 : i32 to index
        %swap3A_510 = arith.index_cast %add3A_501 : i32 to index
        %swap3A_511 = arith.constant 80 : index
        %swap3A_512 = tpu.vector_load %arg16[%swap3A_509, %swap3A_510, %swap3A_511] {strides = array<i32>} : memref<2x128x128xf32, #tpu.memory_space<vmem>>, vector<16xf32>,
        tpu.vector_store %arg16[%swap3A_509, %swap3A_510, %swap3A_511], %mul3A_507 {strides = array<i32>} : memref<2x128x128xf32, #tpu.memory_space<vmem>>, vector<16xf32>,
        %add3A_513 = arith.constant 16 : i32
        %add3A_514 = arith.addi %add3A_513, %scan3A_328 : i32
        %get3A_515 = arith.constant 0 : i32
        %get3A_516 = arith.index_cast %get3A_515 : i32 to index
        %get3A_517 = arith.index_cast %add3A_514 : i32 to index
        %get3A_518 = arith.constant 96 : index
        %get3A_519 = tpu.vector_load %arg16[%get3A_516, %get3A_517, %get3A_518] {strides = array<i32>} : memref<2x128x128xf32, #tpu.memory_space<vmem>>, vector<16xf32>,
        %mul3A_520 = arith.mulf %get3A_519, %gather3A : vector<16xf32>
        %swap3A_521 = arith.constant 0 : i32
        %swap3A_522 = arith.index_cast %swap3A_521 : i32 to index
        %swap3A_523 = arith.index_cast %add3A_514 : i32 to index
        %swap3A_524 = arith.constant 96 : index
        %swap3A_525 = tpu.vector_load %arg16[%swap3A_522, %swap3A_523, %swap3A_524] {strides = array<i32>} : memref<2x128x128xf32, #tpu.memory_space<vmem>>, vector<16xf32>,
        tpu.vector_store %arg16[%swap3A_522, %swap3A_523, %swap3A_524], %mul3A_520 {strides = array<i32>} : memref<2x128x128xf32, #tpu.memory_space<vmem>>, vector<16xf32>,
        %add3A_526 = arith.constant 16 : i32
        %add3A_527 = arith.addi %add3A_526, %scan3A_328 : i32
        %get3A_528 = arith.constant 0 : i32
        %get3A_529 = arith.index_cast %get3A_528 : i32 to index
        %get3A_530 = arith.index_cast %add3A_527 : i32 to index
        %get3A_531 = arith.constant 112 : index
        %get3A_532 = tpu.vector_load %arg16[%get3A_529, %get3A_530, %get3A_531] {strides = array<i32>} : memref<2x128x128xf32, #tpu.memory_space<vmem>>, vector<16xf32>,
        %mul3A_533 = arith.mulf %get3A_532, %gather3A : vector<16xf32>
        %swap3A_534 = arith.constant 0 : i32
        %swap3A_535 = arith.index_cast %swap3A_534 : i32 to index
        %swap3A_536 = arith.index_cast %add3A_527 : i32 to index
        %swap3A_537 = arith.constant 112 : index
        %swap3A_538 = tpu.vector_load %arg16[%swap3A_535, %swap3A_536, %swap3A_537] {strides = array<i32>} : memref<2x128x128xf32, #tpu.memory_space<vmem>>, vector<16xf32>,
        tpu.vector_store %arg16[%swap3A_535, %swap3A_536, %swap3A_537], %mul3A_533 {strides = array<i32>} : memref<2x128x128xf32, #tpu.memory_space<vmem>>, vector<16xf32>,
        %add3A_539 = arith.constant 32 : i32
        %add3A_540 = arith.addi %add3A_539, %scan3A_328 : i32
        %get3A_541 = arith.constant 0 : i32
        %get3A_542 = arith.index_cast %get3A_541 : i32 to index
        %get3A_543 = arith.index_cast %add3A_540 : i32 to index
        %get3A_544 = arith.constant 0 : index
        %get3A_545 = tpu.vector_load %arg16[%get3A_542, %get3A_543, %get3A_544] {strides = array<i32>} : memref<2x128x128xf32, #tpu.memory_space<vmem>>, vector<16xf32>,
        %mul3A_546 = arith.mulf %get3A_545, %gather3A : vector<16xf32>
        %swap3A_547 = arith.constant 0 : i32
        %swap3A_548 = arith.index_cast %swap3A_547 : i32 to index
        %swap3A_549 = arith.index_cast %add3A_540 : i32 to index
        %swap3A_550 = arith.constant 0 : index
        %swap3A_551 = tpu.vector_load %arg16[%swap3A_548, %swap3A_549, %swap3A_550] {strides = array<i32>} : memref<2x128x128xf32, #tpu.memory_space<vmem>>, vector<16xf32>,
        tpu.vector_store %arg16[%swap3A_548, %swap3A_549, %swap3A_550], %mul3A_546 {strides = array<i32>} : memref<2x128x128xf32, #tpu.memory_space<vmem>>, vector<16xf32>,
        %add3A_552 = arith.constant 32 : i32
        %add3A_553 = arith.addi %add3A_552, %scan3A_328 : i32
        %get3A_554 = arith.constant 0 : i32
        %get3A_555 = arith.index_cast %get3A_554 : i32 to index
        %get3A_556 = arith.index_cast %add3A_553 : i32 to index
        %get3A_557 = arith.constant 16 : index
        %get3A_558 = tpu.vector_load %arg16[%get3A_555, %get3A_556, %get3A_557] {strides = array<i32>} : memref<2x128x128xf32, #tpu.memory_space<vmem>>, vector<16xf32>,
        %mul3A_559 = arith.mulf %get3A_558, %gather3A : vector<16xf32>
        %swap3A_560 = arith.constant 0 : i32
        %swap3A_561 = arith.index_cast %swap3A_560 : i32 to index
        %swap3A_562 = arith.index_cast %add3A_553 : i32 to index
        %swap3A_563 = arith.constant 16 : index
        %swap3A_564 = tpu.vector_load %arg16[%swap3A_561, %swap3A_562, %swap3A_563] {strides = array<i32>} : memref<2x128x128xf32, #tpu.memory_space<vmem>>, vector<16xf32>,
        tpu.vector_store %arg16[%swap3A_561, %swap3A_562, %swap3A_563], %mul3A_559 {strides = array<i32>} : memref<2x128x128xf32, #tpu.memory_space<vmem>>, vector<16xf32>,
        %add3A_565 = arith.constant 32 : i32
        %add3A_566 = arith.addi %add3A_565, %scan3A_328 : i32
        %get3A_567 = arith.constant 0 : i32
        %get3A_568 = arith.index_cast %get3A_567 : i32 to index
        %get3A_569 = arith.index_cast %add3A_566 : i32 to index
        %get3A_570 = arith.constant 32 : index
        %get3A_571 = tpu.vector_load %arg16[%get3A_568, %get3A_569, %get3A_570] {strides = array<i32>} : memref<2x128x128xf32, #tpu.memory_space<vmem>>, vector<16xf32>,
        %mul3A_572 = arith.mulf %get3A_571, %gather3A : vector<16xf32>
        %swap3A_573 = arith.constant 0 : i32
        %swap3A_574 = arith.index_cast %swap3A_573 : i32 to index
        %swap3A_575 = arith.index_cast %add3A_566 : i32 to index
        %swap3A_576 = arith.constant 32 : index
        %swap3A_577 = tpu.vector_load %arg16[%swap3A_574, %swap3A_575, %swap3A_576] {strides = array<i32>} : memref<2x128x128xf32, #tpu.memory_space<vmem>>, vector<16xf32>,
        tpu.vector_store %arg16[%swap3A_574, %swap3A_575, %swap3A_576], %mul3A_572 {strides = array<i32>} : memref<2x128x128xf32, #tpu.memory_space<vmem>>, vector<16xf32>,
        %add3A_578 = arith.constant 32 : i32
        %add3A_579 = arith.addi %add3A_578, %scan3A_328 : i32
        %get3A_580 = arith.constant 0 : i32
        %get3A_581 = arith.index_cast %get3A_580 : i32 to index
        %get3A_582 = arith.index_cast %add3A_579 : i32 to index
        %get3A_583 = arith.constant 48 : index
        %get3A_584 = tpu.vector_load %arg16[%get3A_581, %get3A_582, %get3A_583] {strides = array<i32>} : memref<2x128x128xf32, #tpu.memory_space<vmem>>, vector<16xf32>,
        %mul3A_585 = arith.mulf %get3A_584, %gather3A : vector<16xf32>
        %swap3A_586 = arith.constant 0 : i32
        %swap3A_587 = arith.index_cast %swap3A_586 : i32 to index
        %swap3A_588 = arith.index_cast %add3A_579 : i32 to index
        %swap3A_589 = arith.constant 48 : index
        %swap3A_590 = tpu.vector_load %arg16[%swap3A_587, %swap3A_588, %swap3A_589] {strides = array<i32>} : memref<2x128x128xf32, #tpu.memory_space<vmem>>, vector<16xf32>,
        tpu.vector_store %arg16[%swap3A_587, %swap3A_588, %swap3A_589], %mul3A_585 {strides = array<i32>} : memref<2x128x128xf32, #tpu.memory_space<vmem>>, vector<16xf32>,
        %add3A_591 = arith.constant 32 : i32
        %add3A_592 = arith.addi %add3A_591, %scan3A_328 : i32
        %get3A_593 = arith.constant 0 : i32
        %get3A_594 = arith.index_cast %get3A_593 : i32 to index
        %get3A_595 = arith.index_cast %add3A_592 : i32 to index
        %get3A_596 = arith.constant 64 : index
        %get3A_597 = tpu.vector_load %arg16[%get3A_594, %get3A_595, %get3A_596] {strides = array<i32>} : memref<2x128x128xf32, #tpu.memory_space<vmem>>, vector<16xf32>,
        %mul3A_598 = arith.mulf %get3A_597, %gather3A : vector<16xf32>
        %swap3A_599 = arith.constant 0 : i32
        %swap3A_600 = arith.index_cast %swap3A_599 : i32 to index
        %swap3A_601 = arith.index_cast %add3A_592 : i32 to index
        %swap3A_602 = arith.constant 64 : index
        %swap3A_603 = tpu.vector_load %arg16[%swap3A_600, %swap3A_601, %swap3A_602] {strides = array<i32>} : memref<2x128x128xf32, #tpu.memory_space<vmem>>, vector<16xf32>,
        tpu.vector_store %arg16[%swap3A_600, %swap3A_601, %swap3A_602], %mul3A_598 {strides = array<i32>} : memref<2x128x128xf32, #tpu.memory_space<vmem>>, vector<16xf32>,
        %add3A_604 = arith.constant 32 : i32
        %add3A_605 = arith.addi %add3A_604, %scan3A_328 : i32
        %get3A_606 = arith.constant 0 : i32
        %get3A_607 = arith.index_cast %get3A_606 : i32 to index
        %get3A_608 = arith.index_cast %add3A_605 : i32 to index
        %get3A_609 = arith.constant 80 : index
        %get3A_610 = tpu.vector_load %arg16[%get3A_607, %get3A_608, %get3A_609] {strides = array<i32>} : memref<2x128x128xf32, #tpu.memory_space<vmem>>, vector<16xf32>,
        %mul3A_611 = arith.mulf %get3A_610, %gather3A : vector<16xf32>
        %swap3A_612 = arith.constant 0 : i32
        %swap3A_613 = arith.index_cast %swap3A_612 : i32 to index
        %swap3A_614 = arith.index_cast %add3A_605 : i32 to index
        %swap3A_615 = arith.constant 80 : index
        %swap3A_616 = tpu.vector_load %arg16[%swap3A_613, %swap3A_614, %swap3A_615] {strides = array<i32>} : memref<2x128x128xf32, #tpu.memory_space<vmem>>, vector<16xf32>,
        tpu.vector_store %arg16[%swap3A_613, %swap3A_614, %swap3A_615], %mul3A_611 {strides = array<i32>} : memref<2x128x128xf32, #tpu.memory_space<vmem>>, vector<16xf32>,
        %add3A_617 = arith.constant 32 : i32
        %add3A_618 = arith.addi %add3A_617, %scan3A_328 : i32
        %get3A_619 = arith.constant 0 : i32
        %get3A_620 = arith.index_cast %get3A_619 : i32 to index
        %get3A_621 = arith.index_cast %add3A_618 : i32 to index
        %get3A_622 = arith.constant 96 : index
        %get3A_623 = tpu.vector_load %arg16[%get3A_620, %get3A_621, %get3A_622] {strides = array<i32>} : memref<2x128x128xf32, #tpu.memory_space<vmem>>, vector<16xf32>,
        %mul3A_624 = arith.mulf %get3A_623, %gather3A : vector<16xf32>
        %swap3A_625 = arith.constant 0 : i32
        %swap3A_626 = arith.index_cast %swap3A_625 : i32 to index
        %swap3A_627 = arith.index_cast %add3A_618 : i32 to index
        %swap3A_628 = arith.constant 96 : index
        %swap3A_629 = tpu.vector_load %arg16[%swap3A_626, %swap3A_627, %swap3A_628] {strides = array<i32>} : memref<2x128x128xf32, #tpu.memory_space<vmem>>, vector<16xf32>,
        tpu.vector_store %arg16[%swap3A_626, %swap3A_627, %swap3A_628], %mul3A_624 {strides = array<i32>} : memref<2x128x128xf32, #tpu.memory_space<vmem>>, vector<16xf32>,
        %add3A_630 = arith.constant 32 : i32
        %add3A_631 = arith.addi %add3A_630, %scan3A_328 : i32
        %get3A_632 = arith.constant 0 : i32
        %get3A_633 = arith.index_cast %get3A_632 : i32 to index
        %get3A_634 = arith.index_cast %add3A_631 : i32 to index
        %get3A_635 = arith.constant 112 : index
        %get3A_636 = tpu.vector_load %arg16[%get3A_633, %get3A_634, %get3A_635] {strides = array<i32>} : memref<2x128x128xf32, #tpu.memory_space<vmem>>, vector<16xf32>,
        %mul3A_637 = arith.mulf %get3A_636, %gather3A : vector<16xf32>
        %swap3A_638 = arith.constant 0 : i32
        %swap3A_639 = arith.index_cast %swap3A_638 : i32 to index
        %swap3A_640 = arith.index_cast %add3A_631 : i32 to index
        %swap3A_641 = arith.constant 112 : index
        %swap3A_642 = tpu.vector_load %arg16[%swap3A_639, %swap3A_640, %swap3A_641] {strides = array<i32>} : memref<2x128x128xf32, #tpu.memory_space<vmem>>, vector<16xf32>,
        tpu.vector_store %arg16[%swap3A_639, %swap3A_640, %swap3A_641], %mul3A_637 {strides = array<i32>} : memref<2x128x128xf32, #tpu.memory_space<vmem>>, vector<16xf32>,
        %add3A_643 = arith.constant 48 : i32
        %add3A_644 = arith.addi %add3A_643, %scan3A_328 : i32
        %get3A_645 = arith.constant 0 : i32
        %get3A_646 = arith.index_cast %get3A_645 : i32 to index
        %get3A_647 = arith.index_cast %add3A_644 : i32 to index
        %get3A_648 = arith.constant 0 : index
        %get3A_649 = tpu.vector_load %arg16[%get3A_646, %get3A_647, %get3A_648] {strides = array<i32>} : memref<2x128x128xf32, #tpu.memory_space<vmem>>, vector<16xf32>,
        %mul3A_650 = arith.mulf %get3A_649, %gather3A : vector<16xf32>
        %swap3A_651 = arith.constant 0 : i32
        %swap3A_652 = arith.index_cast %swap3A_651 : i32 to index
        %swap3A_653 = arith.index_cast %add3A_644 : i32 to index
        %swap3A_654 = arith.constant 0 : index
        %swap3A_655 = tpu.vector_load %arg16[%swap3A_652, %swap3A_653, %swap3A_654] {strides = array<i32>} : memref<2x128x128xf32, #tpu.memory_space<vmem>>, vector<16xf32>,
        tpu.vector_store %arg16[%swap3A_652, %swap3A_653, %swap3A_654], %mul3A_650 {strides = array<i32>} : memref<2x128x128xf32, #tpu.memory_space<vmem>>, vector<16xf32>,
        %add3A_656 = arith.constant 48 : i32
        %add3A_657 = arith.addi %add3A_656, %scan3A_328 : i32
        %get3A_658 = arith.constant 0 : i32
        %get3A_659 = arith.index_cast %get3A_658 : i32 to index
        %get3A_660 = arith.index_cast %add3A_657 : i32 to index
        %get3A_661 = arith.constant 16 : index
        %get3A_662 = tpu.vector_load %arg16[%get3A_659, %get3A_660, %get3A_661] {strides = array<i32>} : memref<2x128x128xf32, #tpu.memory_space<vmem>>, vector<16xf32>,
        %mul3A_663 = arith.mulf %get3A_662, %gather3A : vector<16xf32>
        %swap3A_664 = arith.constant 0 : i32
        %swap3A_665 = arith.index_cast %swap3A_664 : i32 to index
        %swap3A_666 = arith.index_cast %add3A_657 : i32 to index
        %swap3A_667 = arith.constant 16 : index
        %swap3A_668 = tpu.vector_load %arg16[%swap3A_665, %swap3A_666, %swap3A_667] {strides = array<i32>} : memref<2x128x128xf32, #tpu.memory_space<vmem>>, vector<16xf32>,
        tpu.vector_store %arg16[%swap3A_665, %swap3A_666, %swap3A_667], %mul3A_663 {strides = array<i32>} : memref<2x128x128xf32, #tpu.memory_space<vmem>>, vector<16xf32>,
        %add3A_669 = arith.constant 48 : i32
        %add3A_670 = arith.addi %add3A_669, %scan3A_328 : i32
        %get3A_671 = arith.constant 0 : i32
        %get3A_672 = arith.index_cast %get3A_671 : i32 to index
        %get3A_673 = arith.index_cast %add3A_670 : i32 to index
        %get3A_674 = arith.constant 32 : index
        %get3A_675 = tpu.vector_load %arg16[%get3A_672, %get3A_673, %get3A_674] {strides = array<i32>} : memref<2x128x128xf32, #tpu.memory_space<vmem>>, vector<16xf32>,
        %mul3A_676 = arith.mulf %get3A_675, %gather3A : vector<16xf32>
        %swap3A_677 = arith.constant 0 : i32
        %swap3A_678 = arith.index_cast %swap3A_677 : i32 to index
        %swap3A_679 = arith.index_cast %add3A_670 : i32 to index
        %swap3A_680 = arith.constant 32 : index
        %swap3A_681 = tpu.vector_load %arg16[%swap3A_678, %swap3A_679, %swap3A_680] {strides = array<i32>} : memref<2x128x128xf32, #tpu.memory_space<vmem>>, vector<16xf32>,
        tpu.vector_store %arg16[%swap3A_678, %swap3A_679, %swap3A_680], %mul3A_676 {strides = array<i32>} : memref<2x128x128xf32, #tpu.memory_space<vmem>>, vector<16xf32>,
        %add3A_682 = arith.constant 48 : i32
        %add3A_683 = arith.addi %add3A_682, %scan3A_328 : i32
        %get3A_684 = arith.constant 0 : i32
        %get3A_685 = arith.index_cast %get3A_684 : i32 to index
        %get3A_686 = arith.index_cast %add3A_683 : i32 to index
        %get3A_687 = arith.constant 48 : index
        %get3A_688 = tpu.vector_load %arg16[%get3A_685, %get3A_686, %get3A_687] {strides = array<i32>} : memref<2x128x128xf32, #tpu.memory_space<vmem>>, vector<16xf32>,
        %mul3A_689 = arith.mulf %get3A_688, %gather3A : vector<16xf32>
        %swap3A_690 = arith.constant 0 : i32
        %swap3A_691 = arith.index_cast %swap3A_690 : i32 to index
        %swap3A_692 = arith.index_cast %add3A_683 : i32 to index
        %swap3A_693 = arith.constant 48 : index
        %swap3A_694 = tpu.vector_load %arg16[%swap3A_691, %swap3A_692, %swap3A_693] {strides = array<i32>} : memref<2x128x128xf32, #tpu.memory_space<vmem>>, vector<16xf32>,
        tpu.vector_store %arg16[%swap3A_691, %swap3A_692, %swap3A_693], %mul3A_689 {strides = array<i32>} : memref<2x128x128xf32, #tpu.memory_space<vmem>>, vector<16xf32>,
        %add3A_695 = arith.constant 48 : i32
        %add3A_696 = arith.addi %add3A_695, %scan3A_328 : i32
        %get3A_697 = arith.constant 0 : i32
        %get3A_698 = arith.index_cast %get3A_697 : i32 to index
        %get3A_699 = arith.index_cast %add3A_696 : i32 to index
        %get3A_700 = arith.constant 64 : index
        %get3A_701 = tpu.vector_load %arg16[%get3A_698, %get3A_699, %get3A_700] {strides = array<i32>} : memref<2x128x128xf32, #tpu.memory_space<vmem>>, vector<16xf32>,
        %mul3A_702 = arith.mulf %get3A_701, %gather3A : vector<16xf32>
        %swap3A_703 = arith.constant 0 : i32
        %swap3A_704 = arith.index_cast %swap3A_703 : i32 to index
        %swap3A_705 = arith.index_cast %add3A_696 : i32 to index
        %swap3A_706 = arith.constant 64 : index
        %swap3A_707 = tpu.vector_load %arg16[%swap3A_704, %swap3A_705, %swap3A_706] {strides = array<i32>} : memref<2x128x128xf32, #tpu.memory_space<vmem>>, vector<16xf32>,
        tpu.vector_store %arg16[%swap3A_704, %swap3A_705, %swap3A_706], %mul3A_702 {strides = array<i32>} : memref<2x128x128xf32, #tpu.memory_space<vmem>>, vector<16xf32>,
        %add3A_708 = arith.constant 48 : i32
        %add3A_709 = arith.addi %add3A_708, %scan3A_328 : i32
        %get3A_710 = arith.constant 0 : i32
        %get3A_711 = arith.index_cast %get3A_710 : i32 to index
        %get3A_712 = arith.index_cast %add3A_709 : i32 to index
        %get3A_713 = arith.constant 80 : index
        %get3A_714 = tpu.vector_load %arg16[%get3A_711, %get3A_712, %get3A_713] {strides = array<i32>} : memref<2x128x128xf32, #tpu.memory_space<vmem>>, vector<16xf32>,
        %mul3A_715 = arith.mulf %get3A_714, %gather3A : vector<16xf32>
        %swap3A_716 = arith.constant 0 : i32
        %swap3A_717 = arith.index_cast %swap3A_716 : i32 to index
        %swap3A_718 = arith.index_cast %add3A_709 : i32 to index
        %swap3A_719 = arith.constant 80 : index
        %swap3A_720 = tpu.vector_load %arg16[%swap3A_717, %swap3A_718, %swap3A_719] {strides = array<i32>} : memref<2x128x128xf32, #tpu.memory_space<vmem>>, vector<16xf32>,
        tpu.vector_store %arg16[%swap3A_717, %swap3A_718, %swap3A_719], %mul3A_715 {strides = array<i32>} : memref<2x128x128xf32, #tpu.memory_space<vmem>>, vector<16xf32>,
        %add3A_721 = arith.constant 48 : i32
        %add3A_722 = arith.addi %add3A_721, %scan3A_328 : i32
        %get3A_723 = arith.constant 0 : i32
        %get3A_724 = arith.index_cast %get3A_723 : i32 to index
        %get3A_725 = arith.index_cast %add3A_722 : i32 to index
        %get3A_726 = arith.constant 96 : index
        %get3A_727 = tpu.vector_load %arg16[%get3A_724, %get3A_725, %get3A_726] {strides = array<i32>} : memref<2x128x128xf32, #tpu.memory_space<vmem>>, vector<16xf32>,
        %mul3A_728 = arith.mulf %get3A_727, %gather3A : vector<16xf32>
        %swap3A_729 = arith.constant 0 : i32
        %swap3A_730 = arith.index_cast %swap3A_729 : i32 to index
        %swap3A_731 = arith.index_cast %add3A_722 : i32 to index
        %swap3A_732 = arith.constant 96 : index
        %swap3A_733 = tpu.vector_load %arg16[%swap3A_730, %swap3A_731, %swap3A_732] {strides = array<i32>} : memref<2x128x128xf32, #tpu.memory_space<vmem>>, vector<16xf32>,
        tpu.vector_store %arg16[%swap3A_730, %swap3A_731, %swap3A_732], %mul3A_728 {strides = array<i32>} : memref<2x128x128xf32, #tpu.memory_space<vmem>>, vector<16xf32>,
        %add3A_734 = arith.constant 48 : i32
        %add3A_735 = arith.addi %add3A_734, %scan3A_328 : i32
        %get3A_736 = arith.constant 0 : i32
        %get3A_737 = arith.index_cast %get3A_736 : i32 to index
        %get3A_738 = arith.index_cast %add3A_735 : i32 to index
        %get3A_739 = arith.constant 112 : index
        %get3A_740 = tpu.vector_load %arg16[%get3A_737, %get3A_738, %get3A_739] {strides = array<i32>} : memref<2x128x128xf32, #tpu.memory_space<vmem>>, vector<16xf32>,
        %mul3A_741 = arith.mulf %get3A_740, %gather3A : vector<16xf32>
        %swap3A_742 = arith.constant 0 : i32
        %swap3A_743 = arith.index_cast %swap3A_742 : i32 to index
        %swap3A_744 = arith.index_cast %add3A_735 : i32 to index
        %swap3A_745 = arith.constant 112 : index
        %swap3A_746 = tpu.vector_load %arg16[%swap3A_743, %swap3A_744, %swap3A_745] {strides = array<i32>} : memref<2x128x128xf32, #tpu.memory_space<vmem>>, vector<16xf32>,
        tpu.vector_store %arg16[%swap3A_743, %swap3A_744, %swap3A_745], %mul3A_741 {strides = array<i32>} : memref<2x128x128xf32, #tpu.memory_space<vmem>>, vector<16xf32>,
        %add3A_747 = arith.constant 64 : i32
        %add3A_748 = arith.addi %add3A_747, %scan3A_328 : i32
        %get3A_749 = arith.constant 0 : i32
        %get3A_750 = arith.index_cast %get3A_749 : i32 to index
        %get3A_751 = arith.index_cast %add3A_748 : i32 to index
        %get3A_752 = arith.constant 0 : index
        %get3A_753 = tpu.vector_load %arg16[%get3A_750, %get3A_751, %get3A_752] {strides = array<i32>} : memref<2x128x128xf32, #tpu.memory_space<vmem>>, vector<16xf32>,
        %mul3A_754 = arith.mulf %get3A_753, %gather3A : vector<16xf32>
        %swap3A_755 = arith.constant 0 : i32
        %swap3A_756 = arith.index_cast %swap3A_755 : i32 to index
        %swap3A_757 = arith.index_cast %add3A_748 : i32 to index
        %swap3A_758 = arith.constant 0 : index
        %swap3A_759 = tpu.vector_load %arg16[%swap3A_756, %swap3A_757, %swap3A_758] {strides = array<i32>} : memref<2x128x128xf32, #tpu.memory_space<vmem>>, vector<16xf32>,
        tpu.vector_store %arg16[%swap3A_756, %swap3A_757, %swap3A_758], %mul3A_754 {strides = array<i32>} : memref<2x128x128xf32, #tpu.memory_space<vmem>>, vector<16xf32>,
        %add3A_760 = arith.constant 64 : i32
        %add3A_761 = arith.addi %add3A_760, %scan3A_328 : i32
        %get3A_762 = arith.constant 0 : i32
        %get3A_763 = arith.index_cast %get3A_762 : i32 to index
        %get3A_764 = arith.index_cast %add3A_761 : i32 to index
        %get3A_765 = arith.constant 16 : index
        %get3A_766 = tpu.vector_load %arg16[%get3A_763, %get3A_764, %get3A_765] {strides = array<i32>} : memref<2x128x128xf32, #tpu.memory_space<vmem>>, vector<16xf32>,
        %mul3A_767 = arith.mulf %get3A_766, %gather3A : vector<16xf32>
        %swap3A_768 = arith.constant 0 : i32
        %swap3A_769 = arith.index_cast %swap3A_768 : i32 to index
        %swap3A_770 = arith.index_cast %add3A_761 : i32 to index
        %swap3A_771 = arith.constant 16 : index
        %swap3A_772 = tpu.vector_load %arg16[%swap3A_769, %swap3A_770, %swap3A_771] {strides = array<i32>} : memref<2x128x128xf32, #tpu.memory_space<vmem>>, vector<16xf32>,
        tpu.vector_store %arg16[%swap3A_769, %swap3A_770, %swap3A_771], %mul3A_767 {strides = array<i32>} : memref<2x128x128xf32, #tpu.memory_space<vmem>>, vector<16xf32>,
        %add3A_773 = arith.constant 64 : i32
        %add3A_774 = arith.addi %add3A_773, %scan3A_328 : i32
        %get3A_775 = arith.constant 0 : i32
        %get3A_776 = arith.index_cast %get3A_775 : i32 to index
        %get3A_777 = arith.index_cast %add3A_774 : i32 to index
        %get3A_778 = arith.constant 32 : index
        %get3A_779 = tpu.vector_load %arg16[%get3A_776, %get3A_777, %get3A_778] {strides = array<i32>} : memref<2x128x128xf32, #tpu.memory_space<vmem>>, vector<16xf32>,
        %mul3A_780 = arith.mulf %get3A_779, %gather3A : vector<16xf32>
        %swap3A_781 = arith.constant 0 : i32
        %swap3A_782 = arith.index_cast %swap3A_781 : i32 to index
        %swap3A_783 = arith.index_cast %add3A_774 : i32 to index
        %swap3A_784 = arith.constant 32 : index
        %swap3A_785 = tpu.vector_load %arg16[%swap3A_782, %swap3A_783, %swap3A_784] {strides = array<i32>} : memref<2x128x128xf32, #tpu.memory_space<vmem>>, vector<16xf32>,
        tpu.vector_store %arg16[%swap3A_782, %swap3A_783, %swap3A_784], %mul3A_780 {strides = array<i32>} : memref<2x128x128xf32, #tpu.memory_space<vmem>>, vector<16xf32>,
        %add3A_786 = arith.constant 64 : i32
        %add3A_787 = arith.addi %add3A_786, %scan3A_328 : i32
        %get3A_788 = arith.constant 0 : i32
        %get3A_789 = arith.index_cast %get3A_788 : i32 to index
        %get3A_790 = arith.index_cast %add3A_787 : i32 to index
        %get3A_791 = arith.constant 48 : index
        %get3A_792 = tpu.vector_load %arg16[%get3A_789, %get3A_790, %get3A_791] {strides = array<i32>} : memref<2x128x128xf32, #tpu.memory_space<vmem>>, vector<16xf32>,
        %mul3A_793 = arith.mulf %get3A_792, %gather3A : vector<16xf32>
        %swap3A_794 = arith.constant 0 : i32
        %swap3A_795 = arith.index_cast %swap3A_794 : i32 to index
        %swap3A_796 = arith.index_cast %add3A_787 : i32 to index
        %swap3A_797 = arith.constant 48 : index
        %swap3A_798 = tpu.vector_load %arg16[%swap3A_795, %swap3A_796, %swap3A_797] {strides = array<i32>} : memref<2x128x128xf32, #tpu.memory_space<vmem>>, vector<16xf32>,
        tpu.vector_store %arg16[%swap3A_795, %swap3A_796, %swap3A_797], %mul3A_793 {strides = array<i32>} : memref<2x128x128xf32, #tpu.memory_space<vmem>>, vector<16xf32>,
        %add3A_799 = arith.constant 64 : i32
        %add3A_800 = arith.addi %add3A_799, %scan3A_328 : i32
        %get3A_801 = arith.constant 0 : i32
        %get3A_802 = arith.index_cast %get3A_801 : i32 to index
        %get3A_803 = arith.index_cast %add3A_800 : i32 to index
        %get3A_804 = arith.constant 64 : index
        %get3A_805 = tpu.vector_load %arg16[%get3A_802, %get3A_803, %get3A_804] {strides = array<i32>} : memref<2x128x128xf32, #tpu.memory_space<vmem>>, vector<16xf32>,
        %mul3A_806 = arith.mulf %get3A_805, %gather3A : vector<16xf32>
        %swap3A_807 = arith.constant 0 : i32
        %swap3A_808 = arith.index_cast %swap3A_807 : i32 to index
        %swap3A_809 = arith.index_cast %add3A_800 : i32 to index
        %swap3A_810 = arith.constant 64 : index
        %swap3A_811 = tpu.vector_load %arg16[%swap3A_808, %swap3A_809, %swap3A_810] {strides = array<i32>} : memref<2x128x128xf32, #tpu.memory_space<vmem>>, vector<16xf32>,
        tpu.vector_store %arg16[%swap3A_808, %swap3A_809, %swap3A_810], %mul3A_806 {strides = array<i32>} : memref<2x128x128xf32, #tpu.memory_space<vmem>>, vector<16xf32>,
        %add3A_812 = arith.constant 64 : i32
        %add3A_813 = arith.addi %add3A_812, %scan3A_328 : i32
        %get3A_814 = arith.constant 0 : i32
        %get3A_815 = arith.index_cast %get3A_814 : i32 to index
        %get3A_816 = arith.index_cast %add3A_813 : i32 to index
        %get3A_817 = arith.constant 80 : index
        %get3A_818 = tpu.vector_load %arg16[%get3A_815, %get3A_816, %get3A_817] {strides = array<i32>} : memref<2x128x128xf32, #tpu.memory_space<vmem>>, vector<16xf32>,
        %mul3A_819 = arith.mulf %get3A_818, %gather3A : vector<16xf32>
        %swap3A_820 = arith.constant 0 : i32
        %swap3A_821 = arith.index_cast %swap3A_820 : i32 to index
        %swap3A_822 = arith.index_cast %add3A_813 : i32 to index
        %swap3A_823 = arith.constant 80 : index
        %swap3A_824 = tpu.vector_load %arg16[%swap3A_821, %swap3A_822, %swap3A_823] {strides = array<i32>} : memref<2x128x128xf32, #tpu.memory_space<vmem>>, vector<16xf32>,
        tpu.vector_store %arg16[%swap3A_821, %swap3A_822, %swap3A_823], %mul3A_819 {strides = array<i32>} : memref<2x128x128xf32, #tpu.memory_space<vmem>>, vector<16xf32>,
        %add3A_825 = arith.constant 64 : i32
        %add3A_826 = arith.addi %add3A_825, %scan3A_328 : i32
        %get3A_827 = arith.constant 0 : i32
        %get3A_828 = arith.index_cast %get3A_827 : i32 to index
        %get3A_829 = arith.index_cast %add3A_826 : i32 to index
        %get3A_830 = arith.constant 96 : index
        %get3A_831 = tpu.vector_load %arg16[%get3A_828, %get3A_829, %get3A_830] {strides = array<i32>} : memref<2x128x128xf32, #tpu.memory_space<vmem>>, vector<16xf32>,
        %mul3A_832 = arith.mulf %get3A_831, %gather3A : vector<16xf32>
        %swap3A_833 = arith.constant 0 : i32
        %swap3A_834 = arith.index_cast %swap3A_833 : i32 to index
        %swap3A_835 = arith.index_cast %add3A_826 : i32 to index
        %swap3A_836 = arith.constant 96 : index
        %swap3A_837 = tpu.vector_load %arg16[%swap3A_834, %swap3A_835, %swap3A_836] {strides = array<i32>} : memref<2x128x128xf32, #tpu.memory_space<vmem>>, vector<16xf32>,
        tpu.vector_store %arg16[%swap3A_834, %swap3A_835, %swap3A_836], %mul3A_832 {strides = array<i32>} : memref<2x128x128xf32, #tpu.memory_space<vmem>>, vector<16xf32>,
        %add3A_838 = arith.constant 64 : i32
        %add3A_839 = arith.addi %add3A_838, %scan3A_328 : i32
        %get3A_840 = arith.constant 0 : i32
        %get3A_841 = arith.index_cast %get3A_840 : i32 to index
        %get3A_842 = arith.index_cast %add3A_839 : i32 to index
        %get3A_843 = arith.constant 112 : index
        %get3A_844 = tpu.vector_load %arg16[%get3A_841, %get3A_842, %get3A_843] {strides = array<i32>} : memref<2x128x128xf32, #tpu.memory_space<vmem>>, vector<16xf32>,
        %mul3A_845 = arith.mulf %get3A_844, %gather3A : vector<16xf32>
        %swap3A_846 = arith.constant 0 : i32
        %swap3A_847 = arith.index_cast %swap3A_846 : i32 to index
        %swap3A_848 = arith.index_cast %add3A_839 : i32 to index
        %swap3A_849 = arith.constant 112 : index
        %swap3A_850 = tpu.vector_load %arg16[%swap3A_847, %swap3A_848, %swap3A_849] {strides = array<i32>} : memref<2x128x128xf32, #tpu.memory_space<vmem>>, vector<16xf32>,
        tpu.vector_store %arg16[%swap3A_847, %swap3A_848, %swap3A_849], %mul3A_845 {strides = array<i32>} : memref<2x128x128xf32, #tpu.memory_space<vmem>>, vector<16xf32>,
        %add3A_851 = arith.constant 80 : i32
        %add3A_852 = arith.addi %add3A_851, %scan3A_328 : i32
        %get3A_853 = arith.constant 0 : i32
        %get3A_854 = arith.index_cast %get3A_853 : i32 to index
        %get3A_855 = arith.index_cast %add3A_852 : i32 to index
        %get3A_856 = arith.constant 0 : index
        %get3A_857 = tpu.vector_load %arg16[%get3A_854, %get3A_855, %get3A_856] {strides = array<i32>} : memref<2x128x128xf32, #tpu.memory_space<vmem>>, vector<16xf32>,
        %mul3A_858 = arith.mulf %get3A_857, %gather3A : vector<16xf32>
        %swap3A_859 = arith.constant 0 : i32
        %swap3A_860 = arith.index_cast %swap3A_859 : i32 to index
        %swap3A_861 = arith.index_cast %add3A_852 : i32 to index
        %swap3A_862 = arith.constant 0 : index
        %swap3A_863 = tpu.vector_load %arg16[%swap3A_860, %swap3A_861, %swap3A_862] {strides = array<i32>} : memref<2x128x128xf32, #tpu.memory_space<vmem>>, vector<16xf32>,
        tpu.vector_store %arg16[%swap3A_860, %swap3A_861, %swap3A_862], %mul3A_858 {strides = array<i32>} : memref<2x128x128xf32, #tpu.memory_space<vmem>>, vector<16xf32>,
        %add3A_864 = arith.constant 80 : i32
        %add3A_865 = arith.addi %add3A_864, %scan3A_328 : i32
        %get3A_866 = arith.constant 0 : i32
        %get3A_867 = arith.index_cast %get3A_866 : i32 to index
        %get3A_868 = arith.index_cast %add3A_865 : i32 to index
        %get3A_869 = arith.constant 16 : index
        %get3A_870 = tpu.vector_load %arg16[%get3A_867, %get3A_868, %get3A_869] {strides = array<i32>} : memref<2x128x128xf32, #tpu.memory_space<vmem>>, vector<16xf32>,
        %mul3A_871 = arith.mulf %get3A_870, %gather3A : vector<16xf32>
        %swap3A_872 = arith.constant 0 : i32
        %swap3A_873 = arith.index_cast %swap3A_872 : i32 to index
        %swap3A_874 = arith.index_cast %add3A_865 : i32 to index
        %swap3A_875 = arith.constant 16 : index
        %swap3A_876 = tpu.vector_load %arg16[%swap3A_873, %swap3A_874, %swap3A_875] {strides = array<i32>} : memref<2x128x128xf32, #tpu.memory_space<vmem>>, vector<16xf32>,
        tpu.vector_store %arg16[%swap3A_873, %swap3A_874, %swap3A_875], %mul3A_871 {strides = array<i32>} : memref<2x128x128xf32, #tpu.memory_space<vmem>>, vector<16xf32>,
        %add3A_877 = arith.constant 80 : i32
        %add3A_878 = arith.addi %add3A_877, %scan3A_328 : i32
        %get3A_879 = arith.constant 0 : i32
        %get3A_880 = arith.index_cast %get3A_879 : i32 to index
        %get3A_881 = arith.index_cast %add3A_878 : i32 to index
        %get3A_882 = arith.constant 32 : index
        %get3A_883 = tpu.vector_load %arg16[%get3A_880, %get3A_881, %get3A_882] {strides = array<i32>} : memref<2x128x128xf32, #tpu.memory_space<vmem>>, vector<16xf32>,
        %mul3A_884 = arith.mulf %get3A_883, %gather3A : vector<16xf32>
        %swap3A_885 = arith.constant 0 : i32
        %swap3A_886 = arith.index_cast %swap3A_885 : i32 to index
        %swap3A_887 = arith.index_cast %add3A_878 : i32 to index
        %swap3A_888 = arith.constant 32 : index
        %swap3A_889 = tpu.vector_load %arg16[%swap3A_886, %swap3A_887, %swap3A_888] {strides = array<i32>} : memref<2x128x128xf32, #tpu.memory_space<vmem>>, vector<16xf32>,
        tpu.vector_store %arg16[%swap3A_886, %swap3A_887, %swap3A_888], %mul3A_884 {strides = array<i32>} : memref<2x128x128xf32, #tpu.memory_space<vmem>>, vector<16xf32>,
        %add3A_890 = arith.constant 80 : i32
        %add3A_891 = arith.addi %add3A_890, %scan3A_328 : i32
        %get3A_892 = arith.constant 0 : i32
        %get3A_893 = arith.index_cast %get3A_892 : i32 to index
        %get3A_894 = arith.index_cast %add3A_891 : i32 to index
        %get3A_895 = arith.constant 48 : index
        %get3A_896 = tpu.vector_load %arg16[%get3A_893, %get3A_894, %get3A_895] {strides = array<i32>} : memref<2x128x128xf32, #tpu.memory_space<vmem>>, vector<16xf32>,
        %mul3A_897 = arith.mulf %get3A_896, %gather3A : vector<16xf32>
        %swap3A_898 = arith.constant 0 : i32
        %swap3A_899 = arith.index_cast %swap3A_898 : i32 to index
        %swap3A_900 = arith.index_cast %add3A_891 : i32 to index
        %swap3A_901 = arith.constant 48 : index
        %swap3A_902 = tpu.vector_load %arg16[%swap3A_899, %swap3A_900, %swap3A_901] {strides = array<i32>} : memref<2x128x128xf32, #tpu.memory_space<vmem>>, vector<16xf32>,
        tpu.vector_store %arg16[%swap3A_899, %swap3A_900, %swap3A_901], %mul3A_897 {strides = array<i32>} : memref<2x128x128xf32, #tpu.memory_space<vmem>>, vector<16xf32>,
        %add3A_903 = arith.constant 80 : i32
        %add3A_904 = arith.addi %add3A_903, %scan3A_328 : i32
        %get3A_905 = arith.constant 0 : i32
        %get3A_906 = arith.index_cast %get3A_905 : i32 to index
        %get3A_907 = arith.index_cast %add3A_904 : i32 to index
        %get3A_908 = arith.constant 64 : index
        %get3A_909 = tpu.vector_load %arg16[%get3A_906, %get3A_907, %get3A_908] {strides = array<i32>} : memref<2x128x128xf32, #tpu.memory_space<vmem>>, vector<16xf32>,
        %mul3A_910 = arith.mulf %get3A_909, %gather3A : vector<16xf32>
        %swap3A_911 = arith.constant 0 : i32
        %swap3A_912 = arith.index_cast %swap3A_911 : i32 to index
        %swap3A_913 = arith.index_cast %add3A_904 : i32 to index
        %swap3A_914 = arith.constant 64 : index
        %swap3A_915 = tpu.vector_load %arg16[%swap3A_912, %swap3A_913, %swap3A_914] {strides = array<i32>} : memref<2x128x128xf32, #tpu.memory_space<vmem>>, vector<16xf32>,
        tpu.vector_store %arg16[%swap3A_912, %swap3A_913, %swap3A_914], %mul3A_910 {strides = array<i32>} : memref<2x128x128xf32, #tpu.memory_space<vmem>>, vector<16xf32>,
        %add3A_916 = arith.constant 80 : i32
        %add3A_917 = arith.addi %add3A_916, %scan3A_328 : i32
        %get3A_918 = arith.constant 0 : i32
        %get3A_919 = arith.index_cast %get3A_918 : i32 to index
        %get3A_920 = arith.index_cast %add3A_917 : i32 to index
        %get3A_921 = arith.constant 80 : index
        %get3A_922 = tpu.vector_load %arg16[%get3A_919, %get3A_920, %get3A_921] {strides = array<i32>} : memref<2x128x128xf32, #tpu.memory_space<vmem>>, vector<16xf32>,
        %mul3A_923 = arith.mulf %get3A_922, %gather3A : vector<16xf32>
        %swap3A_924 = arith.constant 0 : i32
        %swap3A_925 = arith.index_cast %swap3A_924 : i32 to index
        %swap3A_926 = arith.index_cast %add3A_917 : i32 to index
        %swap3A_927 = arith.constant 80 : index
        %swap3A_928 = tpu.vector_load %arg16[%swap3A_925, %swap3A_926, %swap3A_927] {strides = array<i32>} : memref<2x128x128xf32, #tpu.memory_space<vmem>>, vector<16xf32>,
        tpu.vector_store %arg16[%swap3A_925, %swap3A_926, %swap3A_927], %mul3A_923 {strides = array<i32>} : memref<2x128x128xf32, #tpu.memory_space<vmem>>, vector<16xf32>,
        %add3A_929 = arith.constant 80 : i32
        %add3A_930 = arith.addi %add3A_929, %scan3A_328 : i32
        %get3A_931 = arith.constant 0 : i32
        %get3A_932 = arith.index_cast %get3A_931 : i32 to index
        %get3A_933 = arith.index_cast %add3A_930 : i32 to index
        %get3A_934 = arith.constant 96 : index
        %get3A_935 = tpu.vector_load %arg16[%get3A_932, %get3A_933, %get3A_934] {strides = array<i32>} : memref<2x128x128xf32, #tpu.memory_space<vmem>>, vector<16xf32>,
        %mul3A_936 = arith.mulf %get3A_935, %gather3A : vector<16xf32>
        %swap3A_937 = arith.constant 0 : i32
        %swap3A_938 = arith.index_cast %swap3A_937 : i32 to index
        %swap3A_939 = arith.index_cast %add3A_930 : i32 to index
        %swap3A_940 = arith.constant 96 : index
        %swap3A_941 = tpu.vector_load %arg16[%swap3A_938, %swap3A_939, %swap3A_940] {strides = array<i32>} : memref<2x128x128xf32, #tpu.memory_space<vmem>>, vector<16xf32>,
        tpu.vector_store %arg16[%swap3A_938, %swap3A_939, %swap3A_940], %mul3A_936 {strides = array<i32>} : memref<2x128x128xf32, #tpu.memory_space<vmem>>, vector<16xf32>,
        %add3A_942 = arith.constant 80 : i32
        %add3A_943 = arith.addi %add3A_942, %scan3A_328 : i32
        %get3A_944 = arith.constant 0 : i32
        %get3A_945 = arith.index_cast %get3A_944 : i32 to index
        %get3A_946 = arith.index_cast %add3A_943 : i32 to index
        %get3A_947 = arith.constant 112 : index
        %get3A_948 = tpu.vector_load %arg16[%get3A_945, %get3A_946, %get3A_947] {strides = array<i32>} : memref<2x128x128xf32, #tpu.memory_space<vmem>>, vector<16xf32>,
        %mul3A_949 = arith.mulf %get3A_948, %gather3A : vector<16xf32>
        %swap3A_950 = arith.constant 0 : i32
        %swap3A_951 = arith.index_cast %swap3A_950 : i32 to index
        %swap3A_952 = arith.index_cast %add3A_943 : i32 to index
        %swap3A_953 = arith.constant 112 : index
        %swap3A_954 = tpu.vector_load %arg16[%swap3A_951, %swap3A_952, %swap3A_953] {strides = array<i32>} : memref<2x128x128xf32, #tpu.memory_space<vmem>>, vector<16xf32>,
        tpu.vector_store %arg16[%swap3A_951, %swap3A_952, %swap3A_953], %mul3A_949 {strides = array<i32>} : memref<2x128x128xf32, #tpu.memory_space<vmem>>, vector<16xf32>,
        %add3A_955 = arith.constant 96 : i32
        %add3A_956 = arith.addi %add3A_955, %scan3A_328 : i32
        %get3A_957 = arith.constant 0 : i32
        %get3A_958 = arith.index_cast %get3A_957 : i32 to index
        %get3A_959 = arith.index_cast %add3A_956 : i32 to index
        %get3A_960 = arith.constant 0 : index
        %get3A_961 = tpu.vector_load %arg16[%get3A_958, %get3A_959, %get3A_960] {strides = array<i32>} : memref<2x128x128xf32, #tpu.memory_space<vmem>>, vector<16xf32>,
        %mul3A_962 = arith.mulf %get3A_961, %gather3A : vector<16xf32>
        %swap3A_963 = arith.constant 0 : i32
        %swap3A_964 = arith.index_cast %swap3A_963 : i32 to index
        %swap3A_965 = arith.index_cast %add3A_956 : i32 to index
        %swap3A_966 = arith.constant 0 : index
        %swap3A_967 = tpu.vector_load %arg16[%swap3A_964, %swap3A_965, %swap3A_966] {strides = array<i32>} : memref<2x128x128xf32, #tpu.memory_space<vmem>>, vector<16xf32>,
        tpu.vector_store %arg16[%swap3A_964, %swap3A_965, %swap3A_966], %mul3A_962 {strides = array<i32>} : memref<2x128x128xf32, #tpu.memory_space<vmem>>, vector<16xf32>,
        %add3A_968 = arith.constant 96 : i32
        %add3A_969 = arith.addi %add3A_968, %scan3A_328 : i32
        %get3A_970 = arith.constant 0 : i32
        %get3A_971 = arith.index_cast %get3A_970 : i32 to index
        %get3A_972 = arith.index_cast %add3A_969 : i32 to index
        %get3A_973 = arith.constant 16 : index
        %get3A_974 = tpu.vector_load %arg16[%get3A_971, %get3A_972, %get3A_973] {strides = array<i32>} : memref<2x128x128xf32, #tpu.memory_space<vmem>>, vector<16xf32>,
        %mul3A_975 = arith.mulf %get3A_974, %gather3A : vector<16xf32>
        %swap3A_976 = arith.constant 0 : i32
        %swap3A_977 = arith.index_cast %swap3A_976 : i32 to index
        %swap3A_978 = arith.index_cast %add3A_969 : i32 to index
        %swap3A_979 = arith.constant 16 : index
        %swap3A_980 = tpu.vector_load %arg16[%swap3A_977, %swap3A_978, %swap3A_979] {strides = array<i32>} : memref<2x128x128xf32, #tpu.memory_space<vmem>>, vector<16xf32>,
        tpu.vector_store %arg16[%swap3A_977, %swap3A_978, %swap3A_979], %mul3A_975 {strides = array<i32>} : memref<2x128x128xf32, #tpu.memory_space<vmem>>, vector<16xf32>,
        %add3A_981 = arith.constant 96 : i32
        %add3A_982 = arith.addi %add3A_981, %scan3A_328 : i32
        %get3A_983 = arith.constant 0 : i32
        %get3A_984 = arith.index_cast %get3A_983 : i32 to index
        %get3A_985 = arith.index_cast %add3A_982 : i32 to index
        %get3A_986 = arith.constant 32 : index
        %get3A_987 = tpu.vector_load %arg16[%get3A_984, %get3A_985, %get3A_986] {strides = array<i32>} : memref<2x128x128xf32, #tpu.memory_space<vmem>>, vector<16xf32>,
        %mul3A_988 = arith.mulf %get3A_987, %gather3A : vector<16xf32>
        %swap3A_989 = arith.constant 0 : i32
        %swap3A_990 = arith.index_cast %swap3A_989 : i32 to index
        %swap3A_991 = arith.index_cast %add3A_982 : i32 to index
        %swap3A_992 = arith.constant 32 : index
        %swap3A_993 = tpu.vector_load %arg16[%swap3A_990, %swap3A_991, %swap3A_992] {strides = array<i32>} : memref<2x128x128xf32, #tpu.memory_space<vmem>>, vector<16xf32>,
        tpu.vector_store %arg16[%swap3A_990, %swap3A_991, %swap3A_992], %mul3A_988 {strides = array<i32>} : memref<2x128x128xf32, #tpu.memory_space<vmem>>, vector<16xf32>,
        %add3A_994 = arith.constant 96 : i32
        %add3A_995 = arith.addi %add3A_994, %scan3A_328 : i32
        %get3A_996 = arith.constant 0 : i32
        %get3A_997 = arith.index_cast %get3A_996 : i32 to index
        %get3A_998 = arith.index_cast %add3A_995 : i32 to index
        %get3A_999 = arith.constant 48 : index
        %get3A_1000 = tpu.vector_load %arg16[%get3A_997, %get3A_998, %get3A_999] {strides = array<i32>} : memref<2x128x128xf32, #tpu.memory_space<vmem>>, vector<16xf32>,
        %mul3A_1001 = arith.mulf %get3A_1000, %gather3A : vector<16xf32>
        %swap3A_1002 = arith.constant 0 : i32
        %swap3A_1003 = arith.index_cast %swap3A_1002 : i32 to index
        %swap3A_1004 = arith.index_cast %add3A_995 : i32 to index
        %swap3A_1005 = arith.constant 48 : index
        %swap3A_1006 = tpu.vector_load %arg16[%swap3A_1003, %swap3A_1004, %swap3A_1005] {strides = array<i32>} : memref<2x128x128xf32, #tpu.memory_space<vmem>>, vector<16xf32>,
        tpu.vector_store %arg16[%swap3A_1003, %swap3A_1004, %swap3A_1005], %mul3A_1001 {strides = array<i32>} : memref<2x128x128xf32, #tpu.memory_space<vmem>>, vector<16xf32>,
        %add3A_1007 = arith.constant 96 : i32
        %add3A_1008 = arith.addi %add3A_1007, %scan3A_328 : i32
        %get3A_1009 = arith.constant 0 : i32
        %get3A_1010 = arith.index_cast %get3A_1009 : i32 to index
        %get3A_1011 = arith.index_cast %add3A_1008 : i32 to index
        %get3A_1012 = arith.constant 64 : index
        %get3A_1013 = tpu.vector_load %arg16[%get3A_1010, %get3A_1011, %get3A_1012] {strides = array<i32>} : memref<2x128x128xf32, #tpu.memory_space<vmem>>, vector<16xf32>,
        %mul3A_1014 = arith.mulf %get3A_1013, %gather3A : vector<16xf32>
        %swap3A_1015 = arith.constant 0 : i32
        %swap3A_1016 = arith.index_cast %swap3A_1015 : i32 to index
        %swap3A_1017 = arith.index_cast %add3A_1008 : i32 to index
        %swap3A_1018 = arith.constant 64 : index
        %swap3A_1019 = tpu.vector_load %arg16[%swap3A_1016, %swap3A_1017, %swap3A_1018] {strides = array<i32>} : memref<2x128x128xf32, #tpu.memory_space<vmem>>, vector<16xf32>,
        tpu.vector_store %arg16[%swap3A_1016, %swap3A_1017, %swap3A_1018], %mul3A_1014 {strides = array<i32>} : memref<2x128x128xf32, #tpu.memory_space<vmem>>, vector<16xf32>,
        %add3A_1020 = arith.constant 96 : i32
        %add3A_1021 = arith.addi %add3A_1020, %scan3A_328 : i32
        %get3A_1022 = arith.constant 0 : i32
        %get3A_1023 = arith.index_cast %get3A_1022 : i32 to index
        %get3A_1024 = arith.index_cast %add3A_1021 : i32 to index
        %get3A_1025 = arith.constant 80 : index
        %get3A_1026 = tpu.vector_load %arg16[%get3A_1023, %get3A_1024, %get3A_1025] {strides = array<i32>} : memref<2x128x128xf32, #tpu.memory_space<vmem>>, vector<16xf32>,
        %mul3A_1027 = arith.mulf %get3A_1026, %gather3A : vector<16xf32>
        %swap3A_1028 = arith.constant 0 : i32
        %swap3A_1029 = arith.index_cast %swap3A_1028 : i32 to index
        %swap3A_1030 = arith.index_cast %add3A_1021 : i32 to index
        %swap3A_1031 = arith.constant 80 : index
        %swap3A_1032 = tpu.vector_load %arg16[%swap3A_1029, %swap3A_1030, %swap3A_1031] {strides = array<i32>} : memref<2x128x128xf32, #tpu.memory_space<vmem>>, vector<16xf32>,
        tpu.vector_store %arg16[%swap3A_1029, %swap3A_1030, %swap3A_1031], %mul3A_1027 {strides = array<i32>} : memref<2x128x128xf32, #tpu.memory_space<vmem>>, vector<16xf32>,
        %add3A_1033 = arith.constant 96 : i32
        %add3A_1034 = arith.addi %add3A_1033, %scan3A_328 : i32
        %get3A_1035 = arith.constant 0 : i32
        %get3A_1036 = arith.index_cast %get3A_1035 : i32 to index
        %get3A_1037 = arith.index_cast %add3A_1034 : i32 to index
        %get3A_1038 = arith.constant 96 : index
        %get3A_1039 = tpu.vector_load %arg16[%get3A_1036, %get3A_1037, %get3A_1038] {strides = array<i32>} : memref<2x128x128xf32, #tpu.memory_space<vmem>>, vector<16xf32>,
        %mul3A_1040 = arith.mulf %get3A_1039, %gather3A : vector<16xf32>
        %swap3A_1041 = arith.constant 0 : i32
        %swap3A_1042 = arith.index_cast %swap3A_1041 : i32 to index
        %swap3A_1043 = arith.index_cast %add3A_1034 : i32 to index
        %swap3A_1044 = arith.constant 96 : index
        %swap3A_1045 = tpu.vector_load %arg16[%swap3A_1042, %swap3A_1043, %swap3A_1044] {strides = array<i32>} : memref<2x128x128xf32, #tpu.memory_space<vmem>>, vector<16xf32>,
        tpu.vector_store %arg16[%swap3A_1042, %swap3A_1043, %swap3A_1044], %mul3A_1040 {strides = array<i32>} : memref<2x128x128xf32, #tpu.memory_space<vmem>>, vector<16xf32>,
        %add3A_1046 = arith.constant 96 : i32
        %add3A_1047 = arith.addi %add3A_1046, %scan3A_328 : i32
        %get3A_1048 = arith.constant 0 : i32
        %get3A_1049 = arith.index_cast %get3A_1048 : i32 to index
        %get3A_1050 = arith.index_cast %add3A_1047 : i32 to index
        %get3A_1051 = arith.constant 112 : index
        %get3A_1052 = tpu.vector_load %arg16[%get3A_1049, %get3A_1050, %get3A_1051] {strides = array<i32>} : memref<2x128x128xf32, #tpu.memory_space<vmem>>, vector<16xf32>,
        %mul3A_1053 = arith.mulf %get3A_1052, %gather3A : vector<16xf32>
        %swap3A_1054 = arith.constant 0 : i32
        %swap3A_1055 = arith.index_cast %swap3A_1054 : i32 to index
        %swap3A_1056 = arith.index_cast %add3A_1047 : i32 to index
        %swap3A_1057 = arith.constant 112 : index
        %swap3A_1058 = tpu.vector_load %arg16[%swap3A_1055, %swap3A_1056, %swap3A_1057] {strides = array<i32>} : memref<2x128x128xf32, #tpu.memory_space<vmem>>, vector<16xf32>,
        tpu.vector_store %arg16[%swap3A_1055, %swap3A_1056, %swap3A_1057], %mul3A_1053 {strides = array<i32>} : memref<2x128x128xf32, #tpu.memory_space<vmem>>, vector<16xf32>,
        %add3A_1059 = arith.constant 112 : i32
        %add3A_1060 = arith.addi %add3A_1059, %scan3A_328 : i32
        %get3A_1061 = arith.constant 0 : i32
        %get3A_1062 = arith.index_cast %get3A_1061 : i32 to index
        %get3A_1063 = arith.index_cast %add3A_1060 : i32 to index
        %get3A_1064 = arith.constant 0 : index
        %get3A_1065 = tpu.vector_load %arg16[%get3A_1062, %get3A_1063, %get3A_1064] {strides = array<i32>} : memref<2x128x128xf32, #tpu.memory_space<vmem>>, vector<16xf32>,
        %mul3A_1066 = arith.mulf %get3A_1065, %gather3A : vector<16xf32>
        %swap3A_1067 = arith.constant 0 : i32
        %swap3A_1068 = arith.index_cast %swap3A_1067 : i32 to index
        %swap3A_1069 = arith.index_cast %add3A_1060 : i32 to index
        %swap3A_1070 = arith.constant 0 : index
        %swap3A_1071 = tpu.vector_load %arg16[%swap3A_1068, %swap3A_1069, %swap3A_1070] {strides = array<i32>} : memref<2x128x128xf32, #tpu.memory_space<vmem>>, vector<16xf32>,
        tpu.vector_store %arg16[%swap3A_1068, %swap3A_1069, %swap3A_1070], %mul3A_1066 {strides = array<i32>} : memref<2x128x128xf32, #tpu.memory_space<vmem>>, vector<16xf32>,
        %add3A_1072 = arith.constant 112 : i32
        %add3A_1073 = arith.addi %add3A_1072, %scan3A_328 : i32
        %get3A_1074 = arith.constant 0 : i32
        %get3A_1075 = arith.index_cast %get3A_1074 : i32 to index
        %get3A_1076 = arith.index_cast %add3A_1073 : i32 to index
        %get3A_1077 = arith.constant 16 : index
        %get3A_1078 = tpu.vector_load %arg16[%get3A_1075, %get3A_1076, %get3A_1077] {strides = array<i32>} : memref<2x128x128xf32, #tpu.memory_space<vmem>>, vector<16xf32>,
        %mul3A_1079 = arith.mulf %get3A_1078, %gather3A : vector<16xf32>
        %swap3A_1080 = arith.constant 0 : i32
        %swap3A_1081 = arith.index_cast %swap3A_1080 : i32 to index
        %swap3A_1082 = arith.index_cast %add3A_1073 : i32 to index
        %swap3A_1083 = arith.constant 16 : index
        %swap3A_1084 = tpu.vector_load %arg16[%swap3A_1081, %swap3A_1082, %swap3A_1083] {strides = array<i32>} : memref<2x128x128xf32, #tpu.memory_space<vmem>>, vector<16xf32>,
        tpu.vector_store %arg16[%swap3A_1081, %swap3A_1082, %swap3A_1083], %mul3A_1079 {strides = array<i32>} : memref<2x128x128xf32, #tpu.memory_space<vmem>>, vector<16xf32>,
        %add3A_1085 = arith.constant 112 : i32
        %add3A_1086 = arith.addi %add3A_1085, %scan3A_328 : i32
        %get3A_1087 = arith.constant 0 : i32
        %get3A_1088 = arith.index_cast %get3A_1087 : i32 to index
        %get3A_1089 = arith.index_cast %add3A_1086 : i32 to index
        %get3A_1090 = arith.constant 32 : index
        %get3A_1091 = tpu.vector_load %arg16[%get3A_1088, %get3A_1089, %get3A_1090] {strides = array<i32>} : memref<2x128x128xf32, #tpu.memory_space<vmem>>, vector<16xf32>,
        %mul3A_1092 = arith.mulf %get3A_1091, %gather3A : vector<16xf32>
        %swap3A_1093 = arith.constant 0 : i32
        %swap3A_1094 = arith.index_cast %swap3A_1093 : i32 to index
        %swap3A_1095 = arith.index_cast %add3A_1086 : i32 to index
        %swap3A_1096 = arith.constant 32 : index
        %swap3A_1097 = tpu.vector_load %arg16[%swap3A_1094, %swap3A_1095, %swap3A_1096] {strides = array<i32>} : memref<2x128x128xf32, #tpu.memory_space<vmem>>, vector<16xf32>,
        tpu.vector_store %arg16[%swap3A_1094, %swap3A_1095, %swap3A_1096], %mul3A_1092 {strides = array<i32>} : memref<2x128x128xf32, #tpu.memory_space<vmem>>, vector<16xf32>,
        %add3A_1098 = arith.constant 112 : i32
        %add3A_1099 = arith.addi %add3A_1098, %scan3A_328 : i32
        %get3A_1100 = arith.constant 0 : i32
        %get3A_1101 = arith.index_cast %get3A_1100 : i32 to index
        %get3A_1102 = arith.index_cast %add3A_1099 : i32 to index
        %get3A_1103 = arith.constant 48 : index
        %get3A_1104 = tpu.vector_load %arg16[%get3A_1101, %get3A_1102, %get3A_1103] {strides = array<i32>} : memref<2x128x128xf32, #tpu.memory_space<vmem>>, vector<16xf32>,
        %mul3A_1105 = arith.mulf %get3A_1104, %gather3A : vector<16xf32>
        %swap3A_1106 = arith.constant 0 : i32
        %swap3A_1107 = arith.index_cast %swap3A_1106 : i32 to index
        %swap3A_1108 = arith.index_cast %add3A_1099 : i32 to index
        %swap3A_1109 = arith.constant 48 : index
        %swap3A_1110 = tpu.vector_load %arg16[%swap3A_1107, %swap3A_1108, %swap3A_1109] {strides = array<i32>} : memref<2x128x128xf32, #tpu.memory_space<vmem>>, vector<16xf32>,
        tpu.vector_store %arg16[%swap3A_1107, %swap3A_1108, %swap3A_1109], %mul3A_1105 {strides = array<i32>} : memref<2x128x128xf32, #tpu.memory_space<vmem>>, vector<16xf32>,
        %add3A_1111 = arith.constant 112 : i32
        %add3A_1112 = arith.addi %add3A_1111, %scan3A_328 : i32
        %get3A_1113 = arith.constant 0 : i32
        %get3A_1114 = arith.index_cast %get3A_1113 : i32 to index
        %get3A_1115 = arith.index_cast %add3A_1112 : i32 to index
        %get3A_1116 = arith.constant 64 : index
        %get3A_1117 = tpu.vector_load %arg16[%get3A_1114, %get3A_1115, %get3A_1116] {strides = array<i32>} : memref<2x128x128xf32, #tpu.memory_space<vmem>>, vector<16xf32>,
        %mul3A_1118 = arith.mulf %get3A_1117, %gather3A : vector<16xf32>
        %swap3A_1119 = arith.constant 0 : i32
        %swap3A_1120 = arith.index_cast %swap3A_1119 : i32 to index
        %swap3A_1121 = arith.index_cast %add3A_1112 : i32 to index
        %swap3A_1122 = arith.constant 64 : index
        %swap3A_1123 = tpu.vector_load %arg16[%swap3A_1120, %swap3A_1121, %swap3A_1122] {strides = array<i32>} : memref<2x128x128xf32, #tpu.memory_space<vmem>>, vector<16xf32>,
        tpu.vector_store %arg16[%swap3A_1120, %swap3A_1121, %swap3A_1122], %mul3A_1118 {strides = array<i32>} : memref<2x128x128xf32, #tpu.memory_space<vmem>>, vector<16xf32>,
        %add3A_1124 = arith.constant 112 : i32
        %add3A_1125 = arith.addi %add3A_1124, %scan3A_328 : i32
        %get3A_1126 = arith.constant 0 : i32
        %get3A_1127 = arith.index_cast %get3A_1126 : i32 to index
        %get3A_1128 = arith.index_cast %add3A_1125 : i32 to index
        %get3A_1129 = arith.constant 80 : index
        %get3A_1130 = tpu.vector_load %arg16[%get3A_1127, %get3A_1128, %get3A_1129] {strides = array<i32>} : memref<2x128x128xf32, #tpu.memory_space<vmem>>, vector<16xf32>,
        %mul3A_1131 = arith.mulf %get3A_1130, %gather3A : vector<16xf32>
        %swap3A_1132 = arith.constant 0 : i32
        %swap3A_1133 = arith.index_cast %swap3A_1132 : i32 to index
        %swap3A_1134 = arith.index_cast %add3A_1125 : i32 to index
        %swap3A_1135 = arith.constant 80 : index
        %swap3A_1136 = tpu.vector_load %arg16[%swap3A_1133, %swap3A_1134, %swap3A_1135] {strides = array<i32>} : memref<2x128x128xf32, #tpu.memory_space<vmem>>, vector<16xf32>,
        tpu.vector_store %arg16[%swap3A_1133, %swap3A_1134, %swap3A_1135], %mul3A_1131 {strides = array<i32>} : memref<2x128x128xf32, #tpu.memory_space<vmem>>, vector<16xf32>,
        %add3A_1137 = arith.constant 112 : i32
        %add3A_1138 = arith.addi %add3A_1137, %scan3A_328 : i32
        %get3A_1139 = arith.constant 0 : i32
        %get3A_1140 = arith.index_cast %get3A_1139 : i32 to index
        %get3A_1141 = arith.index_cast %add3A_1138 : i32 to index
        %get3A_1142 = arith.constant 96 : index
        %get3A_1143 = tpu.vector_load %arg16[%get3A_1140, %get3A_1141, %get3A_1142] {strides = array<i32>} : memref<2x128x128xf32, #tpu.memory_space<vmem>>, vector<16xf32>,
        %mul3A_1144 = arith.mulf %get3A_1143, %gather3A : vector<16xf32>
        %swap3A_1145 = arith.constant 0 : i32
        %swap3A_1146 = arith.index_cast %swap3A_1145 : i32 to index
        %swap3A_1147 = arith.index_cast %add3A_1138 : i32 to index
        %swap3A_1148 = arith.constant 96 : index
        %swap3A_1149 = tpu.vector_load %arg16[%swap3A_1146, %swap3A_1147, %swap3A_1148] {strides = array<i32>} : memref<2x128x128xf32, #tpu.memory_space<vmem>>, vector<16xf32>,
        tpu.vector_store %arg16[%swap3A_1146, %swap3A_1147, %swap3A_1148], %mul3A_1144 {strides = array<i32>} : memref<2x128x128xf32, #tpu.memory_space<vmem>>, vector<16xf32>,
        %add3A_1150 = arith.constant 112 : i32
        %add3A_1151 = arith.addi %add3A_1150, %scan3A_328 : i32
        %get3A_1152 = arith.constant 0 : i32
        %get3A_1153 = arith.index_cast %get3A_1152 : i32 to index
        %get3A_1154 = arith.index_cast %add3A_1151 : i32 to index
        %get3A_1155 = arith.constant 112 : index
        %get3A_1156 = tpu.vector_load %arg16[%get3A_1153, %get3A_1154, %get3A_1155] {strides = array<i32>} : memref<2x128x128xf32, #tpu.memory_space<vmem>>, vector<16xf32>,
        %mul3A_1157 = arith.mulf %get3A_1156, %gather3A : vector<16xf32>
        %swap3A_1158 = arith.constant 0 : i32
        %swap3A_1159 = arith.index_cast %swap3A_1158 : i32 to index
        %swap3A_1160 = arith.index_cast %add3A_1151 : i32 to index
        %swap3A_1161 = arith.constant 112 : index
        %swap3A_1162 = tpu.vector_load %arg16[%swap3A_1159, %swap3A_1160, %swap3A_1161] {strides = array<i32>} : memref<2x128x128xf32, #tpu.memory_space<vmem>>, vector<16xf32>,
        tpu.vector_store %arg16[%swap3A_1159, %swap3A_1160, %swap3A_1161], %mul3A_1157 {strides = array<i32>} : memref<2x128x128xf32, #tpu.memory_space<vmem>>, vector<16xf32>,
        %scan3A_1163 = arith.constant 0 : i32
        scf.yield %scan3A_1163 : i32
      }
      %scan3A_315 = arith.constant 16 : i32
      %while3A_316 = arith.constant 0 : i32
      %while3A_317 = arith.constant 0 : i32
      %while3A_318 = arith.subi %select_n3A_83, %while3A_316 : i32
      %while3A_319 = arith.addi %while3A_316, %while3A_318 : i32
      %while3A_320 = arith.constant 1 : i32
      %while3A_321 = arith.divsi %while3A_318, %while3A_320 : i32
      %while3A_322 = arith.muli %while3A_321, %while3A_320 : i32
      %while3A_323 = arith.addi %while3A_316, %while3A_322 : i32
      %while3A_324 = arith.constant 1 : i32
      %while3A_325 = scf.for %while3A_328 = %while3A_316 to %while3A_323 step %while3A_324 iter_args(%while3A_329 = %while3A_317) -> (i32)  : i32 {
        %add3A_330 = arith.constant 0 : i32
        %add3A_331 = arith.addi %add3A_330, %while3A_328 : i32
        %mul3A_332 = arith.constant 16 : i32
        %mul3A_333 = arith.muli %select_n3A_67, %mul3A_332 : i32
        %add3A_334 = arith.addi %mul3A_85, %mul3A_333 : i32
        %add3A_335 = arith.addi %add3A_334, %while3A_328 : i32
        %run_scoped3A = arith.constant 0 : i32
        %run_scoped3A_336 = arith.constant 0 : i32
        "tpu.region"() ({
          %run_scoped3A_394 = tpu.sem_alloc : memref<!tpu.dma_semaphore, #tpu.memory_space<semaphore_mem>>
          %dma_start3A_395 = arith.constant 0 : i32
          %dma_start3A_396 = tpu.memref_slice %arg16[%run_scoped3A, %add3A_331, %dma_start3A_395] : memref<2x128x128xf32, #tpu.memory_space<vmem>> -> memref<1x1x128xf32, #tpu.memory_space<vmem>>
          %dma_start3A_397 = tpu.memref_squeeze %dma_start3A_396 : memref<1x1x128xf32, #tpu.memory_space<vmem>> -> memref<128xf32, #tpu.memory_space<vmem>>
          %dma_start3A_398 = arith.constant 0 : i32
          %dma_start3A_399 = tpu.memref_slice %arg6[%add3A_335, %run_scoped3A_336, %add3A_30, %dma_start3A_398] : memref<1433x8x4x128xf32, #tpu.memory_space<hbm>> -> memref<1x1x1x128xf32, #tpu.memory_space<hbm>>
          %dma_start3A_400 = tpu.memref_squeeze %dma_start3A_399 : memref<1x1x1x128xf32, #tpu.memory_space<hbm>> -> memref<128xf32, #tpu.memory_space<hbm>>
          %dma_start3A_401 = arith.constant 0 : i32
          %dma_start3A_402 = tpu.memref_slice %arg6[%add3A_335, %run_scoped3A_336, %add3A_30, %dma_start3A_401] : memref<1433x8x4x128xf32, #tpu.memory_space<hbm>> -> memref<1x1x1x128xf32, #tpu.memory_space<hbm>>
          %dma_start3A_403 = tpu.memref_squeeze %dma_start3A_402 : memref<1x1x1x128xf32, #tpu.memory_space<hbm>> -> memref<128xf32, #tpu.memory_space<hbm>>
          %dma_start3A_404 = arith.constant 0 : i32
          %dma_start3A_405 = tpu.memref_slice %arg16[%run_scoped3A, %add3A_331, %dma_start3A_404] : memref<2x128x128xf32, #tpu.memory_space<vmem>> -> memref<1x1x128xf32, #tpu.memory_space<vmem>>
          %dma_start3A_406 = tpu.memref_squeeze %dma_start3A_405 : memref<1x1x128xf32, #tpu.memory_space<vmem>> -> memref<128xf32, #tpu.memory_space<vmem>>
          tpu.enqueue_dma source(%dma_start3A_406 : memref<128xf32, #tpu.memory_space<vmem>>) target(%dma_start3A_403 : memref<128xf32, #tpu.memory_space<hbm>>) target_semaphore(%run_scoped3A_394 : memref<!tpu.dma_semaphore, #tpu.memory_space<semaphore_mem>>)
          %dma_wait3A_407 = arith.constant 0 : i32
          %dma_wait3A_408 = tpu.memref_slice %arg16[%run_scoped3A, %add3A_331, %dma_wait3A_407] : memref<2x128x128xf32, #tpu.memory_space<vmem>> -> memref<1x1x128xf32, #tpu.memory_space<vmem>>
          %dma_wait3A_409 = tpu.memref_squeeze %dma_wait3A_408 : memref<1x1x128xf32, #tpu.memory_space<vmem>> -> memref<128xf32, #tpu.memory_space<vmem>>
          %dma_wait3A_410 = arith.constant 0 : i32
          %dma_wait3A_411 = tpu.memref_slice %arg6[%add3A_335, %run_scoped3A_336, %add3A_30, %dma_wait3A_410] : memref<1433x8x4x128xf32, #tpu.memory_space<hbm>> -> memref<1x1x1x128xf32, #tpu.memory_space<hbm>>
          %dma_wait3A_412 = tpu.memref_squeeze %dma_wait3A_411 : memref<1x1x1x128xf32, #tpu.memory_space<hbm>> -> memref<128xf32, #tpu.memory_space<hbm>>
          %dma_wait3A_413 = arith.constant 0 : i32
          %dma_wait3A_414 = tpu.memref_slice %arg6[%add3A_335, %run_scoped3A_336, %add3A_30, %dma_wait3A_413] : memref<1433x8x4x128xf32, #tpu.memory_space<hbm>> -> memref<1x1x1x128xf32, #tpu.memory_space<hbm>>
          %dma_wait3A_415 = tpu.memref_squeeze %dma_wait3A_414 : memref<1x1x1x128xf32, #tpu.memory_space<hbm>> -> memref<128xf32, #tpu.memory_space<hbm>>
          %dma_wait3A_416 = arith.constant 0 : i32
          %dma_wait3A_417 = tpu.memref_slice %arg16[%run_scoped3A, %add3A_331, %dma_wait3A_416] : memref<2x128x128xf32, #tpu.memory_space<vmem>> -> memref<1x1x128xf32, #tpu.memory_space<vmem>>
          %dma_wait3A_418 = tpu.memref_squeeze %dma_wait3A_417 : memref<1x1x128xf32, #tpu.memory_space<vmem>> -> memref<128xf32, #tpu.memory_space<vmem>>
          tpu.wait_dma2 semaphore(%run_scoped3A_394 : memref<!tpu.dma_semaphore, #tpu.memory_space<semaphore_mem>>) src(%dma_wait3A_418 : memref<128xf32, #tpu.memory_space<vmem>>) dst(%dma_wait3A_415 : memref<128xf32, #tpu.memory_space<hbm>>)
          tpu.yield
        }) : () -> ()
        %add3A_337 = arith.constant 16 : i32
        %add3A_338 = arith.addi %add3A_337, %while3A_328 : i32
        %mul3A_339 = arith.constant 16 : i32
        %mul3A_340 = arith.muli %select_n3A_67, %mul3A_339 : i32
        %add3A_341 = arith.addi %mul3A_85, %mul3A_340 : i32
        %add3A_342 = arith.addi %add3A_341, %while3A_328 : i32
        %run_scoped3A_343 = arith.constant 0 : i32
        %run_scoped3A_344 = arith.constant 1 : i32
        "tpu.region"() ({
          %run_scoped3A_394 = tpu.sem_alloc : memref<!tpu.dma_semaphore, #tpu.memory_space<semaphore_mem>>
          %dma_start3A_395 = arith.constant 0 : i32
          %dma_start3A_396 = tpu.memref_slice %arg16[%run_scoped3A_343, %add3A_338, %dma_start3A_395] : memref<2x128x128xf32, #tpu.memory_space<vmem>> -> memref<1x1x128xf32, #tpu.memory_space<vmem>>
          %dma_start3A_397 = tpu.memref_squeeze %dma_start3A_396 : memref<1x1x128xf32, #tpu.memory_space<vmem>> -> memref<128xf32, #tpu.memory_space<vmem>>
          %dma_start3A_398 = arith.constant 0 : i32
          %dma_start3A_399 = tpu.memref_slice %arg6[%add3A_342, %run_scoped3A_344, %add3A_30, %dma_start3A_398] : memref<1433x8x4x128xf32, #tpu.memory_space<hbm>> -> memref<1x1x1x128xf32, #tpu.memory_space<hbm>>
          %dma_start3A_400 = tpu.memref_squeeze %dma_start3A_399 : memref<1x1x1x128xf32, #tpu.memory_space<hbm>> -> memref<128xf32, #tpu.memory_space<hbm>>
          %dma_start3A_401 = arith.constant 0 : i32
          %dma_start3A_402 = tpu.memref_slice %arg6[%add3A_342, %run_scoped3A_344, %add3A_30, %dma_start3A_401] : memref<1433x8x4x128xf32, #tpu.memory_space<hbm>> -> memref<1x1x1x128xf32, #tpu.memory_space<hbm>>
          %dma_start3A_403 = tpu.memref_squeeze %dma_start3A_402 : memref<1x1x1x128xf32, #tpu.memory_space<hbm>> -> memref<128xf32, #tpu.memory_space<hbm>>
          %dma_start3A_404 = arith.constant 0 : i32
          %dma_start3A_405 = tpu.memref_slice %arg16[%run_scoped3A_343, %add3A_338, %dma_start3A_404] : memref<2x128x128xf32, #tpu.memory_space<vmem>> -> memref<1x1x128xf32, #tpu.memory_space<vmem>>
          %dma_start3A_406 = tpu.memref_squeeze %dma_start3A_405 : memref<1x1x128xf32, #tpu.memory_space<vmem>> -> memref<128xf32, #tpu.memory_space<vmem>>
          tpu.enqueue_dma source(%dma_start3A_406 : memref<128xf32, #tpu.memory_space<vmem>>) target(%dma_start3A_403 : memref<128xf32, #tpu.memory_space<hbm>>) target_semaphore(%run_scoped3A_394 : memref<!tpu.dma_semaphore, #tpu.memory_space<semaphore_mem>>)
          %dma_wait3A_407 = arith.constant 0 : i32
          %dma_wait3A_408 = tpu.memref_slice %arg16[%run_scoped3A_343, %add3A_338, %dma_wait3A_407] : memref<2x128x128xf32, #tpu.memory_space<vmem>> -> memref<1x1x128xf32, #tpu.memory_space<vmem>>
          %dma_wait3A_409 = tpu.memref_squeeze %dma_wait3A_408 : memref<1x1x128xf32, #tpu.memory_space<vmem>> -> memref<128xf32, #tpu.memory_space<vmem>>
          %dma_wait3A_410 = arith.constant 0 : i32
          %dma_wait3A_411 = tpu.memref_slice %arg6[%add3A_342, %run_scoped3A_344, %add3A_30, %dma_wait3A_410] : memref<1433x8x4x128xf32, #tpu.memory_space<hbm>> -> memref<1x1x1x128xf32, #tpu.memory_space<hbm>>
          %dma_wait3A_412 = tpu.memref_squeeze %dma_wait3A_411 : memref<1x1x1x128xf32, #tpu.memory_space<hbm>> -> memref<128xf32, #tpu.memory_space<hbm>>
          %dma_wait3A_413 = arith.constant 0 : i32
          %dma_wait3A_414 = tpu.memref_slice %arg6[%add3A_342, %run_scoped3A_344, %add3A_30, %dma_wait3A_413] : memref<1433x8x4x128xf32, #tpu.memory_space<hbm>> -> memref<1x1x1x128xf32, #tpu.memory_space<hbm>>
          %dma_wait3A_415 = tpu.memref_squeeze %dma_wait3A_414 : memref<1x1x1x128xf32, #tpu.memory_space<hbm>> -> memref<128xf32, #tpu.memory_space<hbm>>
          %dma_wait3A_416 = arith.constant 0 : i32
          %dma_wait3A_417 = tpu.memref_slice %arg16[%run_scoped3A_343, %add3A_338, %dma_wait3A_416] : memref<2x128x128xf32, #tpu.memory_space<vmem>> -> memref<1x1x128xf32, #tpu.memory_space<vmem>>
          %dma_wait3A_418 = tpu.memref_squeeze %dma_wait3A_417 : memref<1x1x128xf32, #tpu.memory_space<vmem>> -> memref<128xf32, #tpu.memory_space<vmem>>
          tpu.wait_dma2 semaphore(%run_scoped3A_394 : memref<!tpu.dma_semaphore, #tpu.memory_space<semaphore_mem>>) src(%dma_wait3A_418 : memref<128xf32, #tpu.memory_space<vmem>>) dst(%dma_wait3A_415 : memref<128xf32, #tpu.memory_space<hbm>>)
          tpu.yield
        }) : () -> ()
        %add3A_345 = arith.constant 32 : i32
        %add3A_346 = arith.addi %add3A_345, %while3A_328 : i32
        %mul3A_347 = arith.constant 16 : i32
        %mul3A_348 = arith.muli %select_n3A_67, %mul3A_347 : i32
        %add3A_349 = arith.addi %mul3A_85, %mul3A_348 : i32
        %add3A_350 = arith.addi %add3A_349, %while3A_328 : i32
        %run_scoped3A_351 = arith.constant 0 : i32
        %run_scoped3A_352 = arith.constant 2 : i32
        "tpu.region"() ({
          %run_scoped3A_394 = tpu.sem_alloc : memref<!tpu.dma_semaphore, #tpu.memory_space<semaphore_mem>>
          %dma_start3A_395 = arith.constant 0 : i32
          %dma_start3A_396 = tpu.memref_slice %arg16[%run_scoped3A_351, %add3A_346, %dma_start3A_395] : memref<2x128x128xf32, #tpu.memory_space<vmem>> -> memref<1x1x128xf32, #tpu.memory_space<vmem>>
          %dma_start3A_397 = tpu.memref_squeeze %dma_start3A_396 : memref<1x1x128xf32, #tpu.memory_space<vmem>> -> memref<128xf32, #tpu.memory_space<vmem>>
          %dma_start3A_398 = arith.constant 0 : i32
          %dma_start3A_399 = tpu.memref_slice %arg6[%add3A_350, %run_scoped3A_352, %add3A_30, %dma_start3A_398] : memref<1433x8x4x128xf32, #tpu.memory_space<hbm>> -> memref<1x1x1x128xf32, #tpu.memory_space<hbm>>
          %dma_start3A_400 = tpu.memref_squeeze %dma_start3A_399 : memref<1x1x1x128xf32, #tpu.memory_space<hbm>> -> memref<128xf32, #tpu.memory_space<hbm>>
          %dma_start3A_401 = arith.constant 0 : i32
          %dma_start3A_402 = tpu.memref_slice %arg6[%add3A_350, %run_scoped3A_352, %add3A_30, %dma_start3A_401] : memref<1433x8x4x128xf32, #tpu.memory_space<hbm>> -> memref<1x1x1x128xf32, #tpu.memory_space<hbm>>
          %dma_start3A_403 = tpu.memref_squeeze %dma_start3A_402 : memref<1x1x1x128xf32, #tpu.memory_space<hbm>> -> memref<128xf32, #tpu.memory_space<hbm>>
          %dma_start3A_404 = arith.constant 0 : i32
          %dma_start3A_405 = tpu.memref_slice %arg16[%run_scoped3A_351, %add3A_346, %dma_start3A_404] : memref<2x128x128xf32, #tpu.memory_space<vmem>> -> memref<1x1x128xf32, #tpu.memory_space<vmem>>
          %dma_start3A_406 = tpu.memref_squeeze %dma_start3A_405 : memref<1x1x128xf32, #tpu.memory_space<vmem>> -> memref<128xf32, #tpu.memory_space<vmem>>
          tpu.enqueue_dma source(%dma_start3A_406 : memref<128xf32, #tpu.memory_space<vmem>>) target(%dma_start3A_403 : memref<128xf32, #tpu.memory_space<hbm>>) target_semaphore(%run_scoped3A_394 : memref<!tpu.dma_semaphore, #tpu.memory_space<semaphore_mem>>)
          %dma_wait3A_407 = arith.constant 0 : i32
          %dma_wait3A_408 = tpu.memref_slice %arg16[%run_scoped3A_351, %add3A_346, %dma_wait3A_407] : memref<2x128x128xf32, #tpu.memory_space<vmem>> -> memref<1x1x128xf32, #tpu.memory_space<vmem>>
          %dma_wait3A_409 = tpu.memref_squeeze %dma_wait3A_408 : memref<1x1x128xf32, #tpu.memory_space<vmem>> -> memref<128xf32, #tpu.memory_space<vmem>>
          %dma_wait3A_410 = arith.constant 0 : i32
          %dma_wait3A_411 = tpu.memref_slice %arg6[%add3A_350, %run_scoped3A_352, %add3A_30, %dma_wait3A_410] : memref<1433x8x4x128xf32, #tpu.memory_space<hbm>> -> memref<1x1x1x128xf32, #tpu.memory_space<hbm>>
          %dma_wait3A_412 = tpu.memref_squeeze %dma_wait3A_411 : memref<1x1x1x128xf32, #tpu.memory_space<hbm>> -> memref<128xf32, #tpu.memory_space<hbm>>
          %dma_wait3A_413 = arith.constant 0 : i32
          %dma_wait3A_414 = tpu.memref_slice %arg6[%add3A_350, %run_scoped3A_352, %add3A_30, %dma_wait3A_413] : memref<1433x8x4x128xf32, #tpu.memory_space<hbm>> -> memref<1x1x1x128xf32, #tpu.memory_space<hbm>>
          %dma_wait3A_415 = tpu.memref_squeeze %dma_wait3A_414 : memref<1x1x1x128xf32, #tpu.memory_space<hbm>> -> memref<128xf32, #tpu.memory_space<hbm>>
          %dma_wait3A_416 = arith.constant 0 : i32
          %dma_wait3A_417 = tpu.memref_slice %arg16[%run_scoped3A_351, %add3A_346, %dma_wait3A_416] : memref<2x128x128xf32, #tpu.memory_space<vmem>> -> memref<1x1x128xf32, #tpu.memory_space<vmem>>
          %dma_wait3A_418 = tpu.memref_squeeze %dma_wait3A_417 : memref<1x1x128xf32, #tpu.memory_space<vmem>> -> memref<128xf32, #tpu.memory_space<vmem>>
          tpu.wait_dma2 semaphore(%run_scoped3A_394 : memref<!tpu.dma_semaphore, #tpu.memory_space<semaphore_mem>>) src(%dma_wait3A_418 : memref<128xf32, #tpu.memory_space<vmem>>) dst(%dma_wait3A_415 : memref<128xf32, #tpu.memory_space<hbm>>)
          tpu.yield
        }) : () -> ()
        %add3A_353 = arith.constant 48 : i32
        %add3A_354 = arith.addi %add3A_353, %while3A_328 : i32
        %mul3A_355 = arith.constant 16 : i32
        %mul3A_356 = arith.muli %select_n3A_67, %mul3A_355 : i32
        %add3A_357 = arith.addi %mul3A_85, %mul3A_356 : i32
        %add3A_358 = arith.addi %add3A_357, %while3A_328 : i32
        %run_scoped3A_359 = arith.constant 0 : i32
        %run_scoped3A_360 = arith.constant 3 : i32
        "tpu.region"() ({
          %run_scoped3A_394 = tpu.sem_alloc : memref<!tpu.dma_semaphore, #tpu.memory_space<semaphore_mem>>
          %dma_start3A_395 = arith.constant 0 : i32
          %dma_start3A_396 = tpu.memref_slice %arg16[%run_scoped3A_359, %add3A_354, %dma_start3A_395] : memref<2x128x128xf32, #tpu.memory_space<vmem>> -> memref<1x1x128xf32, #tpu.memory_space<vmem>>
          %dma_start3A_397 = tpu.memref_squeeze %dma_start3A_396 : memref<1x1x128xf32, #tpu.memory_space<vmem>> -> memref<128xf32, #tpu.memory_space<vmem>>
          %dma_start3A_398 = arith.constant 0 : i32
          %dma_start3A_399 = tpu.memref_slice %arg6[%add3A_358, %run_scoped3A_360, %add3A_30, %dma_start3A_398] : memref<1433x8x4x128xf32, #tpu.memory_space<hbm>> -> memref<1x1x1x128xf32, #tpu.memory_space<hbm>>
          %dma_start3A_400 = tpu.memref_squeeze %dma_start3A_399 : memref<1x1x1x128xf32, #tpu.memory_space<hbm>> -> memref<128xf32, #tpu.memory_space<hbm>>
          %dma_start3A_401 = arith.constant 0 : i32
          %dma_start3A_402 = tpu.memref_slice %arg6[%add3A_358, %run_scoped3A_360, %add3A_30, %dma_start3A_401] : memref<1433x8x4x128xf32, #tpu.memory_space<hbm>> -> memref<1x1x1x128xf32, #tpu.memory_space<hbm>>
          %dma_start3A_403 = tpu.memref_squeeze %dma_start3A_402 : memref<1x1x1x128xf32, #tpu.memory_space<hbm>> -> memref<128xf32, #tpu.memory_space<hbm>>
          %dma_start3A_404 = arith.constant 0 : i32
          %dma_start3A_405 = tpu.memref_slice %arg16[%run_scoped3A_359, %add3A_354, %dma_start3A_404] : memref<2x128x128xf32, #tpu.memory_space<vmem>> -> memref<1x1x128xf32, #tpu.memory_space<vmem>>
          %dma_start3A_406 = tpu.memref_squeeze %dma_start3A_405 : memref<1x1x128xf32, #tpu.memory_space<vmem>> -> memref<128xf32, #tpu.memory_space<vmem>>
          tpu.enqueue_dma source(%dma_start3A_406 : memref<128xf32, #tpu.memory_space<vmem>>) target(%dma_start3A_403 : memref<128xf32, #tpu.memory_space<hbm>>) target_semaphore(%run_scoped3A_394 : memref<!tpu.dma_semaphore, #tpu.memory_space<semaphore_mem>>)
          %dma_wait3A_407 = arith.constant 0 : i32
          %dma_wait3A_408 = tpu.memref_slice %arg16[%run_scoped3A_359, %add3A_354, %dma_wait3A_407] : memref<2x128x128xf32, #tpu.memory_space<vmem>> -> memref<1x1x128xf32, #tpu.memory_space<vmem>>
          %dma_wait3A_409 = tpu.memref_squeeze %dma_wait3A_408 : memref<1x1x128xf32, #tpu.memory_space<vmem>> -> memref<128xf32, #tpu.memory_space<vmem>>
          %dma_wait3A_410 = arith.constant 0 : i32
          %dma_wait3A_411 = tpu.memref_slice %arg6[%add3A_358, %run_scoped3A_360, %add3A_30, %dma_wait3A_410] : memref<1433x8x4x128xf32, #tpu.memory_space<hbm>> -> memref<1x1x1x128xf32, #tpu.memory_space<hbm>>
          %dma_wait3A_412 = tpu.memref_squeeze %dma_wait3A_411 : memref<1x1x1x128xf32, #tpu.memory_space<hbm>> -> memref<128xf32, #tpu.memory_space<hbm>>
          %dma_wait3A_413 = arith.constant 0 : i32
          %dma_wait3A_414 = tpu.memref_slice %arg6[%add3A_358, %run_scoped3A_360, %add3A_30, %dma_wait3A_413] : memref<1433x8x4x128xf32, #tpu.memory_space<hbm>> -> memref<1x1x1x128xf32, #tpu.memory_space<hbm>>
          %dma_wait3A_415 = tpu.memref_squeeze %dma_wait3A_414 : memref<1x1x1x128xf32, #tpu.memory_space<hbm>> -> memref<128xf32, #tpu.memory_space<hbm>>
          %dma_wait3A_416 = arith.constant 0 : i32
          %dma_wait3A_417 = tpu.memref_slice %arg16[%run_scoped3A_359, %add3A_354, %dma_wait3A_416] : memref<2x128x128xf32, #tpu.memory_space<vmem>> -> memref<1x1x128xf32, #tpu.memory_space<vmem>>
          %dma_wait3A_418 = tpu.memref_squeeze %dma_wait3A_417 : memref<1x1x128xf32, #tpu.memory_space<vmem>> -> memref<128xf32, #tpu.memory_space<vmem>>
          tpu.wait_dma2 semaphore(%run_scoped3A_394 : memref<!tpu.dma_semaphore, #tpu.memory_space<semaphore_mem>>) src(%dma_wait3A_418 : memref<128xf32, #tpu.memory_space<vmem>>) dst(%dma_wait3A_415 : memref<128xf32, #tpu.memory_space<hbm>>)
          tpu.yield
        }) : () -> ()
        %add3A_361 = arith.constant 64 : i32
        %add3A_362 = arith.addi %add3A_361, %while3A_328 : i32
        %mul3A_363 = arith.constant 16 : i32
        %mul3A_364 = arith.muli %select_n3A_67, %mul3A_363 : i32
        %add3A_365 = arith.addi %mul3A_85, %mul3A_364 : i32
        %add3A_366 = arith.addi %add3A_365, %while3A_328 : i32
        %run_scoped3A_367 = arith.constant 0 : i32
        %run_scoped3A_368 = arith.constant 4 : i32
        "tpu.region"() ({
          %run_scoped3A_394 = tpu.sem_alloc : memref<!tpu.dma_semaphore, #tpu.memory_space<semaphore_mem>>
          %dma_start3A_395 = arith.constant 0 : i32
          %dma_start3A_396 = tpu.memref_slice %arg16[%run_scoped3A_367, %add3A_362, %dma_start3A_395] : memref<2x128x128xf32, #tpu.memory_space<vmem>> -> memref<1x1x128xf32, #tpu.memory_space<vmem>>
          %dma_start3A_397 = tpu.memref_squeeze %dma_start3A_396 : memref<1x1x128xf32, #tpu.memory_space<vmem>> -> memref<128xf32, #tpu.memory_space<vmem>>
          %dma_start3A_398 = arith.constant 0 : i32
          %dma_start3A_399 = tpu.memref_slice %arg6[%add3A_366, %run_scoped3A_368, %add3A_30, %dma_start3A_398] : memref<1433x8x4x128xf32, #tpu.memory_space<hbm>> -> memref<1x1x1x128xf32, #tpu.memory_space<hbm>>
          %dma_start3A_400 = tpu.memref_squeeze %dma_start3A_399 : memref<1x1x1x128xf32, #tpu.memory_space<hbm>> -> memref<128xf32, #tpu.memory_space<hbm>>
          %dma_start3A_401 = arith.constant 0 : i32
          %dma_start3A_402 = tpu.memref_slice %arg6[%add3A_366, %run_scoped3A_368, %add3A_30, %dma_start3A_401] : memref<1433x8x4x128xf32, #tpu.memory_space<hbm>> -> memref<1x1x1x128xf32, #tpu.memory_space<hbm>>
          %dma_start3A_403 = tpu.memref_squeeze %dma_start3A_402 : memref<1x1x1x128xf32, #tpu.memory_space<hbm>> -> memref<128xf32, #tpu.memory_space<hbm>>
          %dma_start3A_404 = arith.constant 0 : i32
          %dma_start3A_405 = tpu.memref_slice %arg16[%run_scoped3A_367, %add3A_362, %dma_start3A_404] : memref<2x128x128xf32, #tpu.memory_space<vmem>> -> memref<1x1x128xf32, #tpu.memory_space<vmem>>
          %dma_start3A_406 = tpu.memref_squeeze %dma_start3A_405 : memref<1x1x128xf32, #tpu.memory_space<vmem>> -> memref<128xf32, #tpu.memory_space<vmem>>
          tpu.enqueue_dma source(%dma_start3A_406 : memref<128xf32, #tpu.memory_space<vmem>>) target(%dma_start3A_403 : memref<128xf32, #tpu.memory_space<hbm>>) target_semaphore(%run_scoped3A_394 : memref<!tpu.dma_semaphore, #tpu.memory_space<semaphore_mem>>)
          %dma_wait3A_407 = arith.constant 0 : i32
          %dma_wait3A_408 = tpu.memref_slice %arg16[%run_scoped3A_367, %add3A_362, %dma_wait3A_407] : memref<2x128x128xf32, #tpu.memory_space<vmem>> -> memref<1x1x128xf32, #tpu.memory_space<vmem>>
          %dma_wait3A_409 = tpu.memref_squeeze %dma_wait3A_408 : memref<1x1x128xf32, #tpu.memory_space<vmem>> -> memref<128xf32, #tpu.memory_space<vmem>>
          %dma_wait3A_410 = arith.constant 0 : i32
          %dma_wait3A_411 = tpu.memref_slice %arg6[%add3A_366, %run_scoped3A_368, %add3A_30, %dma_wait3A_410] : memref<1433x8x4x128xf32, #tpu.memory_space<hbm>> -> memref<1x1x1x128xf32, #tpu.memory_space<hbm>>
          %dma_wait3A_412 = tpu.memref_squeeze %dma_wait3A_411 : memref<1x1x1x128xf32, #tpu.memory_space<hbm>> -> memref<128xf32, #tpu.memory_space<hbm>>
          %dma_wait3A_413 = arith.constant 0 : i32
          %dma_wait3A_414 = tpu.memref_slice %arg6[%add3A_366, %run_scoped3A_368, %add3A_30, %dma_wait3A_413] : memref<1433x8x4x128xf32, #tpu.memory_space<hbm>> -> memref<1x1x1x128xf32, #tpu.memory_space<hbm>>
          %dma_wait3A_415 = tpu.memref_squeeze %dma_wait3A_414 : memref<1x1x1x128xf32, #tpu.memory_space<hbm>> -> memref<128xf32, #tpu.memory_space<hbm>>
          %dma_wait3A_416 = arith.constant 0 : i32
          %dma_wait3A_417 = tpu.memref_slice %arg16[%run_scoped3A_367, %add3A_362, %dma_wait3A_416] : memref<2x128x128xf32, #tpu.memory_space<vmem>> -> memref<1x1x128xf32, #tpu.memory_space<vmem>>
          %dma_wait3A_418 = tpu.memref_squeeze %dma_wait3A_417 : memref<1x1x128xf32, #tpu.memory_space<vmem>> -> memref<128xf32, #tpu.memory_space<vmem>>
          tpu.wait_dma2 semaphore(%run_scoped3A_394 : memref<!tpu.dma_semaphore, #tpu.memory_space<semaphore_mem>>) src(%dma_wait3A_418 : memref<128xf32, #tpu.memory_space<vmem>>) dst(%dma_wait3A_415 : memref<128xf32, #tpu.memory_space<hbm>>)
          tpu.yield
        }) : () -> ()
        %add3A_369 = arith.constant 80 : i32
        %add3A_370 = arith.addi %add3A_369, %while3A_328 : i32
        %mul3A_371 = arith.constant 16 : i32
        %mul3A_372 = arith.muli %select_n3A_67, %mul3A_371 : i32
        %add3A_373 = arith.addi %mul3A_85, %mul3A_372 : i32
        %add3A_374 = arith.addi %add3A_373, %while3A_328 : i32
        %run_scoped3A_375 = arith.constant 0 : i32
        %run_scoped3A_376 = arith.constant 5 : i32
        "tpu.region"() ({
          %run_scoped3A_394 = tpu.sem_alloc : memref<!tpu.dma_semaphore, #tpu.memory_space<semaphore_mem>>
          %dma_start3A_395 = arith.constant 0 : i32
          %dma_start3A_396 = tpu.memref_slice %arg16[%run_scoped3A_375, %add3A_370, %dma_start3A_395] : memref<2x128x128xf32, #tpu.memory_space<vmem>> -> memref<1x1x128xf32, #tpu.memory_space<vmem>>
          %dma_start3A_397 = tpu.memref_squeeze %dma_start3A_396 : memref<1x1x128xf32, #tpu.memory_space<vmem>> -> memref<128xf32, #tpu.memory_space<vmem>>
          %dma_start3A_398 = arith.constant 0 : i32
          %dma_start3A_399 = tpu.memref_slice %arg6[%add3A_374, %run_scoped3A_376, %add3A_30, %dma_start3A_398] : memref<1433x8x4x128xf32, #tpu.memory_space<hbm>> -> memref<1x1x1x128xf32, #tpu.memory_space<hbm>>
          %dma_start3A_400 = tpu.memref_squeeze %dma_start3A_399 : memref<1x1x1x128xf32, #tpu.memory_space<hbm>> -> memref<128xf32, #tpu.memory_space<hbm>>
          %dma_start3A_401 = arith.constant 0 : i32
          %dma_start3A_402 = tpu.memref_slice %arg6[%add3A_374, %run_scoped3A_376, %add3A_30, %dma_start3A_401] : memref<1433x8x4x128xf32, #tpu.memory_space<hbm>> -> memref<1x1x1x128xf32, #tpu.memory_space<hbm>>
          %dma_start3A_403 = tpu.memref_squeeze %dma_start3A_402 : memref<1x1x1x128xf32, #tpu.memory_space<hbm>> -> memref<128xf32, #tpu.memory_space<hbm>>
          %dma_start3A_404 = arith.constant 0 : i32
          %dma_start3A_405 = tpu.memref_slice %arg16[%run_scoped3A_375, %add3A_370, %dma_start3A_404] : memref<2x128x128xf32, #tpu.memory_space<vmem>> -> memref<1x1x128xf32, #tpu.memory_space<vmem>>
          %dma_start3A_406 = tpu.memref_squeeze %dma_start3A_405 : memref<1x1x128xf32, #tpu.memory_space<vmem>> -> memref<128xf32, #tpu.memory_space<vmem>>
          tpu.enqueue_dma source(%dma_start3A_406 : memref<128xf32, #tpu.memory_space<vmem>>) target(%dma_start3A_403 : memref<128xf32, #tpu.memory_space<hbm>>) target_semaphore(%run_scoped3A_394 : memref<!tpu.dma_semaphore, #tpu.memory_space<semaphore_mem>>)
          %dma_wait3A_407 = arith.constant 0 : i32
          %dma_wait3A_408 = tpu.memref_slice %arg16[%run_scoped3A_375, %add3A_370, %dma_wait3A_407] : memref<2x128x128xf32, #tpu.memory_space<vmem>> -> memref<1x1x128xf32, #tpu.memory_space<vmem>>
          %dma_wait3A_409 = tpu.memref_squeeze %dma_wait3A_408 : memref<1x1x128xf32, #tpu.memory_space<vmem>> -> memref<128xf32, #tpu.memory_space<vmem>>
          %dma_wait3A_410 = arith.constant 0 : i32
          %dma_wait3A_411 = tpu.memref_slice %arg6[%add3A_374, %run_scoped3A_376, %add3A_30, %dma_wait3A_410] : memref<1433x8x4x128xf32, #tpu.memory_space<hbm>> -> memref<1x1x1x128xf32, #tpu.memory_space<hbm>>
          %dma_wait3A_412 = tpu.memref_squeeze %dma_wait3A_411 : memref<1x1x1x128xf32, #tpu.memory_space<hbm>> -> memref<128xf32, #tpu.memory_space<hbm>>
          %dma_wait3A_413 = arith.constant 0 : i32
          %dma_wait3A_414 = tpu.memref_slice %arg6[%add3A_374, %run_scoped3A_376, %add3A_30, %dma_wait3A_413] : memref<1433x8x4x128xf32, #tpu.memory_space<hbm>> -> memref<1x1x1x128xf32, #tpu.memory_space<hbm>>
          %dma_wait3A_415 = tpu.memref_squeeze %dma_wait3A_414 : memref<1x1x1x128xf32, #tpu.memory_space<hbm>> -> memref<128xf32, #tpu.memory_space<hbm>>
          %dma_wait3A_416 = arith.constant 0 : i32
          %dma_wait3A_417 = tpu.memref_slice %arg16[%run_scoped3A_375, %add3A_370, %dma_wait3A_416] : memref<2x128x128xf32, #tpu.memory_space<vmem>> -> memref<1x1x128xf32, #tpu.memory_space<vmem>>
          %dma_wait3A_418 = tpu.memref_squeeze %dma_wait3A_417 : memref<1x1x128xf32, #tpu.memory_space<vmem>> -> memref<128xf32, #tpu.memory_space<vmem>>
          tpu.wait_dma2 semaphore(%run_scoped3A_394 : memref<!tpu.dma_semaphore, #tpu.memory_space<semaphore_mem>>) src(%dma_wait3A_418 : memref<128xf32, #tpu.memory_space<vmem>>) dst(%dma_wait3A_415 : memref<128xf32, #tpu.memory_space<hbm>>)
          tpu.yield
        }) : () -> ()
        %add3A_377 = arith.constant 96 : i32
        %add3A_378 = arith.addi %add3A_377, %while3A_328 : i32
        %mul3A_379 = arith.constant 16 : i32
        %mul3A_380 = arith.muli %select_n3A_67, %mul3A_379 : i32
        %add3A_381 = arith.addi %mul3A_85, %mul3A_380 : i32
        %add3A_382 = arith.addi %add3A_381, %while3A_328 : i32
        %run_scoped3A_383 = arith.constant 0 : i32
        %run_scoped3A_384 = arith.constant 6 : i32
        "tpu.region"() ({
          %run_scoped3A_394 = tpu.sem_alloc : memref<!tpu.dma_semaphore, #tpu.memory_space<semaphore_mem>>
          %dma_start3A_395 = arith.constant 0 : i32
          %dma_start3A_396 = tpu.memref_slice %arg16[%run_scoped3A_383, %add3A_378, %dma_start3A_395] : memref<2x128x128xf32, #tpu.memory_space<vmem>> -> memref<1x1x128xf32, #tpu.memory_space<vmem>>
          %dma_start3A_397 = tpu.memref_squeeze %dma_start3A_396 : memref<1x1x128xf32, #tpu.memory_space<vmem>> -> memref<128xf32, #tpu.memory_space<vmem>>
          %dma_start3A_398 = arith.constant 0 : i32
          %dma_start3A_399 = tpu.memref_slice %arg6[%add3A_382, %run_scoped3A_384, %add3A_30, %dma_start3A_398] : memref<1433x8x4x128xf32, #tpu.memory_space<hbm>> -> memref<1x1x1x128xf32, #tpu.memory_space<hbm>>
          %dma_start3A_400 = tpu.memref_squeeze %dma_start3A_399 : memref<1x1x1x128xf32, #tpu.memory_space<hbm>> -> memref<128xf32, #tpu.memory_space<hbm>>
          %dma_start3A_401 = arith.constant 0 : i32
          %dma_start3A_402 = tpu.memref_slice %arg6[%add3A_382, %run_scoped3A_384, %add3A_30, %dma_start3A_401] : memref<1433x8x4x128xf32, #tpu.memory_space<hbm>> -> memref<1x1x1x128xf32, #tpu.memory_space<hbm>>
          %dma_start3A_403 = tpu.memref_squeeze %dma_start3A_402 : memref<1x1x1x128xf32, #tpu.memory_space<hbm>> -> memref<128xf32, #tpu.memory_space<hbm>>
          %dma_start3A_404 = arith.constant 0 : i32
          %dma_start3A_405 = tpu.memref_slice %arg16[%run_scoped3A_383, %add3A_378, %dma_start3A_404] : memref<2x128x128xf32, #tpu.memory_space<vmem>> -> memref<1x1x128xf32, #tpu.memory_space<vmem>>
          %dma_start3A_406 = tpu.memref_squeeze %dma_start3A_405 : memref<1x1x128xf32, #tpu.memory_space<vmem>> -> memref<128xf32, #tpu.memory_space<vmem>>
          tpu.enqueue_dma source(%dma_start3A_406 : memref<128xf32, #tpu.memory_space<vmem>>) target(%dma_start3A_403 : memref<128xf32, #tpu.memory_space<hbm>>) target_semaphore(%run_scoped3A_394 : memref<!tpu.dma_semaphore, #tpu.memory_space<semaphore_mem>>)
          %dma_wait3A_407 = arith.constant 0 : i32
          %dma_wait3A_408 = tpu.memref_slice %arg16[%run_scoped3A_383, %add3A_378, %dma_wait3A_407] : memref<2x128x128xf32, #tpu.memory_space<vmem>> -> memref<1x1x128xf32, #tpu.memory_space<vmem>>
          %dma_wait3A_409 = tpu.memref_squeeze %dma_wait3A_408 : memref<1x1x128xf32, #tpu.memory_space<vmem>> -> memref<128xf32, #tpu.memory_space<vmem>>
          %dma_wait3A_410 = arith.constant 0 : i32
          %dma_wait3A_411 = tpu.memref_slice %arg6[%add3A_382, %run_scoped3A_384, %add3A_30, %dma_wait3A_410] : memref<1433x8x4x128xf32, #tpu.memory_space<hbm>> -> memref<1x1x1x128xf32, #tpu.memory_space<hbm>>
          %dma_wait3A_412 = tpu.memref_squeeze %dma_wait3A_411 : memref<1x1x1x128xf32, #tpu.memory_space<hbm>> -> memref<128xf32, #tpu.memory_space<hbm>>
          %dma_wait3A_413 = arith.constant 0 : i32
          %dma_wait3A_414 = tpu.memref_slice %arg6[%add3A_382, %run_scoped3A_384, %add3A_30, %dma_wait3A_413] : memref<1433x8x4x128xf32, #tpu.memory_space<hbm>> -> memref<1x1x1x128xf32, #tpu.memory_space<hbm>>
          %dma_wait3A_415 = tpu.memref_squeeze %dma_wait3A_414 : memref<1x1x1x128xf32, #tpu.memory_space<hbm>> -> memref<128xf32, #tpu.memory_space<hbm>>
          %dma_wait3A_416 = arith.constant 0 : i32
          %dma_wait3A_417 = tpu.memref_slice %arg16[%run_scoped3A_383, %add3A_378, %dma_wait3A_416] : memref<2x128x128xf32, #tpu.memory_space<vmem>> -> memref<1x1x128xf32, #tpu.memory_space<vmem>>
          %dma_wait3A_418 = tpu.memref_squeeze %dma_wait3A_417 : memref<1x1x128xf32, #tpu.memory_space<vmem>> -> memref<128xf32, #tpu.memory_space<vmem>>
          tpu.wait_dma2 semaphore(%run_scoped3A_394 : memref<!tpu.dma_semaphore, #tpu.memory_space<semaphore_mem>>) src(%dma_wait3A_418 : memref<128xf32, #tpu.memory_space<vmem>>) dst(%dma_wait3A_415 : memref<128xf32, #tpu.memory_space<hbm>>)
          tpu.yield
        }) : () -> ()
        %add3A_385 = arith.constant 112 : i32
        %add3A_386 = arith.addi %add3A_385, %while3A_328 : i32
        %mul3A_387 = arith.constant 16 : i32
        %mul3A_388 = arith.muli %select_n3A_67, %mul3A_387 : i32
        %add3A_389 = arith.addi %mul3A_85, %mul3A_388 : i32
        %add3A_390 = arith.addi %add3A_389, %while3A_328 : i32
        %run_scoped3A_391 = arith.constant 0 : i32
        %run_scoped3A_392 = arith.constant 7 : i32
        "tpu.region"() ({
          %run_scoped3A_394 = tpu.sem_alloc : memref<!tpu.dma_semaphore, #tpu.memory_space<semaphore_mem>>
          %dma_start3A_395 = arith.constant 0 : i32
          %dma_start3A_396 = tpu.memref_slice %arg16[%run_scoped3A_391, %add3A_386, %dma_start3A_395] : memref<2x128x128xf32, #tpu.memory_space<vmem>> -> memref<1x1x128xf32, #tpu.memory_space<vmem>>
          %dma_start3A_397 = tpu.memref_squeeze %dma_start3A_396 : memref<1x1x128xf32, #tpu.memory_space<vmem>> -> memref<128xf32, #tpu.memory_space<vmem>>
          %dma_start3A_398 = arith.constant 0 : i32
          %dma_start3A_399 = tpu.memref_slice %arg6[%add3A_390, %run_scoped3A_392, %add3A_30, %dma_start3A_398] : memref<1433x8x4x128xf32, #tpu.memory_space<hbm>> -> memref<1x1x1x128xf32, #tpu.memory_space<hbm>>
          %dma_start3A_400 = tpu.memref_squeeze %dma_start3A_399 : memref<1x1x1x128xf32, #tpu.memory_space<hbm>> -> memref<128xf32, #tpu.memory_space<hbm>>
          %dma_start3A_401 = arith.constant 0 : i32
          %dma_start3A_402 = tpu.memref_slice %arg6[%add3A_390, %run_scoped3A_392, %add3A_30, %dma_start3A_401] : memref<1433x8x4x128xf32, #tpu.memory_space<hbm>> -> memref<1x1x1x128xf32, #tpu.memory_space<hbm>>
          %dma_start3A_403 = tpu.memref_squeeze %dma_start3A_402 : memref<1x1x1x128xf32, #tpu.memory_space<hbm>> -> memref<128xf32, #tpu.memory_space<hbm>>
          %dma_start3A_404 = arith.constant 0 : i32
          %dma_start3A_405 = tpu.memref_slice %arg16[%run_scoped3A_391, %add3A_386, %dma_start3A_404] : memref<2x128x128xf32, #tpu.memory_space<vmem>> -> memref<1x1x128xf32, #tpu.memory_space<vmem>>
          %dma_start3A_406 = tpu.memref_squeeze %dma_start3A_405 : memref<1x1x128xf32, #tpu.memory_space<vmem>> -> memref<128xf32, #tpu.memory_space<vmem>>
          tpu.enqueue_dma source(%dma_start3A_406 : memref<128xf32, #tpu.memory_space<vmem>>) target(%dma_start3A_403 : memref<128xf32, #tpu.memory_space<hbm>>) target_semaphore(%run_scoped3A_394 : memref<!tpu.dma_semaphore, #tpu.memory_space<semaphore_mem>>)
          %dma_wait3A_407 = arith.constant 0 : i32
          %dma_wait3A_408 = tpu.memref_slice %arg16[%run_scoped3A_391, %add3A_386, %dma_wait3A_407] : memref<2x128x128xf32, #tpu.memory_space<vmem>> -> memref<1x1x128xf32, #tpu.memory_space<vmem>>
          %dma_wait3A_409 = tpu.memref_squeeze %dma_wait3A_408 : memref<1x1x128xf32, #tpu.memory_space<vmem>> -> memref<128xf32, #tpu.memory_space<vmem>>
          %dma_wait3A_410 = arith.constant 0 : i32
          %dma_wait3A_411 = tpu.memref_slice %arg6[%add3A_390, %run_scoped3A_392, %add3A_30, %dma_wait3A_410] : memref<1433x8x4x128xf32, #tpu.memory_space<hbm>> -> memref<1x1x1x128xf32, #tpu.memory_space<hbm>>
          %dma_wait3A_412 = tpu.memref_squeeze %dma_wait3A_411 : memref<1x1x1x128xf32, #tpu.memory_space<hbm>> -> memref<128xf32, #tpu.memory_space<hbm>>
          %dma_wait3A_413 = arith.constant 0 : i32
          %dma_wait3A_414 = tpu.memref_slice %arg6[%add3A_390, %run_scoped3A_392, %add3A_30, %dma_wait3A_413] : memref<1433x8x4x128xf32, #tpu.memory_space<hbm>> -> memref<1x1x1x128xf32, #tpu.memory_space<hbm>>
          %dma_wait3A_415 = tpu.memref_squeeze %dma_wait3A_414 : memref<1x1x1x128xf32, #tpu.memory_space<hbm>> -> memref<128xf32, #tpu.memory_space<hbm>>
          %dma_wait3A_416 = arith.constant 0 : i32
          %dma_wait3A_417 = tpu.memref_slice %arg16[%run_scoped3A_391, %add3A_386, %dma_wait3A_416] : memref<2x128x128xf32, #tpu.memory_space<vmem>> -> memref<1x1x128xf32, #tpu.memory_space<vmem>>
          %dma_wait3A_418 = tpu.memref_squeeze %dma_wait3A_417 : memref<1x1x128xf32, #tpu.memory_space<vmem>> -> memref<128xf32, #tpu.memory_space<vmem>>
          tpu.wait_dma2 semaphore(%run_scoped3A_394 : memref<!tpu.dma_semaphore, #tpu.memory_space<semaphore_mem>>) src(%dma_wait3A_418 : memref<128xf32, #tpu.memory_space<vmem>>) dst(%dma_wait3A_415 : memref<128xf32, #tpu.memory_space<hbm>>)
          tpu.yield
        }) : () -> ()
        %while3A_393 = arith.constant 0 : i32
        scf.yield %while3A_393 : i32
      }
      %while3A_326 = arith.constant 1 : i32
      %while3A_327 = scf.for %while3A_328 = %while3A_323 to %while3A_319 step %while3A_326 iter_args(%while3A_329 = %while3A_325) -> (i32)  : i32 {
        %add3A_330 = arith.constant 0 : i32
        %add3A_331 = arith.addi %add3A_330, %while3A_328 : i32
        %mul3A_332 = arith.constant 16 : i32
        %mul3A_333 = arith.muli %select_n3A_67, %mul3A_332 : i32
        %add3A_334 = arith.addi %mul3A_85, %mul3A_333 : i32
        %add3A_335 = arith.addi %add3A_334, %while3A_328 : i32
        %run_scoped3A = arith.constant 0 : i32
        %run_scoped3A_336 = arith.constant 0 : i32
        "tpu.region"() ({
          %run_scoped3A_394 = tpu.sem_alloc : memref<!tpu.dma_semaphore, #tpu.memory_space<semaphore_mem>>
          %dma_start3A_395 = arith.constant 0 : i32
          %dma_start3A_396 = tpu.memref_slice %arg16[%run_scoped3A, %add3A_331, %dma_start3A_395] : memref<2x128x128xf32, #tpu.memory_space<vmem>> -> memref<1x1x128xf32, #tpu.memory_space<vmem>>
          %dma_start3A_397 = tpu.memref_squeeze %dma_start3A_396 : memref<1x1x128xf32, #tpu.memory_space<vmem>> -> memref<128xf32, #tpu.memory_space<vmem>>
          %dma_start3A_398 = arith.constant 0 : i32
          %dma_start3A_399 = tpu.memref_slice %arg6[%add3A_335, %run_scoped3A_336, %add3A_30, %dma_start3A_398] : memref<1433x8x4x128xf32, #tpu.memory_space<hbm>> -> memref<1x1x1x128xf32, #tpu.memory_space<hbm>>
          %dma_start3A_400 = tpu.memref_squeeze %dma_start3A_399 : memref<1x1x1x128xf32, #tpu.memory_space<hbm>> -> memref<128xf32, #tpu.memory_space<hbm>>
          %dma_start3A_401 = arith.constant 0 : i32
          %dma_start3A_402 = tpu.memref_slice %arg6[%add3A_335, %run_scoped3A_336, %add3A_30, %dma_start3A_401] : memref<1433x8x4x128xf32, #tpu.memory_space<hbm>> -> memref<1x1x1x128xf32, #tpu.memory_space<hbm>>
          %dma_start3A_403 = tpu.memref_squeeze %dma_start3A_402 : memref<1x1x1x128xf32, #tpu.memory_space<hbm>> -> memref<128xf32, #tpu.memory_space<hbm>>
          %dma_start3A_404 = arith.constant 0 : i32
          %dma_start3A_405 = tpu.memref_slice %arg16[%run_scoped3A, %add3A_331, %dma_start3A_404] : memref<2x128x128xf32, #tpu.memory_space<vmem>> -> memref<1x1x128xf32, #tpu.memory_space<vmem>>
          %dma_start3A_406 = tpu.memref_squeeze %dma_start3A_405 : memref<1x1x128xf32, #tpu.memory_space<vmem>> -> memref<128xf32, #tpu.memory_space<vmem>>
          tpu.enqueue_dma source(%dma_start3A_406 : memref<128xf32, #tpu.memory_space<vmem>>) target(%dma_start3A_403 : memref<128xf32, #tpu.memory_space<hbm>>) target_semaphore(%run_scoped3A_394 : memref<!tpu.dma_semaphore, #tpu.memory_space<semaphore_mem>>)
          %dma_wait3A_407 = arith.constant 0 : i32
          %dma_wait3A_408 = tpu.memref_slice %arg16[%run_scoped3A, %add3A_331, %dma_wait3A_407] : memref<2x128x128xf32, #tpu.memory_space<vmem>> -> memref<1x1x128xf32, #tpu.memory_space<vmem>>
          %dma_wait3A_409 = tpu.memref_squeeze %dma_wait3A_408 : memref<1x1x128xf32, #tpu.memory_space<vmem>> -> memref<128xf32, #tpu.memory_space<vmem>>
          %dma_wait3A_410 = arith.constant 0 : i32
          %dma_wait3A_411 = tpu.memref_slice %arg6[%add3A_335, %run_scoped3A_336, %add3A_30, %dma_wait3A_410] : memref<1433x8x4x128xf32, #tpu.memory_space<hbm>> -> memref<1x1x1x128xf32, #tpu.memory_space<hbm>>
          %dma_wait3A_412 = tpu.memref_squeeze %dma_wait3A_411 : memref<1x1x1x128xf32, #tpu.memory_space<hbm>> -> memref<128xf32, #tpu.memory_space<hbm>>
          %dma_wait3A_413 = arith.constant 0 : i32
          %dma_wait3A_414 = tpu.memref_slice %arg6[%add3A_335, %run_scoped3A_336, %add3A_30, %dma_wait3A_413] : memref<1433x8x4x128xf32, #tpu.memory_space<hbm>> -> memref<1x1x1x128xf32, #tpu.memory_space<hbm>>
          %dma_wait3A_415 = tpu.memref_squeeze %dma_wait3A_414 : memref<1x1x1x128xf32, #tpu.memory_space<hbm>> -> memref<128xf32, #tpu.memory_space<hbm>>
          %dma_wait3A_416 = arith.constant 0 : i32
          %dma_wait3A_417 = tpu.memref_slice %arg16[%run_scoped3A, %add3A_331, %dma_wait3A_416] : memref<2x128x128xf32, #tpu.memory_space<vmem>> -> memref<1x1x128xf32, #tpu.memory_space<vmem>>
          %dma_wait3A_418 = tpu.memref_squeeze %dma_wait3A_417 : memref<1x1x128xf32, #tpu.memory_space<vmem>> -> memref<128xf32, #tpu.memory_space<vmem>>
          tpu.wait_dma2 semaphore(%run_scoped3A_394 : memref<!tpu.dma_semaphore, #tpu.memory_space<semaphore_mem>>) src(%dma_wait3A_418 : memref<128xf32, #tpu.memory_space<vmem>>) dst(%dma_wait3A_415 : memref<128xf32, #tpu.memory_space<hbm>>)
          tpu.yield
        }) : () -> ()
        %add3A_337 = arith.constant 16 : i32
        %add3A_338 = arith.addi %add3A_337, %while3A_328 : i32
        %mul3A_339 = arith.constant 16 : i32
        %mul3A_340 = arith.muli %select_n3A_67, %mul3A_339 : i32
        %add3A_341 = arith.addi %mul3A_85, %mul3A_340 : i32
        %add3A_342 = arith.addi %add3A_341, %while3A_328 : i32
        %run_scoped3A_343 = arith.constant 0 : i32
        %run_scoped3A_344 = arith.constant 1 : i32
        "tpu.region"() ({
          %run_scoped3A_394 = tpu.sem_alloc : memref<!tpu.dma_semaphore, #tpu.memory_space<semaphore_mem>>
          %dma_start3A_395 = arith.constant 0 : i32
          %dma_start3A_396 = tpu.memref_slice %arg16[%run_scoped3A_343, %add3A_338, %dma_start3A_395] : memref<2x128x128xf32, #tpu.memory_space<vmem>> -> memref<1x1x128xf32, #tpu.memory_space<vmem>>
          %dma_start3A_397 = tpu.memref_squeeze %dma_start3A_396 : memref<1x1x128xf32, #tpu.memory_space<vmem>> -> memref<128xf32, #tpu.memory_space<vmem>>
          %dma_start3A_398 = arith.constant 0 : i32
          %dma_start3A_399 = tpu.memref_slice %arg6[%add3A_342, %run_scoped3A_344, %add3A_30, %dma_start3A_398] : memref<1433x8x4x128xf32, #tpu.memory_space<hbm>> -> memref<1x1x1x128xf32, #tpu.memory_space<hbm>>
          %dma_start3A_400 = tpu.memref_squeeze %dma_start3A_399 : memref<1x1x1x128xf32, #tpu.memory_space<hbm>> -> memref<128xf32, #tpu.memory_space<hbm>>
          %dma_start3A_401 = arith.constant 0 : i32
          %dma_start3A_402 = tpu.memref_slice %arg6[%add3A_342, %run_scoped3A_344, %add3A_30, %dma_start3A_401] : memref<1433x8x4x128xf32, #tpu.memory_space<hbm>> -> memref<1x1x1x128xf32, #tpu.memory_space<hbm>>
          %dma_start3A_403 = tpu.memref_squeeze %dma_start3A_402 : memref<1x1x1x128xf32, #tpu.memory_space<hbm>> -> memref<128xf32, #tpu.memory_space<hbm>>
          %dma_start3A_404 = arith.constant 0 : i32
          %dma_start3A_405 = tpu.memref_slice %arg16[%run_scoped3A_343, %add3A_338, %dma_start3A_404] : memref<2x128x128xf32, #tpu.memory_space<vmem>> -> memref<1x1x128xf32, #tpu.memory_space<vmem>>
          %dma_start3A_406 = tpu.memref_squeeze %dma_start3A_405 : memref<1x1x128xf32, #tpu.memory_space<vmem>> -> memref<128xf32, #tpu.memory_space<vmem>>
          tpu.enqueue_dma source(%dma_start3A_406 : memref<128xf32, #tpu.memory_space<vmem>>) target(%dma_start3A_403 : memref<128xf32, #tpu.memory_space<hbm>>) target_semaphore(%run_scoped3A_394 : memref<!tpu.dma_semaphore, #tpu.memory_space<semaphore_mem>>)
          %dma_wait3A_407 = arith.constant 0 : i32
          %dma_wait3A_408 = tpu.memref_slice %arg16[%run_scoped3A_343, %add3A_338, %dma_wait3A_407] : memref<2x128x128xf32, #tpu.memory_space<vmem>> -> memref<1x1x128xf32, #tpu.memory_space<vmem>>
          %dma_wait3A_409 = tpu.memref_squeeze %dma_wait3A_408 : memref<1x1x128xf32, #tpu.memory_space<vmem>> -> memref<128xf32, #tpu.memory_space<vmem>>
          %dma_wait3A_410 = arith.constant 0 : i32
          %dma_wait3A_411 = tpu.memref_slice %arg6[%add3A_342, %run_scoped3A_344, %add3A_30, %dma_wait3A_410] : memref<1433x8x4x128xf32, #tpu.memory_space<hbm>> -> memref<1x1x1x128xf32, #tpu.memory_space<hbm>>
          %dma_wait3A_412 = tpu.memref_squeeze %dma_wait3A_411 : memref<1x1x1x128xf32, #tpu.memory_space<hbm>> -> memref<128xf32, #tpu.memory_space<hbm>>
          %dma_wait3A_413 = arith.constant 0 : i32
          %dma_wait3A_414 = tpu.memref_slice %arg6[%add3A_342, %run_scoped3A_344, %add3A_30, %dma_wait3A_413] : memref<1433x8x4x128xf32, #tpu.memory_space<hbm>> -> memref<1x1x1x128xf32, #tpu.memory_space<hbm>>
          %dma_wait3A_415 = tpu.memref_squeeze %dma_wait3A_414 : memref<1x1x1x128xf32, #tpu.memory_space<hbm>> -> memref<128xf32, #tpu.memory_space<hbm>>
          %dma_wait3A_416 = arith.constant 0 : i32
          %dma_wait3A_417 = tpu.memref_slice %arg16[%run_scoped3A_343, %add3A_338, %dma_wait3A_416] : memref<2x128x128xf32, #tpu.memory_space<vmem>> -> memref<1x1x128xf32, #tpu.memory_space<vmem>>
          %dma_wait3A_418 = tpu.memref_squeeze %dma_wait3A_417 : memref<1x1x128xf32, #tpu.memory_space<vmem>> -> memref<128xf32, #tpu.memory_space<vmem>>
          tpu.wait_dma2 semaphore(%run_scoped3A_394 : memref<!tpu.dma_semaphore, #tpu.memory_space<semaphore_mem>>) src(%dma_wait3A_418 : memref<128xf32, #tpu.memory_space<vmem>>) dst(%dma_wait3A_415 : memref<128xf32, #tpu.memory_space<hbm>>)
          tpu.yield
        }) : () -> ()
        %add3A_345 = arith.constant 32 : i32
        %add3A_346 = arith.addi %add3A_345, %while3A_328 : i32
        %mul3A_347 = arith.constant 16 : i32
        %mul3A_348 = arith.muli %select_n3A_67, %mul3A_347 : i32
        %add3A_349 = arith.addi %mul3A_85, %mul3A_348 : i32
        %add3A_350 = arith.addi %add3A_349, %while3A_328 : i32
        %run_scoped3A_351 = arith.constant 0 : i32
        %run_scoped3A_352 = arith.constant 2 : i32
        "tpu.region"() ({
          %run_scoped3A_394 = tpu.sem_alloc : memref<!tpu.dma_semaphore, #tpu.memory_space<semaphore_mem>>
          %dma_start3A_395 = arith.constant 0 : i32
          %dma_start3A_396 = tpu.memref_slice %arg16[%run_scoped3A_351, %add3A_346, %dma_start3A_395] : memref<2x128x128xf32, #tpu.memory_space<vmem>> -> memref<1x1x128xf32, #tpu.memory_space<vmem>>
          %dma_start3A_397 = tpu.memref_squeeze %dma_start3A_396 : memref<1x1x128xf32, #tpu.memory_space<vmem>> -> memref<128xf32, #tpu.memory_space<vmem>>
          %dma_start3A_398 = arith.constant 0 : i32
          %dma_start3A_399 = tpu.memref_slice %arg6[%add3A_350, %run_scoped3A_352, %add3A_30, %dma_start3A_398] : memref<1433x8x4x128xf32, #tpu.memory_space<hbm>> -> memref<1x1x1x128xf32, #tpu.memory_space<hbm>>
          %dma_start3A_400 = tpu.memref_squeeze %dma_start3A_399 : memref<1x1x1x128xf32, #tpu.memory_space<hbm>> -> memref<128xf32, #tpu.memory_space<hbm>>
          %dma_start3A_401 = arith.constant 0 : i32
          %dma_start3A_402 = tpu.memref_slice %arg6[%add3A_350, %run_scoped3A_352, %add3A_30, %dma_start3A_401] : memref<1433x8x4x128xf32, #tpu.memory_space<hbm>> -> memref<1x1x1x128xf32, #tpu.memory_space<hbm>>
          %dma_start3A_403 = tpu.memref_squeeze %dma_start3A_402 : memref<1x1x1x128xf32, #tpu.memory_space<hbm>> -> memref<128xf32, #tpu.memory_space<hbm>>
          %dma_start3A_404 = arith.constant 0 : i32
          %dma_start3A_405 = tpu.memref_slice %arg16[%run_scoped3A_351, %add3A_346, %dma_start3A_404] : memref<2x128x128xf32, #tpu.memory_space<vmem>> -> memref<1x1x128xf32, #tpu.memory_space<vmem>>
          %dma_start3A_406 = tpu.memref_squeeze %dma_start3A_405 : memref<1x1x128xf32, #tpu.memory_space<vmem>> -> memref<128xf32, #tpu.memory_space<vmem>>
          tpu.enqueue_dma source(%dma_start3A_406 : memref<128xf32, #tpu.memory_space<vmem>>) target(%dma_start3A_403 : memref<128xf32, #tpu.memory_space<hbm>>) target_semaphore(%run_scoped3A_394 : memref<!tpu.dma_semaphore, #tpu.memory_space<semaphore_mem>>)
          %dma_wait3A_407 = arith.constant 0 : i32
          %dma_wait3A_408 = tpu.memref_slice %arg16[%run_scoped3A_351, %add3A_346, %dma_wait3A_407] : memref<2x128x128xf32, #tpu.memory_space<vmem>> -> memref<1x1x128xf32, #tpu.memory_space<vmem>>
          %dma_wait3A_409 = tpu.memref_squeeze %dma_wait3A_408 : memref<1x1x128xf32, #tpu.memory_space<vmem>> -> memref<128xf32, #tpu.memory_space<vmem>>
          %dma_wait3A_410 = arith.constant 0 : i32
          %dma_wait3A_411 = tpu.memref_slice %arg6[%add3A_350, %run_scoped3A_352, %add3A_30, %dma_wait3A_410] : memref<1433x8x4x128xf32, #tpu.memory_space<hbm>> -> memref<1x1x1x128xf32, #tpu.memory_space<hbm>>
          %dma_wait3A_412 = tpu.memref_squeeze %dma_wait3A_411 : memref<1x1x1x128xf32, #tpu.memory_space<hbm>> -> memref<128xf32, #tpu.memory_space<hbm>>
          %dma_wait3A_413 = arith.constant 0 : i32
          %dma_wait3A_414 = tpu.memref_slice %arg6[%add3A_350, %run_scoped3A_352, %add3A_30, %dma_wait3A_413] : memref<1433x8x4x128xf32, #tpu.memory_space<hbm>> -> memref<1x1x1x128xf32, #tpu.memory_space<hbm>>
          %dma_wait3A_415 = tpu.memref_squeeze %dma_wait3A_414 : memref<1x1x1x128xf32, #tpu.memory_space<hbm>> -> memref<128xf32, #tpu.memory_space<hbm>>
          %dma_wait3A_416 = arith.constant 0 : i32
          %dma_wait3A_417 = tpu.memref_slice %arg16[%run_scoped3A_351, %add3A_346, %dma_wait3A_416] : memref<2x128x128xf32, #tpu.memory_space<vmem>> -> memref<1x1x128xf32, #tpu.memory_space<vmem>>
          %dma_wait3A_418 = tpu.memref_squeeze %dma_wait3A_417 : memref<1x1x128xf32, #tpu.memory_space<vmem>> -> memref<128xf32, #tpu.memory_space<vmem>>
          tpu.wait_dma2 semaphore(%run_scoped3A_394 : memref<!tpu.dma_semaphore, #tpu.memory_space<semaphore_mem>>) src(%dma_wait3A_418 : memref<128xf32, #tpu.memory_space<vmem>>) dst(%dma_wait3A_415 : memref<128xf32, #tpu.memory_space<hbm>>)
          tpu.yield
        }) : () -> ()
        %add3A_353 = arith.constant 48 : i32
        %add3A_354 = arith.addi %add3A_353, %while3A_328 : i32
        %mul3A_355 = arith.constant 16 : i32
        %mul3A_356 = arith.muli %select_n3A_67, %mul3A_355 : i32
        %add3A_357 = arith.addi %mul3A_85, %mul3A_356 : i32
        %add3A_358 = arith.addi %add3A_357, %while3A_328 : i32
        %run_scoped3A_359 = arith.constant 0 : i32
        %run_scoped3A_360 = arith.constant 3 : i32
        "tpu.region"() ({
          %run_scoped3A_394 = tpu.sem_alloc : memref<!tpu.dma_semaphore, #tpu.memory_space<semaphore_mem>>
          %dma_start3A_395 = arith.constant 0 : i32
          %dma_start3A_396 = tpu.memref_slice %arg16[%run_scoped3A_359, %add3A_354, %dma_start3A_395] : memref<2x128x128xf32, #tpu.memory_space<vmem>> -> memref<1x1x128xf32, #tpu.memory_space<vmem>>
          %dma_start3A_397 = tpu.memref_squeeze %dma_start3A_396 : memref<1x1x128xf32, #tpu.memory_space<vmem>> -> memref<128xf32, #tpu.memory_space<vmem>>
          %dma_start3A_398 = arith.constant 0 : i32
          %dma_start3A_399 = tpu.memref_slice %arg6[%add3A_358, %run_scoped3A_360, %add3A_30, %dma_start3A_398] : memref<1433x8x4x128xf32, #tpu.memory_space<hbm>> -> memref<1x1x1x128xf32, #tpu.memory_space<hbm>>
          %dma_start3A_400 = tpu.memref_squeeze %dma_start3A_399 : memref<1x1x1x128xf32, #tpu.memory_space<hbm>> -> memref<128xf32, #tpu.memory_space<hbm>>
          %dma_start3A_401 = arith.constant 0 : i32
          %dma_start3A_402 = tpu.memref_slice %arg6[%add3A_358, %run_scoped3A_360, %add3A_30, %dma_start3A_401] : memref<1433x8x4x128xf32, #tpu.memory_space<hbm>> -> memref<1x1x1x128xf32, #tpu.memory_space<hbm>>
          %dma_start3A_403 = tpu.memref_squeeze %dma_start3A_402 : memref<1x1x1x128xf32, #tpu.memory_space<hbm>> -> memref<128xf32, #tpu.memory_space<hbm>>
          %dma_start3A_404 = arith.constant 0 : i32
          %dma_start3A_405 = tpu.memref_slice %arg16[%run_scoped3A_359, %add3A_354, %dma_start3A_404] : memref<2x128x128xf32, #tpu.memory_space<vmem>> -> memref<1x1x128xf32, #tpu.memory_space<vmem>>
          %dma_start3A_406 = tpu.memref_squeeze %dma_start3A_405 : memref<1x1x128xf32, #tpu.memory_space<vmem>> -> memref<128xf32, #tpu.memory_space<vmem>>
          tpu.enqueue_dma source(%dma_start3A_406 : memref<128xf32, #tpu.memory_space<vmem>>) target(%dma_start3A_403 : memref<128xf32, #tpu.memory_space<hbm>>) target_semaphore(%run_scoped3A_394 : memref<!tpu.dma_semaphore, #tpu.memory_space<semaphore_mem>>)
          %dma_wait3A_407 = arith.constant 0 : i32
          %dma_wait3A_408 = tpu.memref_slice %arg16[%run_scoped3A_359, %add3A_354, %dma_wait3A_407] : memref<2x128x128xf32, #tpu.memory_space<vmem>> -> memref<1x1x128xf32, #tpu.memory_space<vmem>>
          %dma_wait3A_409 = tpu.memref_squeeze %dma_wait3A_408 : memref<1x1x128xf32, #tpu.memory_space<vmem>> -> memref<128xf32, #tpu.memory_space<vmem>>
          %dma_wait3A_410 = arith.constant 0 : i32
          %dma_wait3A_411 = tpu.memref_slice %arg6[%add3A_358, %run_scoped3A_360, %add3A_30, %dma_wait3A_410] : memref<1433x8x4x128xf32, #tpu.memory_space<hbm>> -> memref<1x1x1x128xf32, #tpu.memory_space<hbm>>
          %dma_wait3A_412 = tpu.memref_squeeze %dma_wait3A_411 : memref<1x1x1x128xf32, #tpu.memory_space<hbm>> -> memref<128xf32, #tpu.memory_space<hbm>>
          %dma_wait3A_413 = arith.constant 0 : i32
          %dma_wait3A_414 = tpu.memref_slice %arg6[%add3A_358, %run_scoped3A_360, %add3A_30, %dma_wait3A_413] : memref<1433x8x4x128xf32, #tpu.memory_space<hbm>> -> memref<1x1x1x128xf32, #tpu.memory_space<hbm>>
          %dma_wait3A_415 = tpu.memref_squeeze %dma_wait3A_414 : memref<1x1x1x128xf32, #tpu.memory_space<hbm>> -> memref<128xf32, #tpu.memory_space<hbm>>
          %dma_wait3A_416 = arith.constant 0 : i32
          %dma_wait3A_417 = tpu.memref_slice %arg16[%run_scoped3A_359, %add3A_354, %dma_wait3A_416] : memref<2x128x128xf32, #tpu.memory_space<vmem>> -> memref<1x1x128xf32, #tpu.memory_space<vmem>>
          %dma_wait3A_418 = tpu.memref_squeeze %dma_wait3A_417 : memref<1x1x128xf32, #tpu.memory_space<vmem>> -> memref<128xf32, #tpu.memory_space<vmem>>
          tpu.wait_dma2 semaphore(%run_scoped3A_394 : memref<!tpu.dma_semaphore, #tpu.memory_space<semaphore_mem>>) src(%dma_wait3A_418 : memref<128xf32, #tpu.memory_space<vmem>>) dst(%dma_wait3A_415 : memref<128xf32, #tpu.memory_space<hbm>>)
          tpu.yield
        }) : () -> ()
        %add3A_361 = arith.constant 64 : i32
        %add3A_362 = arith.addi %add3A_361, %while3A_328 : i32
        %mul3A_363 = arith.constant 16 : i32
        %mul3A_364 = arith.muli %select_n3A_67, %mul3A_363 : i32
        %add3A_365 = arith.addi %mul3A_85, %mul3A_364 : i32
        %add3A_366 = arith.addi %add3A_365, %while3A_328 : i32
        %run_scoped3A_367 = arith.constant 0 : i32
        %run_scoped3A_368 = arith.constant 4 : i32
        "tpu.region"() ({
          %run_scoped3A_394 = tpu.sem_alloc : memref<!tpu.dma_semaphore, #tpu.memory_space<semaphore_mem>>
          %dma_start3A_395 = arith.constant 0 : i32
          %dma_start3A_396 = tpu.memref_slice %arg16[%run_scoped3A_367, %add3A_362, %dma_start3A_395] : memref<2x128x128xf32, #tpu.memory_space<vmem>> -> memref<1x1x128xf32, #tpu.memory_space<vmem>>
          %dma_start3A_397 = tpu.memref_squeeze %dma_start3A_396 : memref<1x1x128xf32, #tpu.memory_space<vmem>> -> memref<128xf32, #tpu.memory_space<vmem>>
          %dma_start3A_398 = arith.constant 0 : i32
          %dma_start3A_399 = tpu.memref_slice %arg6[%add3A_366, %run_scoped3A_368, %add3A_30, %dma_start3A_398] : memref<1433x8x4x128xf32, #tpu.memory_space<hbm>> -> memref<1x1x1x128xf32, #tpu.memory_space<hbm>>
          %dma_start3A_400 = tpu.memref_squeeze %dma_start3A_399 : memref<1x1x1x128xf32, #tpu.memory_space<hbm>> -> memref<128xf32, #tpu.memory_space<hbm>>
          %dma_start3A_401 = arith.constant 0 : i32
          %dma_start3A_402 = tpu.memref_slice %arg6[%add3A_366, %run_scoped3A_368, %add3A_30, %dma_start3A_401] : memref<1433x8x4x128xf32, #tpu.memory_space<hbm>> -> memref<1x1x1x128xf32, #tpu.memory_space<hbm>>
          %dma_start3A_403 = tpu.memref_squeeze %dma_start3A_402 : memref<1x1x1x128xf32, #tpu.memory_space<hbm>> -> memref<128xf32, #tpu.memory_space<hbm>>
          %dma_start3A_404 = arith.constant 0 : i32
          %dma_start3A_405 = tpu.memref_slice %arg16[%run_scoped3A_367, %add3A_362, %dma_start3A_404] : memref<2x128x128xf32, #tpu.memory_space<vmem>> -> memref<1x1x128xf32, #tpu.memory_space<vmem>>
          %dma_start3A_406 = tpu.memref_squeeze %dma_start3A_405 : memref<1x1x128xf32, #tpu.memory_space<vmem>> -> memref<128xf32, #tpu.memory_space<vmem>>
          tpu.enqueue_dma source(%dma_start3A_406 : memref<128xf32, #tpu.memory_space<vmem>>) target(%dma_start3A_403 : memref<128xf32, #tpu.memory_space<hbm>>) target_semaphore(%run_scoped3A_394 : memref<!tpu.dma_semaphore, #tpu.memory_space<semaphore_mem>>)
          %dma_wait3A_407 = arith.constant 0 : i32
          %dma_wait3A_408 = tpu.memref_slice %arg16[%run_scoped3A_367, %add3A_362, %dma_wait3A_407] : memref<2x128x128xf32, #tpu.memory_space<vmem>> -> memref<1x1x128xf32, #tpu.memory_space<vmem>>
          %dma_wait3A_409 = tpu.memref_squeeze %dma_wait3A_408 : memref<1x1x128xf32, #tpu.memory_space<vmem>> -> memref<128xf32, #tpu.memory_space<vmem>>
          %dma_wait3A_410 = arith.constant 0 : i32
          %dma_wait3A_411 = tpu.memref_slice %arg6[%add3A_366, %run_scoped3A_368, %add3A_30, %dma_wait3A_410] : memref<1433x8x4x128xf32, #tpu.memory_space<hbm>> -> memref<1x1x1x128xf32, #tpu.memory_space<hbm>>
          %dma_wait3A_412 = tpu.memref_squeeze %dma_wait3A_411 : memref<1x1x1x128xf32, #tpu.memory_space<hbm>> -> memref<128xf32, #tpu.memory_space<hbm>>
          %dma_wait3A_413 = arith.constant 0 : i32
          %dma_wait3A_414 = tpu.memref_slice %arg6[%add3A_366, %run_scoped3A_368, %add3A_30, %dma_wait3A_413] : memref<1433x8x4x128xf32, #tpu.memory_space<hbm>> -> memref<1x1x1x128xf32, #tpu.memory_space<hbm>>
          %dma_wait3A_415 = tpu.memref_squeeze %dma_wait3A_414 : memref<1x1x1x128xf32, #tpu.memory_space<hbm>> -> memref<128xf32, #tpu.memory_space<hbm>>
          %dma_wait3A_416 = arith.constant 0 : i32
          %dma_wait3A_417 = tpu.memref_slice %arg16[%run_scoped3A_367, %add3A_362, %dma_wait3A_416] : memref<2x128x128xf32, #tpu.memory_space<vmem>> -> memref<1x1x128xf32, #tpu.memory_space<vmem>>
          %dma_wait3A_418 = tpu.memref_squeeze %dma_wait3A_417 : memref<1x1x128xf32, #tpu.memory_space<vmem>> -> memref<128xf32, #tpu.memory_space<vmem>>
          tpu.wait_dma2 semaphore(%run_scoped3A_394 : memref<!tpu.dma_semaphore, #tpu.memory_space<semaphore_mem>>) src(%dma_wait3A_418 : memref<128xf32, #tpu.memory_space<vmem>>) dst(%dma_wait3A_415 : memref<128xf32, #tpu.memory_space<hbm>>)
          tpu.yield
        }) : () -> ()
        %add3A_369 = arith.constant 80 : i32
        %add3A_370 = arith.addi %add3A_369, %while3A_328 : i32
        %mul3A_371 = arith.constant 16 : i32
        %mul3A_372 = arith.muli %select_n3A_67, %mul3A_371 : i32
        %add3A_373 = arith.addi %mul3A_85, %mul3A_372 : i32
        %add3A_374 = arith.addi %add3A_373, %while3A_328 : i32
        %run_scoped3A_375 = arith.constant 0 : i32
        %run_scoped3A_376 = arith.constant 5 : i32
        "tpu.region"() ({
          %run_scoped3A_394 = tpu.sem_alloc : memref<!tpu.dma_semaphore, #tpu.memory_space<semaphore_mem>>
          %dma_start3A_395 = arith.constant 0 : i32
          %dma_start3A_396 = tpu.memref_slice %arg16[%run_scoped3A_375, %add3A_370, %dma_start3A_395] : memref<2x128x128xf32, #tpu.memory_space<vmem>> -> memref<1x1x128xf32, #tpu.memory_space<vmem>>
          %dma_start3A_397 = tpu.memref_squeeze %dma_start3A_396 : memref<1x1x128xf32, #tpu.memory_space<vmem>> -> memref<128xf32, #tpu.memory_space<vmem>>
          %dma_start3A_398 = arith.constant 0 : i32
          %dma_start3A_399 = tpu.memref_slice %arg6[%add3A_374, %run_scoped3A_376, %add3A_30, %dma_start3A_398] : memref<1433x8x4x128xf32, #tpu.memory_space<hbm>> -> memref<1x1x1x128xf32, #tpu.memory_space<hbm>>
          %dma_start3A_400 = tpu.memref_squeeze %dma_start3A_399 : memref<1x1x1x128xf32, #tpu.memory_space<hbm>> -> memref<128xf32, #tpu.memory_space<hbm>>
          %dma_start3A_401 = arith.constant 0 : i32
          %dma_start3A_402 = tpu.memref_slice %arg6[%add3A_374, %run_scoped3A_376, %add3A_30, %dma_start3A_401] : memref<1433x8x4x128xf32, #tpu.memory_space<hbm>> -> memref<1x1x1x128xf32, #tpu.memory_space<hbm>>
          %dma_start3A_403 = tpu.memref_squeeze %dma_start3A_402 : memref<1x1x1x128xf32, #tpu.memory_space<hbm>> -> memref<128xf32, #tpu.memory_space<hbm>>
          %dma_start3A_404 = arith.constant 0 : i32
          %dma_start3A_405 = tpu.memref_slice %arg16[%run_scoped3A_375, %add3A_370, %dma_start3A_404] : memref<2x128x128xf32, #tpu.memory_space<vmem>> -> memref<1x1x128xf32, #tpu.memory_space<vmem>>
          %dma_start3A_406 = tpu.memref_squeeze %dma_start3A_405 : memref<1x1x128xf32, #tpu.memory_space<vmem>> -> memref<128xf32, #tpu.memory_space<vmem>>
          tpu.enqueue_dma source(%dma_start3A_406 : memref<128xf32, #tpu.memory_space<vmem>>) target(%dma_start3A_403 : memref<128xf32, #tpu.memory_space<hbm>>) target_semaphore(%run_scoped3A_394 : memref<!tpu.dma_semaphore, #tpu.memory_space<semaphore_mem>>)
          %dma_wait3A_407 = arith.constant 0 : i32
          %dma_wait3A_408 = tpu.memref_slice %arg16[%run_scoped3A_375, %add3A_370, %dma_wait3A_407] : memref<2x128x128xf32, #tpu.memory_space<vmem>> -> memref<1x1x128xf32, #tpu.memory_space<vmem>>
          %dma_wait3A_409 = tpu.memref_squeeze %dma_wait3A_408 : memref<1x1x128xf32, #tpu.memory_space<vmem>> -> memref<128xf32, #tpu.memory_space<vmem>>
          %dma_wait3A_410 = arith.constant 0 : i32
          %dma_wait3A_411 = tpu.memref_slice %arg6[%add3A_374, %run_scoped3A_376, %add3A_30, %dma_wait3A_410] : memref<1433x8x4x128xf32, #tpu.memory_space<hbm>> -> memref<1x1x1x128xf32, #tpu.memory_space<hbm>>
          %dma_wait3A_412 = tpu.memref_squeeze %dma_wait3A_411 : memref<1x1x1x128xf32, #tpu.memory_space<hbm>> -> memref<128xf32, #tpu.memory_space<hbm>>
          %dma_wait3A_413 = arith.constant 0 : i32
          %dma_wait3A_414 = tpu.memref_slice %arg6[%add3A_374, %run_scoped3A_376, %add3A_30, %dma_wait3A_413] : memref<1433x8x4x128xf32, #tpu.memory_space<hbm>> -> memref<1x1x1x128xf32, #tpu.memory_space<hbm>>
          %dma_wait3A_415 = tpu.memref_squeeze %dma_wait3A_414 : memref<1x1x1x128xf32, #tpu.memory_space<hbm>> -> memref<128xf32, #tpu.memory_space<hbm>>
          %dma_wait3A_416 = arith.constant 0 : i32
          %dma_wait3A_417 = tpu.memref_slice %arg16[%run_scoped3A_375, %add3A_370, %dma_wait3A_416] : memref<2x128x128xf32, #tpu.memory_space<vmem>> -> memref<1x1x128xf32, #tpu.memory_space<vmem>>
          %dma_wait3A_418 = tpu.memref_squeeze %dma_wait3A_417 : memref<1x1x128xf32, #tpu.memory_space<vmem>> -> memref<128xf32, #tpu.memory_space<vmem>>
          tpu.wait_dma2 semaphore(%run_scoped3A_394 : memref<!tpu.dma_semaphore, #tpu.memory_space<semaphore_mem>>) src(%dma_wait3A_418 : memref<128xf32, #tpu.memory_space<vmem>>) dst(%dma_wait3A_415 : memref<128xf32, #tpu.memory_space<hbm>>)
          tpu.yield
        }) : () -> ()
        %add3A_377 = arith.constant 96 : i32
        %add3A_378 = arith.addi %add3A_377, %while3A_328 : i32
        %mul3A_379 = arith.constant 16 : i32
        %mul3A_380 = arith.muli %select_n3A_67, %mul3A_379 : i32
        %add3A_381 = arith.addi %mul3A_85, %mul3A_380 : i32
        %add3A_382 = arith.addi %add3A_381, %while3A_328 : i32
        %run_scoped3A_383 = arith.constant 0 : i32
        %run_scoped3A_384 = arith.constant 6 : i32
        "tpu.region"() ({
          %run_scoped3A_394 = tpu.sem_alloc : memref<!tpu.dma_semaphore, #tpu.memory_space<semaphore_mem>>
          %dma_start3A_395 = arith.constant 0 : i32
          %dma_start3A_396 = tpu.memref_slice %arg16[%run_scoped3A_383, %add3A_378, %dma_start3A_395] : memref<2x128x128xf32, #tpu.memory_space<vmem>> -> memref<1x1x128xf32, #tpu.memory_space<vmem>>
          %dma_start3A_397 = tpu.memref_squeeze %dma_start3A_396 : memref<1x1x128xf32, #tpu.memory_space<vmem>> -> memref<128xf32, #tpu.memory_space<vmem>>
          %dma_start3A_398 = arith.constant 0 : i32
          %dma_start3A_399 = tpu.memref_slice %arg6[%add3A_382, %run_scoped3A_384, %add3A_30, %dma_start3A_398] : memref<1433x8x4x128xf32, #tpu.memory_space<hbm>> -> memref<1x1x1x128xf32, #tpu.memory_space<hbm>>
          %dma_start3A_400 = tpu.memref_squeeze %dma_start3A_399 : memref<1x1x1x128xf32, #tpu.memory_space<hbm>> -> memref<128xf32, #tpu.memory_space<hbm>>
          %dma_start3A_401 = arith.constant 0 : i32
          %dma_start3A_402 = tpu.memref_slice %arg6[%add3A_382, %run_scoped3A_384, %add3A_30, %dma_start3A_401] : memref<1433x8x4x128xf32, #tpu.memory_space<hbm>> -> memref<1x1x1x128xf32, #tpu.memory_space<hbm>>
          %dma_start3A_403 = tpu.memref_squeeze %dma_start3A_402 : memref<1x1x1x128xf32, #tpu.memory_space<hbm>> -> memref<128xf32, #tpu.memory_space<hbm>>
          %dma_start3A_404 = arith.constant 0 : i32
          %dma_start3A_405 = tpu.memref_slice %arg16[%run_scoped3A_383, %add3A_378, %dma_start3A_404] : memref<2x128x128xf32, #tpu.memory_space<vmem>> -> memref<1x1x128xf32, #tpu.memory_space<vmem>>
          %dma_start3A_406 = tpu.memref_squeeze %dma_start3A_405 : memref<1x1x128xf32, #tpu.memory_space<vmem>> -> memref<128xf32, #tpu.memory_space<vmem>>
          tpu.enqueue_dma source(%dma_start3A_406 : memref<128xf32, #tpu.memory_space<vmem>>) target(%dma_start3A_403 : memref<128xf32, #tpu.memory_space<hbm>>) target_semaphore(%run_scoped3A_394 : memref<!tpu.dma_semaphore, #tpu.memory_space<semaphore_mem>>)
          %dma_wait3A_407 = arith.constant 0 : i32
          %dma_wait3A_408 = tpu.memref_slice %arg16[%run_scoped3A_383, %add3A_378, %dma_wait3A_407] : memref<2x128x128xf32, #tpu.memory_space<vmem>> -> memref<1x1x128xf32, #tpu.memory_space<vmem>>
          %dma_wait3A_409 = tpu.memref_squeeze %dma_wait3A_408 : memref<1x1x128xf32, #tpu.memory_space<vmem>> -> memref<128xf32, #tpu.memory_space<vmem>>
          %dma_wait3A_410 = arith.constant 0 : i32
          %dma_wait3A_411 = tpu.memref_slice %arg6[%add3A_382, %run_scoped3A_384, %add3A_30, %dma_wait3A_410] : memref<1433x8x4x128xf32, #tpu.memory_space<hbm>> -> memref<1x1x1x128xf32, #tpu.memory_space<hbm>>
          %dma_wait3A_412 = tpu.memref_squeeze %dma_wait3A_411 : memref<1x1x1x128xf32, #tpu.memory_space<hbm>> -> memref<128xf32, #tpu.memory_space<hbm>>
          %dma_wait3A_413 = arith.constant 0 : i32
          %dma_wait3A_414 = tpu.memref_slice %arg6[%add3A_382, %run_scoped3A_384, %add3A_30, %dma_wait3A_413] : memref<1433x8x4x128xf32, #tpu.memory_space<hbm>> -> memref<1x1x1x128xf32, #tpu.memory_space<hbm>>
          %dma_wait3A_415 = tpu.memref_squeeze %dma_wait3A_414 : memref<1x1x1x128xf32, #tpu.memory_space<hbm>> -> memref<128xf32, #tpu.memory_space<hbm>>
          %dma_wait3A_416 = arith.constant 0 : i32
          %dma_wait3A_417 = tpu.memref_slice %arg16[%run_scoped3A_383, %add3A_378, %dma_wait3A_416] : memref<2x128x128xf32, #tpu.memory_space<vmem>> -> memref<1x1x128xf32, #tpu.memory_space<vmem>>
          %dma_wait3A_418 = tpu.memref_squeeze %dma_wait3A_417 : memref<1x1x128xf32, #tpu.memory_space<vmem>> -> memref<128xf32, #tpu.memory_space<vmem>>
          tpu.wait_dma2 semaphore(%run_scoped3A_394 : memref<!tpu.dma_semaphore, #tpu.memory_space<semaphore_mem>>) src(%dma_wait3A_418 : memref<128xf32, #tpu.memory_space<vmem>>) dst(%dma_wait3A_415 : memref<128xf32, #tpu.memory_space<hbm>>)
          tpu.yield
        }) : () -> ()
        %add3A_385 = arith.constant 112 : i32
        %add3A_386 = arith.addi %add3A_385, %while3A_328 : i32
        %mul3A_387 = arith.constant 16 : i32
        %mul3A_388 = arith.muli %select_n3A_67, %mul3A_387 : i32
        %add3A_389 = arith.addi %mul3A_85, %mul3A_388 : i32
        %add3A_390 = arith.addi %add3A_389, %while3A_328 : i32
        %run_scoped3A_391 = arith.constant 0 : i32
        %run_scoped3A_392 = arith.constant 7 : i32
        "tpu.region"() ({
          %run_scoped3A_394 = tpu.sem_alloc : memref<!tpu.dma_semaphore, #tpu.memory_space<semaphore_mem>>
          %dma_start3A_395 = arith.constant 0 : i32
          %dma_start3A_396 = tpu.memref_slice %arg16[%run_scoped3A_391, %add3A_386, %dma_start3A_395] : memref<2x128x128xf32, #tpu.memory_space<vmem>> -> memref<1x1x128xf32, #tpu.memory_space<vmem>>
          %dma_start3A_397 = tpu.memref_squeeze %dma_start3A_396 : memref<1x1x128xf32, #tpu.memory_space<vmem>> -> memref<128xf32, #tpu.memory_space<vmem>>
          %dma_start3A_398 = arith.constant 0 : i32
          %dma_start3A_399 = tpu.memref_slice %arg6[%add3A_390, %run_scoped3A_392, %add3A_30, %dma_start3A_398] : memref<1433x8x4x128xf32, #tpu.memory_space<hbm>> -> memref<1x1x1x128xf32, #tpu.memory_space<hbm>>
          %dma_start3A_400 = tpu.memref_squeeze %dma_start3A_399 : memref<1x1x1x128xf32, #tpu.memory_space<hbm>> -> memref<128xf32, #tpu.memory_space<hbm>>
          %dma_start3A_401 = arith.constant 0 : i32
          %dma_start3A_402 = tpu.memref_slice %arg6[%add3A_390, %run_scoped3A_392, %add3A_30, %dma_start3A_401] : memref<1433x8x4x128xf32, #tpu.memory_space<hbm>> -> memref<1x1x1x128xf32, #tpu.memory_space<hbm>>
          %dma_start3A_403 = tpu.memref_squeeze %dma_start3A_402 : memref<1x1x1x128xf32, #tpu.memory_space<hbm>> -> memref<128xf32, #tpu.memory_space<hbm>>
          %dma_start3A_404 = arith.constant 0 : i32
          %dma_start3A_405 = tpu.memref_slice %arg16[%run_scoped3A_391, %add3A_386, %dma_start3A_404] : memref<2x128x128xf32, #tpu.memory_space<vmem>> -> memref<1x1x128xf32, #tpu.memory_space<vmem>>
          %dma_start3A_406 = tpu.memref_squeeze %dma_start3A_405 : memref<1x1x128xf32, #tpu.memory_space<vmem>> -> memref<128xf32, #tpu.memory_space<vmem>>
          tpu.enqueue_dma source(%dma_start3A_406 : memref<128xf32, #tpu.memory_space<vmem>>) target(%dma_start3A_403 : memref<128xf32, #tpu.memory_space<hbm>>) target_semaphore(%run_scoped3A_394 : memref<!tpu.dma_semaphore, #tpu.memory_space<semaphore_mem>>)
          %dma_wait3A_407 = arith.constant 0 : i32
          %dma_wait3A_408 = tpu.memref_slice %arg16[%run_scoped3A_391, %add3A_386, %dma_wait3A_407] : memref<2x128x128xf32, #tpu.memory_space<vmem>> -> memref<1x1x128xf32, #tpu.memory_space<vmem>>
          %dma_wait3A_409 = tpu.memref_squeeze %dma_wait3A_408 : memref<1x1x128xf32, #tpu.memory_space<vmem>> -> memref<128xf32, #tpu.memory_space<vmem>>
          %dma_wait3A_410 = arith.constant 0 : i32
          %dma_wait3A_411 = tpu.memref_slice %arg6[%add3A_390, %run_scoped3A_392, %add3A_30, %dma_wait3A_410] : memref<1433x8x4x128xf32, #tpu.memory_space<hbm>> -> memref<1x1x1x128xf32, #tpu.memory_space<hbm>>
          %dma_wait3A_412 = tpu.memref_squeeze %dma_wait3A_411 : memref<1x1x1x128xf32, #tpu.memory_space<hbm>> -> memref<128xf32, #tpu.memory_space<hbm>>
          %dma_wait3A_413 = arith.constant 0 : i32
          %dma_wait3A_414 = tpu.memref_slice %arg6[%add3A_390, %run_scoped3A_392, %add3A_30, %dma_wait3A_413] : memref<1433x8x4x128xf32, #tpu.memory_space<hbm>> -> memref<1x1x1x128xf32, #tpu.memory_space<hbm>>
          %dma_wait3A_415 = tpu.memref_squeeze %dma_wait3A_414 : memref<1x1x1x128xf32, #tpu.memory_space<hbm>> -> memref<128xf32, #tpu.memory_space<hbm>>
          %dma_wait3A_416 = arith.constant 0 : i32
          %dma_wait3A_417 = tpu.memref_slice %arg16[%run_scoped3A_391, %add3A_386, %dma_wait3A_416] : memref<2x128x128xf32, #tpu.memory_space<vmem>> -> memref<1x1x128xf32, #tpu.memory_space<vmem>>
          %dma_wait3A_418 = tpu.memref_squeeze %dma_wait3A_417 : memref<1x1x128xf32, #tpu.memory_space<vmem>> -> memref<128xf32, #tpu.memory_space<vmem>>
          tpu.wait_dma2 semaphore(%run_scoped3A_394 : memref<!tpu.dma_semaphore, #tpu.memory_space<semaphore_mem>>) src(%dma_wait3A_418 : memref<128xf32, #tpu.memory_space<vmem>>) dst(%dma_wait3A_415 : memref<128xf32, #tpu.memory_space<hbm>>)
          tpu.yield
        }) : () -> ()
        %while3A_393 = arith.constant 0 : i32
        scf.yield %while3A_393 : i32
      }
    } else {
    }
    return
  }
}

module attributes {stable_mosaic.version = 14 : i64} {
  func.func @_thresh_body(%arg0: memref<64x128xf32, #tpu.memory_space<vmem>>, %arg1: memref<4x128xf32, #tpu.memory_space<vmem>>, %arg2: memref<4x128xi32, #tpu.memory_space<vmem>>, %arg3: memref<1x1xf32, #tpu.memory_space<vmem>>) attributes {dimension_semantics = [], scalar_prefetch = 0 : i64, scratch_operands = 0 : i64, tpu.core_type = #tpu.core_type<tc>} {
    %get3A = arith.constant 0 : index
    %get3A_0 = arith.constant 0 : index
    %get3A_1 = vector.load %arg0[%get3A, %get3A_0] : memref<64x128xf32, #tpu.memory_space<vmem>>, vector<64x128xf32>
    %bitcast_convert_type3A = tpu.bitcast %get3A_1 : vector<64x128xf32> -> vector<64x128xi32>
    %reshape3A = vector.shape_cast %bitcast_convert_type3A : vector<64x128xi32> to vector<4x16x128xi32>
    %broadcast_in_dim3A = arith.constant 0 : i32
    %broadcast_in_dim3A_2 = vector.broadcast %broadcast_in_dim3A : i32 to vector<4x1x1xi32>
    %scan3A = arith.constant 0 : i32
    %scan3A_3 = arith.constant 31 : i32
    %scan3A_4 = arith.addi %scan3A, %scan3A_3 : i32
    %scan3A_5 = arith.constant 1 : i32
    %scan3A_6 = scf.for %scan3A_39 = %scan3A to %scan3A_4 step %scan3A_5 iter_args(%scan3A_40 = %broadcast_in_dim3A_2) -> (vector<4x1x1xi32>)  : i32 {
      %sub3A_41 = arith.constant 30 : i32
      %sub3A_42 = arith.subi %sub3A_41, %scan3A_39 : i32
      %shift_left3A = arith.constant 1 : i32
      %shift_left3A_43 = arith.shli %shift_left3A, %sub3A_42 : i32
      %or3A = vector.broadcast %shift_left3A_43 : i32 to vector<4x1x1xi32>
      %or3A_44 = arith.ori %scan3A_40, %or3A : vector<4x1x1xi32>
      %ge3A = vector.broadcast %or3A_44 : vector<4x1x1xi32> to vector<4x16x128xi32>
      %ge3A_45 = arith.cmpi sge, %reshape3A, %ge3A : vector<4x16x128xi32>
      %convert_element_type3A_46 = arith.extui %ge3A_45 : vector<4x16x128xi1> to vector<4x16x128xi32>
      %reduce_sum3A_47 = arith.constant dense<0> : vector<4xi32>
      %reduce_sum3A_48 = vector.multi_reduction <add>, %convert_element_type3A_46, %reduce_sum3A_47 [1, 2] : vector<4x16x128xi32> to vector<4xi32>
      %broadcast_in_dim3A_49 = vector.shape_cast %reduce_sum3A_48 : vector<4xi32> to vector<4x1x1xi32>
      %ge3A_50 = arith.constant 1433 : i32
      %ge3A_51 = vector.broadcast %ge3A_50 : i32 to vector<4x1x1xi32>
      %ge3A_52 = arith.cmpi sge, %broadcast_in_dim3A_49, %ge3A_51 : vector<4x1x1xi32>
      %select_n3A = arith.select %ge3A_52, %or3A_44, %scan3A_40 : vector<4x1x1xi1>, vector<4x1x1xi32>
      scf.yield %select_n3A : vector<4x1x1xi32>
    }
    %scan3A_7 = arith.constant 31 : i32
    %gt3A = vector.broadcast %scan3A_6 : vector<4x1x1xi32> to vector<4x16x128xi32>
    %gt3A_8 = arith.cmpi sgt, %reshape3A, %gt3A : vector<4x16x128xi32>
    %convert_element_type3A = arith.extui %gt3A_8 : vector<4x16x128xi1> to vector<4x16x128xi32>
    %reduce_sum3A = arith.constant dense<0> : vector<4xi32>
    %reduce_sum3A_9 = vector.multi_reduction <add>, %convert_element_type3A, %reduce_sum3A [1, 2] : vector<4x16x128xi32> to vector<4xi32>
    %broadcast_in_dim3A_10 = vector.shape_cast %reduce_sum3A_9 : vector<4xi32> to vector<4x1x1xi32>
    %sub3A = arith.constant 1433 : i32
    %sub3A_11 = vector.broadcast %sub3A : i32 to vector<4x1x1xi32>
    %sub3A_12 = arith.subi %sub3A_11, %broadcast_in_dim3A_10 : vector<4x1x1xi32>
    %bitcast_convert_type3A_13 = tpu.bitcast %scan3A_6 : vector<4x1x1xi32> -> vector<4x1x1xf32>
    %reshape3A_14 = vector.shape_cast %bitcast_convert_type3A_13 : vector<4x1x1xf32> to vector<4x1xf32>
    %broadcast_in_dim3A_15 = vector.shape_cast %reshape3A_14 : vector<4x1xf32> to vector<4x1xf32>
    %broadcast_in_dim3A_16 = vector.broadcast %broadcast_in_dim3A_15 : vector<4x1xf32> to vector<4x128xf32>
    %swap3A = arith.constant 0 : index
    %swap3A_17 = arith.constant 0 : index
    %swap3A_18 = vector.load %arg1[%swap3A, %swap3A_17] : memref<4x128xf32, #tpu.memory_space<vmem>>, vector<4x128xf32>
    tpu.vector_store %arg1[%swap3A, %swap3A_17], %broadcast_in_dim3A_16 {strides = array<i32>} : memref<4x128xf32, #tpu.memory_space<vmem>>, vector<4x128xf32>,
    %reshape3A_19 = vector.shape_cast %sub3A_12 : vector<4x1x1xi32> to vector<4x1xi32>
    %broadcast_in_dim3A_20 = vector.shape_cast %reshape3A_19 : vector<4x1xi32> to vector<4x1xi32>
    %broadcast_in_dim3A_21 = vector.broadcast %broadcast_in_dim3A_20 : vector<4x1xi32> to vector<4x128xi32>
    %swap3A_22 = arith.constant 0 : index
    %swap3A_23 = arith.constant 0 : index
    %swap3A_24 = vector.load %arg2[%swap3A_22, %swap3A_23] : memref<4x128xi32, #tpu.memory_space<vmem>>, vector<4x128xi32>
    tpu.vector_store %arg2[%swap3A_22, %swap3A_23], %broadcast_in_dim3A_21 {strides = array<i32>} : memref<4x128xi32, #tpu.memory_space<vmem>>, vector<4x128xi32>,
    %sub3A_25 = arith.constant 5.000000e-01 : f32
    %sub3A_26 = vector.broadcast %sub3A_25 : f32 to vector<64x128xf32>
    %sub3A_27 = arith.subf %get3A_1, %sub3A_26 : vector<64x128xf32>
    %abs3A = math.absf %sub3A_27 : vector<64x128xf32>
    %reduce_sum3A_28 = vector.shape_cast %abs3A : vector<64x128xf32> to vector<1x64x128xf32>
    %reduce_sum3A_29 = arith.constant dense<0.000000e+00> : vector<1xf32>
    %reduce_sum3A_30 = vector.multi_reduction <add>, %reduce_sum3A_28, %reduce_sum3A_29 [1, 2] : vector<1x64x128xf32> to vector<1xf32>
    %reduce_sum3A_31 = vector.shape_cast %reduce_sum3A_30 : vector<1xf32> to vector<1x1x1xf32>
    %reduce_sum3A_32 = vector.extract %reduce_sum3A_31[0, 0, 0] : f32 from vector<1x1x1xf32>
    %div3A = arith.constant 8.192000e+03 : f32
    %div3A_33 = arith.divf %reduce_sum3A_32, %div3A : f32
    %neg3A = arith.constant 0.000000e+00 : f32
    %neg3A_34 = arith.subf %neg3A, %div3A_33 : f32
    %reshape3A_35 = vector.broadcast %neg3A_34 : f32 to vector<1x1xf32>
    %swap3A_36 = arith.constant 0 : index
    %swap3A_37 = arith.constant 0 : index
    %swap3A_38 = vector.load %arg3[%swap3A_36, %swap3A_37] : memref<1x1xf32, #tpu.memory_space<vmem>>, vector<1x1xf32>
    tpu.vector_store %arg3[%swap3A_36, %swap3A_37], %reshape3A_35 {strides = array<i32>} : memref<1x1xf32, #tpu.memory_space<vmem>>, vector<1x1xf32>,
    return
  }
}

module attributes {stable_mosaic.version = 14 : i64} {
  func.func @_scorer_body(%arg0: i32, %arg1: memref<2048x1024xf32, #tpu.memory_space<vmem>>, %arg2: memref<256x1024xf32, #tpu.memory_space<vmem>>, %arg3: memref<1x256xf32, #tpu.memory_space<vmem>>, %arg4: memref<1x256xf32, #tpu.memory_space<vmem>>, %arg5: memref<1x1xf32, #tpu.memory_space<vmem>>, %arg6: memref<1x16x128xf32, #tpu.memory_space<vmem>>) attributes {dimension_semantics = [#tpu.dimension_semantics<arbitrary>], iteration_bounds = array<i64: 4>, scalar_prefetch = 0 : i64, scratch_operands = 0 : i64, tpu.core_type = #tpu.core_type<tc>, window_params = [{transform_indices = @transform_0, window_bounds = array<i64: 2048, 1024>}, {pipeline_mode = #tpu.pipeline_mode<synchronous>, transform_indices = @transform_1, window_bounds = array<i64: 256, 1024>}, {pipeline_mode = #tpu.pipeline_mode<synchronous>, transform_indices = @transform_2, window_bounds = array<i64: 1, 256>}, {pipeline_mode = #tpu.pipeline_mode<synchronous>, transform_indices = @transform_3, window_bounds = array<i64: 1, 256>}, {pipeline_mode = #tpu.pipeline_mode<synchronous>, transform_indices = @transform_4, window_bounds = array<i64: 1, 1>}, {transform_indices = @transform_5, window_bounds = array<i64: 1, 16, 128>}]} {
    %get3A = arith.constant 0 : index
    %get3A_0 = arith.constant 0 : index
    %get3A_1 = vector.load %arg1[%get3A, %get3A_0] : memref<2048x1024xf32, #tpu.memory_space<vmem>>, vector<2048x1024xf32>
    %get3A_2 = arith.constant 0 : index
    %get3A_3 = arith.constant 0 : index
    %get3A_4 = vector.load %arg2[%get3A_2, %get3A_3] : memref<256x1024xf32, #tpu.memory_space<vmem>>, vector<256x1024xf32>
    %dot_general3A = arith.constant dense<0.000000e+00> : vector<2048x256xf32>
    %dot_general3A_5 = tpu.matmul %get3A_1, %get3A_4, %dot_general3A {dimension_numbers = #tpu.dot_dimension_numbers<[1], [1], [0], [0], [0, 0, 1, 0], [], []>, transpose_lhs_hint = false} : vector<2048x1024xf32>, vector<256x1024xf32>, vector<2048x256xf32> -> vector<2048x256xf32>
    %get3A_6 = arith.constant 0 : index
    %get3A_7 = arith.constant 0 : index
    %get3A_8 = vector.load %arg3[%get3A_6, %get3A_7] : memref<1x256xf32, #tpu.memory_space<vmem>>, vector<1x256xf32>
    %add3A = vector.broadcast %get3A_8 : vector<1x256xf32> to vector<2048x256xf32>
    %add3A_9 = arith.addf %dot_general3A_5, %add3A : vector<2048x256xf32>
    %max3A = arith.constant 0.000000e+00 : f32
    %max3A_10 = vector.broadcast %max3A : f32 to vector<2048x256xf32>
    %max3A_11 = arith.maximumf %add3A_9, %max3A_10 : vector<2048x256xf32>
    %convert_element_type3A = arith.truncf %max3A_11 : vector<2048x256xf32> to vector<2048x256xbf16>
    %convert_element_type3A_12 = arith.extf %convert_element_type3A : vector<2048x256xbf16> to vector<2048x256xf32>
    %get3A_13 = arith.constant 0 : index
    %get3A_14 = arith.constant 0 : index
    %get3A_15 = vector.load %arg4[%get3A_13, %get3A_14] : memref<1x256xf32, #tpu.memory_space<vmem>>, vector<1x256xf32>
    %convert_element_type3A_16 = arith.truncf %get3A_15 : vector<1x256xf32> to vector<1x256xbf16>
    %convert_element_type3A_17 = arith.extf %convert_element_type3A_16 : vector<1x256xbf16> to vector<1x256xf32>
    %mul3A = vector.broadcast %convert_element_type3A_17 : vector<1x256xf32> to vector<2048x256xf32>
    %mul3A_18 = arith.mulf %convert_element_type3A_12, %mul3A : vector<2048x256xf32>
    %reduce_sum3A = arith.constant dense<0.000000e+00> : vector<2048xf32>
    %reduce_sum3A_19 = vector.multi_reduction <add>, %mul3A_18, %reduce_sum3A [1] : vector<2048x256xf32> to vector<2048xf32>
    %get3A_20 = arith.constant 0 : index
    %get3A_21 = arith.constant 0 : index
    %get3A_22 = vector.load %arg5[%get3A_20, %get3A_21] : memref<1x1xf32, #tpu.memory_space<vmem>>, vector<1x1xf32>
    %get3A_23 = vector.extract %get3A_22[0, 0] : f32 from vector<1x1xf32>
    %add3A_24 = vector.broadcast %get3A_23 : f32 to vector<2048xf32>
    %add3A_25 = arith.addf %reduce_sum3A_19, %add3A_24 : vector<2048xf32>
    %logistic3A = arith.negf %add3A_25 : vector<2048xf32>
    %logistic3A_26 = math.exp %logistic3A : vector<2048xf32>
    %logistic3A_27 = arith.constant 1.000000e+00 : f32
    %logistic3A_28 = vector.broadcast %logistic3A_27 : f32 to vector<2048xf32>
    %logistic3A_29 = arith.addf %logistic3A_28, %logistic3A_26 : vector<2048xf32>
    %logistic3A_30 = arith.divf %logistic3A_28, %logistic3A_29 : vector<2048xf32>
    %reshape3A = vector.shape_cast %logistic3A_30 : vector<2048xf32> to vector<1x16x128xf32>
    %swap3A = arith.constant 0 : index
    %swap3A_31 = arith.constant 0 : index
    %swap3A_32 = arith.constant 0 : index
    %swap3A_33 = vector.load %arg6[%swap3A, %swap3A_31, %swap3A_32] : memref<1x16x128xf32, #tpu.memory_space<vmem>>, vector<1x16x128xf32>
    tpu.vector_store %arg6[%swap3A, %swap3A_31, %swap3A_32], %reshape3A {strides = array<i32>} : memref<1x16x128xf32, #tpu.memory_space<vmem>>, vector<1x16x128xf32>,
    return
  }
  func.func @transform_0(%arg0: i32) -> (i32, i32) {
    %c0_i32 = arith.constant 0 : i32
    %c0_i32_0 = arith.constant 0 : i32
    return %arg0, %c0_i32 : i32, i32
  }
  func.func @transform_1(%arg0: i32) -> (i32, i32) {
    %c0_i32 = arith.constant 0 : i32
    %c0_i32_0 = arith.constant 0 : i32
    %c0_i32_1 = arith.constant 0 : i32
    return %c0_i32, %c0_i32_0 : i32, i32
  }
  func.func @transform_2(%arg0: i32) -> (i32, i32) {
    %c0_i32 = arith.constant 0 : i32
    %c0_i32_0 = arith.constant 0 : i32
    %c0_i32_1 = arith.constant 0 : i32
    return %c0_i32, %c0_i32_0 : i32, i32
  }
  func.func @transform_3(%arg0: i32) -> (i32, i32) {
    %c0_i32 = arith.constant 0 : i32
    %c0_i32_0 = arith.constant 0 : i32
    %c0_i32_1 = arith.constant 0 : i32
    return %c0_i32, %c0_i32_0 : i32, i32
  }
  func.func @transform_4(%arg0: i32) -> (i32, i32) {
    %c0_i32 = arith.constant 0 : i32
    %c0_i32_0 = arith.constant 0 : i32
    %c0_i32_1 = arith.constant 0 : i32
    return %c0_i32, %c0_i32_0 : i32, i32
  }
  func.func @transform_5(%arg0: i32) -> (i32, i32, i32) {
    %c0_i32 = arith.constant 0 : i32
    %c0_i32_0 = arith.constant 0 : i32
    %c0_i32_1 = arith.constant 0 : i32
    return %arg0, %c0_i32, %c0_i32_0 : i32, i32, i32
  }
}

</mosaic_0001>

<sc_bundles>
// kernel: kernel.5.cloned.1.call-start
scs
__scs_entry_jumppad:
0x0: {  	(pc) =	sbr.rel $0x88, $3  }
0x1: {  	(tag) =	ssettag $0x0;
	lr =	simm.s32 $0x1  }
0x2: {  	[smem:$0x3F9C] =	sst lr;
	_ =	strace $0xD0000000  }
0x3: {  	_ = 	snop  }
0x4: {  	_ = 	snop  }
0x5: {  	_ = 	snop  }
0x6: {  	_ = 	snop  }
0x7: {  	_ = 	snop  }
__scs_overlays_trampoline_lowered:
0x8: {  	[smem:$0x3FAB] =	sst s0  }
0x9: {  	[smem:$0x3FAC] =	sst s1  }
0xa: {  	[smem:$0x3FAD] =	sst s2  }
0xb: {  	[smem:$0x3FAE] =	sst s3  }
0xc: {  	[smem:$0x3FAF] =	sst s4  }
0xd: {  	[smem:$0x3FB0] =	sst s5  }
0xe: {  	[smem:$0x3FB1] =	sst s6  }
0xf: {  	[smem:$0x3FB2] =	sst s7  }
0x10: {  	[smem:$0x3FB3] =	sst s8  }
0x11: {  	[smem:$0x3FB4] =	sst s9;
	s0 =	simm.s32 @!p0 $0x0  }
0x12: {  	s1 =	sld [smem:$0x3F9A];
	s0 =	simm.s32 @p0 $0x1  }
0x13: {  	[smem:$0x3FB5] =	sst s0;
	s0 =	simm.s32 @!p1 $0x0  }
0x14: {  	s2 =	sld [smem:$0x3F99];
	s0 =	simm.s32 @p1 $0x1  }
0x15: {  	[smem:$0x3FB6] =	sst s0;
	s0 =	simm.s32 @!p2 $0x0  }
0x16: {  	s3 =	sld [smem:$0x3FDB];
	s0 =	simm.s32 @p2 $0x1  }
0x17: {  	s4 =	simm.s32 $0x1BF5;
	[smem:$0x3FB8] =	sst s0  }
0x18: {  	s0 =	sld [smem:$0x3F9B];
	_ =	swait.ge [sflag:s4], $0x0  }
0x19: {  	s7 =	sld [smem:$0x3F9C]  }
0x1a: {  	s8 =	sadd.s32 $0xFFFFE003, lr  }
0x1b: {  	s9 =	sadd.s32 $0xFFFFFEF7, lr;
	s5 =	simm.s32 $0xFFFFFFFF;
	p2 =	slt.u32 s8, $0xFFFFF086  }
0x1c: {  	p1 =	slt.u32 s9, $0xF7A;
	s5 =	simm.s32 @!p2 $0x0  }
0x1d: {  	s5 =	simm.s32 @p1 $0x1;
	p0 =	seq.s32 s7, s2  }
0x1e: {  	s7 =	smul.u32 @!p0 $0xF7A, s2;
	p2 =	seq.s32 @!p0 s5, $0x0  }
0x1f: {  	s9 =	smul.u32 $0xF7A, s1;
	s8 =	simm.s32 @!p0 $0x1BF5;
	p2 =	por !p2, p0  }
0x20: {  	[sflag:s8] =	ssyncset.s32 @!p0 $0xFFFFF086;
	s6 =	sadd.s32 @!p0 s3, s7;
	s7 =	simm.s32 @!p0 $0x108  }
0x21: {  	s3 =	sadd.s32 s3, s9;
	s6 =	sadd.s32 @!p0 $0x88, s6;
	s7 =	simm.s32 @p2 $0x1082  }
0x22: {  	[simem:s7], [sflag:s8] =	dma.local @!p0 [hbm:s6], $0xF7A  }
0x23: {  	s9 =	sor.u32 $0xD0000000, s2;
	s6 =	simm.s32 $0x108;
	_ =	swait.ge @!p0 [sflag:s8], $0x0  }
0x24: {  	s3 =	sadd.s32 $0x88, s3;
	s6 =	simm.s32 @!p1 $0x1082;
	[sflag:s4] =	ssyncset.s32 $0xFFFFF086  }
0x25: {  	[simem:s6], [sflag:s4] =	dma.local [hbm:s3], $0xF7A  }
0x26: {  	[smem:$0x3F9C] =	sst s1;
	(tag) =	ssettag s2;
	_ =	strace s9  }
0x27: {  	s1 =	sld [smem:$0x3FAC]  }
0x28: {  	s2 =	sld [smem:$0x3FAD]  }
0x29: {  	s4 =	sld [smem:$0x3FAF]  }
0x2a: {  	p0 =	seq.s32 s5, $0x0;
	s5 =	sld [smem:$0x3FB0]  }
0x2b: {  	s6 =	sld [smem:$0x3FB1]  }
0x2c: {  	s7 =	sld [smem:$0x3FB2]  }
0x2d: {  	s3 =	simm.s32 $0x108;
	s8 =	sld [smem:$0x3FB3]  }
0x2e: {  	s3 =	simm.s32 @!p0 $0x1082;
	s9 =	sld [smem:$0x3FB4]  }
0x2f: {  	lr =	sadd.s32 s0, s3;
	s0 =	sld [smem:$0x3FAB]  }
0x30: {  	s3 =	sld [smem:$0x3FAE]  }
0x31: {  	[smem:$0x3FB7] =	sst s10  }
0x32: {  	s10 =	sld [smem:$0x3FB5];
	_ =	sdelay $0x3  }
0x33: {  	p0 =	seq.s32 s10, $0x1;
	s10 =	sld [smem:$0x3FB7];
	_ =	sdelay $0x3  }
0x34: {  	[smem:$0x3FB7] =	sst s10  }
0x35: {  	s10 =	sld [smem:$0x3FB6];
	_ =	sdelay $0x3  }
0x36: {  	p1 =	seq.s32 s10, $0x1;
	s10 =	sld [smem:$0x3FB7];
	_ =	sdelay $0x3  }
0x37: {  	[smem:$0x3FB7] =	sst s10  }
0x38: {  	s10 =	sld [smem:$0x3FB8]  }
0x39: {  	_ = 	snop;
	(pc) =	sbr.ind lr, $3  }
0x3a: {  	_ = 	snop  }
0x3b: {  	_ = 	snop  }
0x3c: {  	p2 =	seq.s32 s10, $0x1;
	s10 =	sld [smem:$0x3FB7]  }
0x3d: {  	_ =	shalt  }
0x3e: {  	_ =	shalt  }
0x3f: {  	_ =	shalt  }
0x40: {  	_ =	shalt  }
0x41: {  	_ =	shalt  }
0x42: {  	_ =	shalt  }
0x43: {  	_ =	shalt  }
0x44: {  	_ =	shalt  }
0x45: {  	_ =	shalt  }
0x46: {  	_ =	shalt  }
0x47: {  	_ =	shalt  }
0x48: {  	_ =	shalt  }
0x49: {  	_ =	shalt  }
0x4a: {  	_ =	shalt  }
0x4b: {  	_ =	shalt  }
0x4c: {  	_ =	shalt  }
0x4d: {  	_ =	shalt  }
0x4e: {  	_ =	shalt  }
0x4f: {  	_ =	shalt  }
0x50: {  	_ =	shalt  }
0x51: {  	_ =	shalt  }
0x52: {  	_ =	shalt  }
0x53: {  	_ =	shalt  }
0x54: {  	_ =	shalt  }
0x55: {  	_ =	shalt  }
0x56: {  	_ =	shalt  }
0x57: {  	_ =	shalt  }
0x58: {  	_ =	shalt  }
0x59: {  	_ =	shalt  }
0x5a: {  	_ =	shalt  }
0x5b: {  	_ =	shalt  }
0x5c: {  	_ =	shalt  }
0x5d: {  	_ =	shalt  }
0x5e: {  	_ =	shalt  }
0x5f: {  	_ =	shalt  }
0x60: {  	_ =	shalt  }
0x61: {  	_ =	shalt  }
0x62: {  	_ =	shalt  }
0x63: {  	_ =	shalt  }
0x64: {  	_ =	shalt  }
0x65: {  	_ =	shalt  }
0x66: {  	_ =	shalt  }
0x67: {  	_ =	shalt  }
0x68: {  	_ =	shalt  }
0x69: {  	_ =	shalt  }
0x6a: {  	_ =	shalt  }
0x6b: {  	_ =	shalt  }
0x6c: {  	_ =	shalt  }
0x6d: {  	_ =	shalt  }
0x6e: {  	_ =	shalt  }
0x6f: {  	_ =	shalt  }
0x70: {  	_ =	shalt  }
0x71: {  	_ =	shalt  }
0x72: {  	_ =	shalt  }
0x73: {  	_ =	shalt  }
0x74: {  	_ =	shalt  }
0x75: {  	_ =	shalt  }
0x76: {  	_ =	shalt  }
0x77: {  	_ =	shalt  }
0x78: {  	_ =	shalt  }
0x79: {  	_ =	shalt  }
0x7a: {  	_ =	shalt  }
0x7b: {  	_ =	shalt  }
0x7c: {  	_ =	shalt  }
0x7d: {  	_ =	shalt  }
0x7e: {  	_ =	shalt  }
0x7f: {  	_ =	shalt  }
0x80: {  	_ =	shalt  }
0x81: {  	_ =	shalt  }
0x82: {  	_ =	shalt  }
0x83: {  	_ =	shalt  }
0x84: {  	_ =	shalt  }
0x85: {  	_ =	shalt  }
0x86: {  	_ =	shalt  }
0x87: {  	_ =	shalt  }
.Lfunc_end0:
.L_simem_size_0:
called_computation_lowered:
.L_overlay_start_0:
0x88: {  	s2 =	sld [smem:$0x3FD9]  }
0x89: {  	s3 =	sld [smem:$0x3FFE];
	_ =	sdelay $0x1  }
0x8a: {  	s1 =	srdreg.scid  }
0x8b: {  	s0 =	sand.u32 $0x1, s1  }
0x8c: {  	s14 =	sshll.u32 s0, $0xA;
	s2 =	sadd.s32 s3, s2  }
0x8d: {  	s2 =	sadd.s32 s2, s14  }
0x8e: {  	[smem:$0x3FC3] =	sst s2  }
0x8f: {  	_ = 	snop  }
0x90: {  	s2 =	sld [smem:$0x3FD0];
	_ =	sdelay $0x2  }
0x91: {  	s4 =	simm.s32 $0xA;
	s5 =	simm.s32 $0x10;
	s15 =	sld [smem:$0x3FC9]  }
0x92: {  	[smem:s5], [sflag:s4] =	dma.local [hbm:s2], $0x1  }
0x93: {  	_ =	swait.eq [sflag:s4], $0x1  }
0x94: {  	[sflag:s4] =	ssyncset.done $0x0  }
0x95: {  	[sflag:s4] =	ssyncadd.s32 $0xFFFFFFFF  }
0x96: {  	s16 =	sld [smem:$0x10];
	(tm) =	ssettm $0x1  }
0x97: {  	s17 =	sld [smem:$0x3FFB];
	_ =	sdelay $0x3  }
0x98: {  	_ =	strace s17  }
0x99: {  	s4 =	sld [smem:$0x3FFC];
	_ =	sdelay $0x3  }
0x9a: {  	_ =	strace s4  }
0x9b: {  	s4 =	sld [smem:$0x3FFD];
	_ =	sdelay $0x3  }
0x9c: {  	_ =	strace s4  }
0x9d: {  	_ =	strace $0x8FFFFFFF  }
0x9e: {  	s18 =	sld [smem:$0x3FDB];
	_ =	sdelay $0x1  }
0x9f: {  	s19 =	simm.s32 $_scs_section_size  }
0xa0: {  	s6 =	simm.s32 $_size__tile_overlayer_lowered;
	s7 =	simm.s32 $_tile_overlayer_lowered  }
0xa1: {  	s22 =	simm.s32 $0x1BFF;
	s21 =	sshll.u32 s7, $0x1;
	s4 =	sadd.s32 s19, s18  }
0xa2: {  	s8 =	simm.s32 $0x0;
	s20 =	sshll.u32 s6, $0x1;
	s6 =	sadd.s32 s21, s4  }
0xa3: {  	[timem:s8], [sflag:s22] =	dma.local [hbm:s6], s20  }
0xa4: {  	_ =	swait.ge [sflag:s22], s20  }
0xa5: {  	s5 =	ssub.s32 $0x0, s20;
	[sflag:s22] =	ssyncset.done $0x0  }
0xa6: {  	[sflag:s22] =	ssyncadd.s32 s5;
	_ =	sdelay $0x1  }
0xa7: {  	s23 =	simm.s32 $0x1B8B  }
0xa8: {  	_ =	swait.ge [sflag:s23], $0x1  }
0xa9: {  	[sflag:s23] =	ssyncset.done $0x0  }
0xaa: {  	s25 =	simm.s32 $0x1B8E;
	s24 =	sld [smem:$0x3FFE];
	[sflag:s23] =	ssyncadd.s32 $0xFFFFFFFF  }
0xab: {  	s26 =	simm.s32 $execute0_lowered;
	[smem:$0x3FD2] =	sst s25  }
0xac: {  	s6 =	sshll.u32 s26, $0x1;
	_ =	strace $0x80000046;
	[dreg:$0x1] =	wrdreg $0xFFFFFFFF  }
0xad: {  	s28 =	simm.s32 $_size_execute0_lowered;
	s4 =	sadd.s32 s4, s6;
	[dreg:$0x0] =	wrdreg $0x0  }
0xae: {  	s6 =	sshll.u32 s28, $0x1;
	[dreg:$0x2] =	wrdreg s4  }
0xaf: {  	[dreg:$0x3] =	wrdreg s6  }
0xb0: {  	[dreg:$0x4] =	wrdreg $0xC0  }
0xb1: {  	_ =	task [dreg:s8], $0x5FFFF  }
0xb2: {  	[dreg:$0x1] =	wrdreg $0xFFFFFFFF  }
0xb3: {  	[dreg:$0x0] =	wrdreg $0x60  }
0xb4: {  	[dreg:$0x2] =	wrdreg s15  }
0xb5: {  	[dreg:$0x3] =	wrdreg s24  }
0xb6: {  	[dreg:$0x4] =	wrdreg s16  }
0xb7: {  	[dreg:$0x5] =	wrdreg $0x18800  }
0xb8: {  	[dreg:$0x6] =	wrdreg $0x19480  }
0xb9: {  	[dreg:$0x7] =	wrdreg $0x9  }
0xba: {  	_ =	task.clear_ibuf [dreg:s8], $0x8FFFF;
	_ =	strace $0x90000046  }
0xbb: {  	s29 =	simm.s32 $0x9;
	_ =	strace $0x80000048  }
0xbc: {  	_ =	swait.ge [sflag:s29], $0x1  }
0xbd: {  	[sflag:s29] =	ssyncadd.s32 $0xFFFFFFFF  }
0xbe: {  	_ =	strace $0x90000048  }
0xbf: {  	_ =	sfence  }
0xc0: {  	s30 =	sld [smem:$0x0];
	_ =	sdelay $0x2  }
0xc1: {  	s31 =	sshll.u32 s1, $0xD;
	s1 =	sshrl.u32 s1, $0x2  }
0xc2: {  	s3 =	sand.u32 $0x4000, s31;
	s1 =	sadd.s32 s1, s30  }
0xc3: {  	s0 =	sor.u32 s3, s0;
	s1 =	sshll.u32 s1, $0x11  }
0xc4: {  	s0 =	sor.u32 s1, s0  }
0xc5: {  	s0 =	sadd.s32 $0x8F2B, s0  }
0xc6: {  	[sflag:s0] =	ssyncadd.remote.s32 $0x1  }
0xc7: {  	_ =	sfence.sel $0xFFFF  }
0xc8: {  	[dreg:$0x0] =	wrdreg $0xFFFFFFFF;
	(pc) =	sbr.abs _section_cstart, $3  }
0xc9: {  	[dreg:$0x1] =	wrdreg $0xFFFFFFFF  }
0xca: {  	_ =	task.clear_ibuf [dreg:s8], $0x2FFFF;
	_ =	strace $0x9FFFFFFF  }
0xcb: {  	(tm) =	ssettm $0x7FFFFFFF  }
tec
execute0_lowered:
.L_overlay_start_1:
0x0: {  	(tag) =	ssettag $0x1  }
0x1: {  	s1 =	rddreg [dreg:$0x1]  }
0x2: {  	s16 =	rddreg [dreg:$0x2];
	s2 =	srdreg.scid  }
0x3: {  	s3 =	rddreg [dreg:$0x3];
	s0 =	stileid.u32  }
0x4: {  	s5 =	rddreg [dreg:$0x4];
	s4 =	simm.s32 $0x0;
	s29 =	simm.s32 $0x5  }
0x5: {  	s31 =	simm.s32 $0x1AE0;
	s2 =	sand.u32 $0x1, s2;
	s6 =	sshrl.u32 s0, $0x3  }
0x6: {  	[smem:$0x7FF] =	sst s4;
	s21 =	sadd.s32 $0x1600, s1;
	s11 =	sand.u32 $0x7, s0  }
0x7: {  	s22 =	sadd.s32 $0x1800, s1;
	s15 =	sadd.s32 $0x40, s16;
	s17 =	sadd.s32 $0x80, s16  }
0x8: {  	s18 =	sadd.s32 $0xC0, s16;
	s28 =	sadd.s32 $0x1C0, s16;
	s7 =	sshll.u32 s2, $0x1  }
0x9: {  	_ =	strace $0x80000047;
	[dreg:$0x6] =	wrdreg s21;
	s12 =	smul.u32 $0x640, s6  }
0xa: {  	s10 =	ssub.s32 $0x2, s2;
	[dreg:$0x7] =	wrdreg s22;
	s19 =	smul.u32 $0xC0000, s11  }
0xb: {  	s22 =	sshll.u32 s2, $0xC;
	s2 =	sshll.u32 s2, $0x8;
	s8 =	sor.u32 s6, s7  }
0xc: {  	p0 =	sne.s32 s11, $0x0;
	s23 =	sshrl.u32 s10, $0x1;
	s7 =	sshll.u32 s8, $0x8  }
0xd: {  	s26 =	sadd.s32 s12, s3;
	s30 =	sadd.s32 s12, s5;
	s9 =	sadd.s32 s7, s1  }
0xe: {  	s7 =	smul.u32 $0xC0, s11;
	s1 =	ssub.s32 s10, s23;
	[dreg:$0x9] =	wrdreg s26  }
0xf: {  	s10 =	sshll.u32 s8, $0xB;
	[dreg:$0xa] =	wrdreg s30;
	s23 =	sshll.u32 s6, $0xB  }
0x10: {  	s6 =	sshll.u32 s6, $0x7;
	s11 =	simm.s32 $0x1000;
	s24 =	sadd.s32 $0x1200, s9  }
0x11: {  	s9 =	sshll.u32 s8, $0x7;
	s26 =	smax.u32 s1, $0x1;
	s1 =	simm.s32 $0x1240  }
0x12: {  	[dreg:$0x8] =	wrdreg s24;
	s25 =	ssub.s32 $0x599, s7;
	s14 =	sadd.s32 s7, s12  }
0x13: {  	s24 =	sor.u32 s23, s22;
	[dreg:$0xf] =	wrdreg s26;
	s26 =	sadd.s32 $0x180, s16  }
0x14: {  	s8 =	smin.u32 s25, $0xC0;
	s3 =	sadd.s32 s14, s3;
	[dreg:$0xd] =	wrdreg s24  }
0x15: {  	s5 =	sadd.s32 s14, s5;
	[dreg:$0xb] =	wrdreg s3;
	s13 =	sshrl.u32 s8, $0x4  }
0x16: {  	[dreg:$0xc] =	wrdreg s5;
	s20 =	sand.u32 $0x9, s8;
	s12 =	sxor.u32 $0xFFFFFFFF, s13  }
0x17: {  	s21 =	sshll.u32 s13, $0x10;
	p1 =	seq.s32 s20, $0x0;
	s23 =	sshll.u32 s20, $0x9  }
.Ltmp0:
0x18: {  	s5 =	sadd.s32 s21, s19;
	s3 =	sand.u32 $0x1, s12;
	(pc) =	sbr.rel .LBB2_1-.Ltmp0, $4  }
0x19: {  	s19 =	sadd.s32 $0x100, s16;
	s21 =	sand.u32 $0xD0, s8;
	s2 =	sor.u32 s2, s5  }
0x1a: {  	s25 =	sadd.s32 $0x3, s3;
	s3 =	simm.s32 $0xC00;
	s2 =	sor.u32 s6, s2  }
0x1b: {  	v1 =	vimm.f32 $0.0e+00;
	s5 =	simm.s32 $0x80;
	[dreg:$0xe] =	wrdreg s25;
	s30 =	sshrl.u32 s2, $0x3  }
0x1c: {  	v2 =	vimm.s32 $0x0;
	v3 =	vlaneseq.u32;
	v0 =	vmov s10;
	s25 =	sadd.s32 $0x140, s16;
	s2 =	simm.s32 $0x0;
	s24 =	sadd.s32 s30, s16  }
.LBB2_14:
0x1d: {  	s10 =	smov.u32 s8  }
.LBB2_17:
0x1e: {  	s0 =	sadd.s32 $0x1BB0, s6;
	[sflag:s29] =	ssyncadd.s32 @p2 $0xFFFFFF80  }
0x1f: {  	[hbm4b:s10+s4] =	stream.linear.scatter [tilespmem:s0], [sflag:$0x5], $0x80, $0x38;
	[tilespmem:$0x9CB0] =	vst v63  }
0x20: {  	_ =	swait.ge [sflag:s29], $0x80  }
0x21: {  	[sflag:s29] =	ssyncset.done $0x0  }
0x22: {  	s14 =	sadd.s32 $0x40, s10;
	s2 =	sadd.s32 $0x23B0, s6;
	[sflag:s29] =	ssyncadd.s32 $0xFFFFFF80  }
0x23: {  	[hbm4b:s14+s4] =	stream.linear.scatter [tilespmem:s2], [sflag:$0x5], $0x80, $0x38;
	[tilespmem:$0x9CB0] =	vst v63  }
0x24: {  	_ =	swait.ge [sflag:s29], $0x80  }
0x25: {  	[sflag:s29] =	ssyncset.done $0x0  }
0x26: {  	s16 =	sadd.s32 $0x80, s10;
	s20 =	sadd.s32 $0x2BB0, s6;
	[sflag:s29] =	ssyncadd.s32 $0xFFFFFF80  }
0x27: {  	[hbm4b:s16+s4] =	stream.linear.scatter [tilespmem:s20], [sflag:$0x5], $0x80, $0x38;
	[tilespmem:$0x9CB0] =	vst v63  }
0x28: {  	_ =	swait.ge [sflag:s29], $0x80  }
0x29: {  	[sflag:s29] =	ssyncset.done $0x0  }
0x2a: {  	s22 =	sadd.s32 $0xC0, s10;
	s30 =	sadd.s32 $0x33B0, s6;
	[sflag:s29] =	ssyncadd.s32 $0xFFFFFF80  }
0x2b: {  	[hbm4b:s22+s4] =	stream.linear.scatter [tilespmem:s30], [sflag:$0x5], $0x80, $0x38;
	[tilespmem:$0x9CB0] =	vst v63  }
0x2c: {  	_ =	swait.ge [sflag:s29], $0x80  }
0x2d: {  	[sflag:s29] =	ssyncset.done $0x0  }
0x2e: {  	s8 =	sadd.s32 $0x3BB0, s6;
	s2 =	sadd.s32 $0x100, s10;
	[sflag:s29] =	ssyncadd.s32 $0xFFFFFF80  }
0x2f: {  	[hbm4b:s2+s4] =	stream.linear.scatter [tilespmem:s8], [sflag:$0x5], $0x80, $0x38;
	[tilespmem:$0x9CB0] =	vst v63  }
0x30: {  	_ =	swait.ge [sflag:s29], $0x80  }
0x31: {  	[sflag:s29] =	ssyncset.done $0x0  }
0x32: {  	s12 =	sadd.s32 $0x140, s10;
	s14 =	sadd.s32 $0x43B0, s6;
	[sflag:s29] =	ssyncadd.s32 $0xFFFFFF80  }
0x33: {  	[hbm4b:s12+s4] =	stream.linear.scatter [tilespmem:s14], [sflag:$0x5], $0x80, $0x38;
	[tilespmem:$0x9CB0] =	vst v63  }
0x34: {  	_ =	swait.ge [sflag:s29], $0x80  }
0x35: {  	[sflag:s29] =	ssyncset.done $0x0  }
0x36: {  	s16 =	sadd.s32 $0x180, s10;
	s20 =	sadd.s32 $0x4BB0, s6;
	[sflag:s29] =	ssyncadd.s32 $0xFFFFFF80  }
0x37: {  	[hbm4b:s16+s4] =	stream.linear.scatter [tilespmem:s20], [sflag:$0x5], $0x80, $0x38;
	[tilespmem:$0x9CB0] =	vst v63  }
0x38: {  	_ =	swait.ge [sflag:s29], $0x80  }
0x39: {  	[sflag:s29] =	ssyncset.done $0x0  }
0x3a: {  	s22 =	sadd.s32 $0x1C0, s10;
	s30 =	sadd.s32 $0x53B0, s6;
	[sflag:s29] =	ssyncadd.s32 $0xFFFFFF80  }
0x3b: {  	[hbm4b:s22+s4] =	stream.linear.scatter [tilespmem:s30], [sflag:$0x5], $0x80, $0x38;
	[tilespmem:$0x9CB0] =	vst v63  }
0x3c: {  	_ =	swait.ge [sflag:s29], $0x80  }
0x3d: {  	[sflag:s29] =	ssyncset.done $0x0  }
0x3e: {  	s2 =	rddreg [dreg:$0x10];
	[sflag:s29] =	ssyncadd.s32 $0xFFFFFF80  }
.LBB2_18:
0x3f: {  	s2 =	sadd.s32 $0x1, s2;
	s0 =	rddreg [dreg:$0xf]  }
0x40: {  	p2 =	sne.s32 s2, s0  }
.Ltmp1:
0x41: {  	_ = 	snop;
	(pc) =	sbr.rel @!p2 .LBB2_19-.Ltmp1, $1  }
0x42: {  	_ =	sdelay $0x3  }
.LBB2_1:
.Ltmp2:
0x43: {  	(pc) =	sbr.rel @p0 .LBB2_5-.Ltmp2, $2  }
0x44: {  	_ =	sdelay $0x2  }
0x45: {  	[dreg:$0x10] =	wrdreg s2  }
0x46: {  	s6 =	simm.s32 $0x0;
	s0 =	rddreg [dreg:$0x6]  }
0x47: {  	[tilespmem:s6], [sflag:$0x5] =	stream.linear.gather [hbm4b:s0+s6], $0x200, $0x38;
	[tilespmem:$0x9CB0] =	vst v63  }
0x48: {  	_ =	swait.ge [sflag:s29], $0x200  }
0x49: {  	[sflag:s29] =	ssyncset.done $0x0  }
0x4a: {  	s2 =	simm.s32 $0x200;
	s14 =	rddreg [dreg:$0x7];
	[sflag:s29] =	ssyncadd.s32 $0xFFFFFE00  }
0x4b: {  	[tilespmem:s2], [sflag:$0x5] =	stream.linear.gather [hbm4b:s14+s6], $0x200, $0x38;
	[tilespmem:$0x9CB0] =	vst v63  }
0x4c: {  	_ =	swait.ge [sflag:s29], $0x200  }
0x4d: {  	[sflag:s29] =	ssyncset.done $0x0  }
0x4e: {  	s20 =	simm.s32 $0x400;
	s16 =	rddreg [dreg:$0x8];
	[sflag:s29] =	ssyncadd.s32 $0xFFFFFE00  }
0x4f: {  	[tilespmem:s20], [sflag:$0x5] =	stream.linear.gather [hbm4b:s16+s6], $0x800, $0x38;
	[tilespmem:$0x9CB0] =	vst v63  }
0x50: {  	_ =	swait.ge [sflag:s29], $0x800  }
0x51: {  	[sflag:s29] =	ssyncset.done $0x0  }
0x52: {  	[sflag:s29] =	ssyncadd.s32 $0xFFFFF800  }
0x53: {  	v4 =	vld [tilespmem:s9+$0x0]  }
0x54: {  	v5 =	vld [tilespmem:s9+$0x200];
	[tilespmem:$0x1190] =	vst v0  }
0x55: {  	[tilespmem:$0x17D0] =	vst v1  }
0x56: {  	[tilespmem:$0x11A0] =	vst v0  }
0x57: {  	[tilespmem:$0x17E0] =	vst v1  }
0x58: {  	[tilespmem:$0x11B0] =	vst v0  }
0x59: {  	[tilespmem:$0x17F0] =	vst v1  }
0x5a: {  	[tilespmem:$0x11C0] =	vst v0  }
0x5b: {  	[tilespmem:$0x1800] =	vst v1  }
0x5c: {  	[tilespmem:$0x11D0] =	vst v0  }
0x5d: {  	[tilespmem:$0x1810] =	vst v1  }
0x5e: {  	[tilespmem:$0x11E0] =	vst v0  }
0x5f: {  	[tilespmem:$0x1820] =	vst v1  }
0x60: {  	[tilespmem:$0x11F0] =	vst v0  }
0x61: {  	[tilespmem:$0x1830] =	vst v1  }
0x62: {  	[tilespmem:$0x1200] =	vst v0  }
0x63: {  	[tilespmem:$0x1840] =	vst v1  }
0x64: {  	[tilespmem:$0x1210] =	vst v0  }
0x65: {  	[tilespmem:$0x1850] =	vst v1  }
0x66: {  	[tilespmem:$0x1220] =	vst v0  }
0x67: {  	[tilespmem:$0x1860] =	vst v1  }
0x68: {  	[tilespmem:$0x1230] =	vst v0  }
0x69: {  	s22 =	simm.s32 $0x0;
	[tilespmem:$0x1870] =	vst v1  }
0x6a: {  	v6 =	vld [tilespmem:s22+$0x400];
	_ =	sdelay $0x4  }
0x6b: {  	vm0 =	veq.f32 v6, v4  }
0x6c: {  	v7 =	vsel vm0, $0x1, v2  }
0x6d: {  	(xrf0) =	vadd.scan.msk.s32 $0xffff, v7;
	_ =	sdelay $0x5  }
0x6e: {  	v7, _, _ =	vpop (xrf0)  }
0x6f: {  	(v2sf) =	vpush v7, $0xF;
	_ =	sdelay $0x2  }
0x70: {  	v8 =	vadd.s32 s6, v7  }
0x71: {  	vm1 =	vle.s32 v8, v5  }
0x72: {  	vm2 =	vgt.f32 v6, v4;
	vm0 =	vmand vm0, vm1  }
0x73: {  	vm0 =	vmor vm2, vm0  }
0x74: {  	v7 =	vsel vm0, $0x1, v2  }
0x75: {  	(xrf0) =	vadd.scan.msk.s32 $0xffff, v7;
	_ =	sdelay $0x2  }
0x76: {  	v7 =	vmov s6  }
0x77: {  	v7 =	vadd.s32 $0xFFFFFFFF, v7  }
0x78: {  	v7 =	vbroadcast v7, $0x0  }
0x79: {  	v63, _, _ =	vpop (xrf0)  }
0x7a: {  	v7 =	vadd.s32 v63, v7;
	s30 =	spop (v2sf);
	(v2sf) =	vpush v63, $0xF;
	_ =	sdelay $0x2  }
0x7b: {  	s8 =	rddreg [dreg:$0xd]  }
0x7c: {  	v9 =	vor.u32 s8, v3  }
0x7d: {  	[tilespmem:v7+s3+$0x0] =	vst.idx.msk vm0, v9  }
0x7e: {  	s12 =	simm.s32 $0x80;
	s2 =	simm.s32 $0x10;
	s10 =	sadd.s32 $0x0, s30;
	[tilespmem:v7+s1+$0x0] =	vst.idx.msk vm0, v6  }
.LBB2_3:
0x7f: {  	p2 =	sne.s32 s12, $0x1FC0;
	v6 =	vld [tilespmem:s2+$0x400];
	_ =	sdelay $0x4  }
0x80: {  	vm0 =	vgt.f32 v6, v4;
	vm1 =	veq.f32 v6, v4  }
0x81: {  	v7 =	vsel vm1, $0x1, v2  }
0x82: {  	(xrf0) =	vadd.scan.msk.s32 $0xffff, v7  }
0x83: {  	s2 =	spop (v2sf)  }
0x84: {  	s6 =	sadd.s32 s6, s2  }
0x85: {  	v7 =	vmov s6  }
0x86: {  	v7 =	vadd.s32 $0xFFFFFFFF, v7  }
0x87: {  	v7 =	vbroadcast v7, $0x0  }
0x88: {  	v8, _, _ =	vpop (xrf0)  }
0x89: {  	v9 =	vadd.s32 s10, v8;
	(v2sf) =	vpush v8, $0xF  }
0x8a: {  	vm2 =	vle.s32 v9, v5  }
0x8b: {  	vm1 =	vmand vm1, vm2  }
0x8c: {  	vm0 =	vmor vm0, vm1  }
0x8d: {  	v8 =	vsel vm0, $0x1, v2  }
0x8e: {  	(xrf0) =	vadd.scan.msk.s32 $0xffff, v8;
	_ =	sdelay $0x5  }
0x8f: {  	v8, _, _ =	vpop (xrf0)  }
0x90: {  	v7 =	vadd.s32 v8, v7;
	(v2sf) =	vpush v8, $0xF;
	_ =	sdelay $0x1  }
.Ltmp3:
0x91: {  	(pc) =	sbr.rel @p2 .LBB2_3-.Ltmp3, $4  }
0x92: {  	s8 =	sadd.s32 $0x10, s8;
	s2 =	spop (v2sf)  }
0x93: {  	v8 =	vor.u32 s8, v3;
	s10 =	sadd.s32 s10, s2  }
0x94: {  	[tilespmem:v7+s3+$0x0] =	vst.idx.msk vm0, v8  }
0x95: {  	s2 =	sshra.s32 s12, $0x2;
	s12 =	sadd.s32 $0x40, s12;
	[tilespmem:v7+s1+$0x0] =	vst.idx.msk vm0, v6  }
0x96: {  	v6 =	vld [tilespmem:s2+$0x400];
	_ =	sdelay $0x4  }
0x97: {  	vm0 =	veq.f32 v6, v4  }
0x98: {  	v7 =	vsel vm0, $0x1, v2  }
0x99: {  	(xrf0) =	vadd.scan.msk.s32 $0xffff, v7;
	_ =	sdelay $0x5  }
0x9a: {  	v7, _, _ =	vpop (xrf0)  }
0x9b: {  	v8 =	vadd.s32 s10, v7  }
0x9c: {  	vm1 =	vle.s32 v8, v5  }
0x9d: {  	vm2 =	vgt.f32 v6, v4;
	vm0 =	vmand vm0, vm1  }
0x9e: {  	vm0 =	vmor vm2, vm0  }
0x9f: {  	v4 =	vsel vm0, $0x1, v2  }
0xa0: {  	(xrf0) =	vadd.scan.msk.s32 $0xffff, v4;
	_ =	sdelay $0x4  }
0xa1: {  	(v2sf) =	vpush v7, $0xF  }
0xa2: {  	v4, _, _ =	vpop (xrf0)  }
0xa3: {  	(v2sf) =	vpush v4, $0xF  }
0xa4: {  	s14 =	spop (v2sf)  }
0xa5: {  	s2 =	sadd.s32 s6, s14  }
0xa6: {  	v5 =	vmov s2  }
0xa7: {  	v5 =	vadd.s32 $0xFFFFFFFF, v5  }
0xa8: {  	v5 =	vbroadcast v5, $0x0;
	_ =	sdelay $0x1  }
0xa9: {  	v4 =	vadd.s32 v4, v5;
	_ =	sdelay $0x2  }
0xaa: {  	s16 =	sadd.s32 $0x10, s8  }
0xab: {  	v5 =	vor.u32 s16, v3  }
0xac: {  	[tilespmem:v4+s3+$0x0] =	vst.idx.msk vm0, v5  }
0xad: {  	s0 =	rddreg [dreg:$0x9];
	s20 =	spop (v2sf);
	[tilespmem:v4+s1+$0x0] =	vst.idx.msk vm0, v6  }
0xae: {  	[spmem:s0] =	stream.linear.scatter [tilespmem:s3], [sflag:$0x5], $0x640, $0x38;
	[tilespmem:$0x9CB0] =	vst v63  }
0xaf: {  	s22 =	spop (v2sf)  }
0xb0: {  	_ =	swait.ge [sflag:s29], $0x640  }
0xb1: {  	[sflag:s29] =	ssyncset.done $0x0  }
0xb2: {  	s30 =	rddreg [dreg:$0xa];
	[sflag:s29] =	ssyncadd.s32 $0xFFFFF9C0  }
0xb3: {  	[spmem:s30] =	stream.linear.scatter [tilespmem:s1], [sflag:$0x5], $0x640, $0x38;
	[tilespmem:$0x9CB0] =	vst v63  }
0xb4: {  	_ =	swait.ge [sflag:s29], $0x640  }
0xb5: {  	[sflag:s29] =	ssyncset.done $0x0  }
0xb6: {  	[sflag:s29] =	ssyncadd.s32 $0xFFFFF9C0  }
.LBB2_5:
0xb7: {  	[bflag:$0x0] =	sbarrier.arrive $0xFFFF  }
0xb8: {  	s2 =	simm.s32 $0x1A10;
	s0 =	rddreg [dreg:$0xb]  }
0xb9: {  	[tilespmem:s2], [sflag:$0x5] =	stream.linear.gather [spmem:s0], $0xD0, $0x38;
	[tilespmem:$0x9CB0] =	vst v63  }
0xba: {  	_ =	swait.ge [sflag:s29], $0xD0  }
0xbb: {  	[sflag:s29] =	ssyncset.done $0x0  }
0xbc: {  	s20 =	rddreg [dreg:$0xc];
	[sflag:s29] =	ssyncadd.s32 $0xFFFFFF30  }
0xbd: {  	[tilespmem:s31], [sflag:$0x5] =	stream.linear.gather [spmem:s20], $0xD0, $0x38;
	[tilespmem:$0x9CB0] =	vst v63  }
0xbe: {  	_ =	swait.ge [sflag:s29], $0xD0  }
0xbf: {  	[sflag:s29] =	ssyncset.done $0x0  }
0xc0: {  	[sflag:s29] =	ssyncadd.s32 $0xFFFFFF30  }
0xc1: {  	v4 =	vld [tilespmem:$0x1A10];
	_ =	sdelay $0x4  }
0xc2: {  	v5 =	vshll.u32 v4, $0x3  }
0xc3: {  	v4 =	vand.u32 $0x7, v4;
	v5 =	vand.u32 $0xFFFFFFC0, v5  }
0xc4: {  	v4 =	vor.u32 v4, v5  }
0xc5: {  	[tilespmem:$0x9BB0] =	vst v4;
	v5 =	vor.u32 $0x8, v4  }
0xc6: {  	[tilespmem:$0x9BC0] =	vst v5;
	v5 =	vor.u32 $0x10, v4  }
0xc7: {  	[tilespmem:$0x9BD0] =	vst v5;
	v5 =	vor.u32 $0x18, v4  }
0xc8: {  	[tilespmem:$0x9BE0] =	vst v5;
	v5 =	vor.u32 $0x20, v4  }
0xc9: {  	[tilespmem:$0x9BF0] =	vst v5;
	v5 =	vor.u32 $0x28, v4  }
0xca: {  	[tilespmem:$0x9C00] =	vst v5;
	v5 =	vor.u32 $0x30, v4  }
0xcb: {  	v4 =	vor.u32 $0x38, v4;
	[tilespmem:$0x9C10] =	vst v5  }
0xcc: {  	s30 =	simm.s32 $0x9BB0;
	s6 =	simm.s32 $0x1BB0;
	s22 =	rddreg [dreg:$0x0];
	[tilespmem:$0x9C20] =	vst v4  }
0xcd: {  	[tilespmem:s6], [sflag:$0x1] =	stream.indirect.gather [hbm4b:s22+s5], $0x80, s30, s5, $0xb8;
	[tilespmem:$0x9CB0] =	vst v63  }
0xce: {  	p2 =	por $0x0, $0x0;
	s16 =	simm.s32 $0x0;
	s6 =	simm.s32 $0x0  }
.LBB2_6:
0xcf: {  	s8 =	sand.u32 $0x1, s6  }
0xd0: {  	p4 =	seq.s32 s6, $0x0;
	s2 =	sxor.u32 $0x1, s8  }
0xd1: {  	s10 =	smov.u32 s6;
	s6 =	sadd.s32 $0x1, s6;
	s12 =	sadd.s32 @!p4 $0x3, s2  }
0xd2: {  	p3 =	sge.u32 s6, s13;
	_ =	swait.ge @!p4 [sflag:s12], $0x4000  }
0xd3: {  	s14 =	sshll.u32 @!p3 s6, $0x4;
	[sflag:s12] =	ssyncset.done @!p4 $0x0  }
0xd4: {  	[sflag:s12] =	ssyncadd.s32 @!p4 $0xFFFFC000;
	s12 =	sand.u32 @!p3 $0x3FFFFFF0, s14  }
0xd5: {  	v4 =	vld @!p3 [tilespmem:s12+$0x1A10];
	_ =	sdelay $0x4  }
0xd6: {  	v5 =	vshll.u32 @!p3 v4, $0x3  }
0xd7: {  	v4 =	vand.u32 @!p3 $0x7, v4;
	v5 =	vand.u32 @!p3 $0xFFFFFFC0, v5  }
0xd8: {  	s12 =	sshll.u32 @!p3 s2, $0x7;
	v4 =	vor.u32 @!p3 v4, v5  }
0xd9: {  	[tilespmem:s12+$0x9BB0] =	vst @!p3 v4;
	v5 =	vor.u32 @!p3 $0x8, v4  }
0xda: {  	[tilespmem:s12+$0x9BC0] =	vst @!p3 v5;
	v5 =	vor.u32 @!p3 $0x10, v4  }
0xdb: {  	[tilespmem:s12+$0x9BD0] =	vst @!p3 v5;
	v5 =	vor.u32 @!p3 $0x18, v4  }
0xdc: {  	[tilespmem:s12+$0x9BE0] =	vst @!p3 v5;
	v5 =	vor.u32 @!p3 $0x20, v4  }
0xdd: {  	[tilespmem:s12+$0x9BF0] =	vst @!p3 v5;
	v5 =	vor.u32 @!p3 $0x28, v4  }
0xde: {  	[tilespmem:s12+$0x9C00] =	vst @!p3 v5;
	v5 =	vor.u32 @!p3 $0x30, v4  }
0xdf: {  	s20 =	sshll.u32 @!p3 s2, $0xE;
	s2 =	sadd.s32 @!p3 $0x1, s2;
	s0 =	rddreg [dreg:$0x0];
	v4 =	vor.u32 @!p3 $0x38, v4;
	[tilespmem:s12+$0x9C10] =	vst @!p3 v5  }
0xe0: {  	s14 =	sadd.s32 @!p3 $0x9BB0, s12;
	[tilespmem:s12+$0x9C20] =	vst @!p3 v4;
	s12 =	sor.u32 @!p3 $0x1BB0, s20;
	s20 =	simm.s32 @!p3 $0x80  }
0xe1: {  	[tilespmem:s12], [sflag:s2] =	stream.indirect.gather @!p3 [hbm4b:s0+s20], $0x80, s14, s20, $0xb8;
	[tilespmem:$0x9CB0] =	vst v63  }
0xe2: {  	s2 =	simm.s32 $0x1;
	s14 =	sadd.s32 $0x1, s8  }
0xe3: {  	s2 =	simm.s32 @!p2 $0x0;
	_ =	swait.ge [sflag:s14], $0x4000  }
0xe4: {  	s2 =	sshll.u32 s2, $0xE;
	[sflag:s14] =	ssyncset.done $0x0  }
0xe5: {  	s22 =	sadd.s32 $0x0, s16;
	s20 =	sor.u32 $0x3BB0, s2;
	[sflag:s14] =	ssyncadd.s32 $0xFFFFC000  }
0xe6: {  	v4 =	vmov s22;
	v6 =	vld [tilespmem:s20+$0x1860]  }
0xe7: {  	v7 =	vld [tilespmem:s20+$0x1850]  }
0xe8: {  	v8 =	vld [tilespmem:s20+$0x1840]  }
0xe9: {  	v9 =	vld [tilespmem:s20+$0x1830]  }
0xea: {  	v10 =	vld [tilespmem:s20+$0x1820]  }
0xeb: {  	v5 =	vld.idx.msk [tilespmem:v4+s31+$0x0], $0xffff  }
0xec: {  	v4 =	vld [tilespmem:s20+$0x1870]  }
0xed: {  	v11 =	vld [tilespmem:s20+$0x1810]  }
0xee: {  	v12 =	vld [tilespmem:s20+$0x1800]  }
0xef: {  	v13 =	vld [tilespmem:s20+$0x1070]  }
0xf0: {  	v14 =	vld [tilespmem:s20+$0x1060];
	v10 =	vmul.f32 v10, v5  }
0xf1: {  	v15 =	vld [tilespmem:s20+$0x1050];
	v9 =	vmul.f32 v9, v5  }
0xf2: {  	v16 =	vld [tilespmem:s20+$0x1040];
	v11 =	vmul.f32 v11, v5;
	[tilespmem:s20+$0x1820] =	vst v10  }
0xf3: {  	v32 =	vld [tilespmem:s20+$0x1020];
	v8 =	vmul.f32 v8, v5;
	[tilespmem:s20+$0x1830] =	vst v9  }
0xf4: {  	v33 =	vld [tilespmem:s20+$0x1000];
	v7 =	vmul.f32 v7, v5;
	[tilespmem:s20+$0x1810] =	vst v11  }
0xf5: {  	v59 =	vld [tilespmem:s20+$0xFFFFE060];
	v6 =	vmul.f32 v6, v5;
	[tilespmem:s20+$0x1840] =	vst v8  }
0xf6: {  	v34 =	vld [tilespmem:s20+$0x860];
	v9 =	vmul.f32 v12, v5;
	[tilespmem:s20+$0x1850] =	vst v7  }
0xf7: {  	v60 =	vld [tilespmem:s20+$0xFFFFE050];
	v8 =	vmul.f32 v13, v5;
	[tilespmem:s20+$0x1860] =	vst v6  }
0xf8: {  	v35 =	vld [tilespmem:s20+$0x850];
	v7 =	vmul.f32 v14, v5;
	[tilespmem:s20+$0x1800] =	vst v9  }
0xf9: {  	v10 =	vld [tilespmem:s20+$0x1030];
	v6 =	vmul.f32 v16, v5;
	[tilespmem:s20+$0x1070] =	vst v8  }
0xfa: {  	v11 =	vld [tilespmem:s20+$0x1010];
	v14 =	vmul.f32 v59, v5;
	[tilespmem:s20+$0x1060] =	vst v7  }
0xfb: {  	v36 =	vld [tilespmem:s20+$0x840];
	v8 =	vmul.f32 v15, v5;
	[tilespmem:s20+$0x1040] =	vst v6  }
0xfc: {  	v9 =	vld [tilespmem:s20+$0x870];
	v15 =	vmul.f32 v60, v5;
	[tilespmem:s20+$0xFFFFE060] =	vst v14  }
0xfd: {  	v37 =	vld [tilespmem:s20+$0x820];
	[tilespmem:s20+$0x1050] =	vst v8;
	v8 =	vmul.f32 v32, v5  }
0xfe: {  	v38 =	vld [tilespmem:s20+$0x800];
	[tilespmem:s20+$0xFFFFE050] =	vst v15;
	v7 =	vmul.f32 v10, v5  }
0xff: {  	v39 =	vld [tilespmem:s20+$0x60];
	v6 =	vmul.f32 v11, v5;
	[tilespmem:s20+$0x1020] =	vst v8  }
0x100: {  	v10 =	vld [tilespmem:s20+$0x830];
	[tilespmem:s20+$0x1030] =	vst v7;
	v7 =	vmul.f32 v33, v5  }
0x101: {  	v40 =	vld [tilespmem:s20+$0x50];
	v8 =	vmul.f32 v9, v5;
	[tilespmem:s20+$0x1010] =	vst v6  }
0x102: {  	v11 =	vld [tilespmem:s20+$0x810];
	v6 =	vmul.f32 v34, v5;
	[tilespmem:s20+$0x1000] =	vst v7  }
0x103: {  	v41 =	vld [tilespmem:s20+$0x40];
	v7 =	vmul.f32 v35, v5;
	[tilespmem:s20+$0x870] =	vst v8  }
0x104: {  	v9 =	vld [tilespmem:s20+$0x70];
	v8 =	vmul.f32 v36, v5;
	[tilespmem:s20+$0x860] =	vst v6  }
0x105: {  	v42 =	vld [tilespmem:s20+$0x20];
	v6 =	vmul.f32 v10, v5;
	[tilespmem:s20+$0x850] =	vst v7  }
0x106: {  	v43 =	vld [tilespmem:s20+$0x0];
	v7 =	vmul.f32 v37, v5;
	[tilespmem:s20+$0x840] =	vst v8  }
0x107: {  	v44 =	vld [tilespmem:s20+$0xFFFFF860];
	v8 =	vmul.f32 v11, v5;
	[tilespmem:s20+$0x830] =	vst v6  }
0x108: {  	v10 =	vld [tilespmem:s20+$0x30];
	v6 =	vmul.f32 v38, v5;
	[tilespmem:s20+$0x820] =	vst v7  }
0x109: {  	v45 =	vld [tilespmem:s20+$0xFFFFF850];
	v7 =	vmul.f32 v9, v5;
	[tilespmem:s20+$0x810] =	vst v8  }
0x10a: {  	v11 =	vld [tilespmem:s20+$0x10];
	v8 =	vmul.f32 v39, v5;
	[tilespmem:s20+$0x800] =	vst v6  }
0x10b: {  	v46 =	vld [tilespmem:s20+$0xFFFFF840];
	v6 =	vmul.f32 v40, v5;
	[tilespmem:s20+$0x70] =	vst v7  }
0x10c: {  	v9 =	vld [tilespmem:s20+$0xFFFFF870];
	v7 =	vmul.f32 v41, v5;
	[tilespmem:s20+$0x60] =	vst v8  }
0x10d: {  	v47 =	vld [tilespmem:s20+$0xFFFFF820];
	v8 =	vmul.f32 v10, v5;
	[tilespmem:s20+$0x50] =	vst v6  }
0x10e: {  	v48 =	vld [tilespmem:s20+$0xFFFFF800];
	v6 =	vmul.f32 v42, v5;
	[tilespmem:s20+$0x40] =	vst v7  }
0x10f: {  	v49 =	vld [tilespmem:s20+$0xFFFFF060];
	v7 =	vmul.f32 v11, v5;
	[tilespmem:s20+$0x30] =	vst v8  }
0x110: {  	v10 =	vld [tilespmem:s20+$0xFFFFF830];
	v8 =	vmul.f32 v43, v5;
	[tilespmem:s20+$0x20] =	vst v6  }
0x111: {  	v50 =	vld [tilespmem:s20+$0xFFFFF050];
	v6 =	vmul.f32 v9, v5;
	[tilespmem:s20+$0x10] =	vst v7  }
0x112: {  	v11 =	vld [tilespmem:s20+$0xFFFFF810];
	v7 =	vmul.f32 v44, v5;
	[tilespmem:s20+$0x0] =	vst v8  }
0x113: {  	v51 =	vld [tilespmem:s20+$0xFFFFF040];
	v8 =	vmul.f32 v45, v5;
	[tilespmem:s20+$0xFFFFF870] =	vst v6  }
0x114: {  	v9 =	vld [tilespmem:s20+$0xFFFFF070];
	v6 =	vmul.f32 v46, v5;
	[tilespmem:s20+$0xFFFFF860] =	vst v7  }
0x115: {  	v52 =	vld [tilespmem:s20+$0xFFFFF020];
	v7 =	vmul.f32 v10, v5;
	[tilespmem:s20+$0xFFFFF850] =	vst v8  }
0x116: {  	v53 =	vld [tilespmem:s20+$0xFFFFF000];
	v8 =	vmul.f32 v47, v5;
	[tilespmem:s20+$0xFFFFF840] =	vst v6  }
0x117: {  	v54 =	vld [tilespmem:s20+$0xFFFFE860];
	v6 =	vmul.f32 v11, v5;
	[tilespmem:s20+$0xFFFFF830] =	vst v7  }
0x118: {  	v10 =	vld [tilespmem:s20+$0xFFFFF030];
	v7 =	vmul.f32 v48, v5;
	[tilespmem:s20+$0xFFFFF820] =	vst v8  }
0x119: {  	v55 =	vld [tilespmem:s20+$0xFFFFE850];
	v8 =	vmul.f32 v9, v5;
	[tilespmem:s20+$0xFFFFF810] =	vst v6  }
0x11a: {  	v11 =	vld [tilespmem:s20+$0xFFFFF010];
	v6 =	vmul.f32 v49, v5;
	[tilespmem:s20+$0xFFFFF800] =	vst v7  }
0x11b: {  	v56 =	vld [tilespmem:s20+$0xFFFFE840];
	v7 =	vmul.f32 v50, v5;
	[tilespmem:s20+$0xFFFFF070] =	vst v8  }
0x11c: {  	v9 =	vld [tilespmem:s20+$0xFFFFE870];
	v8 =	vmul.f32 v51, v5;
	[tilespmem:s20+$0xFFFFF060] =	vst v6  }
0x11d: {  	v57 =	vld [tilespmem:s20+$0xFFFFE820];
	v6 =	vmul.f32 v10, v5;
	[tilespmem:s20+$0xFFFFF050] =	vst v7  }
0x11e: {  	v58 =	vld [tilespmem:s20+$0xFFFFE800];
	v7 =	vmul.f32 v52, v5;
	[tilespmem:s20+$0xFFFFF040] =	vst v8  }
0x11f: {  	v61 =	vld [tilespmem:s20+$0xFFFFE040];
	v8 =	vmul.f32 v11, v5;
	[tilespmem:s20+$0xFFFFF030] =	vst v6  }
0x120: {  	v10 =	vld [tilespmem:s20+$0xFFFFE830];
	v6 =	vmul.f32 v53, v5;
	[tilespmem:s20+$0xFFFFF020] =	vst v7  }
0x121: {  	v11 =	vld [tilespmem:s20+$0xFFFFE810];
	v7 =	vmul.f32 v9, v5;
	[tilespmem:s20+$0xFFFFF010] =	vst v8  }
0x122: {  	v62 =	vld [tilespmem:s20+$0xFFFFE020];
	v8 =	vmul.f32 v54, v5;
	[tilespmem:s20+$0xFFFFF000] =	vst v6  }
0x123: {  	v9 =	vld [tilespmem:s20+$0xFFFFE070];
	v6 =	vmul.f32 v55, v5;
	[tilespmem:s20+$0xFFFFE870] =	vst v7  }
0x124: {  	v63 =	vld [tilespmem:s20+$0xFFFFE000];
	v7 =	vmul.f32 v56, v5;
	[tilespmem:s20+$0xFFFFE860] =	vst v8  }
0x125: {  	v8 =	vmul.f32 v10, v5;
	v10 =	vld [tilespmem:s20+$0xFFFFE030];
	[tilespmem:s20+$0xFFFFE850] =	vst v6  }
0x126: {  	v6 =	vmul.f32 v57, v5;
	[tilespmem:s20+$0xFFFFE840] =	vst v7;
	v7 =	vmul.f32 v11, v5;
	v11 =	vld [tilespmem:s20+$0xFFFFE010]  }
0x127: {  	[tilespmem:s20+$0xFFFFE830] =	vst v8  }
0x128: {  	v4 =	vmul.f32 v4, v5;
	[tilespmem:s20+$0xFFFFE820] =	vst v6;
	v6 =	vmul.f32 v9, v5  }
0x129: {  	v8 =	vmul.f32 v58, v5;
	v9 =	vmul.f32 v61, v5;
	[tilespmem:s20+$0xFFFFE810] =	vst v7  }
0x12a: {  	s30 =	simm.s32 $0x1;
	s12 =	sshll.u32 s8, $0xE;
	[tilespmem:s20+$0xFFFFE070] =	vst v6;
	v7 =	vmul.f32 v10, v5;
	v6 =	vmul.f32 v62, v5  }
0x12b: {  	s22 =	sshll.u32 s10, $0x4;
	s14 =	sor.u32 $0x1BB0, s12;
	s10 =	smov.u32 s20;
	[tilespmem:s20+$0xFFFFE800] =	vst v8;
	v8 =	vmul.f32 v11, v5;
	v5 =	vmul.f32 v63, v5  }
.LBB2_7:
0x12c: {  	s2 =	smov.u32 s30  }
0x12d: {  	s0 =	sadd.s32 s30, s16;
	[tilespmem:s20+$0xFFFFE040] =	vst v9;
	s10 =	sadd.s32 $0x80, s10;
	s2 =	sadd.s32 $0x1, s30  }
0x12e: {  	p3 =	sne.s32 s30, $0xF;
	v9 =	vmov s0;
	v10 =	vld [tilespmem:s10+$0x1860];
	[tilespmem:s20+$0xFFFFE030] =	vst v7  }
0x12f: {  	v7 =	vld [tilespmem:s10+$0x1850];
	[tilespmem:s20+$0xFFFFE020] =	vst v6  }
0x130: {  	v6 =	vld [tilespmem:s10+$0x1840];
	[tilespmem:s20+$0xFFFFE010] =	vst v8  }
0x131: {  	v8 =	vld [tilespmem:s10+$0x1830];
	[tilespmem:s20+$0xFFFFE000] =	vst v5  }
0x132: {  	v11 =	vld [tilespmem:s10+$0x1820];
	[tilespmem:s20+$0x1870] =	vst v4;
	s20 =	smov.u32 s10  }
0x133: {  	v5 =	vld.idx.msk [tilespmem:v9+s31+$0x0], $0xffff  }
0x134: {  	v4 =	vld [tilespmem:s10+$0x1870]  }
0x135: {  	v9 =	vld [tilespmem:s10+$0x1810]  }
0x136: {  	v12 =	vld [tilespmem:s10+$0x1800]  }
0x137: {  	v13 =	vld [tilespmem:s10+$0x1070]  }
0x138: {  	v14 =	vld [tilespmem:s10+$0x1060]  }
0x139: {  	v11 =	vmul.f32 v11, v5;
	v8 =	vmul.f32 v8, v5;
	v15 =	vld [tilespmem:s10+$0x1050]  }
0x13a: {  	v6 =	vmul.f32 v6, v5;
	v16 =	vld [tilespmem:s10+$0x1040];
	v9 =	vmul.f32 v9, v5  }
0x13b: {  	v7 =	vmul.f32 v7, v5;
	v17 =	vld [tilespmem:s10+$0x1030];
	v12 =	vmul.f32 v12, v5;
	[tilespmem:s10+$0x1820] =	vst v11  }
0x13c: {  	v11 =	vld [tilespmem:s10+$0x1020];
	v13 =	vmul.f32 v13, v5;
	[tilespmem:s10+$0x1830] =	vst v8;
	v8 =	vmul.f32 v10, v5  }
0x13d: {  	v4 =	vmul.f32 v4, v5;
	v10 =	vld [tilespmem:s10+$0x1010];
	v14 =	vmul.f32 v14, v5;
	[tilespmem:s10+$0x1810] =	vst v9  }
0x13e: {  	v9 =	vld [tilespmem:s10+$0x1000];
	v15 =	vmul.f32 v15, v5;
	[tilespmem:s10+$0x1840] =	vst v6  }
0x13f: {  	v6 =	vld [tilespmem:s10+$0x870];
	v16 =	vmul.f32 v16, v5;
	[tilespmem:s10+$0x1800] =	vst v12  }
0x140: {  	v12 =	vld [tilespmem:s10+$0x860];
	v17 =	vmul.f32 v17, v5;
	[tilespmem:s10+$0x1850] =	vst v7  }
0x141: {  	v7 =	vld [tilespmem:s10+$0x850];
	v11 =	vmul.f32 v11, v5;
	[tilespmem:s10+$0x1070] =	vst v13  }
0x142: {  	v13 =	vld [tilespmem:s10+$0x840];
	v10 =	vmul.f32 v10, v5;
	[tilespmem:s10+$0x1860] =	vst v8  }
0x143: {  	v8 =	vld [tilespmem:s10+$0x830];
	v9 =	vmul.f32 v9, v5;
	[tilespmem:s10+$0x1060] =	vst v14  }
0x144: {  	v14 =	vld [tilespmem:s10+$0x820];
	v6 =	vmul.f32 v6, v5;
	[tilespmem:s10+$0x1050] =	vst v15  }
0x145: {  	v15 =	vld [tilespmem:s10+$0x810];
	v12 =	vmul.f32 v12, v5;
	[tilespmem:s10+$0x1040] =	vst v16  }
0x146: {  	v16 =	vld [tilespmem:s10+$0x800];
	v7 =	vmul.f32 v7, v5;
	[tilespmem:s10+$0x1030] =	vst v17  }
0x147: {  	v17 =	vld [tilespmem:s10+$0x70];
	v13 =	vmul.f32 v13, v5;
	[tilespmem:s10+$0x1020] =	vst v11  }
0x148: {  	v11 =	vld [tilespmem:s10+$0x60];
	v8 =	vmul.f32 v8, v5;
	[tilespmem:s10+$0x1010] =	vst v10  }
0x149: {  	v10 =	vld [tilespmem:s10+$0x50];
	v14 =	vmul.f32 v14, v5;
	[tilespmem:s10+$0x1000] =	vst v9  }
0x14a: {  	v9 =	vld [tilespmem:s10+$0x40];
	v15 =	vmul.f32 v15, v5;
	[tilespmem:s10+$0x870] =	vst v6  }
0x14b: {  	v6 =	vld [tilespmem:s10+$0x30];
	v16 =	vmul.f32 v16, v5;
	[tilespmem:s10+$0x860] =	vst v12  }
0x14c: {  	v12 =	vld [tilespmem:s10+$0x20];
	v17 =	vmul.f32 v17, v5;
	[tilespmem:s10+$0x850] =	vst v7  }
0x14d: {  	v7 =	vld [tilespmem:s10+$0x10];
	v11 =	vmul.f32 v11, v5;
	[tilespmem:s10+$0x840] =	vst v13  }
0x14e: {  	v13 =	vld [tilespmem:s10+$0x0];
	v10 =	vmul.f32 v10, v5;
	[tilespmem:s10+$0x830] =	vst v8  }
0x14f: {  	v8 =	vld [tilespmem:s10+$0xFFFFF870];
	v9 =	vmul.f32 v9, v5;
	[tilespmem:s10+$0x820] =	vst v14  }
0x150: {  	v14 =	vld [tilespmem:s10+$0xFFFFF860];
	v6 =	vmul.f32 v6, v5;
	[tilespmem:s10+$0x810] =	vst v15  }
0x151: {  	v15 =	vld [tilespmem:s10+$0xFFFFF850];
	v12 =	vmul.f32 v12, v5;
	[tilespmem:s10+$0x800] =	vst v16  }
0x152: {  	v16 =	vld [tilespmem:s10+$0xFFFFF840];
	v7 =	vmul.f32 v7, v5;
	[tilespmem:s10+$0x70] =	vst v17  }
0x153: {  	v17 =	vld [tilespmem:s10+$0xFFFFF830];
	v13 =	vmul.f32 v13, v5;
	[tilespmem:s10+$0x60] =	vst v11  }
0x154: {  	v11 =	vld [tilespmem:s10+$0xFFFFF820];
	v8 =	vmul.f32 v8, v5;
	[tilespmem:s10+$0x50] =	vst v10  }
0x155: {  	v10 =	vld [tilespmem:s10+$0xFFFFF810];
	v14 =	vmul.f32 v14, v5;
	[tilespmem:s10+$0x40] =	vst v9  }
0x156: {  	v9 =	vld [tilespmem:s10+$0xFFFFF800];
	v15 =	vmul.f32 v15, v5;
	[tilespmem:s10+$0x30] =	vst v6  }
0x157: {  	v6 =	vld [tilespmem:s10+$0xFFFFF070];
	v16 =	vmul.f32 v16, v5;
	[tilespmem:s10+$0x20] =	vst v12  }
0x158: {  	v12 =	vld [tilespmem:s10+$0xFFFFF060];
	v17 =	vmul.f32 v17, v5;
	[tilespmem:s10+$0x10] =	vst v7  }
0x159: {  	v7 =	vld [tilespmem:s10+$0xFFFFF050];
	v11 =	vmul.f32 v11, v5;
	[tilespmem:s10+$0x0] =	vst v13  }
0x15a: {  	v13 =	vld [tilespmem:s10+$0xFFFFF040];
	v10 =	vmul.f32 v10, v5;
	[tilespmem:s10+$0xFFFFF870] =	vst v8  }
0x15b: {  	v8 =	vld [tilespmem:s10+$0xFFFFF030];
	v9 =	vmul.f32 v9, v5;
	[tilespmem:s10+$0xFFFFF860] =	vst v14  }
0x15c: {  	v14 =	vld [tilespmem:s10+$0xFFFFF020];
	v6 =	vmul.f32 v6, v5;
	[tilespmem:s10+$0xFFFFF850] =	vst v15  }
0x15d: {  	v15 =	vld [tilespmem:s10+$0xFFFFF010];
	v12 =	vmul.f32 v12, v5;
	[tilespmem:s10+$0xFFFFF840] =	vst v16  }
0x15e: {  	v16 =	vld [tilespmem:s10+$0xFFFFF000];
	v7 =	vmul.f32 v7, v5;
	[tilespmem:s10+$0xFFFFF830] =	vst v17  }
0x15f: {  	v17 =	vld [tilespmem:s10+$0xFFFFE870];
	v13 =	vmul.f32 v13, v5;
	[tilespmem:s10+$0xFFFFF820] =	vst v11  }
0x160: {  	v11 =	vld [tilespmem:s10+$0xFFFFE860];
	v8 =	vmul.f32 v8, v5;
	[tilespmem:s10+$0xFFFFF810] =	vst v10  }
0x161: {  	v10 =	vld [tilespmem:s10+$0xFFFFE850];
	v14 =	vmul.f32 v14, v5;
	[tilespmem:s10+$0xFFFFF800] =	vst v9  }
0x162: {  	v9 =	vld [tilespmem:s10+$0xFFFFE840];
	v15 =	vmul.f32 v15, v5;
	[tilespmem:s10+$0xFFFFF070] =	vst v6  }
0x163: {  	v6 =	vld [tilespmem:s10+$0xFFFFE830];
	v16 =	vmul.f32 v16, v5;
	[tilespmem:s10+$0xFFFFF060] =	vst v12  }
0x164: {  	v12 =	vld [tilespmem:s10+$0xFFFFE820];
	v17 =	vmul.f32 v17, v5;
	[tilespmem:s10+$0xFFFFF050] =	vst v7  }
0x165: {  	v7 =	vld [tilespmem:s10+$0xFFFFE810];
	v11 =	vmul.f32 v11, v5;
	[tilespmem:s10+$0xFFFFF040] =	vst v13  }
0x166: {  	v13 =	vld [tilespmem:s10+$0xFFFFE800];
	v10 =	vmul.f32 v10, v5;
	[tilespmem:s10+$0xFFFFF030] =	vst v8  }
0x167: {  	v8 =	vld [tilespmem:s10+$0xFFFFE070];
	v9 =	vmul.f32 v9, v5;
	[tilespmem:s10+$0xFFFFF020] =	vst v14  }
0x168: {  	v14 =	vld [tilespmem:s10+$0xFFFFE060];
	v6 =	vmul.f32 v6, v5;
	[tilespmem:s10+$0xFFFFF010] =	vst v15  }
0x169: {  	v15 =	vld [tilespmem:s10+$0xFFFFE050];
	v12 =	vmul.f32 v12, v5;
	[tilespmem:s10+$0xFFFFF000] =	vst v16  }
0x16a: {  	v16 =	vld [tilespmem:s10+$0xFFFFE040];
	v18 =	vmul.f32 v7, v5;
	[tilespmem:s10+$0xFFFFE870] =	vst v17  }
0x16b: {  	v7 =	vld [tilespmem:s10+$0xFFFFE030];
	v13 =	vmul.f32 v13, v5;
	[tilespmem:s10+$0xFFFFE860] =	vst v11  }
0x16c: {  	v11 =	vld [tilespmem:s10+$0xFFFFE020];
	v17 =	vmul.f32 v8, v5;
	[tilespmem:s10+$0xFFFFE850] =	vst v10  }
0x16d: {  	v8 =	vld [tilespmem:s10+$0xFFFFE010];
	v10 =	vmul.f32 v14, v5;
	[tilespmem:s10+$0xFFFFE840] =	vst v9  }
0x16e: {  	v14 =	vld [tilespmem:s10+$0xFFFFE000];
	v15 =	vmul.f32 v15, v5;
	[tilespmem:s10+$0xFFFFE830] =	vst v6  }
0x16f: {  	v9 =	vmul.f32 v16, v5;
	[tilespmem:s10+$0xFFFFE820] =	vst v12  }
.Ltmp4:
0x170: {  	v7 =	vmul.f32 v7, v5;
	[tilespmem:s10+$0xFFFFE810] =	vst v18;
	(pc) =	sbr.rel @p3 .LBB2_7-.Ltmp4, $4  }
0x171: {  	v6 =	vmul.f32 v11, v5;
	[tilespmem:s10+$0xFFFFE800] =	vst v13  }
0x172: {  	v8 =	vmul.f32 v8, v5;
	[tilespmem:s10+$0xFFFFE070] =	vst v17  }
0x173: {  	v5 =	vmul.f32 v14, v5;
	[tilespmem:s10+$0xFFFFE060] =	vst v10  }
0x174: {  	s30 =	smov.u32 s2;
	[tilespmem:s10+$0xFFFFE050] =	vst v15  }
0x175: {  	[tilespmem:s20+$0xFFFFE040] =	vst v9  }
0x176: {  	[tilespmem:s20+$0xFFFFE030] =	vst v7;
	s0 =	sadd.s32 s7, s22  }
0x177: {  	[tilespmem:s20+$0xFFFFE020] =	vst v6;
	s0 =	sshll.u32 s0, $0xC  }
0x178: {  	[tilespmem:s20+$0xFFFFE010] =	vst v8;
	s0 =	sor.u32 s9, s0  }
0x179: {  	[tilespmem:s20+$0xFFFFE000] =	vst v5;
	s10 =	rddreg [dreg:$0x2];
	s0 =	sshrl.u32 s0, $0x3  }
0x17a: {  	[tilespmem:s20+$0x1870] =	vst v4;
	s2 =	sadd.s32 $0x3, s8;
	s8 =	sadd.s32 s10, s0  }
0x17b: {  	[hbm4b:s8+s5] =	stream.strided.scatter [tilespmem:s14], [sflag:s2], $0x800, s11, s5, $0x38;
	[tilespmem:$0x9CB0] =	vst v63  }
0x17c: {  	s20 =	sadd.s32 s0, s15;
	s10 =	sadd.s32 $0x23B0, s12  }
0x17d: {  	[hbm4b:s20+s5] =	stream.strided.scatter [tilespmem:s10], [sflag:s2], $0x800, s11, s5, $0x38;
	[tilespmem:$0x9CB0] =	vst v63  }
0x17e: {  	s30 =	sadd.s32 $0x2BB0, s12;
	s22 =	sadd.s32 s0, s17  }
0x17f: {  	[hbm4b:s22+s5] =	stream.strided.scatter [tilespmem:s30], [sflag:s2], $0x800, s11, s5, $0x38;
	[tilespmem:$0x9CB0] =	vst v63  }
0x180: {  	s14 =	sadd.s32 s0, s18;
	s20 =	sadd.s32 $0x33B0, s12  }
0x181: {  	[hbm4b:s14+s5] =	stream.strided.scatter [tilespmem:s20], [sflag:s2], $0x800, s11, s5, $0x38;
	[tilespmem:$0x9CB0] =	vst v63  }
0x182: {  	s22 =	sadd.s32 s0, s19;
	s30 =	sadd.s32 $0x3BB0, s12  }
0x183: {  	[hbm4b:s22+s5] =	stream.strided.scatter [tilespmem:s30], [sflag:s2], $0x800, s11, s5, $0x38;
	[tilespmem:$0x9CB0] =	vst v63  }
0x184: {  	p3 =	sne.s32 s6, s13;
	s10 =	sadd.s32 s0, s25;
	s14 =	sadd.s32 $0x43B0, s12  }
0x185: {  	[hbm4b:s10+s5] =	stream.strided.scatter [tilespmem:s14], [sflag:s2], $0x800, s11, s5, $0x38;
	[tilespmem:$0x9CB0] =	vst v63  }
.Ltmp5:
0x186: {  	_ = 	snop;
	(pc) =	sbr.rel @p3 .LBB2_6-.Ltmp5, $4  }
0x187: {  	s16 =	sadd.s32 $0x10, s16;
	s20 =	sadd.s32 s0, s26;
	s22 =	sadd.s32 $0x4BB0, s12  }
0x188: {  	[hbm4b:s20+s5] =	stream.strided.scatter [tilespmem:s22], [sflag:s2], $0x800, s11, s5, $0x38;
	[tilespmem:$0x9CB0] =	vst v63  }
0x189: {  	p2 =	por !p2, !p2;
	s0 =	sadd.s32 s0, s28;
	s30 =	sadd.s32 $0x53B0, s12  }
0x18a: {  	[hbm4b:s0+s5] =	stream.strided.scatter [tilespmem:s30], [sflag:s2], $0x800, s11, s5, $0x38;
	[tilespmem:$0x9CB0] =	vst v63  }
.Ltmp6:
0x18b: {  	(pc) =	sbr.rel @p1 .LBB2_18-.Ltmp6, $4  }
0x18c: {  	s0 =	rddreg [dreg:$0xe]  }
0x18d: {  	_ =	swait.ge [sflag:s0], $0x4000  }
0x18e: {  	[sflag:s0] =	ssyncset.done $0x0  }
0x18f: {  	s2 =	rddreg [dreg:$0x10];
	[sflag:s0] =	ssyncadd.s32 $0xFFFFC000  }
0x190: {  	v4 =	vld [tilespmem:s21+$0x1A10];
	_ =	sdelay $0x4  }
0x191: {  	v5 =	vshll.u32 v4, $0x3  }
0x192: {  	v4 =	vand.u32 $0x7, v4;
	v5 =	vand.u32 $0xFFFFFFC0, v5  }
0x193: {  	v4 =	vor.u32 v4, v5  }
0x194: {  	[tilespmem:$0x9BB0] =	vst v4;
	v5 =	vor.u32 $0x8, v4  }
0x195: {  	[tilespmem:$0x9BC0] =	vst v5;
	v5 =	vor.u32 $0x10, v4  }
0x196: {  	[tilespmem:$0x9BD0] =	vst v5;
	v5 =	vor.u32 $0x18, v4  }
0x197: {  	[tilespmem:$0x9BE0] =	vst v5;
	v5 =	vor.u32 $0x20, v4  }
0x198: {  	[tilespmem:$0x9BF0] =	vst v5;
	v5 =	vor.u32 $0x28, v4  }
0x199: {  	[tilespmem:$0x9C00] =	vst v5;
	v5 =	vor.u32 $0x30, v4  }
0x19a: {  	s0 =	rddreg [dreg:$0x0];
	v4 =	vor.u32 $0x38, v4;
	[tilespmem:$0x9C10] =	vst v5  }
0x19b: {  	s2 =	simm.s32 $0x9BB0;
	s6 =	simm.s32 $0x1BB0;
	s22 =	simm.s32 $0x1;
	[tilespmem:$0x9C20] =	vst v4  }
0x19c: {  	[tilespmem:s6], [sflag:$0x1] =	stream.indirect.gather [hbm4b:s0+s5], $0x80, s2, s5, $0xb8;
	[tilespmem:$0x9CB0] =	vst v63  }
0x19d: {  	_ =	swait.ge [sflag:s22], $0x4000  }
0x19e: {  	[sflag:s22] =	ssyncset.done $0x0  }
0x19f: {  	s30 =	sadd.s32 $0x0, s21;
	s6 =	simm.s32 $0x3BB0;
	[sflag:s22] =	ssyncadd.s32 $0xFFFFC000  }
0x1a0: {  	v4 =	vmov s30;
	v6 =	vld [tilespmem:s6+$0x1860]  }
0x1a1: {  	v7 =	vld [tilespmem:s6+$0x1850]  }
0x1a2: {  	v8 =	vld [tilespmem:s6+$0x1840]  }
0x1a3: {  	v9 =	vld [tilespmem:s6+$0x1830]  }
0x1a4: {  	v10 =	vld [tilespmem:s6+$0x1820]  }
0x1a5: {  	v5 =	vld.idx.msk [tilespmem:v4+s31+$0x0], $0xffff  }
0x1a6: {  	v4 =	vld [tilespmem:s6+$0x1870]  }
0x1a7: {  	v11 =	vld [tilespmem:s6+$0x1810]  }
0x1a8: {  	v12 =	vld [tilespmem:s6+$0x1800]  }
0x1a9: {  	v13 =	vld [tilespmem:s6+$0x1070]  }
0x1aa: {  	v14 =	vld [tilespmem:s6+$0x1060];
	v10 =	vmul.f32 v10, v5  }
0x1ab: {  	v15 =	vld [tilespmem:s6+$0x1050];
	v9 =	vmul.f32 v9, v5  }
0x1ac: {  	v16 =	vld [tilespmem:s6+$0x1040];
	v11 =	vmul.f32 v11, v5;
	[tilespmem:s6+$0x1820] =	vst v10  }
0x1ad: {  	v32 =	vld [tilespmem:s6+$0x1020];
	v8 =	vmul.f32 v8, v5;
	[tilespmem:s6+$0x1830] =	vst v9  }
0x1ae: {  	v33 =	vld [tilespmem:s6+$0x1000];
	v7 =	vmul.f32 v7, v5;
	[tilespmem:s6+$0x1810] =	vst v11  }
0x1af: {  	v59 =	vld [tilespmem:s6+$0xFFFFE060];
	v6 =	vmul.f32 v6, v5;
	[tilespmem:s6+$0x1840] =	vst v8  }
0x1b0: {  	v34 =	vld [tilespmem:s6+$0x860];
	v9 =	vmul.f32 v12, v5;
	[tilespmem:s6+$0x1850] =	vst v7  }
0x1b1: {  	v60 =	vld [tilespmem:s6+$0xFFFFE050];
	v8 =	vmul.f32 v13, v5;
	[tilespmem:s6+$0x1860] =	vst v6  }
0x1b2: {  	v35 =	vld [tilespmem:s6+$0x850];
	v7 =	vmul.f32 v14, v5;
	[tilespmem:s6+$0x1800] =	vst v9  }
0x1b3: {  	v10 =	vld [tilespmem:s6+$0x1030];
	v6 =	vmul.f32 v16, v5;
	[tilespmem:s6+$0x1070] =	vst v8  }
0x1b4: {  	v11 =	vld [tilespmem:s6+$0x1010];
	v14 =	vmul.f32 v59, v5;
	[tilespmem:s6+$0x1060] =	vst v7  }
0x1b5: {  	v36 =	vld [tilespmem:s6+$0x840];
	v8 =	vmul.f32 v15, v5;
	[tilespmem:s6+$0x1040] =	vst v6  }
0x1b6: {  	v9 =	vld [tilespmem:s6+$0x870];
	v15 =	vmul.f32 v60, v5;
	[tilespmem:s6+$0xFFFFE060] =	vst v14  }
0x1b7: {  	v37 =	vld [tilespmem:s6+$0x820];
	[tilespmem:s6+$0x1050] =	vst v8;
	v8 =	vmul.f32 v32, v5  }
0x1b8: {  	v38 =	vld [tilespmem:s6+$0x800];
	[tilespmem:s6+$0xFFFFE050] =	vst v15;
	v7 =	vmul.f32 v10, v5  }
0x1b9: {  	v39 =	vld [tilespmem:s6+$0x60];
	v6 =	vmul.f32 v11, v5;
	[tilespmem:s6+$0x1020] =	vst v8  }
0x1ba: {  	v10 =	vld [tilespmem:s6+$0x830];
	[tilespmem:s6+$0x1030] =	vst v7;
	v7 =	vmul.f32 v33, v5  }
0x1bb: {  	v40 =	vld [tilespmem:s6+$0x50];
	v8 =	vmul.f32 v9, v5;
	[tilespmem:s6+$0x1010] =	vst v6  }
0x1bc: {  	v11 =	vld [tilespmem:s6+$0x810];
	v6 =	vmul.f32 v34, v5;
	[tilespmem:s6+$0x1000] =	vst v7  }
0x1bd: {  	v41 =	vld [tilespmem:s6+$0x40];
	v7 =	vmul.f32 v35, v5;
	[tilespmem:s6+$0x870] =	vst v8  }
0x1be: {  	v9 =	vld [tilespmem:s6+$0x70];
	v8 =	vmul.f32 v36, v5;
	[tilespmem:s6+$0x860] =	vst v6  }
0x1bf: {  	v42 =	vld [tilespmem:s6+$0x20];
	v6 =	vmul.f32 v10, v5;
	[tilespmem:s6+$0x850] =	vst v7  }
0x1c0: {  	v43 =	vld [tilespmem:s6+$0x0];
	v7 =	vmul.f32 v37, v5;
	[tilespmem:s6+$0x840] =	vst v8  }
0x1c1: {  	v44 =	vld [tilespmem:s6+$0xFFFFF860];
	v8 =	vmul.f32 v11, v5;
	[tilespmem:s6+$0x830] =	vst v6  }
0x1c2: {  	v10 =	vld [tilespmem:s6+$0x30];
	v6 =	vmul.f32 v38, v5;
	[tilespmem:s6+$0x820] =	vst v7  }
0x1c3: {  	v45 =	vld [tilespmem:s6+$0xFFFFF850];
	v7 =	vmul.f32 v9, v5;
	[tilespmem:s6+$0x810] =	vst v8  }
0x1c4: {  	v11 =	vld [tilespmem:s6+$0x10];
	v8 =	vmul.f32 v39, v5;
	[tilespmem:s6+$0x800] =	vst v6  }
0x1c5: {  	v46 =	vld [tilespmem:s6+$0xFFFFF840];
	v6 =	vmul.f32 v40, v5;
	[tilespmem:s6+$0x70] =	vst v7  }
0x1c6: {  	v9 =	vld [tilespmem:s6+$0xFFFFF870];
	v7 =	vmul.f32 v41, v5;
	[tilespmem:s6+$0x60] =	vst v8  }
0x1c7: {  	v47 =	vld [tilespmem:s6+$0xFFFFF820];
	v8 =	vmul.f32 v10, v5;
	[tilespmem:s6+$0x50] =	vst v6  }
0x1c8: {  	v48 =	vld [tilespmem:s6+$0xFFFFF800];
	v6 =	vmul.f32 v42, v5;
	[tilespmem:s6+$0x40] =	vst v7  }
0x1c9: {  	v49 =	vld [tilespmem:s6+$0xFFFFF060];
	v7 =	vmul.f32 v11, v5;
	[tilespmem:s6+$0x30] =	vst v8  }
0x1ca: {  	v10 =	vld [tilespmem:s6+$0xFFFFF830];
	v8 =	vmul.f32 v43, v5;
	[tilespmem:s6+$0x20] =	vst v6  }
0x1cb: {  	v50 =	vld [tilespmem:s6+$0xFFFFF050];
	v6 =	vmul.f32 v9, v5;
	[tilespmem:s6+$0x10] =	vst v7  }
0x1cc: {  	v11 =	vld [tilespmem:s6+$0xFFFFF810];
	v7 =	vmul.f32 v44, v5;
	[tilespmem:s6+$0x0] =	vst v8  }
0x1cd: {  	v51 =	vld [tilespmem:s6+$0xFFFFF040];
	v8 =	vmul.f32 v45, v5;
	[tilespmem:s6+$0xFFFFF870] =	vst v6  }
0x1ce: {  	v9 =	vld [tilespmem:s6+$0xFFFFF070];
	v6 =	vmul.f32 v46, v5;
	[tilespmem:s6+$0xFFFFF860] =	vst v7  }
0x1cf: {  	v52 =	vld [tilespmem:s6+$0xFFFFF020];
	v7 =	vmul.f32 v10, v5;
	[tilespmem:s6+$0xFFFFF850] =	vst v8  }
0x1d0: {  	v53 =	vld [tilespmem:s6+$0xFFFFF000];
	v8 =	vmul.f32 v47, v5;
	[tilespmem:s6+$0xFFFFF840] =	vst v6  }
0x1d1: {  	v54 =	vld [tilespmem:s6+$0xFFFFE860];
	v6 =	vmul.f32 v11, v5;
	[tilespmem:s6+$0xFFFFF830] =	vst v7  }
0x1d2: {  	v10 =	vld [tilespmem:s6+$0xFFFFF030];
	v7 =	vmul.f32 v48, v5;
	[tilespmem:s6+$0xFFFFF820] =	vst v8  }
0x1d3: {  	v55 =	vld [tilespmem:s6+$0xFFFFE850];
	v8 =	vmul.f32 v9, v5;
	[tilespmem:s6+$0xFFFFF810] =	vst v6  }
0x1d4: {  	v11 =	vld [tilespmem:s6+$0xFFFFF010];
	v6 =	vmul.f32 v49, v5;
	[tilespmem:s6+$0xFFFFF800] =	vst v7  }
0x1d5: {  	v56 =	vld [tilespmem:s6+$0xFFFFE840];
	v7 =	vmul.f32 v50, v5;
	[tilespmem:s6+$0xFFFFF070] =	vst v8  }
0x1d6: {  	v9 =	vld [tilespmem:s6+$0xFFFFE870];
	v8 =	vmul.f32 v51, v5;
	[tilespmem:s6+$0xFFFFF060] =	vst v6  }
0x1d7: {  	v57 =	vld [tilespmem:s6+$0xFFFFE820];
	v6 =	vmul.f32 v10, v5;
	[tilespmem:s6+$0xFFFFF050] =	vst v7  }
0x1d8: {  	v58 =	vld [tilespmem:s6+$0xFFFFE800];
	v7 =	vmul.f32 v52, v5;
	[tilespmem:s6+$0xFFFFF040] =	vst v8  }
0x1d9: {  	v61 =	vld [tilespmem:s6+$0xFFFFE040];
	v8 =	vmul.f32 v11, v5;
	[tilespmem:s6+$0xFFFFF030] =	vst v6  }
0x1da: {  	v10 =	vld [tilespmem:s6+$0xFFFFE830];
	v6 =	vmul.f32 v53, v5;
	[tilespmem:s6+$0xFFFFF020] =	vst v7  }
0x1db: {  	v11 =	vld [tilespmem:s6+$0xFFFFE810];
	v7 =	vmul.f32 v9, v5;
	[tilespmem:s6+$0xFFFFF010] =	vst v8  }
0x1dc: {  	v62 =	vld [tilespmem:s6+$0xFFFFE020];
	v8 =	vmul.f32 v54, v5;
	[tilespmem:s6+$0xFFFFF000] =	vst v6  }
0x1dd: {  	v9 =	vld [tilespmem:s6+$0xFFFFE070];
	v6 =	vmul.f32 v55, v5;
	[tilespmem:s6+$0xFFFFE870] =	vst v7  }
0x1de: {  	v63 =	vld [tilespmem:s6+$0xFFFFE000];
	v7 =	vmul.f32 v56, v5;
	[tilespmem:s6+$0xFFFFE860] =	vst v8  }
0x1df: {  	v8 =	vmul.f32 v10, v5;
	v10 =	vld [tilespmem:s6+$0xFFFFE030];
	[tilespmem:s6+$0xFFFFE850] =	vst v6  }
0x1e0: {  	v6 =	vmul.f32 v57, v5;
	[tilespmem:s6+$0xFFFFE840] =	vst v7;
	v7 =	vmul.f32 v11, v5;
	v11 =	vld [tilespmem:s6+$0xFFFFE010]  }
0x1e1: {  	[tilespmem:s6+$0xFFFFE830] =	vst v8  }
0x1e2: {  	v4 =	vmul.f32 v4, v5;
	[tilespmem:s6+$0xFFFFE820] =	vst v6;
	v6 =	vmul.f32 v9, v5  }
0x1e3: {  	v8 =	vmul.f32 v58, v5;
	v9 =	vmul.f32 v61, v5;
	[tilespmem:s6+$0xFFFFE810] =	vst v7  }
0x1e4: {  	v7 =	vmul.f32 v62, v5;
	[tilespmem:s6+$0xFFFFE070] =	vst v6;
	v6 =	vmul.f32 v10, v5  }
0x1e5: {  	s8 =	simm.s32 $0x3BB0;
	s2 =	simm.s32 $0x1;
	[tilespmem:s6+$0xFFFFE800] =	vst v8;
	v8 =	vmul.f32 v11, v5;
	v5 =	vmul.f32 v63, v5  }
.LBB2_11:
0x1e6: {  	s10 =	smov.u32 s2  }
0x1e7: {  	s0 =	sadd.s32 s2, s21;
	[tilespmem:s6+$0xFFFFE040] =	vst v9;
	s8 =	sadd.s32 $0x80, s8;
	s10 =	sadd.s32 $0x1, s2  }
0x1e8: {  	p2 =	sne.s32 s2, $0xF;
	v9 =	vmov s0;
	v10 =	vld [tilespmem:s8+$0x1860];
	[tilespmem:s6+$0xFFFFE030] =	vst v6  }
0x1e9: {  	v6 =	vld [tilespmem:s8+$0x1850];
	[tilespmem:s6+$0xFFFFE020] =	vst v7  }
0x1ea: {  	v7 =	vld [tilespmem:s8+$0x1840];
	[tilespmem:s6+$0xFFFFE010] =	vst v8  }
0x1eb: {  	v8 =	vld [tilespmem:s8+$0x1830];
	[tilespmem:s6+$0xFFFFE000] =	vst v5  }
0x1ec: {  	v11 =	vld [tilespmem:s8+$0x1820];
	[tilespmem:s6+$0x1870] =	vst v4;
	s6 =	smov.u32 s8  }
0x1ed: {  	v5 =	vld.idx.msk [tilespmem:v9+s31+$0x0], $0xffff  }
0x1ee: {  	v4 =	vld [tilespmem:s8+$0x1870]  }
0x1ef: {  	v9 =	vld [tilespmem:s8+$0x1810]  }
0x1f0: {  	v12 =	vld [tilespmem:s8+$0x1800]  }
0x1f1: {  	v13 =	vld [tilespmem:s8+$0x1070]  }
0x1f2: {  	v14 =	vld [tilespmem:s8+$0x1060]  }
0x1f3: {  	v11 =	vmul.f32 v11, v5;
	v8 =	vmul.f32 v8, v5;
	v15 =	vld [tilespmem:s8+$0x1050]  }
0x1f4: {  	v7 =	vmul.f32 v7, v5;
	v16 =	vld [tilespmem:s8+$0x1040];
	v9 =	vmul.f32 v9, v5  }
0x1f5: {  	v6 =	vmul.f32 v6, v5;
	v17 =	vld [tilespmem:s8+$0x1030];
	v12 =	vmul.f32 v12, v5;
	[tilespmem:s8+$0x1820] =	vst v11  }
0x1f6: {  	v11 =	vld [tilespmem:s8+$0x1020];
	v13 =	vmul.f32 v13, v5;
	[tilespmem:s8+$0x1830] =	vst v8;
	v8 =	vmul.f32 v10, v5  }
0x1f7: {  	v4 =	vmul.f32 v4, v5;
	v10 =	vld [tilespmem:s8+$0x1010];
	v14 =	vmul.f32 v14, v5;
	[tilespmem:s8+$0x1810] =	vst v9  }
0x1f8: {  	v9 =	vld [tilespmem:s8+$0x1000];
	v15 =	vmul.f32 v15, v5;
	[tilespmem:s8+$0x1840] =	vst v7  }
0x1f9: {  	v7 =	vld [tilespmem:s8+$0x870];
	v16 =	vmul.f32 v16, v5;
	[tilespmem:s8+$0x1800] =	vst v12  }
0x1fa: {  	v12 =	vld [tilespmem:s8+$0x860];
	v17 =	vmul.f32 v17, v5;
	[tilespmem:s8+$0x1850] =	vst v6  }
0x1fb: {  	v6 =	vld [tilespmem:s8+$0x850];
	v11 =	vmul.f32 v11, v5;
	[tilespmem:s8+$0x1070] =	vst v13  }
0x1fc: {  	v13 =	vld [tilespmem:s8+$0x840];
	v10 =	vmul.f32 v10, v5;
	[tilespmem:s8+$0x1860] =	vst v8  }
0x1fd: {  	v8 =	vld [tilespmem:s8+$0x830];
	v9 =	vmul.f32 v9, v5;
	[tilespmem:s8+$0x1060] =	vst v14  }
0x1fe: {  	v14 =	vld [tilespmem:s8+$0x820];
	v7 =	vmul.f32 v7, v5;
	[tilespmem:s8+$0x1050] =	vst v15  }
0x1ff: {  	v15 =	vld [tilespmem:s8+$0x810];
	v12 =	vmul.f32 v12, v5;
	[tilespmem:s8+$0x1040] =	vst v16  }
0x200: {  	v16 =	vld [tilespmem:s8+$0x800];
	v6 =	vmul.f32 v6, v5;
	[tilespmem:s8+$0x1030] =	vst v17  }
0x201: {  	v17 =	vld [tilespmem:s8+$0x70];
	v13 =	vmul.f32 v13, v5;
	[tilespmem:s8+$0x1020] =	vst v11  }
0x202: {  	v11 =	vld [tilespmem:s8+$0x60];
	v8 =	vmul.f32 v8, v5;
	[tilespmem:s8+$0x1010] =	vst v10  }
0x203: {  	v10 =	vld [tilespmem:s8+$0x50];
	v14 =	vmul.f32 v14, v5;
	[tilespmem:s8+$0x1000] =	vst v9  }
0x204: {  	v9 =	vld [tilespmem:s8+$0x40];
	v15 =	vmul.f32 v15, v5;
	[tilespmem:s8+$0x870] =	vst v7  }
0x205: {  	v7 =	vld [tilespmem:s8+$0x30];
	v16 =	vmul.f32 v16, v5;
	[tilespmem:s8+$0x860] =	vst v12  }
0x206: {  	v12 =	vld [tilespmem:s8+$0x20];
	v17 =	vmul.f32 v17, v5;
	[tilespmem:s8+$0x850] =	vst v6  }
0x207: {  	v6 =	vld [tilespmem:s8+$0x10];
	v11 =	vmul.f32 v11, v5;
	[tilespmem:s8+$0x840] =	vst v13  }
0x208: {  	v13 =	vld [tilespmem:s8+$0x0];
	v10 =	vmul.f32 v10, v5;
	[tilespmem:s8+$0x830] =	vst v8  }
0x209: {  	v8 =	vld [tilespmem:s8+$0xFFFFF870];
	v9 =	vmul.f32 v9, v5;
	[tilespmem:s8+$0x820] =	vst v14  }
0x20a: {  	v14 =	vld [tilespmem:s8+$0xFFFFF860];
	v7 =	vmul.f32 v7, v5;
	[tilespmem:s8+$0x810] =	vst v15  }
0x20b: {  	v15 =	vld [tilespmem:s8+$0xFFFFF850];
	v12 =	vmul.f32 v12, v5;
	[tilespmem:s8+$0x800] =	vst v16  }
0x20c: {  	v16 =	vld [tilespmem:s8+$0xFFFFF840];
	v6 =	vmul.f32 v6, v5;
	[tilespmem:s8+$0x70] =	vst v17  }
0x20d: {  	v17 =	vld [tilespmem:s8+$0xFFFFF830];
	v13 =	vmul.f32 v13, v5;
	[tilespmem:s8+$0x60] =	vst v11  }
0x20e: {  	v11 =	vld [tilespmem:s8+$0xFFFFF820];
	v8 =	vmul.f32 v8, v5;
	[tilespmem:s8+$0x50] =	vst v10  }
0x20f: {  	v10 =	vld [tilespmem:s8+$0xFFFFF810];
	v14 =	vmul.f32 v14, v5;
	[tilespmem:s8+$0x40] =	vst v9  }
0x210: {  	v9 =	vld [tilespmem:s8+$0xFFFFF800];
	v15 =	vmul.f32 v15, v5;
	[tilespmem:s8+$0x30] =	vst v7  }
0x211: {  	v7 =	vld [tilespmem:s8+$0xFFFFF070];
	v16 =	vmul.f32 v16, v5;
	[tilespmem:s8+$0x20] =	vst v12  }
0x212: {  	v12 =	vld [tilespmem:s8+$0xFFFFF060];
	v17 =	vmul.f32 v17, v5;
	[tilespmem:s8+$0x10] =	vst v6  }
0x213: {  	v6 =	vld [tilespmem:s8+$0xFFFFF050];
	v11 =	vmul.f32 v11, v5;
	[tilespmem:s8+$0x0] =	vst v13  }
0x214: {  	v13 =	vld [tilespmem:s8+$0xFFFFF040];
	v10 =	vmul.f32 v10, v5;
	[tilespmem:s8+$0xFFFFF870] =	vst v8  }
0x215: {  	v8 =	vld [tilespmem:s8+$0xFFFFF030];
	v9 =	vmul.f32 v9, v5;
	[tilespmem:s8+$0xFFFFF860] =	vst v14  }
0x216: {  	v14 =	vld [tilespmem:s8+$0xFFFFF020];
	v7 =	vmul.f32 v7, v5;
	[tilespmem:s8+$0xFFFFF850] =	vst v15  }
0x217: {  	v15 =	vld [tilespmem:s8+$0xFFFFF010];
	v12 =	vmul.f32 v12, v5;
	[tilespmem:s8+$0xFFFFF840] =	vst v16  }
0x218: {  	v16 =	vld [tilespmem:s8+$0xFFFFF000];
	v6 =	vmul.f32 v6, v5;
	[tilespmem:s8+$0xFFFFF830] =	vst v17  }
0x219: {  	v17 =	vld [tilespmem:s8+$0xFFFFE870];
	v13 =	vmul.f32 v13, v5;
	[tilespmem:s8+$0xFFFFF820] =	vst v11  }
0x21a: {  	v11 =	vld [tilespmem:s8+$0xFFFFE860];
	v8 =	vmul.f32 v8, v5;
	[tilespmem:s8+$0xFFFFF810] =	vst v10  }
0x21b: {  	v10 =	vld [tilespmem:s8+$0xFFFFE850];
	v14 =	vmul.f32 v14, v5;
	[tilespmem:s8+$0xFFFFF800] =	vst v9  }
0x21c: {  	v9 =	vld [tilespmem:s8+$0xFFFFE840];
	v15 =	vmul.f32 v15, v5;
	[tilespmem:s8+$0xFFFFF070] =	vst v7  }
0x21d: {  	v7 =	vld [tilespmem:s8+$0xFFFFE830];
	v16 =	vmul.f32 v16, v5;
	[tilespmem:s8+$0xFFFFF060] =	vst v12  }
0x21e: {  	v12 =	vld [tilespmem:s8+$0xFFFFE820];
	v17 =	vmul.f32 v17, v5;
	[tilespmem:s8+$0xFFFFF050] =	vst v6  }
0x21f: {  	v6 =	vld [tilespmem:s8+$0xFFFFE810];
	v11 =	vmul.f32 v11, v5;
	[tilespmem:s8+$0xFFFFF040] =	vst v13  }
0x220: {  	v13 =	vld [tilespmem:s8+$0xFFFFE800];
	v10 =	vmul.f32 v10, v5;
	[tilespmem:s8+$0xFFFFF030] =	vst v8  }
0x221: {  	v8 =	vld [tilespmem:s8+$0xFFFFE070];
	v9 =	vmul.f32 v9, v5;
	[tilespmem:s8+$0xFFFFF020] =	vst v14  }
0x222: {  	v14 =	vld [tilespmem:s8+$0xFFFFE060];
	v7 =	vmul.f32 v7, v5;
	[tilespmem:s8+$0xFFFFF010] =	vst v15  }
0x223: {  	v15 =	vld [tilespmem:s8+$0xFFFFE050];
	v12 =	vmul.f32 v12, v5;
	[tilespmem:s8+$0xFFFFF000] =	vst v16  }
0x224: {  	v16 =	vld [tilespmem:s8+$0xFFFFE040];
	v18 =	vmul.f32 v6, v5;
	[tilespmem:s8+$0xFFFFE870] =	vst v17  }
0x225: {  	v6 =	vld [tilespmem:s8+$0xFFFFE030];
	v13 =	vmul.f32 v13, v5;
	[tilespmem:s8+$0xFFFFE860] =	vst v11  }
0x226: {  	v11 =	vld [tilespmem:s8+$0xFFFFE020];
	v17 =	vmul.f32 v8, v5;
	[tilespmem:s8+$0xFFFFE850] =	vst v10  }
0x227: {  	v8 =	vld [tilespmem:s8+$0xFFFFE010];
	v10 =	vmul.f32 v14, v5;
	[tilespmem:s8+$0xFFFFE840] =	vst v9  }
0x228: {  	v14 =	vld [tilespmem:s8+$0xFFFFE000];
	v15 =	vmul.f32 v15, v5;
	[tilespmem:s8+$0xFFFFE830] =	vst v7  }
0x229: {  	v9 =	vmul.f32 v16, v5;
	[tilespmem:s8+$0xFFFFE820] =	vst v12  }
.Ltmp7:
0x22a: {  	v6 =	vmul.f32 v6, v5;
	[tilespmem:s8+$0xFFFFE810] =	vst v18;
	(pc) =	sbr.rel @p2 .LBB2_11-.Ltmp7, $4  }
0x22b: {  	v7 =	vmul.f32 v11, v5;
	[tilespmem:s8+$0xFFFFE800] =	vst v13  }
0x22c: {  	v8 =	vmul.f32 v8, v5;
	[tilespmem:s8+$0xFFFFE070] =	vst v17  }
0x22d: {  	v5 =	vmul.f32 v14, v5;
	[tilespmem:s8+$0xFFFFE060] =	vst v10  }
0x22e: {  	s2 =	smov.u32 s10;
	[tilespmem:s8+$0xFFFFE050] =	vst v15  }
0x22f: {  	[tilespmem:s6+$0xFFFFE040] =	vst v9;
	p3 =	sne.s32 s23, $0x200  }
.Ltmp8:
0x230: {  	[tilespmem:s6+$0xFFFFE030] =	vst v6;
	(pc) =	sbr.rel @!p3 .LBB2_17-.Ltmp8, $4  }
0x231: {  	[tilespmem:s6+$0xFFFFE020] =	vst v7  }
0x232: {  	[tilespmem:s6+$0xFFFFE010] =	vst v8  }
0x233: {  	[tilespmem:s6+$0xFFFFE000] =	vst v5  }
0x234: {  	[tilespmem:s6+$0x1870] =	vst v4;
	s10 =	sadd.s32 $0x0, s24;
	s6 =	simm.s32 $0x0;
	p2 =	por $0x0, $0x0  }
0x235: {  	s0 =	simm.s32 $0x1BB0  }
0x236: {  	[hbm4b:s10+s4] =	stream.linear.scatter [tilespmem:s0], [sflag:$0x5], $0x80, $0x38;
	[tilespmem:$0x9CB0] =	vst v63  }
0x237: {  	_ =	swait.ge [sflag:s29], $0x80  }
0x238: {  	[sflag:s29] =	ssyncset.done $0x0  }
0x239: {  	s14 =	sadd.s32 $0x40, s10;
	s2 =	simm.s32 $0x23B0;
	[sflag:s29] =	ssyncadd.s32 $0xFFFFFF80  }
0x23a: {  	[hbm4b:s14+s4] =	stream.linear.scatter [tilespmem:s2], [sflag:$0x5], $0x80, $0x38;
	[tilespmem:$0x9CB0] =	vst v63  }
0x23b: {  	_ =	swait.ge [sflag:s29], $0x80  }
0x23c: {  	[sflag:s29] =	ssyncset.done $0x0  }
0x23d: {  	s16 =	sadd.s32 $0x80, s10;
	s20 =	simm.s32 $0x2BB0;
	[sflag:s29] =	ssyncadd.s32 $0xFFFFFF80  }
0x23e: {  	[hbm4b:s16+s4] =	stream.linear.scatter [tilespmem:s20], [sflag:$0x5], $0x80, $0x38;
	[tilespmem:$0x9CB0] =	vst v63  }
0x23f: {  	_ =	swait.ge [sflag:s29], $0x80  }
0x240: {  	[sflag:s29] =	ssyncset.done $0x0  }
0x241: {  	s22 =	sadd.s32 $0xC0, s10;
	s30 =	simm.s32 $0x33B0;
	[sflag:s29] =	ssyncadd.s32 $0xFFFFFF80  }
0x242: {  	[hbm4b:s22+s4] =	stream.linear.scatter [tilespmem:s30], [sflag:$0x5], $0x80, $0x38;
	[tilespmem:$0x9CB0] =	vst v63  }
0x243: {  	_ =	swait.ge [sflag:s29], $0x80  }
0x244: {  	[sflag:s29] =	ssyncset.done $0x0  }
0x245: {  	s6 =	sadd.s32 $0x100, s10;
	s8 =	simm.s32 $0x3BB0;
	[sflag:s29] =	ssyncadd.s32 $0xFFFFFF80  }
0x246: {  	[hbm4b:s6+s4] =	stream.linear.scatter [tilespmem:s8], [sflag:$0x5], $0x80, $0x38;
	[tilespmem:$0x9CB0] =	vst v63  }
0x247: {  	_ =	swait.ge [sflag:s29], $0x80  }
0x248: {  	[sflag:s29] =	ssyncset.done $0x0  }
0x249: {  	s12 =	sadd.s32 $0x140, s10;
	s14 =	simm.s32 $0x43B0;
	[sflag:s29] =	ssyncadd.s32 $0xFFFFFF80  }
0x24a: {  	[hbm4b:s12+s4] =	stream.linear.scatter [tilespmem:s14], [sflag:$0x5], $0x80, $0x38;
	[tilespmem:$0x9CB0] =	vst v63  }
0x24b: {  	_ =	swait.ge [sflag:s29], $0x80  }
0x24c: {  	[sflag:s29] =	ssyncset.done $0x0  }
0x24d: {  	s16 =	sadd.s32 $0x180, s10;
	s20 =	simm.s32 $0x4BB0;
	[sflag:s29] =	ssyncadd.s32 $0xFFFFFF80  }
0x24e: {  	[hbm4b:s16+s4] =	stream.linear.scatter [tilespmem:s20], [sflag:$0x5], $0x80, $0x38;
	[tilespmem:$0x9CB0] =	vst v63  }
0x24f: {  	p3 =	sne.s32 s23, $0x400;
	_ =	swait.ge [sflag:s29], $0x80  }
.Ltmp9:
0x250: {  	[sflag:s29] =	ssyncset.done $0x0;
	(pc) =	sbr.rel @!p3 .LBB2_14-.Ltmp9, $4  }
0x251: {  	s22 =	sadd.s32 $0x1C0, s10;
	s30 =	simm.s32 $0x53B0;
	[sflag:s29] =	ssyncadd.s32 $0xFFFFFF80  }
0x252: {  	[hbm4b:s22+s4] =	stream.linear.scatter [tilespmem:s30], [sflag:$0x5], $0x80, $0x38;
	[tilespmem:$0x9CB0] =	vst v63  }
0x253: {  	p2 =	por $0x1, $0x1;
	s10 =	simm.s32 $0x400;
	_ =	swait.ge [sflag:s29], $0x80  }
0x254: {  	s8 =	sadd.s32 $0x200, s24;
	s6 =	simm.s32 $0x80;
	[sflag:s29] =	ssyncset.done $0x0  }
.LBB2_15:
0x255: {  	s12 =	sadd.s32 s10, s24;
	s0 =	sadd.s32 $0x1BB0, s6;
	[sflag:s29] =	ssyncadd.s32 $0xFFFFFF80  }
0x256: {  	[hbm4b:s8+s4] =	stream.linear.scatter [tilespmem:s0], [sflag:$0x5], $0x80, $0x38;
	[tilespmem:$0x9CB0] =	vst v63  }
0x257: {  	s14 =	smov.u32 s10;
	s10 =	sadd.s32 $0x200, s10;
	_ =	swait.ge [sflag:s29], $0x80  }
0x258: {  	p3 =	sne.s32 s23, s10;
	[sflag:s29] =	ssyncset.done $0x0  }
0x259: {  	s2 =	sadd.s32 $0x23B0, s6;
	s0 =	sadd.s32 $0x40, s8;
	[sflag:s29] =	ssyncadd.s32 $0xFFFFFF80  }
0x25a: {  	[hbm4b:s0+s4] =	stream.linear.scatter [tilespmem:s2], [sflag:$0x5], $0x80, $0x38;
	[tilespmem:$0x9CB0] =	vst v63  }
0x25b: {  	_ =	swait.ge [sflag:s29], $0x80  }
0x25c: {  	[sflag:s29] =	ssyncset.done $0x0  }
0x25d: {  	s0 =	sadd.s32 $0x80, s8;
	s2 =	sadd.s32 $0x2BB0, s6;
	[sflag:s29] =	ssyncadd.s32 $0xFFFFFF80  }
0x25e: {  	[hbm4b:s0+s4] =	stream.linear.scatter [tilespmem:s2], [sflag:$0x5], $0x80, $0x38;
	[tilespmem:$0x9CB0] =	vst v63  }
0x25f: {  	_ =	swait.ge [sflag:s29], $0x80  }
0x260: {  	[sflag:s29] =	ssyncset.done $0x0  }
0x261: {  	s0 =	sadd.s32 $0xC0, s8;
	s2 =	sadd.s32 $0x33B0, s6;
	[sflag:s29] =	ssyncadd.s32 $0xFFFFFF80  }
0x262: {  	[hbm4b:s0+s4] =	stream.linear.scatter [tilespmem:s2], [sflag:$0x5], $0x80, $0x38;
	[tilespmem:$0x9CB0] =	vst v63  }
0x263: {  	_ =	swait.ge [sflag:s29], $0x80  }
0x264: {  	[sflag:s29] =	ssyncset.done $0x0  }
0x265: {  	s0 =	sadd.s32 $0x100, s8;
	s2 =	sadd.s32 $0x3BB0, s6;
	[sflag:s29] =	ssyncadd.s32 $0xFFFFFF80  }
0x266: {  	[hbm4b:s0+s4] =	stream.linear.scatter [tilespmem:s2], [sflag:$0x5], $0x80, $0x38;
	[tilespmem:$0x9CB0] =	vst v63  }
0x267: {  	_ =	swait.ge [sflag:s29], $0x80  }
0x268: {  	[sflag:s29] =	ssyncset.done $0x0  }
0x269: {  	s0 =	sadd.s32 $0x140, s8;
	s2 =	sadd.s32 $0x43B0, s6;
	[sflag:s29] =	ssyncadd.s32 $0xFFFFFF80  }
0x26a: {  	[hbm4b:s0+s4] =	stream.linear.scatter [tilespmem:s2], [sflag:$0x5], $0x80, $0x38;
	[tilespmem:$0x9CB0] =	vst v63  }
0x26b: {  	_ =	swait.ge [sflag:s29], $0x80  }
0x26c: {  	[sflag:s29] =	ssyncset.done $0x0  }
0x26d: {  	s0 =	sadd.s32 $0x180, s8;
	s2 =	sadd.s32 $0x4BB0, s6;
	[sflag:s29] =	ssyncadd.s32 $0xFFFFFF80  }
0x26e: {  	[hbm4b:s0+s4] =	stream.linear.scatter [tilespmem:s2], [sflag:$0x5], $0x80, $0x38;
	[tilespmem:$0x9CB0] =	vst v63  }
0x26f: {  	_ =	swait.ge [sflag:s29], $0x80  }
.Ltmp10:
0x270: {  	[sflag:s29] =	ssyncset.done $0x0;
	(pc) =	sbr.rel @p3 .LBB2_15-.Ltmp10, $4  }
0x271: {  	s0 =	sadd.s32 $0x1C0, s8;
	s2 =	sadd.s32 $0x53B0, s6;
	[sflag:s29] =	ssyncadd.s32 $0xFFFFFF80  }
0x272: {  	[hbm4b:s0+s4] =	stream.linear.scatter [tilespmem:s2], [sflag:$0x5], $0x80, $0x38;
	[tilespmem:$0x9CB0] =	vst v63  }
0x273: {  	s8 =	smov.u32 s12;
	_ =	swait.ge [sflag:s29], $0x80  }
0x274: {  	s6 =	sshra.s32 s14, $0x2;
	[sflag:s29] =	ssyncset.done $0x0  }
.Ltmp11:
0x275: {  	(pc) =	sbr.rel .LBB2_17-.Ltmp11, $2  }
0x276: {  	_ =	sdelay $0x2  }
0x277: {  	s10 =	smov.u32 s8  }
.LBB2_19:
0x278: {  	_ =	sfence.sel $0x180000  }
0x279: {  	[bflag:$0x0] =	sbarrier.arrive $0xFFFF  }
0x27a: {  	_ =	strace $0x90000047  }
0x27b: {  	s0 =	stileid.u32;
	[bflag:$0x2] =	sbarrier.arrive $0xFFFF  }
0x27c: {  	p0 =	sne.s32 s0, $0x0;
	s0 =	rddreg [dreg:$0x5]  }
0x27d: {  	s0 =	sadd.s32 @!p0 $0x100000, s0  }
0x27e: {  	[sflag:s0] =	ssyncadd.tile.s32 @!p0 $0x1;
	_ =	shalt  }
.Lfunc_end2:
_tile_overlayer_lowered:
.L_overlay_start_2:
0x27f: {  	(tag) =	ssettag $0x2  }
0x280: {  	s0 =	rddreg [dreg:$0x0];
	s2 =	stileid.u32  }
0x281: {  	s1 =	rddreg [dreg:$0x1];
	p0 =	sne.s32 s2, $0x0  }
0x282: {  	s3 =	rddreg [dreg:$0x2];
	[bflag:$0x3] =	sbarrier.arrive $0xFFFF;
	s2 =	simm.s32 @!p0 $0x1C05  }
0x283: {  	[timem:s3], [sflag:s2] =	dma.local @!p0 [hbm:s0], s1  }
0x284: {  	s0 =	simm.s32 @!p0 $0x5  }
0x285: {  	_ =	swait.ge @!p0 [sflag:s0], s1  }
0x286: {  	s1 =	ssub.s32 @!p0 $0x0, s1;
	[sflag:s0] =	ssyncset.done @!p0 $0x0  }
0x287: {  	[sflag:s0] =	ssyncadd.s32 @!p0 s1  }
0x288: {  	[bflag:$0x3] =	sbarrier.arrive $0xFFFF  }
0x289: {  	_ =	shalt  }

</sc_bundles>
